<compile_context>
chip_gen: v7x
topology: tpu7x:2x2x1
jax: 0.10.2.dev20260603
libtpu: 0.0.44.dev20260713+nightly
codegen_flags: <defaults>
</compile_context>

<pallas_src>
import functools

import jax
import jax.numpy as jnp
from jax import lax
from jax.experimental import pallas as pl
from jax.experimental.pallas import tpu as pltpu
from jax.experimental.pallas import tpu_sc as plsc

N = 10000
E = 320000
D = 128
NC = 2
NS = 16
NW = NC * NS
EP = E // NW
K = 80
NCHUNK = EP // K
ROWS_BLK = 2000
LEAKY = 0.2



def _proj_body(x_ref, w_ref, asrc_ref, adst_ref, h_ref, asd_ref):
    h = jnp.dot(x_ref[:], w_ref[:], preferred_element_type=jnp.float32)
    h_ref[:] = h
    sa = jnp.dot(h, asrc_ref[:].T, preferred_element_type=jnp.float32)
    sd = jnp.dot(h, adst_ref[:].T, preferred_element_type=jnp.float32)
    asd_ref[:] = jnp.concatenate([sa, sd], axis=1)


def _tc_proj(x, w, a_src, a_dst):
    grid = (N // ROWS_BLK,)
    return pl.pallas_call(
        _proj_body,
        grid=grid,
        in_specs=[
            pl.BlockSpec((ROWS_BLK, D), lambda i: (i, 0)),
            pl.BlockSpec((D, D), lambda i: (0, 0)),
            pl.BlockSpec((1, D), lambda i: (0, 0)),
            pl.BlockSpec((1, D), lambda i: (0, 0)),
        ],
        out_specs=[
            pl.BlockSpec((ROWS_BLK, D), lambda i: (i, 0)),
            pl.BlockSpec((ROWS_BLK, 2), lambda i: (i, 0)),
        ],
        out_shape=[
            jax.ShapeDtypeStruct((N, D), jnp.float32),
            jax.ShapeDtypeStruct((N, 2), jnp.float32),
        ],
    )(x, w, a_src.reshape(1, D), a_dst.reshape(1, D))


def _epi_body(s_ref, dp_ref, asd_ref, h_ref, b_ref, w_ref, asrc_ref,
              adst_ref, hout_ref, asd_out_ref, *, relu, final):
    dsum = dp_ref[:, 0:1] + dp_ref[:, 1:2]
    aself = asd_ref[:, 0:1] + asd_ref[:, 1:2]
    exs = jnp.exp(jnp.maximum(aself, LEAKY * aself))
    dsum = dsum + exs
    s = s_ref[0] + s_ref[1] + exs * h_ref[:]
    hin = s / dsum + b_ref[:]
    if relu:
        hin = jnp.maximum(hin, 0.0)
    h2 = jnp.dot(hin, w_ref[:], preferred_element_type=jnp.float32)
    if final:
        hout_ref[:] = h2 + asrc_ref[:]
        asd_out_ref[:] = jnp.zeros((ROWS_BLK, 2), jnp.float32)
    else:
        hout_ref[:] = h2
        sa = jnp.dot(h2, asrc_ref[:].T, preferred_element_type=jnp.float32)
        sd = jnp.dot(h2, adst_ref[:].T, preferred_element_type=jnp.float32)
        asd_out_ref[:] = jnp.concatenate([sa, sd], axis=1)


def _tc_epilogue(s, dpart, asd, h, b, w, a_src, a_dst, relu, final):
    grid = (N // ROWS_BLK,)
    return pl.pallas_call(
        functools.partial(_epi_body, relu=relu, final=final),
        grid=grid,
        in_specs=[
            pl.BlockSpec((2, ROWS_BLK, D), lambda i: (0, i, 0)),
            pl.BlockSpec((ROWS_BLK, NC), lambda i: (i, 0)),
            pl.BlockSpec((ROWS_BLK, 2), lambda i: (i, 0)),
            pl.BlockSpec((ROWS_BLK, D), lambda i: (i, 0)),
            pl.BlockSpec((1, D), lambda i: (0, 0)),
            pl.BlockSpec((D, D), lambda i: (0, 0)),
            pl.BlockSpec((1, D), lambda i: (0, 0)),
            pl.BlockSpec((1, D), lambda i: (0, 0)),
        ],
        out_specs=[
            pl.BlockSpec((ROWS_BLK, D), lambda i: (i, 0)),
            pl.BlockSpec((ROWS_BLK, 2), lambda i: (i, 0)),
        ],
        out_shape=[
            jax.ShapeDtypeStruct((N, D), jnp.float32),
            jax.ShapeDtypeStruct((N, 2), jnp.float32),
        ],
    )(s, dpart.T, asd, h, b.reshape(1, D), w, a_src.reshape(1, D),
      a_dst.reshape(1, D))



def _sc_edge_body(edges_hbm, as_hbm, ad_hbm, h_hbm,
                  s_hbm, dpart_hbm,
                  as_v, ad_v, rows0, rows1, e0, e1, e2, e3,
                  exch0, exch1, dscat0, dscat1, zden,
                  es0, es1, es2, es3, gs0, gs1, ss0, ss1, ds0, ds1,
                  s_sh, den_sh):
    cid = lax.axis_index("c")
    sid = lax.axis_index("s")
    wid = cid * NS + sid
    rows = [rows0, rows1]
    e_ch = [e0, e1, e2, e3]
    exch = [exch0, exch1]
    dscat = [dscat0, dscat1]
    e_sem = [es0, es1, es2, es3]
    g_sem = [gs0, gs1]
    s_sem = [ss0, ss1]
    d_sem = [ds0, ds1]

    for c in range(4):
        pltpu.async_copy(edges_hbm.at[wid, c], e_ch[c], e_sem[c])
    pltpu.sync_copy(as_hbm, as_v)
    pltpu.sync_copy(ad_hbm, ad_v)

    zeros16 = jnp.zeros((16,), jnp.float32)
    for k in range(K // 16):
        zden[pl.ds(k * 16, 16)] = zeros16

    def _zrow(i, _):
        for c in range(D // 16):
            rows0[i, pl.ds(c * 16, 16)] = zeros16
        return 0
    lax.fori_loop(0, K, _zrow, 0)

    nz = N // K
    def _zs_strided(i, _):
        c = sid + i * NS
        @pl.when(c < nz)
        def _():
            pltpu.sync_copy(rows0, s_sh.at[pl.ds(c * K, K)])
            pltpu.sync_copy(zden, den_sh.at[pl.ds(c * K, K)])
        return 0
    lax.fori_loop(0, (nz + NS - 1) // NS, _zs_strided, 0)
    plsc.subcore_barrier()

    def _macro(t, _):
        for u in range(4):
            j = t * 4 + u
            b = u % 2
            eb = u
            eb_prev = (u + 3) % 4

            @pl.when(j <= NCHUNK - 1)
            def _stage_a():
                pltpu.make_async_copy(
                    edges_hbm.at[wid, j], e_ch[eb], e_sem[eb]).wait()

                @pl.when(j >= 2)
                def _():
                    pltpu.make_async_copy(
                        exch[b], den_sh.at[dscat[b]], d_sem[b]).wait()
                    pltpu.make_async_copy(
                        rows[b], s_sh.at[dscat[b]], s_sem[b]).wait()

                for k in range(K // 16):
                    sl = pl.ds(k * 16, 16)
                    s16 = e_ch[eb][0, sl]
                    d16 = e_ch[eb][1, sl]
                    av = plsc.load_gather(as_v, [s16])
                    dv = plsc.load_gather(ad_v, [d16])
                    al = av + dv
                    al = jnp.maximum(al, LEAKY * al)
                    exch[b][sl] = jnp.exp(al)
                    dscat[b][sl] = d16
                pltpu.async_copy(exch[b], den_sh.at[dscat[b]], d_sem[b],
                                 add=True)
                pltpu.async_copy(h_hbm.at[e_ch[eb].at[0]], rows[b],
                                 g_sem[b])

            @pl.when((j >= 1) & (j <= NCHUNK))
            def _stage_b():
                b2 = 1 - b
                pltpu.make_async_copy(
                    h_hbm.at[e_ch[eb_prev].at[0]], rows[b2],
                    g_sem[b2]).wait()

                @plsc.parallel_loop(0, K, unroll=4)
                def _scale(r):
                    ev = plsc.load_gather(
                        exch[b2], [jnp.full((16,), r, jnp.int32)])
                    for c in range(D // 16):
                        sl = pl.ds(c * 16, 16)
                        rows[b2][r, sl] = rows[b2][r, sl] * ev

                pltpu.async_copy(rows[b2], s_sh.at[dscat[b2]], s_sem[b2],
                                 add=True)

                @pl.when(j + 3 <= NCHUNK - 1)
                def _():
                    pltpu.async_copy(edges_hbm.at[wid, j + 3],
                                     e_ch[eb_prev], e_sem[eb_prev])
        return 0
    lax.fori_loop(0, (NCHUNK + 4) // 4, _macro, 0)

    for b in range(2):
        pltpu.make_async_copy(exch[b], den_sh.at[dscat[b]], d_sem[b]).wait()
        pltpu.make_async_copy(rows[b], s_sh.at[dscat[b]], s_sem[b]).wait()
    plsc.subcore_barrier()

    @pl.when(sid == 0)
    def _():
        pltpu.sync_copy(den_sh, dpart_hbm.at[cid])

    def _export(i, _):
        c = sid + i * NS
        @pl.when(c < nz)
        def _():
            sl = pl.ds(c * K, K)
            pltpu.sync_copy(s_sh.at[sl], s_hbm.at[cid, sl])
        return 0
    lax.fori_loop(0, (nz + NS - 1) // NS, _export, 0)


def _sc_edge(edges4d, asv, adv, h):
    mesh = plsc.VectorSubcoreMesh(core_axis_name="c", subcore_axis_name="s")
    f = pl.kernel(
        _sc_edge_body,
        out_type=[
            jax.ShapeDtypeStruct((NC, N, D), jnp.float32),
            jax.ShapeDtypeStruct((NC, N), jnp.float32),
        ],
        mesh=mesh,
        compiler_params=pltpu.CompilerParams(needs_layout_passes=False),
        scratch_types=[
            pltpu.VMEM((N,), jnp.float32),
            pltpu.VMEM((N,), jnp.float32),
            pltpu.VMEM((K, D), jnp.float32),
            pltpu.VMEM((K, D), jnp.float32),
            pltpu.VMEM((2, K), jnp.int32),
            pltpu.VMEM((2, K), jnp.int32),
            pltpu.VMEM((2, K), jnp.int32),
            pltpu.VMEM((2, K), jnp.int32),
            pltpu.VMEM((K,), jnp.float32),
            pltpu.VMEM((K,), jnp.float32),
            pltpu.VMEM((K,), jnp.int32),
            pltpu.VMEM((K,), jnp.int32),
            pltpu.VMEM((K,), jnp.float32),
            pltpu.SemaphoreType.DMA,
            pltpu.SemaphoreType.DMA,
            pltpu.SemaphoreType.DMA,
            pltpu.SemaphoreType.DMA,
            pltpu.SemaphoreType.DMA,
            pltpu.SemaphoreType.DMA,
            pltpu.SemaphoreType.DMA,
            pltpu.SemaphoreType.DMA,
            pltpu.SemaphoreType.DMA,
            pltpu.SemaphoreType.DMA,
            pltpu.VMEM_SHARED((N, D), jnp.float32),
            pltpu.VMEM_SHARED((N,), jnp.float32),
        ],
    )
    return f(edges4d, asv, adv, h)



def kernel(x, edge_index, edge_attr, W1, a_src1, a_dst1, b1,
           W2, a_src2, a_dst2, b2, Wl, bl):
    del edge_attr
    ei = edge_index.astype(jnp.int32).reshape(2, NW, NCHUNK, K)
    edges4d = jnp.stack([ei[0], ei[1]], axis=2)

    h1, asd1 = _tc_proj(x, W1, a_src1, a_dst1)
    s1, dp1 = _sc_edge(edges4d, asd1[:, 0], asd1[:, 1], h1)
    h2, asd2 = _tc_epilogue(s1, dp1, asd1, h1, b1, W2, a_src2, a_dst2,
                            relu=True, final=False)
    s2, dp2 = _sc_edge(edges4d, asd2[:, 0], asd2[:, 1], h2)
    out, _ = _tc_epilogue(s2, dp2, asd2, h2, b2, Wl, bl, bl,
                          relu=False, final=True)
    return out

# --- scband reference (transcript-rebuilt; emitter-appended) ---
"""Pipeline reference for scband-encoder-54743653154843 (READ-ONLY COPY).

The authoritative reference and input builder live on the scoring server;
editing this copy changes nothing except your own understanding.
"""

import jax, jax.numpy as jnp
import numpy as np

N = 10000
E = 320000
D_IN = 128
D_HID = 128
D_LAT = 128
D_EDGE = 16


def glorot(key, shape):
    fan_in, fan_out = shape[0], shape[-1]
    limit = np.sqrt(6.0 / (fan_in + fan_out))
    return jax.random.uniform(key, shape, jnp.float32, -limit, limit)


def setup_inputs(seed: int = 0) -> dict:
    key = jax.random.key(seed)
    ks = jax.random.split(key, 14)
    x = jax.random.normal(ks[0], (N, D_IN), jnp.float32)
    edge_index = jax.random.randint(ks[1], (2, E), 0, N)
    edge_attr = jax.random.normal(ks[2], (E, D_EDGE), jnp.float32)
    W1 = glorot(ks[3], (D_IN, D_HID))
    a_src1 = glorot(ks[4], (1, D_HID))[0]
    a_dst1 = glorot(ks[5], (1, D_HID))[0]
    b1 = jnp.zeros((D_HID,), jnp.float32)
    W2 = glorot(ks[6], (D_HID, D_LAT))
    a_src2 = glorot(ks[7], (1, D_LAT))[0]
    a_dst2 = glorot(ks[8], (1, D_LAT))[0]
    b2 = jnp.zeros((D_LAT,), jnp.float32)
    Wl = glorot(ks[9], (D_LAT, D_LAT))
    bl = jnp.zeros((D_LAT,), jnp.float32)
    return {"x": x, "edge_index": edge_index, "edge_attr": edge_attr,
            "W1": W1, "a_src1": a_src1, "a_dst1": a_dst1, "b1": b1,
            "W2": W2, "a_src2": a_src2, "a_dst2": a_dst2, "b2": b2,
            "Wl": Wl, "bl": bl}


def _gat_layer(x, src, dst, W, a_src, a_dst, b, num_nodes):
    # PyG GATConv, heads=1, concat=True, negative_slope=0.2, bias=True.
    h = x @ W  # lin (no bias in PyG GATConv lin)
    alpha_src = jnp.sum(h * a_src, axis=-1)
    alpha_dst = jnp.sum(h * a_dst, axis=-1)
    alpha = alpha_src[src] + alpha_dst[dst]
    alpha = jax.nn.leaky_relu(alpha, negative_slope=0.2)
    # softmax over edges grouped by destination node
    amax = jax.ops.segment_max(alpha, dst, num_segments=num_nodes)
    amax = jnp.where(jnp.isfinite(amax), amax, 0.0)
    ex = jnp.exp(alpha - amax[dst])
    denom = jax.ops.segment_sum(ex, dst, num_segments=num_nodes)
    coef = ex / (denom[dst] + 1e-16)
    msg = h[src] * coef[:, None]
    out = jax.ops.segment_sum(msg, dst, num_segments=num_nodes)
    return out + b


def reference(x, edge_index, edge_attr, W1, a_src1, a_dst1, b1, W2, a_src2, a_dst2, b2, Wl, bl):
    # GATConv with edge_dim=None ignores edge_attr (PyG default); self-loops added.
    num_nodes = x.shape[0]
    loop = jnp.arange(num_nodes, dtype=edge_index.dtype)
    src = jnp.concatenate([edge_index[0], loop])
    dst = jnp.concatenate([edge_index[1], loop])
    h = _gat_layer(x, src, dst, W1, a_src1, a_dst1, b1, num_nodes)
    h = jax.nn.relu(h)
    # F.dropout(training=self.training): eval mode -> identity
    h = _gat_layer(h, src, dst, W2, a_src2, a_dst2, b2, num_nodes)
    out = h @ Wl + bl
    return out

if __name__ == "__main__":
    import jax
    _d = setup_inputs()
    print(jax.jit(kernel)(*tuple(_d.values())))

</pallas_src>

<mosaic_0001>
#map = affine_map<(d0, d1) -> (0, 0, 0, 0)>
#map1 = affine_map<(d0, d1) -> (0)>
#map2 = affine_map<(d0, d1) -> (0, 0)>
#map3 = affine_map<(d0, d1) -> (0, 0, 0)>
module attributes {stable_mosaic.version = 14 : i64} {
  func.func @_sc_edge_body(%arg0: i32, %arg1: i32, %arg2: memref<32x125x2x80xi32, #tpu.memory_space<hbm>>, %arg3: memref<10000xf32, #tpu.memory_space<hbm>>, %arg4: memref<10000xf32, #tpu.memory_space<hbm>>, %arg5: memref<10000x128xf32, #tpu.memory_space<hbm>>, %arg6: memref<2x10000x128xf32, #tpu.memory_space<hbm>>, %arg7: memref<2x10000xf32, #tpu.memory_space<hbm>>, %arg8: memref<10000xf32, #tpu.memory_space<vmem>>, %arg9: memref<10000xf32, #tpu.memory_space<vmem>>, %arg10: memref<80x128xf32, #tpu.memory_space<vmem>>, %arg11: memref<80x128xf32, #tpu.memory_space<vmem>>, %arg12: memref<2x80xi32, #tpu.memory_space<vmem>>, %arg13: memref<2x80xi32, #tpu.memory_space<vmem>>, %arg14: memref<2x80xi32, #tpu.memory_space<vmem>>, %arg15: memref<2x80xi32, #tpu.memory_space<vmem>>, %arg16: memref<80xf32, #tpu.memory_space<vmem>>, %arg17: memref<80xf32, #tpu.memory_space<vmem>>, %arg18: memref<80xi32, #tpu.memory_space<vmem>>, %arg19: memref<80xi32, #tpu.memory_space<vmem>>, %arg20: memref<80xf32, #tpu.memory_space<vmem>>, %arg21: memref<!tpu.dma_semaphore, #tpu.memory_space<semaphore_mem>>, %arg22: memref<!tpu.dma_semaphore, #tpu.memory_space<semaphore_mem>>, %arg23: memref<!tpu.dma_semaphore, #tpu.memory_space<semaphore_mem>>, %arg24: memref<!tpu.dma_semaphore, #tpu.memory_space<semaphore_mem>>, %arg25: memref<!tpu.dma_semaphore, #tpu.memory_space<semaphore_mem>>, %arg26: memref<!tpu.dma_semaphore, #tpu.memory_space<semaphore_mem>>, %arg27: memref<!tpu.dma_semaphore, #tpu.memory_space<semaphore_mem>>, %arg28: memref<!tpu.dma_semaphore, #tpu.memory_space<semaphore_mem>>, %arg29: memref<!tpu.dma_semaphore, #tpu.memory_space<semaphore_mem>>, %arg30: memref<!tpu.dma_semaphore, #tpu.memory_space<semaphore_mem>>, %arg31: memref<10000x128xf32, #tpu.memory_space<vmem_shared>>, %arg32: memref<10000xf32, #tpu.memory_space<vmem_shared>>) attributes {dimension_semantics = [#tpu.dimension_semantics<core_parallel>, #tpu.dimension_semantics<subcore_parallel>], iteration_bounds = array<i64: 2, 16>, scalar_prefetch = 0 : i64, scratch_operands = 25 : i64, tpu.core_type = #tpu.core_type<sc_vector_subcore>, window_params = [{transform_indices = #map}, {transform_indices = #map1}, {transform_indices = #map1}, {transform_indices = #map2}, {transform_indices = #map3}, {transform_indices = #map2}]} {
    %mul3A = arith.constant 16 : i32
    %mul3A_0 = arith.muli %arg0, %mul3A : i32
    %add3A = arith.addi %mul3A_0, %arg1 : i32
    %dma_start3A = arith.constant 0 : i32
    %dma_start3A_1 = arith.constant 0 : i32
    %dma_start3A_2 = arith.constant 0 : i32
    %dma_start3A_3 = tpu.memref_slice %arg2[%add3A, %dma_start3A, %dma_start3A_1, %dma_start3A_2] : memref<32x125x2x80xi32, #tpu.memory_space<hbm>> -> memref<1x1x2x80xi32, #tpu.memory_space<hbm>>
    %dma_start3A_4 = tpu.memref_squeeze %dma_start3A_3 : memref<1x1x2x80xi32, #tpu.memory_space<hbm>> -> memref<2x80xi32, #tpu.memory_space<hbm>>
    %dma_start3A_5 = arith.constant 0 : i32
    %dma_start3A_6 = arith.constant 0 : i32
    %dma_start3A_7 = tpu.memref_slice %arg2[%add3A, %dma_start3A, %dma_start3A_5, %dma_start3A_6] : memref<32x125x2x80xi32, #tpu.memory_space<hbm>> -> memref<1x1x2x80xi32, #tpu.memory_space<hbm>>
    %dma_start3A_8 = tpu.memref_squeeze %dma_start3A_7 : memref<1x1x2x80xi32, #tpu.memory_space<hbm>> -> memref<2x80xi32, #tpu.memory_space<hbm>>
    tpu.enqueue_dma source(%dma_start3A_8 : memref<2x80xi32, #tpu.memory_space<hbm>>) target(%arg12 : memref<2x80xi32, #tpu.memory_space<vmem>>) target_semaphore(%arg21 : memref<!tpu.dma_semaphore, #tpu.memory_space<semaphore_mem>>)
    %dma_start3A_9 = arith.constant 1 : i32
    %dma_start3A_10 = arith.constant 0 : i32
    %dma_start3A_11 = arith.constant 0 : i32
    %dma_start3A_12 = tpu.memref_slice %arg2[%add3A, %dma_start3A_9, %dma_start3A_10, %dma_start3A_11] : memref<32x125x2x80xi32, #tpu.memory_space<hbm>> -> memref<1x1x2x80xi32, #tpu.memory_space<hbm>>
    %dma_start3A_13 = tpu.memref_squeeze %dma_start3A_12 : memref<1x1x2x80xi32, #tpu.memory_space<hbm>> -> memref<2x80xi32, #tpu.memory_space<hbm>>
    %dma_start3A_14 = arith.constant 0 : i32
    %dma_start3A_15 = arith.constant 0 : i32
    %dma_start3A_16 = tpu.memref_slice %arg2[%add3A, %dma_start3A_9, %dma_start3A_14, %dma_start3A_15] : memref<32x125x2x80xi32, #tpu.memory_space<hbm>> -> memref<1x1x2x80xi32, #tpu.memory_space<hbm>>
    %dma_start3A_17 = tpu.memref_squeeze %dma_start3A_16 : memref<1x1x2x80xi32, #tpu.memory_space<hbm>> -> memref<2x80xi32, #tpu.memory_space<hbm>>
    tpu.enqueue_dma source(%dma_start3A_17 : memref<2x80xi32, #tpu.memory_space<hbm>>) target(%arg13 : memref<2x80xi32, #tpu.memory_space<vmem>>) target_semaphore(%arg22 : memref<!tpu.dma_semaphore, #tpu.memory_space<semaphore_mem>>)
    %dma_start3A_18 = arith.constant 2 : i32
    %dma_start3A_19 = arith.constant 0 : i32
    %dma_start3A_20 = arith.constant 0 : i32
    %dma_start3A_21 = tpu.memref_slice %arg2[%add3A, %dma_start3A_18, %dma_start3A_19, %dma_start3A_20] : memref<32x125x2x80xi32, #tpu.memory_space<hbm>> -> memref<1x1x2x80xi32, #tpu.memory_space<hbm>>
    %dma_start3A_22 = tpu.memref_squeeze %dma_start3A_21 : memref<1x1x2x80xi32, #tpu.memory_space<hbm>> -> memref<2x80xi32, #tpu.memory_space<hbm>>
    %dma_start3A_23 = arith.constant 0 : i32
    %dma_start3A_24 = arith.constant 0 : i32
    %dma_start3A_25 = tpu.memref_slice %arg2[%add3A, %dma_start3A_18, %dma_start3A_23, %dma_start3A_24] : memref<32x125x2x80xi32, #tpu.memory_space<hbm>> -> memref<1x1x2x80xi32, #tpu.memory_space<hbm>>
    %dma_start3A_26 = tpu.memref_squeeze %dma_start3A_25 : memref<1x1x2x80xi32, #tpu.memory_space<hbm>> -> memref<2x80xi32, #tpu.memory_space<hbm>>
    tpu.enqueue_dma source(%dma_start3A_26 : memref<2x80xi32, #tpu.memory_space<hbm>>) target(%arg14 : memref<2x80xi32, #tpu.memory_space<vmem>>) target_semaphore(%arg23 : memref<!tpu.dma_semaphore, #tpu.memory_space<semaphore_mem>>)
    %dma_start3A_27 = arith.constant 3 : i32
    %dma_start3A_28 = arith.constant 0 : i32
    %dma_start3A_29 = arith.constant 0 : i32
    %dma_start3A_30 = tpu.memref_slice %arg2[%add3A, %dma_start3A_27, %dma_start3A_28, %dma_start3A_29] : memref<32x125x2x80xi32, #tpu.memory_space<hbm>> -> memref<1x1x2x80xi32, #tpu.memory_space<hbm>>
    %dma_start3A_31 = tpu.memref_squeeze %dma_start3A_30 : memref<1x1x2x80xi32, #tpu.memory_space<hbm>> -> memref<2x80xi32, #tpu.memory_space<hbm>>
    %dma_start3A_32 = arith.constant 0 : i32
    %dma_start3A_33 = arith.constant 0 : i32
    %dma_start3A_34 = tpu.memref_slice %arg2[%add3A, %dma_start3A_27, %dma_start3A_32, %dma_start3A_33] : memref<32x125x2x80xi32, #tpu.memory_space<hbm>> -> memref<1x1x2x80xi32, #tpu.memory_space<hbm>>
    %dma_start3A_35 = tpu.memref_squeeze %dma_start3A_34 : memref<1x1x2x80xi32, #tpu.memory_space<hbm>> -> memref<2x80xi32, #tpu.memory_space<hbm>>
    tpu.enqueue_dma source(%dma_start3A_35 : memref<2x80xi32, #tpu.memory_space<hbm>>) target(%arg15 : memref<2x80xi32, #tpu.memory_space<vmem>>) target_semaphore(%arg24 : memref<!tpu.dma_semaphore, #tpu.memory_space<semaphore_mem>>)
    "tpu.region"() ({
      %run_scoped3A = tpu.sem_alloc : memref<!tpu.dma_semaphore, #tpu.memory_space<semaphore_mem>>
      tpu.enqueue_dma source(%arg3 : memref<10000xf32, #tpu.memory_space<hbm>>) target(%arg8 : memref<10000xf32, #tpu.memory_space<vmem>>) target_semaphore(%run_scoped3A : memref<!tpu.dma_semaphore, #tpu.memory_space<semaphore_mem>>)
      tpu.wait_dma2 semaphore(%run_scoped3A : memref<!tpu.dma_semaphore, #tpu.memory_space<semaphore_mem>>) src(%arg3 : memref<10000xf32, #tpu.memory_space<hbm>>) dst(%arg8 : memref<10000xf32, #tpu.memory_space<vmem>>)
      tpu.yield
    }) : () -> ()
    "tpu.region"() ({
      %run_scoped3A = tpu.sem_alloc : memref<!tpu.dma_semaphore, #tpu.memory_space<semaphore_mem>>
      tpu.enqueue_dma source(%arg4 : memref<10000xf32, #tpu.memory_space<hbm>>) target(%arg9 : memref<10000xf32, #tpu.memory_space<vmem>>) target_semaphore(%run_scoped3A : memref<!tpu.dma_semaphore, #tpu.memory_space<semaphore_mem>>)
      tpu.wait_dma2 semaphore(%run_scoped3A : memref<!tpu.dma_semaphore, #tpu.memory_space<semaphore_mem>>) src(%arg4 : memref<10000xf32, #tpu.memory_space<hbm>>) dst(%arg9 : memref<10000xf32, #tpu.memory_space<vmem>>)
      tpu.yield
    }) : () -> ()
    %broadcast_in_dim3A = arith.constant 0.000000e+00 : f32
    %broadcast_in_dim3A_36 = vector.broadcast %broadcast_in_dim3A : f32 to vector<16xf32>
    %swap3A = arith.constant 0 : index
    %swap3A_37 = tpu.vector_load %arg20[%swap3A] {strides = array<i32>} : memref<80xf32, #tpu.memory_space<vmem>>, vector<16xf32>,
    tpu.vector_store %arg20[%swap3A], %broadcast_in_dim3A_36 {strides = array<i32>} : memref<80xf32, #tpu.memory_space<vmem>>, vector<16xf32>,
    %swap3A_38 = arith.constant 16 : index
    %swap3A_39 = tpu.vector_load %arg20[%swap3A_38] {strides = array<i32>} : memref<80xf32, #tpu.memory_space<vmem>>, vector<16xf32>,
    tpu.vector_store %arg20[%swap3A_38], %broadcast_in_dim3A_36 {strides = array<i32>} : memref<80xf32, #tpu.memory_space<vmem>>, vector<16xf32>,
    %swap3A_40 = arith.constant 32 : index
    %swap3A_41 = tpu.vector_load %arg20[%swap3A_40] {strides = array<i32>} : memref<80xf32, #tpu.memory_space<vmem>>, vector<16xf32>,
    tpu.vector_store %arg20[%swap3A_40], %broadcast_in_dim3A_36 {strides = array<i32>} : memref<80xf32, #tpu.memory_space<vmem>>, vector<16xf32>,
    %swap3A_42 = arith.constant 48 : index
    %swap3A_43 = tpu.vector_load %arg20[%swap3A_42] {strides = array<i32>} : memref<80xf32, #tpu.memory_space<vmem>>, vector<16xf32>,
    tpu.vector_store %arg20[%swap3A_42], %broadcast_in_dim3A_36 {strides = array<i32>} : memref<80xf32, #tpu.memory_space<vmem>>, vector<16xf32>,
    %swap3A_44 = arith.constant 64 : index
    %swap3A_45 = tpu.vector_load %arg20[%swap3A_44] {strides = array<i32>} : memref<80xf32, #tpu.memory_space<vmem>>, vector<16xf32>,
    tpu.vector_store %arg20[%swap3A_44], %broadcast_in_dim3A_36 {strides = array<i32>} : memref<80xf32, #tpu.memory_space<vmem>>, vector<16xf32>,
    %scan3A = arith.constant 0 : i32
    %scan3A_46 = arith.constant 0 : i32
    %scan3A_47 = arith.constant 80 : i32
    %scan3A_48 = arith.addi %scan3A_46, %scan3A_47 : i32
    %scan3A_49 = arith.constant 1 : i32
    %scan3A_50 = scf.for %scan3A_85 = %scan3A_46 to %scan3A_48 step %scan3A_49 iter_args(%scan3A_86 = %scan3A) -> (i32)  : i32 {
      %swap3A_87 = arith.index_cast %scan3A_85 : i32 to index
      %swap3A_88 = arith.constant 0 : index
      %swap3A_89 = tpu.vector_load %arg10[%swap3A_87, %swap3A_88] {strides = array<i32>} : memref<80x128xf32, #tpu.memory_space<vmem>>, vector<16xf32>,
      tpu.vector_store %arg10[%swap3A_87, %swap3A_88], %broadcast_in_dim3A_36 {strides = array<i32>} : memref<80x128xf32, #tpu.memory_space<vmem>>, vector<16xf32>,
      %swap3A_90 = arith.index_cast %scan3A_85 : i32 to index
      %swap3A_91 = arith.constant 16 : index
      %swap3A_92 = tpu.vector_load %arg10[%swap3A_90, %swap3A_91] {strides = array<i32>} : memref<80x128xf32, #tpu.memory_space<vmem>>, vector<16xf32>,
      tpu.vector_store %arg10[%swap3A_90, %swap3A_91], %broadcast_in_dim3A_36 {strides = array<i32>} : memref<80x128xf32, #tpu.memory_space<vmem>>, vector<16xf32>,
      %swap3A_93 = arith.index_cast %scan3A_85 : i32 to index
      %swap3A_94 = arith.constant 32 : index
      %swap3A_95 = tpu.vector_load %arg10[%swap3A_93, %swap3A_94] {strides = array<i32>} : memref<80x128xf32, #tpu.memory_space<vmem>>, vector<16xf32>,
      tpu.vector_store %arg10[%swap3A_93, %swap3A_94], %broadcast_in_dim3A_36 {strides = array<i32>} : memref<80x128xf32, #tpu.memory_space<vmem>>, vector<16xf32>,
      %swap3A_96 = arith.index_cast %scan3A_85 : i32 to index
      %swap3A_97 = arith.constant 48 : index
      %swap3A_98 = tpu.vector_load %arg10[%swap3A_96, %swap3A_97] {strides = array<i32>} : memref<80x128xf32, #tpu.memory_space<vmem>>, vector<16xf32>,
      tpu.vector_store %arg10[%swap3A_96, %swap3A_97], %broadcast_in_dim3A_36 {strides = array<i32>} : memref<80x128xf32, #tpu.memory_space<vmem>>, vector<16xf32>,
      %swap3A_99 = arith.index_cast %scan3A_85 : i32 to index
      %swap3A_100 = arith.constant 64 : index
      %swap3A_101 = tpu.vector_load %arg10[%swap3A_99, %swap3A_100] {strides = array<i32>} : memref<80x128xf32, #tpu.memory_space<vmem>>, vector<16xf32>,
      tpu.vector_store %arg10[%swap3A_99, %swap3A_100], %broadcast_in_dim3A_36 {strides = array<i32>} : memref<80x128xf32, #tpu.memory_space<vmem>>, vector<16xf32>,
      %swap3A_102 = arith.index_cast %scan3A_85 : i32 to index
      %swap3A_103 = arith.constant 80 : index
      %swap3A_104 = tpu.vector_load %arg10[%swap3A_102, %swap3A_103] {strides = array<i32>} : memref<80x128xf32, #tpu.memory_space<vmem>>, vector<16xf32>,
      tpu.vector_store %arg10[%swap3A_102, %swap3A_103], %broadcast_in_dim3A_36 {strides = array<i32>} : memref<80x128xf32, #tpu.memory_space<vmem>>, vector<16xf32>,
      %swap3A_105 = arith.index_cast %scan3A_85 : i32 to index
      %swap3A_106 = arith.constant 96 : index
      %swap3A_107 = tpu.vector_load %arg10[%swap3A_105, %swap3A_106] {strides = array<i32>} : memref<80x128xf32, #tpu.memory_space<vmem>>, vector<16xf32>,
      tpu.vector_store %arg10[%swap3A_105, %swap3A_106], %broadcast_in_dim3A_36 {strides = array<i32>} : memref<80x128xf32, #tpu.memory_space<vmem>>, vector<16xf32>,
      %swap3A_108 = arith.index_cast %scan3A_85 : i32 to index
      %swap3A_109 = arith.constant 112 : index
      %swap3A_110 = tpu.vector_load %arg10[%swap3A_108, %swap3A_109] {strides = array<i32>} : memref<80x128xf32, #tpu.memory_space<vmem>>, vector<16xf32>,
      tpu.vector_store %arg10[%swap3A_108, %swap3A_109], %broadcast_in_dim3A_36 {strides = array<i32>} : memref<80x128xf32, #tpu.memory_space<vmem>>, vector<16xf32>,
      %scan3A_111 = arith.constant 0 : i32
      scf.yield %scan3A_111 : i32
    }
    %scan3A_51 = arith.constant 80 : i32
    %scan3A_52 = arith.constant 0 : i32
    %scan3A_53 = arith.constant 0 : i32
    %scan3A_54 = arith.constant 8 : i32
    %scan3A_55 = arith.addi %scan3A_53, %scan3A_54 : i32
    %scan3A_56 = arith.constant 1 : i32
    %scan3A_57 = scf.for %scan3A_85 = %scan3A_53 to %scan3A_55 step %scan3A_56 iter_args(%scan3A_86 = %scan3A_52) -> (i32)  : i32 {
      %mul3A_87 = arith.constant 16 : i32
      %mul3A_88 = arith.muli %scan3A_85, %mul3A_87 : i32
      %add3A_89 = arith.addi %arg1, %mul3A_88 : i32
      %lt3A = arith.constant 125 : i32
      %lt3A_90 = arith.cmpi slt, %add3A_89, %lt3A : i32
      %convert_element_type3A_91 = arith.extui %lt3A_90 : i1 to i32
      %cond3A_92 = arith.constant 0 : i32
      %cond3A_93 = arith.cmpi ne, %convert_element_type3A_91, %cond3A_92 : i32
      scf.if %cond3A_93 {
        %mul3A_95 = arith.constant 80 : i32
        %mul3A_96 = arith.muli %add3A_89, %mul3A_95 : i32
        "tpu.region"() ({
          %run_scoped3A = tpu.sem_alloc : memref<!tpu.dma_semaphore, #tpu.memory_space<semaphore_mem>>
          %dma_start3A_99 = arith.constant 0 : i32
          %dma_start3A_100 = tpu.memref_slice %arg31[%mul3A_96, %dma_start3A_99] : memref<10000x128xf32, #tpu.memory_space<vmem_shared>> -> memref<80x128xf32, #tpu.memory_space<vmem_shared>>
          %dma_start3A_101 = arith.constant 0 : i32
          %dma_start3A_102 = tpu.memref_slice %arg31[%mul3A_96, %dma_start3A_101] : memref<10000x128xf32, #tpu.memory_space<vmem_shared>> -> memref<80x128xf32, #tpu.memory_space<vmem_shared>>
          tpu.enqueue_dma source(%arg10 : memref<80x128xf32, #tpu.memory_space<vmem>>) target(%dma_start3A_102 : memref<80x128xf32, #tpu.memory_space<vmem_shared>>) target_semaphore(%run_scoped3A : memref<!tpu.dma_semaphore, #tpu.memory_space<semaphore_mem>>)
          %dma_wait3A_103 = arith.constant 0 : i32
          %dma_wait3A_104 = tpu.memref_slice %arg31[%mul3A_96, %dma_wait3A_103] : memref<10000x128xf32, #tpu.memory_space<vmem_shared>> -> memref<80x128xf32, #tpu.memory_space<vmem_shared>>
          %dma_wait3A_105 = arith.constant 0 : i32
          %dma_wait3A_106 = tpu.memref_slice %arg31[%mul3A_96, %dma_wait3A_105] : memref<10000x128xf32, #tpu.memory_space<vmem_shared>> -> memref<80x128xf32, #tpu.memory_space<vmem_shared>>
          tpu.wait_dma2 semaphore(%run_scoped3A : memref<!tpu.dma_semaphore, #tpu.memory_space<semaphore_mem>>) src(%arg10 : memref<80x128xf32, #tpu.memory_space<vmem>>) dst(%dma_wait3A_106 : memref<80x128xf32, #tpu.memory_space<vmem_shared>>)
          tpu.yield
        }) : () -> ()
        %mul3A_97 = arith.constant 80 : i32
        %mul3A_98 = arith.muli %add3A_89, %mul3A_97 : i32
        "tpu.region"() ({
          %run_scoped3A = tpu.sem_alloc : memref<!tpu.dma_semaphore, #tpu.memory_space<semaphore_mem>>
          %dma_start3A_99 = tpu.memref_slice %arg32[%mul3A_98] : memref<10000xf32, #tpu.memory_space<vmem_shared>> -> memref<80xf32, #tpu.memory_space<vmem_shared>>
          %dma_start3A_100 = tpu.memref_slice %arg32[%mul3A_98] : memref<10000xf32, #tpu.memory_space<vmem_shared>> -> memref<80xf32, #tpu.memory_space<vmem_shared>>
          tpu.enqueue_dma source(%arg20 : memref<80xf32, #tpu.memory_space<vmem>>) target(%dma_start3A_100 : memref<80xf32, #tpu.memory_space<vmem_shared>>) target_semaphore(%run_scoped3A : memref<!tpu.dma_semaphore, #tpu.memory_space<semaphore_mem>>)
          %dma_wait3A_101 = tpu.memref_slice %arg32[%mul3A_98] : memref<10000xf32, #tpu.memory_space<vmem_shared>> -> memref<80xf32, #tpu.memory_space<vmem_shared>>
          %dma_wait3A_102 = tpu.memref_slice %arg32[%mul3A_98] : memref<10000xf32, #tpu.memory_space<vmem_shared>> -> memref<80xf32, #tpu.memory_space<vmem_shared>>
          tpu.wait_dma2 semaphore(%run_scoped3A : memref<!tpu.dma_semaphore, #tpu.memory_space<semaphore_mem>>) src(%arg20 : memref<80xf32, #tpu.memory_space<vmem>>) dst(%dma_wait3A_102 : memref<80xf32, #tpu.memory_space<vmem_shared>>)
          tpu.yield
        }) : () -> ()
      } else {
      }
      %scan3A_94 = arith.constant 0 : i32
      scf.yield %scan3A_94 : i32
    }
    %scan3A_58 = arith.constant 8 : i32
    %barrier3A = arith.constant 0 : index
    tpu.barrier barrier_id(%barrier3A)
    %scan3A_59 = arith.constant 0 : i32
    %scan3A_60 = arith.constant 0 : i32
    %scan3A_61 = arith.constant 32 : i32
    %scan3A_62 = arith.addi %scan3A_60, %scan3A_61 : i32
    %scan3A_63 = arith.constant 1 : i32
    %scan3A_64 = scf.for %scan3A_85 = %scan3A_60 to %scan3A_62 step %scan3A_63 iter_args(%scan3A_86 = %scan3A_59) -> (i32)  : i32 {
      %mul3A_87 = arith.constant 4 : i32
      %mul3A_88 = arith.muli %scan3A_85, %mul3A_87 : i32
      %add3A_89 = arith.constant 0 : i32
      %add3A_90 = arith.addi %mul3A_88, %add3A_89 : i32
      %le3A = arith.constant 124 : i32
      %le3A_91 = arith.cmpi sle, %add3A_90, %le3A : i32
      %convert_element_type3A_92 = arith.extui %le3A_91 : i1 to i32
      %cond3A_93 = arith.constant 0 : i32
      %cond3A_94 = arith.cmpi ne, %convert_element_type3A_92, %cond3A_93 : i32
      scf.if %cond3A_94 {
        %dma_wait3A_153 = arith.constant 0 : i32
        %dma_wait3A_154 = arith.constant 0 : i32
        %dma_wait3A_155 = tpu.memref_slice %arg2[%add3A, %add3A_90, %dma_wait3A_153, %dma_wait3A_154] : memref<32x125x2x80xi32, #tpu.memory_space<hbm>> -> memref<1x1x2x80xi32, #tpu.memory_space<hbm>>
        %dma_wait3A_156 = tpu.memref_squeeze %dma_wait3A_155 : memref<1x1x2x80xi32, #tpu.memory_space<hbm>> -> memref<2x80xi32, #tpu.memory_space<hbm>>
        %dma_wait3A_157 = arith.constant 0 : i32
        %dma_wait3A_158 = arith.constant 0 : i32
        %dma_wait3A_159 = tpu.memref_slice %arg2[%add3A, %add3A_90, %dma_wait3A_157, %dma_wait3A_158] : memref<32x125x2x80xi32, #tpu.memory_space<hbm>> -> memref<1x1x2x80xi32, #tpu.memory_space<hbm>>
        %dma_wait3A_160 = tpu.memref_squeeze %dma_wait3A_159 : memref<1x1x2x80xi32, #tpu.memory_space<hbm>> -> memref<2x80xi32, #tpu.memory_space<hbm>>
        tpu.wait_dma2 semaphore(%arg21 : memref<!tpu.dma_semaphore, #tpu.memory_space<semaphore_mem>>) src(%dma_wait3A_160 : memref<2x80xi32, #tpu.memory_space<hbm>>) dst(%arg12 : memref<2x80xi32, #tpu.memory_space<vmem>>)
        %ge3A_161 = arith.constant 2 : i32
        %ge3A_162 = arith.cmpi sge, %add3A_90, %ge3A_161 : i32
        %convert_element_type3A_163 = arith.extui %ge3A_162 : i1 to i32
        %cond3A_164 = arith.constant 0 : i32
        %cond3A_165 = arith.cmpi ne, %convert_element_type3A_163, %cond3A_164 : i32
        scf.if %cond3A_165 {
          %dma_wait3A_271 = arith.constant 0 : i32
          %dma_wait3A_272 = tpu.memref_slice %arg32[%dma_wait3A_271] : memref<10000xf32, #tpu.memory_space<vmem_shared>> -> memref<10000xf32, #tpu.memory_space<vmem_shared>>
          tpu.wait_indirect_dma semaphore(%arg29 : memref<!tpu.dma_semaphore, #tpu.memory_space<semaphore_mem>>) src(%arg16 : memref<80xf32, #tpu.memory_space<vmem>>) dst(%dma_wait3A_272 : memref<10000xf32, #tpu.memory_space<vmem_shared>>)
          %dma_wait3A_273 = arith.constant 0 : i32
          %dma_wait3A_274 = arith.constant 0 : i32
          %dma_wait3A_275 = tpu.memref_slice %arg31[%dma_wait3A_273, %dma_wait3A_274] : memref<10000x128xf32, #tpu.memory_space<vmem_shared>> -> memref<10000x128xf32, #tpu.memory_space<vmem_shared>>
          tpu.wait_indirect_dma semaphore(%arg27 : memref<!tpu.dma_semaphore, #tpu.memory_space<semaphore_mem>>) src(%arg10 : memref<80x128xf32, #tpu.memory_space<vmem>>) dst(%dma_wait3A_275 : memref<10000x128xf32, #tpu.memory_space<vmem_shared>>)
        } else {
        }
        %get3A = arith.constant 0 : i32
        %get3A_166 = arith.index_cast %get3A : i32 to index
        %get3A_167 = arith.constant 0 : index
        %get3A_168 = tpu.vector_load %arg12[%get3A_166, %get3A_167] {strides = array<i32>} : memref<2x80xi32, #tpu.memory_space<vmem>>, vector<16xi32>,
        %get3A_169 = arith.constant 1 : i32
        %get3A_170 = arith.index_cast %get3A_169 : i32 to index
        %get3A_171 = arith.constant 0 : index
        %get3A_172 = tpu.vector_load %arg12[%get3A_170, %get3A_171] {strides = array<i32>} : memref<2x80xi32, #tpu.memory_space<vmem>>, vector<16xi32>,
        %gather3A = tpu.vector_load_idx %arg8[%get3A_168] : memref<10000xf32, #tpu.memory_space<vmem>>[vector<16xi32>], vector<16xf32>,
        %gather3A_173 = tpu.vector_load_idx %arg9[%get3A_172] : memref<10000xf32, #tpu.memory_space<vmem>>[vector<16xi32>], vector<16xf32>,
        %add3A_174 = arith.addf %gather3A, %gather3A_173 : vector<16xf32>
        %mul3A_175 = arith.constant 2.000000e-01 : f32
        %mul3A_176 = vector.broadcast %mul3A_175 : f32 to vector<16xf32>
        %mul3A_177 = arith.mulf %mul3A_176, %add3A_174 : vector<16xf32>
        %max3A = arith.maximumf %add3A_174, %mul3A_177 : vector<16xf32>
        %exp3A = math.exp %max3A : vector<16xf32>
        %swap3A_178 = arith.constant 0 : index
        %swap3A_179 = tpu.vector_load %arg16[%swap3A_178] {strides = array<i32>} : memref<80xf32, #tpu.memory_space<vmem>>, vector<16xf32>,
        tpu.vector_store %arg16[%swap3A_178], %exp3A {strides = array<i32>} : memref<80xf32, #tpu.memory_space<vmem>>, vector<16xf32>,
        %swap3A_180 = arith.constant 0 : index
        %swap3A_181 = tpu.vector_load %arg18[%swap3A_180] {strides = array<i32>} : memref<80xi32, #tpu.memory_space<vmem>>, vector<16xi32>,
        tpu.vector_store %arg18[%swap3A_180], %get3A_172 {strides = array<i32>} : memref<80xi32, #tpu.memory_space<vmem>>, vector<16xi32>,
        %get3A_182 = arith.constant 0 : i32
        %get3A_183 = arith.index_cast %get3A_182 : i32 to index
        %get3A_184 = arith.constant 16 : index
        %get3A_185 = tpu.vector_load %arg12[%get3A_183, %get3A_184] {strides = array<i32>} : memref<2x80xi32, #tpu.memory_space<vmem>>, vector<16xi32>,
        %get3A_186 = arith.constant 1 : i32
        %get3A_187 = arith.index_cast %get3A_186 : i32 to index
        %get3A_188 = arith.constant 16 : index
        %get3A_189 = tpu.vector_load %arg12[%get3A_187, %get3A_188] {strides = array<i32>} : memref<2x80xi32, #tpu.memory_space<vmem>>, vector<16xi32>,
        %gather3A_190 = tpu.vector_load_idx %arg8[%get3A_185] : memref<10000xf32, #tpu.memory_space<vmem>>[vector<16xi32>], vector<16xf32>,
        %gather3A_191 = tpu.vector_load_idx %arg9[%get3A_189] : memref<10000xf32, #tpu.memory_space<vmem>>[vector<16xi32>], vector<16xf32>,
        %add3A_192 = arith.addf %gather3A_190, %gather3A_191 : vector<16xf32>
        %mul3A_193 = arith.constant 2.000000e-01 : f32
        %mul3A_194 = vector.broadcast %mul3A_193 : f32 to vector<16xf32>
        %mul3A_195 = arith.mulf %mul3A_194, %add3A_192 : vector<16xf32>
        %max3A_196 = arith.maximumf %add3A_192, %mul3A_195 : vector<16xf32>
        %exp3A_197 = math.exp %max3A_196 : vector<16xf32>
        %swap3A_198 = arith.constant 16 : index
        %swap3A_199 = tpu.vector_load %arg16[%swap3A_198] {strides = array<i32>} : memref<80xf32, #tpu.memory_space<vmem>>, vector<16xf32>,
        tpu.vector_store %arg16[%swap3A_198], %exp3A_197 {strides = array<i32>} : memref<80xf32, #tpu.memory_space<vmem>>, vector<16xf32>,
        %swap3A_200 = arith.constant 16 : index
        %swap3A_201 = tpu.vector_load %arg18[%swap3A_200] {strides = array<i32>} : memref<80xi32, #tpu.memory_space<vmem>>, vector<16xi32>,
        tpu.vector_store %arg18[%swap3A_200], %get3A_189 {strides = array<i32>} : memref<80xi32, #tpu.memory_space<vmem>>, vector<16xi32>,
        %get3A_202 = arith.constant 0 : i32
        %get3A_203 = arith.index_cast %get3A_202 : i32 to index
        %get3A_204 = arith.constant 32 : index
        %get3A_205 = tpu.vector_load %arg12[%get3A_203, %get3A_204] {strides = array<i32>} : memref<2x80xi32, #tpu.memory_space<vmem>>, vector<16xi32>,
        %get3A_206 = arith.constant 1 : i32
        %get3A_207 = arith.index_cast %get3A_206 : i32 to index
        %get3A_208 = arith.constant 32 : index
        %get3A_209 = tpu.vector_load %arg12[%get3A_207, %get3A_208] {strides = array<i32>} : memref<2x80xi32, #tpu.memory_space<vmem>>, vector<16xi32>,
        %gather3A_210 = tpu.vector_load_idx %arg8[%get3A_205] : memref<10000xf32, #tpu.memory_space<vmem>>[vector<16xi32>], vector<16xf32>,
        %gather3A_211 = tpu.vector_load_idx %arg9[%get3A_209] : memref<10000xf32, #tpu.memory_space<vmem>>[vector<16xi32>], vector<16xf32>,
        %add3A_212 = arith.addf %gather3A_210, %gather3A_211 : vector<16xf32>
        %mul3A_213 = arith.constant 2.000000e-01 : f32
        %mul3A_214 = vector.broadcast %mul3A_213 : f32 to vector<16xf32>
        %mul3A_215 = arith.mulf %mul3A_214, %add3A_212 : vector<16xf32>
        %max3A_216 = arith.maximumf %add3A_212, %mul3A_215 : vector<16xf32>
        %exp3A_217 = math.exp %max3A_216 : vector<16xf32>
        %swap3A_218 = arith.constant 32 : index
        %swap3A_219 = tpu.vector_load %arg16[%swap3A_218] {strides = array<i32>} : memref<80xf32, #tpu.memory_space<vmem>>, vector<16xf32>,
        tpu.vector_store %arg16[%swap3A_218], %exp3A_217 {strides = array<i32>} : memref<80xf32, #tpu.memory_space<vmem>>, vector<16xf32>,
        %swap3A_220 = arith.constant 32 : index
        %swap3A_221 = tpu.vector_load %arg18[%swap3A_220] {strides = array<i32>} : memref<80xi32, #tpu.memory_space<vmem>>, vector<16xi32>,
        tpu.vector_store %arg18[%swap3A_220], %get3A_209 {strides = array<i32>} : memref<80xi32, #tpu.memory_space<vmem>>, vector<16xi32>,
        %get3A_222 = arith.constant 0 : i32
        %get3A_223 = arith.index_cast %get3A_222 : i32 to index
        %get3A_224 = arith.constant 48 : index
        %get3A_225 = tpu.vector_load %arg12[%get3A_223, %get3A_224] {strides = array<i32>} : memref<2x80xi32, #tpu.memory_space<vmem>>, vector<16xi32>,
        %get3A_226 = arith.constant 1 : i32
        %get3A_227 = arith.index_cast %get3A_226 : i32 to index
        %get3A_228 = arith.constant 48 : index
        %get3A_229 = tpu.vector_load %arg12[%get3A_227, %get3A_228] {strides = array<i32>} : memref<2x80xi32, #tpu.memory_space<vmem>>, vector<16xi32>,
        %gather3A_230 = tpu.vector_load_idx %arg8[%get3A_225] : memref<10000xf32, #tpu.memory_space<vmem>>[vector<16xi32>], vector<16xf32>,
        %gather3A_231 = tpu.vector_load_idx %arg9[%get3A_229] : memref<10000xf32, #tpu.memory_space<vmem>>[vector<16xi32>], vector<16xf32>,
        %add3A_232 = arith.addf %gather3A_230, %gather3A_231 : vector<16xf32>
        %mul3A_233 = arith.constant 2.000000e-01 : f32
        %mul3A_234 = vector.broadcast %mul3A_233 : f32 to vector<16xf32>
        %mul3A_235 = arith.mulf %mul3A_234, %add3A_232 : vector<16xf32>
        %max3A_236 = arith.maximumf %add3A_232, %mul3A_235 : vector<16xf32>
        %exp3A_237 = math.exp %max3A_236 : vector<16xf32>
        %swap3A_238 = arith.constant 48 : index
        %swap3A_239 = tpu.vector_load %arg16[%swap3A_238] {strides = array<i32>} : memref<80xf32, #tpu.memory_space<vmem>>, vector<16xf32>,
        tpu.vector_store %arg16[%swap3A_238], %exp3A_237 {strides = array<i32>} : memref<80xf32, #tpu.memory_space<vmem>>, vector<16xf32>,
        %swap3A_240 = arith.constant 48 : index
        %swap3A_241 = tpu.vector_load %arg18[%swap3A_240] {strides = array<i32>} : memref<80xi32, #tpu.memory_space<vmem>>, vector<16xi32>,
        tpu.vector_store %arg18[%swap3A_240], %get3A_229 {strides = array<i32>} : memref<80xi32, #tpu.memory_space<vmem>>, vector<16xi32>,
        %get3A_242 = arith.constant 0 : i32
        %get3A_243 = arith.index_cast %get3A_242 : i32 to index
        %get3A_244 = arith.constant 64 : index
        %get3A_245 = tpu.vector_load %arg12[%get3A_243, %get3A_244] {strides = array<i32>} : memref<2x80xi32, #tpu.memory_space<vmem>>, vector<16xi32>,
        %get3A_246 = arith.constant 1 : i32
        %get3A_247 = arith.index_cast %get3A_246 : i32 to index
        %get3A_248 = arith.constant 64 : index
        %get3A_249 = tpu.vector_load %arg12[%get3A_247, %get3A_248] {strides = array<i32>} : memref<2x80xi32, #tpu.memory_space<vmem>>, vector<16xi32>,
        %gather3A_250 = tpu.vector_load_idx %arg8[%get3A_245] : memref<10000xf32, #tpu.memory_space<vmem>>[vector<16xi32>], vector<16xf32>,
        %gather3A_251 = tpu.vector_load_idx %arg9[%get3A_249] : memref<10000xf32, #tpu.memory_space<vmem>>[vector<16xi32>], vector<16xf32>,
        %add3A_252 = arith.addf %gather3A_250, %gather3A_251 : vector<16xf32>
        %mul3A_253 = arith.constant 2.000000e-01 : f32
        %mul3A_254 = vector.broadcast %mul3A_253 : f32 to vector<16xf32>
        %mul3A_255 = arith.mulf %mul3A_254, %add3A_252 : vector<16xf32>
        %max3A_256 = arith.maximumf %add3A_252, %mul3A_255 : vector<16xf32>
        %exp3A_257 = math.exp %max3A_256 : vector<16xf32>
        %swap3A_258 = arith.constant 64 : index
        %swap3A_259 = tpu.vector_load %arg16[%swap3A_258] {strides = array<i32>} : memref<80xf32, #tpu.memory_space<vmem>>, vector<16xf32>,
        tpu.vector_store %arg16[%swap3A_258], %exp3A_257 {strides = array<i32>} : memref<80xf32, #tpu.memory_space<vmem>>, vector<16xf32>,
        %swap3A_260 = arith.constant 64 : index
        %swap3A_261 = tpu.vector_load %arg18[%swap3A_260] {strides = array<i32>} : memref<80xi32, #tpu.memory_space<vmem>>, vector<16xi32>,
        tpu.vector_store %arg18[%swap3A_260], %get3A_249 {strides = array<i32>} : memref<80xi32, #tpu.memory_space<vmem>>, vector<16xi32>,
        %dma_start3A_262 = arith.constant 0 : i32
        %dma_start3A_263 = tpu.memref_slice %arg32[%dma_start3A_262] : memref<10000xf32, #tpu.memory_space<vmem_shared>> -> memref<10000xf32, #tpu.memory_space<vmem_shared>>
        tpu.enqueue_indirect_dma source(%arg16 : memref<80xf32, #tpu.memory_space<vmem>>) target(%dma_start3A_263 : memref<10000xf32, #tpu.memory_space<vmem_shared>>) offsets(%arg18 : memref<80xi32, #tpu.memory_space<vmem>>) semaphore(%arg29 : memref<!tpu.dma_semaphore, #tpu.memory_space<semaphore_mem>>) {add = true}
        %dma_start3A_264 = arith.constant 0 : i32
        %dma_start3A_265 = arith.constant 0 : i32
        %dma_start3A_266 = tpu.memref_slice %arg12[%dma_start3A_264, %dma_start3A_265] : memref<2x80xi32, #tpu.memory_space<vmem>> -> memref<1x80xi32, #tpu.memory_space<vmem>>
        %dma_start3A_267 = tpu.memref_squeeze %dma_start3A_266 : memref<1x80xi32, #tpu.memory_space<vmem>> -> memref<80xi32, #tpu.memory_space<vmem>>
        %dma_start3A_268 = arith.constant 0 : i32
        %dma_start3A_269 = arith.constant 0 : i32
        %dma_start3A_270 = tpu.memref_slice %arg5[%dma_start3A_268, %dma_start3A_269] : memref<10000x128xf32, #tpu.memory_space<hbm>> -> memref<10000x128xf32, #tpu.memory_space<hbm>>
        tpu.enqueue_indirect_dma source(%dma_start3A_270 : memref<10000x128xf32, #tpu.memory_space<hbm>>) target(%arg10 : memref<80x128xf32, #tpu.memory_space<vmem>>) offsets(%dma_start3A_267 : memref<80xi32, #tpu.memory_space<vmem>>) semaphore(%arg25 : memref<!tpu.dma_semaphore, #tpu.memory_space<semaphore_mem>>)
      } else {
      }
      %ge3A = arith.constant 1 : i32
      %ge3A_95 = arith.cmpi sge, %add3A_90, %ge3A : i32
      %le3A_96 = arith.constant 125 : i32
      %le3A_97 = arith.cmpi sle, %add3A_90, %le3A_96 : i32
      %and3A = arith.andi %ge3A_95, %le3A_97 : i1
      %convert_element_type3A_98 = arith.extui %and3A : i1 to i32
      %cond3A_99 = arith.constant 0 : i32
      %cond3A_100 = arith.cmpi ne, %convert_element_type3A_98, %cond3A_99 : i32
      scf.if %cond3A_100 {
        %dma_wait3A_153 = arith.constant 0 : i32
        %dma_wait3A_154 = arith.constant 0 : i32
        %dma_wait3A_155 = tpu.memref_slice %arg15[%dma_wait3A_153, %dma_wait3A_154] : memref<2x80xi32, #tpu.memory_space<vmem>> -> memref<1x80xi32, #tpu.memory_space<vmem>>
        %dma_wait3A_156 = tpu.memref_squeeze %dma_wait3A_155 : memref<1x80xi32, #tpu.memory_space<vmem>> -> memref<80xi32, #tpu.memory_space<vmem>>
        %dma_wait3A_157 = arith.constant 0 : i32
        %dma_wait3A_158 = arith.constant 0 : i32
        %dma_wait3A_159 = tpu.memref_slice %arg5[%dma_wait3A_157, %dma_wait3A_158] : memref<10000x128xf32, #tpu.memory_space<hbm>> -> memref<10000x128xf32, #tpu.memory_space<hbm>>
        tpu.wait_indirect_dma semaphore(%arg26 : memref<!tpu.dma_semaphore, #tpu.memory_space<semaphore_mem>>) src(%dma_wait3A_159 : memref<10000x128xf32, #tpu.memory_space<hbm>>) dst(%arg11 : memref<80x128xf32, #tpu.memory_space<vmem>>)
        %parallel_loop3A = arith.constant 0 : i32
        %parallel_loop3A_160 = arith.constant 80 : i32
        %parallel_loop3A_161 = arith.constant 1 : i32
        scf.for %parallel_loop3A_172 = %parallel_loop3A to %parallel_loop3A_160 step %parallel_loop3A_161  : i32 {
          %parallel_loop3A_173 = vector.broadcast %parallel_loop3A_172 : i32 to vector<16xi32>
          %parallel_loop3A_174 = tpu.vector_load_idx %arg17[%parallel_loop3A_173] : memref<80xf32, #tpu.memory_space<vmem>>[vector<16xi32>], vector<16xf32>,
          %parallel_loop3A_175 = arith.index_cast %parallel_loop3A_172 : i32 to index
          %parallel_loop3A_176 = arith.constant 0 : index
          %parallel_loop3A_177 = tpu.vector_load %arg11[%parallel_loop3A_175, %parallel_loop3A_176] {strides = array<i32>} : memref<80x128xf32, #tpu.memory_space<vmem>>, vector<16xf32>,
          %parallel_loop3A_178 = arith.mulf %parallel_loop3A_177, %parallel_loop3A_174 : vector<16xf32>
          %parallel_loop3A_179 = arith.index_cast %parallel_loop3A_172 : i32 to index
          %parallel_loop3A_180 = arith.constant 0 : index
          %parallel_loop3A_181 = tpu.vector_load %arg11[%parallel_loop3A_179, %parallel_loop3A_180] {strides = array<i32>} : memref<80x128xf32, #tpu.memory_space<vmem>>, vector<16xf32>,
          tpu.vector_store %arg11[%parallel_loop3A_179, %parallel_loop3A_180], %parallel_loop3A_178 {strides = array<i32>} : memref<80x128xf32, #tpu.memory_space<vmem>>, vector<16xf32>,
          %parallel_loop3A_182 = arith.index_cast %parallel_loop3A_172 : i32 to index
          %parallel_loop3A_183 = arith.constant 16 : index
          %parallel_loop3A_184 = tpu.vector_load %arg11[%parallel_loop3A_182, %parallel_loop3A_183] {strides = array<i32>} : memref<80x128xf32, #tpu.memory_space<vmem>>, vector<16xf32>,
          %parallel_loop3A_185 = arith.mulf %parallel_loop3A_184, %parallel_loop3A_174 : vector<16xf32>
          %parallel_loop3A_186 = arith.index_cast %parallel_loop3A_172 : i32 to index
          %parallel_loop3A_187 = arith.constant 16 : index
          %parallel_loop3A_188 = tpu.vector_load %arg11[%parallel_loop3A_186, %parallel_loop3A_187] {strides = array<i32>} : memref<80x128xf32, #tpu.memory_space<vmem>>, vector<16xf32>,
          tpu.vector_store %arg11[%parallel_loop3A_186, %parallel_loop3A_187], %parallel_loop3A_185 {strides = array<i32>} : memref<80x128xf32, #tpu.memory_space<vmem>>, vector<16xf32>,
          %parallel_loop3A_189 = arith.index_cast %parallel_loop3A_172 : i32 to index
          %parallel_loop3A_190 = arith.constant 32 : index
          %parallel_loop3A_191 = tpu.vector_load %arg11[%parallel_loop3A_189, %parallel_loop3A_190] {strides = array<i32>} : memref<80x128xf32, #tpu.memory_space<vmem>>, vector<16xf32>,
          %parallel_loop3A_192 = arith.mulf %parallel_loop3A_191, %parallel_loop3A_174 : vector<16xf32>
          %parallel_loop3A_193 = arith.index_cast %parallel_loop3A_172 : i32 to index
          %parallel_loop3A_194 = arith.constant 32 : index
          %parallel_loop3A_195 = tpu.vector_load %arg11[%parallel_loop3A_193, %parallel_loop3A_194] {strides = array<i32>} : memref<80x128xf32, #tpu.memory_space<vmem>>, vector<16xf32>,
          tpu.vector_store %arg11[%parallel_loop3A_193, %parallel_loop3A_194], %parallel_loop3A_192 {strides = array<i32>} : memref<80x128xf32, #tpu.memory_space<vmem>>, vector<16xf32>,
          %parallel_loop3A_196 = arith.index_cast %parallel_loop3A_172 : i32 to index
          %parallel_loop3A_197 = arith.constant 48 : index
          %parallel_loop3A_198 = tpu.vector_load %arg11[%parallel_loop3A_196, %parallel_loop3A_197] {strides = array<i32>} : memref<80x128xf32, #tpu.memory_space<vmem>>, vector<16xf32>,
          %parallel_loop3A_199 = arith.mulf %parallel_loop3A_198, %parallel_loop3A_174 : vector<16xf32>
          %parallel_loop3A_200 = arith.index_cast %parallel_loop3A_172 : i32 to index
          %parallel_loop3A_201 = arith.constant 48 : index
          %parallel_loop3A_202 = tpu.vector_load %arg11[%parallel_loop3A_200, %parallel_loop3A_201] {strides = array<i32>} : memref<80x128xf32, #tpu.memory_space<vmem>>, vector<16xf32>,
          tpu.vector_store %arg11[%parallel_loop3A_200, %parallel_loop3A_201], %parallel_loop3A_199 {strides = array<i32>} : memref<80x128xf32, #tpu.memory_space<vmem>>, vector<16xf32>,
          %parallel_loop3A_203 = arith.index_cast %parallel_loop3A_172 : i32 to index
          %parallel_loop3A_204 = arith.constant 64 : index
          %parallel_loop3A_205 = tpu.vector_load %arg11[%parallel_loop3A_203, %parallel_loop3A_204] {strides = array<i32>} : memref<80x128xf32, #tpu.memory_space<vmem>>, vector<16xf32>,
          %parallel_loop3A_206 = arith.mulf %parallel_loop3A_205, %parallel_loop3A_174 : vector<16xf32>
          %parallel_loop3A_207 = arith.index_cast %parallel_loop3A_172 : i32 to index
          %parallel_loop3A_208 = arith.constant 64 : index
          %parallel_loop3A_209 = tpu.vector_load %arg11[%parallel_loop3A_207, %parallel_loop3A_208] {strides = array<i32>} : memref<80x128xf32, #tpu.memory_space<vmem>>, vector<16xf32>,
          tpu.vector_store %arg11[%parallel_loop3A_207, %parallel_loop3A_208], %parallel_loop3A_206 {strides = array<i32>} : memref<80x128xf32, #tpu.memory_space<vmem>>, vector<16xf32>,
          %parallel_loop3A_210 = arith.index_cast %parallel_loop3A_172 : i32 to index
          %parallel_loop3A_211 = arith.constant 80 : index
          %parallel_loop3A_212 = tpu.vector_load %arg11[%parallel_loop3A_210, %parallel_loop3A_211] {strides = array<i32>} : memref<80x128xf32, #tpu.memory_space<vmem>>, vector<16xf32>,
          %parallel_loop3A_213 = arith.mulf %parallel_loop3A_212, %parallel_loop3A_174 : vector<16xf32>
          %parallel_loop3A_214 = arith.index_cast %parallel_loop3A_172 : i32 to index
          %parallel_loop3A_215 = arith.constant 80 : index
          %parallel_loop3A_216 = tpu.vector_load %arg11[%parallel_loop3A_214, %parallel_loop3A_215] {strides = array<i32>} : memref<80x128xf32, #tpu.memory_space<vmem>>, vector<16xf32>,
          tpu.vector_store %arg11[%parallel_loop3A_214, %parallel_loop3A_215], %parallel_loop3A_213 {strides = array<i32>} : memref<80x128xf32, #tpu.memory_space<vmem>>, vector<16xf32>,
          %parallel_loop3A_217 = arith.index_cast %parallel_loop3A_172 : i32 to index
          %parallel_loop3A_218 = arith.constant 96 : index
          %parallel_loop3A_219 = tpu.vector_load %arg11[%parallel_loop3A_217, %parallel_loop3A_218] {strides = array<i32>} : memref<80x128xf32, #tpu.memory_space<vmem>>, vector<16xf32>,
          %parallel_loop3A_220 = arith.mulf %parallel_loop3A_219, %parallel_loop3A_174 : vector<16xf32>
          %parallel_loop3A_221 = arith.index_cast %parallel_loop3A_172 : i32 to index
          %parallel_loop3A_222 = arith.constant 96 : index
          %parallel_loop3A_223 = tpu.vector_load %arg11[%parallel_loop3A_221, %parallel_loop3A_222] {strides = array<i32>} : memref<80x128xf32, #tpu.memory_space<vmem>>, vector<16xf32>,
          tpu.vector_store %arg11[%parallel_loop3A_221, %parallel_loop3A_222], %parallel_loop3A_220 {strides = array<i32>} : memref<80x128xf32, #tpu.memory_space<vmem>>, vector<16xf32>,
          %parallel_loop3A_224 = arith.index_cast %parallel_loop3A_172 : i32 to index
          %parallel_loop3A_225 = arith.constant 112 : index
          %parallel_loop3A_226 = tpu.vector_load %arg11[%parallel_loop3A_224, %parallel_loop3A_225] {strides = array<i32>} : memref<80x128xf32, #tpu.memory_space<vmem>>, vector<16xf32>,
          %parallel_loop3A_227 = arith.mulf %parallel_loop3A_226, %parallel_loop3A_174 : vector<16xf32>
          %parallel_loop3A_228 = arith.index_cast %parallel_loop3A_172 : i32 to index
          %parallel_loop3A_229 = arith.constant 112 : index
          %parallel_loop3A_230 = tpu.vector_load %arg11[%parallel_loop3A_228, %parallel_loop3A_229] {strides = array<i32>} : memref<80x128xf32, #tpu.memory_space<vmem>>, vector<16xf32>,
          tpu.vector_store %arg11[%parallel_loop3A_228, %parallel_loop3A_229], %parallel_loop3A_227 {strides = array<i32>} : memref<80x128xf32, #tpu.memory_space<vmem>>, vector<16xf32>,
        } {sc.loop_unroll_factor = 4 : i64, sc.parallel_access}
        %dma_start3A_162 = arith.constant 0 : i32
        %dma_start3A_163 = arith.constant 0 : i32
        %dma_start3A_164 = tpu.memref_slice %arg31[%dma_start3A_162, %dma_start3A_163] : memref<10000x128xf32, #tpu.memory_space<vmem_shared>> -> memref<10000x128xf32, #tpu.memory_space<vmem_shared>>
        tpu.enqueue_indirect_dma source(%arg11 : memref<80x128xf32, #tpu.memory_space<vmem>>) target(%dma_start3A_164 : memref<10000x128xf32, #tpu.memory_space<vmem_shared>>) offsets(%arg19 : memref<80xi32, #tpu.memory_space<vmem>>) semaphore(%arg28 : memref<!tpu.dma_semaphore, #tpu.memory_space<semaphore_mem>>) {add = true}
        %add3A_165 = arith.constant 3 : i32
        %add3A_166 = arith.addi %add3A_90, %add3A_165 : i32
        %le3A_167 = arith.constant 124 : i32
        %le3A_168 = arith.cmpi sle, %add3A_166, %le3A_167 : i32
        %convert_element_type3A_169 = arith.extui %le3A_168 : i1 to i32
        %cond3A_170 = arith.constant 0 : i32
        %cond3A_171 = arith.cmpi ne, %convert_element_type3A_169, %cond3A_170 : i32
        scf.if %cond3A_171 {
          %add3A_172 = arith.constant 3 : i32
          %add3A_173 = arith.addi %add3A_90, %add3A_172 : i32
          %dma_start3A_174 = arith.constant 0 : i32
          %dma_start3A_175 = arith.constant 0 : i32
          %dma_start3A_176 = tpu.memref_slice %arg2[%add3A, %add3A_173, %dma_start3A_174, %dma_start3A_175] : memref<32x125x2x80xi32, #tpu.memory_space<hbm>> -> memref<1x1x2x80xi32, #tpu.memory_space<hbm>>
          %dma_start3A_177 = tpu.memref_squeeze %dma_start3A_176 : memref<1x1x2x80xi32, #tpu.memory_space<hbm>> -> memref<2x80xi32, #tpu.memory_space<hbm>>
          %dma_start3A_178 = arith.constant 0 : i32
          %dma_start3A_179 = arith.constant 0 : i32
          %dma_start3A_180 = tpu.memref_slice %arg2[%add3A, %add3A_173, %dma_start3A_178, %dma_start3A_179] : memref<32x125x2x80xi32, #tpu.memory_space<hbm>> -> memref<1x1x2x80xi32, #tpu.memory_space<hbm>>
          %dma_start3A_181 = tpu.memref_squeeze %dma_start3A_180 : memref<1x1x2x80xi32, #tpu.memory_space<hbm>> -> memref<2x80xi32, #tpu.memory_space<hbm>>
          tpu.enqueue_dma source(%dma_start3A_181 : memref<2x80xi32, #tpu.memory_space<hbm>>) target(%arg15 : memref<2x80xi32, #tpu.memory_space<vmem>>) target_semaphore(%arg24 : memref<!tpu.dma_semaphore, #tpu.memory_space<semaphore_mem>>)
        } else {
        }
      } else {
      }
      %mul3A_101 = arith.constant 4 : i32
      %mul3A_102 = arith.muli %scan3A_85, %mul3A_101 : i32
      %add3A_103 = arith.constant 1 : i32
      %add3A_104 = arith.addi %mul3A_102, %add3A_103 : i32
      %le3A_105 = arith.constant 124 : i32
      %le3A_106 = arith.cmpi sle, %add3A_104, %le3A_105 : i32
      %convert_element_type3A_107 = arith.extui %le3A_106 : i1 to i32
      %cond3A_108 = arith.constant 0 : i32
      %cond3A_109 = arith.cmpi ne, %convert_element_type3A_107, %cond3A_108 : i32
      scf.if %cond3A_109 {
        %dma_wait3A_153 = arith.constant 0 : i32
        %dma_wait3A_154 = arith.constant 0 : i32
        %dma_wait3A_155 = tpu.memref_slice %arg2[%add3A, %add3A_104, %dma_wait3A_153, %dma_wait3A_154] : memref<32x125x2x80xi32, #tpu.memory_space<hbm>> -> memref<1x1x2x80xi32, #tpu.memory_space<hbm>>
        %dma_wait3A_156 = tpu.memref_squeeze %dma_wait3A_155 : memref<1x1x2x80xi32, #tpu.memory_space<hbm>> -> memref<2x80xi32, #tpu.memory_space<hbm>>
        %dma_wait3A_157 = arith.constant 0 : i32
        %dma_wait3A_158 = arith.constant 0 : i32
        %dma_wait3A_159 = tpu.memref_slice %arg2[%add3A, %add3A_104, %dma_wait3A_157, %dma_wait3A_158] : memref<32x125x2x80xi32, #tpu.memory_space<hbm>> -> memref<1x1x2x80xi32, #tpu.memory_space<hbm>>
        %dma_wait3A_160 = tpu.memref_squeeze %dma_wait3A_159 : memref<1x1x2x80xi32, #tpu.memory_space<hbm>> -> memref<2x80xi32, #tpu.memory_space<hbm>>
        tpu.wait_dma2 semaphore(%arg22 : memref<!tpu.dma_semaphore, #tpu.memory_space<semaphore_mem>>) src(%dma_wait3A_160 : memref<2x80xi32, #tpu.memory_space<hbm>>) dst(%arg13 : memref<2x80xi32, #tpu.memory_space<vmem>>)
        %ge3A_161 = arith.constant 2 : i32
        %ge3A_162 = arith.cmpi sge, %add3A_104, %ge3A_161 : i32
        %convert_element_type3A_163 = arith.extui %ge3A_162 : i1 to i32
        %cond3A_164 = arith.constant 0 : i32
        %cond3A_165 = arith.cmpi ne, %convert_element_type3A_163, %cond3A_164 : i32
        scf.if %cond3A_165 {
          %dma_wait3A_271 = arith.constant 0 : i32
          %dma_wait3A_272 = tpu.memref_slice %arg32[%dma_wait3A_271] : memref<10000xf32, #tpu.memory_space<vmem_shared>> -> memref<10000xf32, #tpu.memory_space<vmem_shared>>
          tpu.wait_indirect_dma semaphore(%arg30 : memref<!tpu.dma_semaphore, #tpu.memory_space<semaphore_mem>>) src(%arg17 : memref<80xf32, #tpu.memory_space<vmem>>) dst(%dma_wait3A_272 : memref<10000xf32, #tpu.memory_space<vmem_shared>>)
          %dma_wait3A_273 = arith.constant 0 : i32
          %dma_wait3A_274 = arith.constant 0 : i32
          %dma_wait3A_275 = tpu.memref_slice %arg31[%dma_wait3A_273, %dma_wait3A_274] : memref<10000x128xf32, #tpu.memory_space<vmem_shared>> -> memref<10000x128xf32, #tpu.memory_space<vmem_shared>>
          tpu.wait_indirect_dma semaphore(%arg28 : memref<!tpu.dma_semaphore, #tpu.memory_space<semaphore_mem>>) src(%arg11 : memref<80x128xf32, #tpu.memory_space<vmem>>) dst(%dma_wait3A_275 : memref<10000x128xf32, #tpu.memory_space<vmem_shared>>)
        } else {
        }
        %get3A = arith.constant 0 : i32
        %get3A_166 = arith.index_cast %get3A : i32 to index
        %get3A_167 = arith.constant 0 : index
        %get3A_168 = tpu.vector_load %arg13[%get3A_166, %get3A_167] {strides = array<i32>} : memref<2x80xi32, #tpu.memory_space<vmem>>, vector<16xi32>,
        %get3A_169 = arith.constant 1 : i32
        %get3A_170 = arith.index_cast %get3A_169 : i32 to index
        %get3A_171 = arith.constant 0 : index
        %get3A_172 = tpu.vector_load %arg13[%get3A_170, %get3A_171] {strides = array<i32>} : memref<2x80xi32, #tpu.memory_space<vmem>>, vector<16xi32>,
        %gather3A = tpu.vector_load_idx %arg8[%get3A_168] : memref<10000xf32, #tpu.memory_space<vmem>>[vector<16xi32>], vector<16xf32>,
        %gather3A_173 = tpu.vector_load_idx %arg9[%get3A_172] : memref<10000xf32, #tpu.memory_space<vmem>>[vector<16xi32>], vector<16xf32>,
        %add3A_174 = arith.addf %gather3A, %gather3A_173 : vector<16xf32>
        %mul3A_175 = arith.constant 2.000000e-01 : f32
        %mul3A_176 = vector.broadcast %mul3A_175 : f32 to vector<16xf32>
        %mul3A_177 = arith.mulf %mul3A_176, %add3A_174 : vector<16xf32>
        %max3A = arith.maximumf %add3A_174, %mul3A_177 : vector<16xf32>
        %exp3A = math.exp %max3A : vector<16xf32>
        %swap3A_178 = arith.constant 0 : index
        %swap3A_179 = tpu.vector_load %arg17[%swap3A_178] {strides = array<i32>} : memref<80xf32, #tpu.memory_space<vmem>>, vector<16xf32>,
        tpu.vector_store %arg17[%swap3A_178], %exp3A {strides = array<i32>} : memref<80xf32, #tpu.memory_space<vmem>>, vector<16xf32>,
        %swap3A_180 = arith.constant 0 : index
        %swap3A_181 = tpu.vector_load %arg19[%swap3A_180] {strides = array<i32>} : memref<80xi32, #tpu.memory_space<vmem>>, vector<16xi32>,
        tpu.vector_store %arg19[%swap3A_180], %get3A_172 {strides = array<i32>} : memref<80xi32, #tpu.memory_space<vmem>>, vector<16xi32>,
        %get3A_182 = arith.constant 0 : i32
        %get3A_183 = arith.index_cast %get3A_182 : i32 to index
        %get3A_184 = arith.constant 16 : index
        %get3A_185 = tpu.vector_load %arg13[%get3A_183, %get3A_184] {strides = array<i32>} : memref<2x80xi32, #tpu.memory_space<vmem>>, vector<16xi32>,
        %get3A_186 = arith.constant 1 : i32
        %get3A_187 = arith.index_cast %get3A_186 : i32 to index
        %get3A_188 = arith.constant 16 : index
        %get3A_189 = tpu.vector_load %arg13[%get3A_187, %get3A_188] {strides = array<i32>} : memref<2x80xi32, #tpu.memory_space<vmem>>, vector<16xi32>,
        %gather3A_190 = tpu.vector_load_idx %arg8[%get3A_185] : memref<10000xf32, #tpu.memory_space<vmem>>[vector<16xi32>], vector<16xf32>,
        %gather3A_191 = tpu.vector_load_idx %arg9[%get3A_189] : memref<10000xf32, #tpu.memory_space<vmem>>[vector<16xi32>], vector<16xf32>,
        %add3A_192 = arith.addf %gather3A_190, %gather3A_191 : vector<16xf32>
        %mul3A_193 = arith.constant 2.000000e-01 : f32
        %mul3A_194 = vector.broadcast %mul3A_193 : f32 to vector<16xf32>
        %mul3A_195 = arith.mulf %mul3A_194, %add3A_192 : vector<16xf32>
        %max3A_196 = arith.maximumf %add3A_192, %mul3A_195 : vector<16xf32>
        %exp3A_197 = math.exp %max3A_196 : vector<16xf32>
        %swap3A_198 = arith.constant 16 : index
        %swap3A_199 = tpu.vector_load %arg17[%swap3A_198] {strides = array<i32>} : memref<80xf32, #tpu.memory_space<vmem>>, vector<16xf32>,
        tpu.vector_store %arg17[%swap3A_198], %exp3A_197 {strides = array<i32>} : memref<80xf32, #tpu.memory_space<vmem>>, vector<16xf32>,
        %swap3A_200 = arith.constant 16 : index
        %swap3A_201 = tpu.vector_load %arg19[%swap3A_200] {strides = array<i32>} : memref<80xi32, #tpu.memory_space<vmem>>, vector<16xi32>,
        tpu.vector_store %arg19[%swap3A_200], %get3A_189 {strides = array<i32>} : memref<80xi32, #tpu.memory_space<vmem>>, vector<16xi32>,
        %get3A_202 = arith.constant 0 : i32
        %get3A_203 = arith.index_cast %get3A_202 : i32 to index
        %get3A_204 = arith.constant 32 : index
        %get3A_205 = tpu.vector_load %arg13[%get3A_203, %get3A_204] {strides = array<i32>} : memref<2x80xi32, #tpu.memory_space<vmem>>, vector<16xi32>,
        %get3A_206 = arith.constant 1 : i32
        %get3A_207 = arith.index_cast %get3A_206 : i32 to index
        %get3A_208 = arith.constant 32 : index
        %get3A_209 = tpu.vector_load %arg13[%get3A_207, %get3A_208] {strides = array<i32>} : memref<2x80xi32, #tpu.memory_space<vmem>>, vector<16xi32>,
        %gather3A_210 = tpu.vector_load_idx %arg8[%get3A_205] : memref<10000xf32, #tpu.memory_space<vmem>>[vector<16xi32>], vector<16xf32>,
        %gather3A_211 = tpu.vector_load_idx %arg9[%get3A_209] : memref<10000xf32, #tpu.memory_space<vmem>>[vector<16xi32>], vector<16xf32>,
        %add3A_212 = arith.addf %gather3A_210, %gather3A_211 : vector<16xf32>
        %mul3A_213 = arith.constant 2.000000e-01 : f32
        %mul3A_214 = vector.broadcast %mul3A_213 : f32 to vector<16xf32>
        %mul3A_215 = arith.mulf %mul3A_214, %add3A_212 : vector<16xf32>
        %max3A_216 = arith.maximumf %add3A_212, %mul3A_215 : vector<16xf32>
        %exp3A_217 = math.exp %max3A_216 : vector<16xf32>
        %swap3A_218 = arith.constant 32 : index
        %swap3A_219 = tpu.vector_load %arg17[%swap3A_218] {strides = array<i32>} : memref<80xf32, #tpu.memory_space<vmem>>, vector<16xf32>,
        tpu.vector_store %arg17[%swap3A_218], %exp3A_217 {strides = array<i32>} : memref<80xf32, #tpu.memory_space<vmem>>, vector<16xf32>,
        %swap3A_220 = arith.constant 32 : index
        %swap3A_221 = tpu.vector_load %arg19[%swap3A_220] {strides = array<i32>} : memref<80xi32, #tpu.memory_space<vmem>>, vector<16xi32>,
        tpu.vector_store %arg19[%swap3A_220], %get3A_209 {strides = array<i32>} : memref<80xi32, #tpu.memory_space<vmem>>, vector<16xi32>,
        %get3A_222 = arith.constant 0 : i32
        %get3A_223 = arith.index_cast %get3A_222 : i32 to index
        %get3A_224 = arith.constant 48 : index
        %get3A_225 = tpu.vector_load %arg13[%get3A_223, %get3A_224] {strides = array<i32>} : memref<2x80xi32, #tpu.memory_space<vmem>>, vector<16xi32>,
        %get3A_226 = arith.constant 1 : i32
        %get3A_227 = arith.index_cast %get3A_226 : i32 to index
        %get3A_228 = arith.constant 48 : index
        %get3A_229 = tpu.vector_load %arg13[%get3A_227, %get3A_228] {strides = array<i32>} : memref<2x80xi32, #tpu.memory_space<vmem>>, vector<16xi32>,
        %gather3A_230 = tpu.vector_load_idx %arg8[%get3A_225] : memref<10000xf32, #tpu.memory_space<vmem>>[vector<16xi32>], vector<16xf32>,
        %gather3A_231 = tpu.vector_load_idx %arg9[%get3A_229] : memref<10000xf32, #tpu.memory_space<vmem>>[vector<16xi32>], vector<16xf32>,
        %add3A_232 = arith.addf %gather3A_230, %gather3A_231 : vector<16xf32>
        %mul3A_233 = arith.constant 2.000000e-01 : f32
        %mul3A_234 = vector.broadcast %mul3A_233 : f32 to vector<16xf32>
        %mul3A_235 = arith.mulf %mul3A_234, %add3A_232 : vector<16xf32>
        %max3A_236 = arith.maximumf %add3A_232, %mul3A_235 : vector<16xf32>
        %exp3A_237 = math.exp %max3A_236 : vector<16xf32>
        %swap3A_238 = arith.constant 48 : index
        %swap3A_239 = tpu.vector_load %arg17[%swap3A_238] {strides = array<i32>} : memref<80xf32, #tpu.memory_space<vmem>>, vector<16xf32>,
        tpu.vector_store %arg17[%swap3A_238], %exp3A_237 {strides = array<i32>} : memref<80xf32, #tpu.memory_space<vmem>>, vector<16xf32>,
        %swap3A_240 = arith.constant 48 : index
        %swap3A_241 = tpu.vector_load %arg19[%swap3A_240] {strides = array<i32>} : memref<80xi32, #tpu.memory_space<vmem>>, vector<16xi32>,
        tpu.vector_store %arg19[%swap3A_240], %get3A_229 {strides = array<i32>} : memref<80xi32, #tpu.memory_space<vmem>>, vector<16xi32>,
        %get3A_242 = arith.constant 0 : i32
        %get3A_243 = arith.index_cast %get3A_242 : i32 to index
        %get3A_244 = arith.constant 64 : index
        %get3A_245 = tpu.vector_load %arg13[%get3A_243, %get3A_244] {strides = array<i32>} : memref<2x80xi32, #tpu.memory_space<vmem>>, vector<16xi32>,
        %get3A_246 = arith.constant 1 : i32
        %get3A_247 = arith.index_cast %get3A_246 : i32 to index
        %get3A_248 = arith.constant 64 : index
        %get3A_249 = tpu.vector_load %arg13[%get3A_247, %get3A_248] {strides = array<i32>} : memref<2x80xi32, #tpu.memory_space<vmem>>, vector<16xi32>,
        %gather3A_250 = tpu.vector_load_idx %arg8[%get3A_245] : memref<10000xf32, #tpu.memory_space<vmem>>[vector<16xi32>], vector<16xf32>,
        %gather3A_251 = tpu.vector_load_idx %arg9[%get3A_249] : memref<10000xf32, #tpu.memory_space<vmem>>[vector<16xi32>], vector<16xf32>,
        %add3A_252 = arith.addf %gather3A_250, %gather3A_251 : vector<16xf32>
        %mul3A_253 = arith.constant 2.000000e-01 : f32
        %mul3A_254 = vector.broadcast %mul3A_253 : f32 to vector<16xf32>
        %mul3A_255 = arith.mulf %mul3A_254, %add3A_252 : vector<16xf32>
        %max3A_256 = arith.maximumf %add3A_252, %mul3A_255 : vector<16xf32>
        %exp3A_257 = math.exp %max3A_256 : vector<16xf32>
        %swap3A_258 = arith.constant 64 : index
        %swap3A_259 = tpu.vector_load %arg17[%swap3A_258] {strides = array<i32>} : memref<80xf32, #tpu.memory_space<vmem>>, vector<16xf32>,
        tpu.vector_store %arg17[%swap3A_258], %exp3A_257 {strides = array<i32>} : memref<80xf32, #tpu.memory_space<vmem>>, vector<16xf32>,
        %swap3A_260 = arith.constant 64 : index
        %swap3A_261 = tpu.vector_load %arg19[%swap3A_260] {strides = array<i32>} : memref<80xi32, #tpu.memory_space<vmem>>, vector<16xi32>,
        tpu.vector_store %arg19[%swap3A_260], %get3A_249 {strides = array<i32>} : memref<80xi32, #tpu.memory_space<vmem>>, vector<16xi32>,
        %dma_start3A_262 = arith.constant 0 : i32
        %dma_start3A_263 = tpu.memref_slice %arg32[%dma_start3A_262] : memref<10000xf32, #tpu.memory_space<vmem_shared>> -> memref<10000xf32, #tpu.memory_space<vmem_shared>>
        tpu.enqueue_indirect_dma source(%arg17 : memref<80xf32, #tpu.memory_space<vmem>>) target(%dma_start3A_263 : memref<10000xf32, #tpu.memory_space<vmem_shared>>) offsets(%arg19 : memref<80xi32, #tpu.memory_space<vmem>>) semaphore(%arg30 : memref<!tpu.dma_semaphore, #tpu.memory_space<semaphore_mem>>) {add = true}
        %dma_start3A_264 = arith.constant 0 : i32
        %dma_start3A_265 = arith.constant 0 : i32
        %dma_start3A_266 = tpu.memref_slice %arg13[%dma_start3A_264, %dma_start3A_265] : memref<2x80xi32, #tpu.memory_space<vmem>> -> memref<1x80xi32, #tpu.memory_space<vmem>>
        %dma_start3A_267 = tpu.memref_squeeze %dma_start3A_266 : memref<1x80xi32, #tpu.memory_space<vmem>> -> memref<80xi32, #tpu.memory_space<vmem>>
        %dma_start3A_268 = arith.constant 0 : i32
        %dma_start3A_269 = arith.constant 0 : i32
        %dma_start3A_270 = tpu.memref_slice %arg5[%dma_start3A_268, %dma_start3A_269] : memref<10000x128xf32, #tpu.memory_space<hbm>> -> memref<10000x128xf32, #tpu.memory_space<hbm>>
        tpu.enqueue_indirect_dma source(%dma_start3A_270 : memref<10000x128xf32, #tpu.memory_space<hbm>>) target(%arg11 : memref<80x128xf32, #tpu.memory_space<vmem>>) offsets(%dma_start3A_267 : memref<80xi32, #tpu.memory_space<vmem>>) semaphore(%arg26 : memref<!tpu.dma_semaphore, #tpu.memory_space<semaphore_mem>>)
      } else {
      }
      %ge3A_110 = arith.constant 1 : i32
      %ge3A_111 = arith.cmpi sge, %add3A_104, %ge3A_110 : i32
      %le3A_112 = arith.constant 125 : i32
      %le3A_113 = arith.cmpi sle, %add3A_104, %le3A_112 : i32
      %and3A_114 = arith.andi %ge3A_111, %le3A_113 : i1
      %convert_element_type3A_115 = arith.extui %and3A_114 : i1 to i32
      %cond3A_116 = arith.constant 0 : i32
      %cond3A_117 = arith.cmpi ne, %convert_element_type3A_115, %cond3A_116 : i32
      scf.if %cond3A_117 {
        %dma_wait3A_153 = arith.constant 0 : i32
        %dma_wait3A_154 = arith.constant 0 : i32
        %dma_wait3A_155 = tpu.memref_slice %arg12[%dma_wait3A_153, %dma_wait3A_154] : memref<2x80xi32, #tpu.memory_space<vmem>> -> memref<1x80xi32, #tpu.memory_space<vmem>>
        %dma_wait3A_156 = tpu.memref_squeeze %dma_wait3A_155 : memref<1x80xi32, #tpu.memory_space<vmem>> -> memref<80xi32, #tpu.memory_space<vmem>>
        %dma_wait3A_157 = arith.constant 0 : i32
        %dma_wait3A_158 = arith.constant 0 : i32
        %dma_wait3A_159 = tpu.memref_slice %arg5[%dma_wait3A_157, %dma_wait3A_158] : memref<10000x128xf32, #tpu.memory_space<hbm>> -> memref<10000x128xf32, #tpu.memory_space<hbm>>
        tpu.wait_indirect_dma semaphore(%arg25 : memref<!tpu.dma_semaphore, #tpu.memory_space<semaphore_mem>>) src(%dma_wait3A_159 : memref<10000x128xf32, #tpu.memory_space<hbm>>) dst(%arg10 : memref<80x128xf32, #tpu.memory_space<vmem>>)
        %parallel_loop3A = arith.constant 0 : i32
        %parallel_loop3A_160 = arith.constant 80 : i32
        %parallel_loop3A_161 = arith.constant 1 : i32
        scf.for %parallel_loop3A_172 = %parallel_loop3A to %parallel_loop3A_160 step %parallel_loop3A_161  : i32 {
          %parallel_loop3A_173 = vector.broadcast %parallel_loop3A_172 : i32 to vector<16xi32>
          %parallel_loop3A_174 = tpu.vector_load_idx %arg16[%parallel_loop3A_173] : memref<80xf32, #tpu.memory_space<vmem>>[vector<16xi32>], vector<16xf32>,
          %parallel_loop3A_175 = arith.index_cast %parallel_loop3A_172 : i32 to index
          %parallel_loop3A_176 = arith.constant 0 : index
          %parallel_loop3A_177 = tpu.vector_load %arg10[%parallel_loop3A_175, %parallel_loop3A_176] {strides = array<i32>} : memref<80x128xf32, #tpu.memory_space<vmem>>, vector<16xf32>,
          %parallel_loop3A_178 = arith.mulf %parallel_loop3A_177, %parallel_loop3A_174 : vector<16xf32>
          %parallel_loop3A_179 = arith.index_cast %parallel_loop3A_172 : i32 to index
          %parallel_loop3A_180 = arith.constant 0 : index
          %parallel_loop3A_181 = tpu.vector_load %arg10[%parallel_loop3A_179, %parallel_loop3A_180] {strides = array<i32>} : memref<80x128xf32, #tpu.memory_space<vmem>>, vector<16xf32>,
          tpu.vector_store %arg10[%parallel_loop3A_179, %parallel_loop3A_180], %parallel_loop3A_178 {strides = array<i32>} : memref<80x128xf32, #tpu.memory_space<vmem>>, vector<16xf32>,
          %parallel_loop3A_182 = arith.index_cast %parallel_loop3A_172 : i32 to index
          %parallel_loop3A_183 = arith.constant 16 : index
          %parallel_loop3A_184 = tpu.vector_load %arg10[%parallel_loop3A_182, %parallel_loop3A_183] {strides = array<i32>} : memref<80x128xf32, #tpu.memory_space<vmem>>, vector<16xf32>,
          %parallel_loop3A_185 = arith.mulf %parallel_loop3A_184, %parallel_loop3A_174 : vector<16xf32>
          %parallel_loop3A_186 = arith.index_cast %parallel_loop3A_172 : i32 to index
          %parallel_loop3A_187 = arith.constant 16 : index
          %parallel_loop3A_188 = tpu.vector_load %arg10[%parallel_loop3A_186, %parallel_loop3A_187] {strides = array<i32>} : memref<80x128xf32, #tpu.memory_space<vmem>>, vector<16xf32>,
          tpu.vector_store %arg10[%parallel_loop3A_186, %parallel_loop3A_187], %parallel_loop3A_185 {strides = array<i32>} : memref<80x128xf32, #tpu.memory_space<vmem>>, vector<16xf32>,
          %parallel_loop3A_189 = arith.index_cast %parallel_loop3A_172 : i32 to index
          %parallel_loop3A_190 = arith.constant 32 : index
          %parallel_loop3A_191 = tpu.vector_load %arg10[%parallel_loop3A_189, %parallel_loop3A_190] {strides = array<i32>} : memref<80x128xf32, #tpu.memory_space<vmem>>, vector<16xf32>,
          %parallel_loop3A_192 = arith.mulf %parallel_loop3A_191, %parallel_loop3A_174 : vector<16xf32>
          %parallel_loop3A_193 = arith.index_cast %parallel_loop3A_172 : i32 to index
          %parallel_loop3A_194 = arith.constant 32 : index
          %parallel_loop3A_195 = tpu.vector_load %arg10[%parallel_loop3A_193, %parallel_loop3A_194] {strides = array<i32>} : memref<80x128xf32, #tpu.memory_space<vmem>>, vector<16xf32>,
          tpu.vector_store %arg10[%parallel_loop3A_193, %parallel_loop3A_194], %parallel_loop3A_192 {strides = array<i32>} : memref<80x128xf32, #tpu.memory_space<vmem>>, vector<16xf32>,
          %parallel_loop3A_196 = arith.index_cast %parallel_loop3A_172 : i32 to index
          %parallel_loop3A_197 = arith.constant 48 : index
          %parallel_loop3A_198 = tpu.vector_load %arg10[%parallel_loop3A_196, %parallel_loop3A_197] {strides = array<i32>} : memref<80x128xf32, #tpu.memory_space<vmem>>, vector<16xf32>,
          %parallel_loop3A_199 = arith.mulf %parallel_loop3A_198, %parallel_loop3A_174 : vector<16xf32>
          %parallel_loop3A_200 = arith.index_cast %parallel_loop3A_172 : i32 to index
          %parallel_loop3A_201 = arith.constant 48 : index
          %parallel_loop3A_202 = tpu.vector_load %arg10[%parallel_loop3A_200, %parallel_loop3A_201] {strides = array<i32>} : memref<80x128xf32, #tpu.memory_space<vmem>>, vector<16xf32>,
          tpu.vector_store %arg10[%parallel_loop3A_200, %parallel_loop3A_201], %parallel_loop3A_199 {strides = array<i32>} : memref<80x128xf32, #tpu.memory_space<vmem>>, vector<16xf32>,
          %parallel_loop3A_203 = arith.index_cast %parallel_loop3A_172 : i32 to index
          %parallel_loop3A_204 = arith.constant 64 : index
          %parallel_loop3A_205 = tpu.vector_load %arg10[%parallel_loop3A_203, %parallel_loop3A_204] {strides = array<i32>} : memref<80x128xf32, #tpu.memory_space<vmem>>, vector<16xf32>,
          %parallel_loop3A_206 = arith.mulf %parallel_loop3A_205, %parallel_loop3A_174 : vector<16xf32>
          %parallel_loop3A_207 = arith.index_cast %parallel_loop3A_172 : i32 to index
          %parallel_loop3A_208 = arith.constant 64 : index
          %parallel_loop3A_209 = tpu.vector_load %arg10[%parallel_loop3A_207, %parallel_loop3A_208] {strides = array<i32>} : memref<80x128xf32, #tpu.memory_space<vmem>>, vector<16xf32>,
          tpu.vector_store %arg10[%parallel_loop3A_207, %parallel_loop3A_208], %parallel_loop3A_206 {strides = array<i32>} : memref<80x128xf32, #tpu.memory_space<vmem>>, vector<16xf32>,
          %parallel_loop3A_210 = arith.index_cast %parallel_loop3A_172 : i32 to index
          %parallel_loop3A_211 = arith.constant 80 : index
          %parallel_loop3A_212 = tpu.vector_load %arg10[%parallel_loop3A_210, %parallel_loop3A_211] {strides = array<i32>} : memref<80x128xf32, #tpu.memory_space<vmem>>, vector<16xf32>,
          %parallel_loop3A_213 = arith.mulf %parallel_loop3A_212, %parallel_loop3A_174 : vector<16xf32>
          %parallel_loop3A_214 = arith.index_cast %parallel_loop3A_172 : i32 to index
          %parallel_loop3A_215 = arith.constant 80 : index
          %parallel_loop3A_216 = tpu.vector_load %arg10[%parallel_loop3A_214, %parallel_loop3A_215] {strides = array<i32>} : memref<80x128xf32, #tpu.memory_space<vmem>>, vector<16xf32>,
          tpu.vector_store %arg10[%parallel_loop3A_214, %parallel_loop3A_215], %parallel_loop3A_213 {strides = array<i32>} : memref<80x128xf32, #tpu.memory_space<vmem>>, vector<16xf32>,
          %parallel_loop3A_217 = arith.index_cast %parallel_loop3A_172 : i32 to index
          %parallel_loop3A_218 = arith.constant 96 : index
          %parallel_loop3A_219 = tpu.vector_load %arg10[%parallel_loop3A_217, %parallel_loop3A_218] {strides = array<i32>} : memref<80x128xf32, #tpu.memory_space<vmem>>, vector<16xf32>,
          %parallel_loop3A_220 = arith.mulf %parallel_loop3A_219, %parallel_loop3A_174 : vector<16xf32>
          %parallel_loop3A_221 = arith.index_cast %parallel_loop3A_172 : i32 to index
          %parallel_loop3A_222 = arith.constant 96 : index
          %parallel_loop3A_223 = tpu.vector_load %arg10[%parallel_loop3A_221, %parallel_loop3A_222] {strides = array<i32>} : memref<80x128xf32, #tpu.memory_space<vmem>>, vector<16xf32>,
          tpu.vector_store %arg10[%parallel_loop3A_221, %parallel_loop3A_222], %parallel_loop3A_220 {strides = array<i32>} : memref<80x128xf32, #tpu.memory_space<vmem>>, vector<16xf32>,
          %parallel_loop3A_224 = arith.index_cast %parallel_loop3A_172 : i32 to index
          %parallel_loop3A_225 = arith.constant 112 : index
          %parallel_loop3A_226 = tpu.vector_load %arg10[%parallel_loop3A_224, %parallel_loop3A_225] {strides = array<i32>} : memref<80x128xf32, #tpu.memory_space<vmem>>, vector<16xf32>,
          %parallel_loop3A_227 = arith.mulf %parallel_loop3A_226, %parallel_loop3A_174 : vector<16xf32>
          %parallel_loop3A_228 = arith.index_cast %parallel_loop3A_172 : i32 to index
          %parallel_loop3A_229 = arith.constant 112 : index
          %parallel_loop3A_230 = tpu.vector_load %arg10[%parallel_loop3A_228, %parallel_loop3A_229] {strides = array<i32>} : memref<80x128xf32, #tpu.memory_space<vmem>>, vector<16xf32>,
          tpu.vector_store %arg10[%parallel_loop3A_228, %parallel_loop3A_229], %parallel_loop3A_227 {strides = array<i32>} : memref<80x128xf32, #tpu.memory_space<vmem>>, vector<16xf32>,
        } {sc.loop_unroll_factor = 4 : i64, sc.parallel_access}
        %dma_start3A_162 = arith.constant 0 : i32
        %dma_start3A_163 = arith.constant 0 : i32
        %dma_start3A_164 = tpu.memref_slice %arg31[%dma_start3A_162, %dma_start3A_163] : memref<10000x128xf32, #tpu.memory_space<vmem_shared>> -> memref<10000x128xf32, #tpu.memory_space<vmem_shared>>
        tpu.enqueue_indirect_dma source(%arg10 : memref<80x128xf32, #tpu.memory_space<vmem>>) target(%dma_start3A_164 : memref<10000x128xf32, #tpu.memory_space<vmem_shared>>) offsets(%arg18 : memref<80xi32, #tpu.memory_space<vmem>>) semaphore(%arg27 : memref<!tpu.dma_semaphore, #tpu.memory_space<semaphore_mem>>) {add = true}
        %add3A_165 = arith.constant 3 : i32
        %add3A_166 = arith.addi %add3A_104, %add3A_165 : i32
        %le3A_167 = arith.constant 124 : i32
        %le3A_168 = arith.cmpi sle, %add3A_166, %le3A_167 : i32
        %convert_element_type3A_169 = arith.extui %le3A_168 : i1 to i32
        %cond3A_170 = arith.constant 0 : i32
        %cond3A_171 = arith.cmpi ne, %convert_element_type3A_169, %cond3A_170 : i32
        scf.if %cond3A_171 {
          %add3A_172 = arith.constant 3 : i32
          %add3A_173 = arith.addi %add3A_104, %add3A_172 : i32
          %dma_start3A_174 = arith.constant 0 : i32
          %dma_start3A_175 = arith.constant 0 : i32
          %dma_start3A_176 = tpu.memref_slice %arg2[%add3A, %add3A_173, %dma_start3A_174, %dma_start3A_175] : memref<32x125x2x80xi32, #tpu.memory_space<hbm>> -> memref<1x1x2x80xi32, #tpu.memory_space<hbm>>
          %dma_start3A_177 = tpu.memref_squeeze %dma_start3A_176 : memref<1x1x2x80xi32, #tpu.memory_space<hbm>> -> memref<2x80xi32, #tpu.memory_space<hbm>>
          %dma_start3A_178 = arith.constant 0 : i32
          %dma_start3A_179 = arith.constant 0 : i32
          %dma_start3A_180 = tpu.memref_slice %arg2[%add3A, %add3A_173, %dma_start3A_178, %dma_start3A_179] : memref<32x125x2x80xi32, #tpu.memory_space<hbm>> -> memref<1x1x2x80xi32, #tpu.memory_space<hbm>>
          %dma_start3A_181 = tpu.memref_squeeze %dma_start3A_180 : memref<1x1x2x80xi32, #tpu.memory_space<hbm>> -> memref<2x80xi32, #tpu.memory_space<hbm>>
          tpu.enqueue_dma source(%dma_start3A_181 : memref<2x80xi32, #tpu.memory_space<hbm>>) target(%arg12 : memref<2x80xi32, #tpu.memory_space<vmem>>) target_semaphore(%arg21 : memref<!tpu.dma_semaphore, #tpu.memory_space<semaphore_mem>>)
        } else {
        }
      } else {
      }
      %mul3A_118 = arith.constant 4 : i32
      %mul3A_119 = arith.muli %scan3A_85, %mul3A_118 : i32
      %add3A_120 = arith.constant 2 : i32
      %add3A_121 = arith.addi %mul3A_119, %add3A_120 : i32
      %le3A_122 = arith.constant 124 : i32
      %le3A_123 = arith.cmpi sle, %add3A_121, %le3A_122 : i32
      %convert_element_type3A_124 = arith.extui %le3A_123 : i1 to i32
      %cond3A_125 = arith.constant 0 : i32
      %cond3A_126 = arith.cmpi ne, %convert_element_type3A_124, %cond3A_125 : i32
      scf.if %cond3A_126 {
        %dma_wait3A_153 = arith.constant 0 : i32
        %dma_wait3A_154 = arith.constant 0 : i32
        %dma_wait3A_155 = tpu.memref_slice %arg2[%add3A, %add3A_121, %dma_wait3A_153, %dma_wait3A_154] : memref<32x125x2x80xi32, #tpu.memory_space<hbm>> -> memref<1x1x2x80xi32, #tpu.memory_space<hbm>>
        %dma_wait3A_156 = tpu.memref_squeeze %dma_wait3A_155 : memref<1x1x2x80xi32, #tpu.memory_space<hbm>> -> memref<2x80xi32, #tpu.memory_space<hbm>>
        %dma_wait3A_157 = arith.constant 0 : i32
        %dma_wait3A_158 = arith.constant 0 : i32
        %dma_wait3A_159 = tpu.memref_slice %arg2[%add3A, %add3A_121, %dma_wait3A_157, %dma_wait3A_158] : memref<32x125x2x80xi32, #tpu.memory_space<hbm>> -> memref<1x1x2x80xi32, #tpu.memory_space<hbm>>
        %dma_wait3A_160 = tpu.memref_squeeze %dma_wait3A_159 : memref<1x1x2x80xi32, #tpu.memory_space<hbm>> -> memref<2x80xi32, #tpu.memory_space<hbm>>
        tpu.wait_dma2 semaphore(%arg23 : memref<!tpu.dma_semaphore, #tpu.memory_space<semaphore_mem>>) src(%dma_wait3A_160 : memref<2x80xi32, #tpu.memory_space<hbm>>) dst(%arg14 : memref<2x80xi32, #tpu.memory_space<vmem>>)
        %ge3A_161 = arith.constant 2 : i32
        %ge3A_162 = arith.cmpi sge, %add3A_121, %ge3A_161 : i32
        %convert_element_type3A_163 = arith.extui %ge3A_162 : i1 to i32
        %cond3A_164 = arith.constant 0 : i32
        %cond3A_165 = arith.cmpi ne, %convert_element_type3A_163, %cond3A_164 : i32
        scf.if %cond3A_165 {
          %dma_wait3A_271 = arith.constant 0 : i32
          %dma_wait3A_272 = tpu.memref_slice %arg32[%dma_wait3A_271] : memref<10000xf32, #tpu.memory_space<vmem_shared>> -> memref<10000xf32, #tpu.memory_space<vmem_shared>>
          tpu.wait_indirect_dma semaphore(%arg29 : memref<!tpu.dma_semaphore, #tpu.memory_space<semaphore_mem>>) src(%arg16 : memref<80xf32, #tpu.memory_space<vmem>>) dst(%dma_wait3A_272 : memref<10000xf32, #tpu.memory_space<vmem_shared>>)
          %dma_wait3A_273 = arith.constant 0 : i32
          %dma_wait3A_274 = arith.constant 0 : i32
          %dma_wait3A_275 = tpu.memref_slice %arg31[%dma_wait3A_273, %dma_wait3A_274] : memref<10000x128xf32, #tpu.memory_space<vmem_shared>> -> memref<10000x128xf32, #tpu.memory_space<vmem_shared>>
          tpu.wait_indirect_dma semaphore(%arg27 : memref<!tpu.dma_semaphore, #tpu.memory_space<semaphore_mem>>) src(%arg10 : memref<80x128xf32, #tpu.memory_space<vmem>>) dst(%dma_wait3A_275 : memref<10000x128xf32, #tpu.memory_space<vmem_shared>>)
        } else {
        }
        %get3A = arith.constant 0 : i32
        %get3A_166 = arith.index_cast %get3A : i32 to index
        %get3A_167 = arith.constant 0 : index
        %get3A_168 = tpu.vector_load %arg14[%get3A_166, %get3A_167] {strides = array<i32>} : memref<2x80xi32, #tpu.memory_space<vmem>>, vector<16xi32>,
        %get3A_169 = arith.constant 1 : i32
        %get3A_170 = arith.index_cast %get3A_169 : i32 to index
        %get3A_171 = arith.constant 0 : index
        %get3A_172 = tpu.vector_load %arg14[%get3A_170, %get3A_171] {strides = array<i32>} : memref<2x80xi32, #tpu.memory_space<vmem>>, vector<16xi32>,
        %gather3A = tpu.vector_load_idx %arg8[%get3A_168] : memref<10000xf32, #tpu.memory_space<vmem>>[vector<16xi32>], vector<16xf32>,
        %gather3A_173 = tpu.vector_load_idx %arg9[%get3A_172] : memref<10000xf32, #tpu.memory_space<vmem>>[vector<16xi32>], vector<16xf32>,
        %add3A_174 = arith.addf %gather3A, %gather3A_173 : vector<16xf32>
        %mul3A_175 = arith.constant 2.000000e-01 : f32
        %mul3A_176 = vector.broadcast %mul3A_175 : f32 to vector<16xf32>
        %mul3A_177 = arith.mulf %mul3A_176, %add3A_174 : vector<16xf32>
        %max3A = arith.maximumf %add3A_174, %mul3A_177 : vector<16xf32>
        %exp3A = math.exp %max3A : vector<16xf32>
        %swap3A_178 = arith.constant 0 : index
        %swap3A_179 = tpu.vector_load %arg16[%swap3A_178] {strides = array<i32>} : memref<80xf32, #tpu.memory_space<vmem>>, vector<16xf32>,
        tpu.vector_store %arg16[%swap3A_178], %exp3A {strides = array<i32>} : memref<80xf32, #tpu.memory_space<vmem>>, vector<16xf32>,
        %swap3A_180 = arith.constant 0 : index
        %swap3A_181 = tpu.vector_load %arg18[%swap3A_180] {strides = array<i32>} : memref<80xi32, #tpu.memory_space<vmem>>, vector<16xi32>,
        tpu.vector_store %arg18[%swap3A_180], %get3A_172 {strides = array<i32>} : memref<80xi32, #tpu.memory_space<vmem>>, vector<16xi32>,
        %get3A_182 = arith.constant 0 : i32
        %get3A_183 = arith.index_cast %get3A_182 : i32 to index
        %get3A_184 = arith.constant 16 : index
        %get3A_185 = tpu.vector_load %arg14[%get3A_183, %get3A_184] {strides = array<i32>} : memref<2x80xi32, #tpu.memory_space<vmem>>, vector<16xi32>,
        %get3A_186 = arith.constant 1 : i32
        %get3A_187 = arith.index_cast %get3A_186 : i32 to index
        %get3A_188 = arith.constant 16 : index
        %get3A_189 = tpu.vector_load %arg14[%get3A_187, %get3A_188] {strides = array<i32>} : memref<2x80xi32, #tpu.memory_space<vmem>>, vector<16xi32>,
        %gather3A_190 = tpu.vector_load_idx %arg8[%get3A_185] : memref<10000xf32, #tpu.memory_space<vmem>>[vector<16xi32>], vector<16xf32>,
        %gather3A_191 = tpu.vector_load_idx %arg9[%get3A_189] : memref<10000xf32, #tpu.memory_space<vmem>>[vector<16xi32>], vector<16xf32>,
        %add3A_192 = arith.addf %gather3A_190, %gather3A_191 : vector<16xf32>
        %mul3A_193 = arith.constant 2.000000e-01 : f32
        %mul3A_194 = vector.broadcast %mul3A_193 : f32 to vector<16xf32>
        %mul3A_195 = arith.mulf %mul3A_194, %add3A_192 : vector<16xf32>
        %max3A_196 = arith.maximumf %add3A_192, %mul3A_195 : vector<16xf32>
        %exp3A_197 = math.exp %max3A_196 : vector<16xf32>
        %swap3A_198 = arith.constant 16 : index
        %swap3A_199 = tpu.vector_load %arg16[%swap3A_198] {strides = array<i32>} : memref<80xf32, #tpu.memory_space<vmem>>, vector<16xf32>,
        tpu.vector_store %arg16[%swap3A_198], %exp3A_197 {strides = array<i32>} : memref<80xf32, #tpu.memory_space<vmem>>, vector<16xf32>,
        %swap3A_200 = arith.constant 16 : index
        %swap3A_201 = tpu.vector_load %arg18[%swap3A_200] {strides = array<i32>} : memref<80xi32, #tpu.memory_space<vmem>>, vector<16xi32>,
        tpu.vector_store %arg18[%swap3A_200], %get3A_189 {strides = array<i32>} : memref<80xi32, #tpu.memory_space<vmem>>, vector<16xi32>,
        %get3A_202 = arith.constant 0 : i32
        %get3A_203 = arith.index_cast %get3A_202 : i32 to index
        %get3A_204 = arith.constant 32 : index
        %get3A_205 = tpu.vector_load %arg14[%get3A_203, %get3A_204] {strides = array<i32>} : memref<2x80xi32, #tpu.memory_space<vmem>>, vector<16xi32>,
        %get3A_206 = arith.constant 1 : i32
        %get3A_207 = arith.index_cast %get3A_206 : i32 to index
        %get3A_208 = arith.constant 32 : index
        %get3A_209 = tpu.vector_load %arg14[%get3A_207, %get3A_208] {strides = array<i32>} : memref<2x80xi32, #tpu.memory_space<vmem>>, vector<16xi32>,
        %gather3A_210 = tpu.vector_load_idx %arg8[%get3A_205] : memref<10000xf32, #tpu.memory_space<vmem>>[vector<16xi32>], vector<16xf32>,
        %gather3A_211 = tpu.vector_load_idx %arg9[%get3A_209] : memref<10000xf32, #tpu.memory_space<vmem>>[vector<16xi32>], vector<16xf32>,
        %add3A_212 = arith.addf %gather3A_210, %gather3A_211 : vector<16xf32>
        %mul3A_213 = arith.constant 2.000000e-01 : f32
        %mul3A_214 = vector.broadcast %mul3A_213 : f32 to vector<16xf32>
        %mul3A_215 = arith.mulf %mul3A_214, %add3A_212 : vector<16xf32>
        %max3A_216 = arith.maximumf %add3A_212, %mul3A_215 : vector<16xf32>
        %exp3A_217 = math.exp %max3A_216 : vector<16xf32>
        %swap3A_218 = arith.constant 32 : index
        %swap3A_219 = tpu.vector_load %arg16[%swap3A_218] {strides = array<i32>} : memref<80xf32, #tpu.memory_space<vmem>>, vector<16xf32>,
        tpu.vector_store %arg16[%swap3A_218], %exp3A_217 {strides = array<i32>} : memref<80xf32, #tpu.memory_space<vmem>>, vector<16xf32>,
        %swap3A_220 = arith.constant 32 : index
        %swap3A_221 = tpu.vector_load %arg18[%swap3A_220] {strides = array<i32>} : memref<80xi32, #tpu.memory_space<vmem>>, vector<16xi32>,
        tpu.vector_store %arg18[%swap3A_220], %get3A_209 {strides = array<i32>} : memref<80xi32, #tpu.memory_space<vmem>>, vector<16xi32>,
        %get3A_222 = arith.constant 0 : i32
        %get3A_223 = arith.index_cast %get3A_222 : i32 to index
        %get3A_224 = arith.constant 48 : index
        %get3A_225 = tpu.vector_load %arg14[%get3A_223, %get3A_224] {strides = array<i32>} : memref<2x80xi32, #tpu.memory_space<vmem>>, vector<16xi32>,
        %get3A_226 = arith.constant 1 : i32
        %get3A_227 = arith.index_cast %get3A_226 : i32 to index
        %get3A_228 = arith.constant 48 : index
        %get3A_229 = tpu.vector_load %arg14[%get3A_227, %get3A_228] {strides = array<i32>} : memref<2x80xi32, #tpu.memory_space<vmem>>, vector<16xi32>,
        %gather3A_230 = tpu.vector_load_idx %arg8[%get3A_225] : memref<10000xf32, #tpu.memory_space<vmem>>[vector<16xi32>], vector<16xf32>,
        %gather3A_231 = tpu.vector_load_idx %arg9[%get3A_229] : memref<10000xf32, #tpu.memory_space<vmem>>[vector<16xi32>], vector<16xf32>,
        %add3A_232 = arith.addf %gather3A_230, %gather3A_231 : vector<16xf32>
        %mul3A_233 = arith.constant 2.000000e-01 : f32
        %mul3A_234 = vector.broadcast %mul3A_233 : f32 to vector<16xf32>
        %mul3A_235 = arith.mulf %mul3A_234, %add3A_232 : vector<16xf32>
        %max3A_236 = arith.maximumf %add3A_232, %mul3A_235 : vector<16xf32>
        %exp3A_237 = math.exp %max3A_236 : vector<16xf32>
        %swap3A_238 = arith.constant 48 : index
        %swap3A_239 = tpu.vector_load %arg16[%swap3A_238] {strides = array<i32>} : memref<80xf32, #tpu.memory_space<vmem>>, vector<16xf32>,
        tpu.vector_store %arg16[%swap3A_238], %exp3A_237 {strides = array<i32>} : memref<80xf32, #tpu.memory_space<vmem>>, vector<16xf32>,
        %swap3A_240 = arith.constant 48 : index
        %swap3A_241 = tpu.vector_load %arg18[%swap3A_240] {strides = array<i32>} : memref<80xi32, #tpu.memory_space<vmem>>, vector<16xi32>,
        tpu.vector_store %arg18[%swap3A_240], %get3A_229 {strides = array<i32>} : memref<80xi32, #tpu.memory_space<vmem>>, vector<16xi32>,
        %get3A_242 = arith.constant 0 : i32
        %get3A_243 = arith.index_cast %get3A_242 : i32 to index
        %get3A_244 = arith.constant 64 : index
        %get3A_245 = tpu.vector_load %arg14[%get3A_243, %get3A_244] {strides = array<i32>} : memref<2x80xi32, #tpu.memory_space<vmem>>, vector<16xi32>,
        %get3A_246 = arith.constant 1 : i32
        %get3A_247 = arith.index_cast %get3A_246 : i32 to index
        %get3A_248 = arith.constant 64 : index
        %get3A_249 = tpu.vector_load %arg14[%get3A_247, %get3A_248] {strides = array<i32>} : memref<2x80xi32, #tpu.memory_space<vmem>>, vector<16xi32>,
        %gather3A_250 = tpu.vector_load_idx %arg8[%get3A_245] : memref<10000xf32, #tpu.memory_space<vmem>>[vector<16xi32>], vector<16xf32>,
        %gather3A_251 = tpu.vector_load_idx %arg9[%get3A_249] : memref<10000xf32, #tpu.memory_space<vmem>>[vector<16xi32>], vector<16xf32>,
        %add3A_252 = arith.addf %gather3A_250, %gather3A_251 : vector<16xf32>
        %mul3A_253 = arith.constant 2.000000e-01 : f32
        %mul3A_254 = vector.broadcast %mul3A_253 : f32 to vector<16xf32>
        %mul3A_255 = arith.mulf %mul3A_254, %add3A_252 : vector<16xf32>
        %max3A_256 = arith.maximumf %add3A_252, %mul3A_255 : vector<16xf32>
        %exp3A_257 = math.exp %max3A_256 : vector<16xf32>
        %swap3A_258 = arith.constant 64 : index
        %swap3A_259 = tpu.vector_load %arg16[%swap3A_258] {strides = array<i32>} : memref<80xf32, #tpu.memory_space<vmem>>, vector<16xf32>,
        tpu.vector_store %arg16[%swap3A_258], %exp3A_257 {strides = array<i32>} : memref<80xf32, #tpu.memory_space<vmem>>, vector<16xf32>,
        %swap3A_260 = arith.constant 64 : index
        %swap3A_261 = tpu.vector_load %arg18[%swap3A_260] {strides = array<i32>} : memref<80xi32, #tpu.memory_space<vmem>>, vector<16xi32>,
        tpu.vector_store %arg18[%swap3A_260], %get3A_249 {strides = array<i32>} : memref<80xi32, #tpu.memory_space<vmem>>, vector<16xi32>,
        %dma_start3A_262 = arith.constant 0 : i32
        %dma_start3A_263 = tpu.memref_slice %arg32[%dma_start3A_262] : memref<10000xf32, #tpu.memory_space<vmem_shared>> -> memref<10000xf32, #tpu.memory_space<vmem_shared>>
        tpu.enqueue_indirect_dma source(%arg16 : memref<80xf32, #tpu.memory_space<vmem>>) target(%dma_start3A_263 : memref<10000xf32, #tpu.memory_space<vmem_shared>>) offsets(%arg18 : memref<80xi32, #tpu.memory_space<vmem>>) semaphore(%arg29 : memref<!tpu.dma_semaphore, #tpu.memory_space<semaphore_mem>>) {add = true}
        %dma_start3A_264 = arith.constant 0 : i32
        %dma_start3A_265 = arith.constant 0 : i32
        %dma_start3A_266 = tpu.memref_slice %arg14[%dma_start3A_264, %dma_start3A_265] : memref<2x80xi32, #tpu.memory_space<vmem>> -> memref<1x80xi32, #tpu.memory_space<vmem>>
        %dma_start3A_267 = tpu.memref_squeeze %dma_start3A_266 : memref<1x80xi32, #tpu.memory_space<vmem>> -> memref<80xi32, #tpu.memory_space<vmem>>
        %dma_start3A_268 = arith.constant 0 : i32
        %dma_start3A_269 = arith.constant 0 : i32
        %dma_start3A_270 = tpu.memref_slice %arg5[%dma_start3A_268, %dma_start3A_269] : memref<10000x128xf32, #tpu.memory_space<hbm>> -> memref<10000x128xf32, #tpu.memory_space<hbm>>
        tpu.enqueue_indirect_dma source(%dma_start3A_270 : memref<10000x128xf32, #tpu.memory_space<hbm>>) target(%arg10 : memref<80x128xf32, #tpu.memory_space<vmem>>) offsets(%dma_start3A_267 : memref<80xi32, #tpu.memory_space<vmem>>) semaphore(%arg25 : memref<!tpu.dma_semaphore, #tpu.memory_space<semaphore_mem>>)
      } else {
      }
      %ge3A_127 = arith.constant 1 : i32
      %ge3A_128 = arith.cmpi sge, %add3A_121, %ge3A_127 : i32
      %le3A_129 = arith.constant 125 : i32
      %le3A_130 = arith.cmpi sle, %add3A_121, %le3A_129 : i32
      %and3A_131 = arith.andi %ge3A_128, %le3A_130 : i1
      %convert_element_type3A_132 = arith.extui %and3A_131 : i1 to i32
      %cond3A_133 = arith.constant 0 : i32
      %cond3A_134 = arith.cmpi ne, %convert_element_type3A_132, %cond3A_133 : i32
      scf.if %cond3A_134 {
        %dma_wait3A_153 = arith.constant 0 : i32
        %dma_wait3A_154 = arith.constant 0 : i32
        %dma_wait3A_155 = tpu.memref_slice %arg13[%dma_wait3A_153, %dma_wait3A_154] : memref<2x80xi32, #tpu.memory_space<vmem>> -> memref<1x80xi32, #tpu.memory_space<vmem>>
        %dma_wait3A_156 = tpu.memref_squeeze %dma_wait3A_155 : memref<1x80xi32, #tpu.memory_space<vmem>> -> memref<80xi32, #tpu.memory_space<vmem>>
        %dma_wait3A_157 = arith.constant 0 : i32
        %dma_wait3A_158 = arith.constant 0 : i32
        %dma_wait3A_159 = tpu.memref_slice %arg5[%dma_wait3A_157, %dma_wait3A_158] : memref<10000x128xf32, #tpu.memory_space<hbm>> -> memref<10000x128xf32, #tpu.memory_space<hbm>>
        tpu.wait_indirect_dma semaphore(%arg26 : memref<!tpu.dma_semaphore, #tpu.memory_space<semaphore_mem>>) src(%dma_wait3A_159 : memref<10000x128xf32, #tpu.memory_space<hbm>>) dst(%arg11 : memref<80x128xf32, #tpu.memory_space<vmem>>)
        %parallel_loop3A = arith.constant 0 : i32
        %parallel_loop3A_160 = arith.constant 80 : i32
        %parallel_loop3A_161 = arith.constant 1 : i32
        scf.for %parallel_loop3A_172 = %parallel_loop3A to %parallel_loop3A_160 step %parallel_loop3A_161  : i32 {
          %parallel_loop3A_173 = vector.broadcast %parallel_loop3A_172 : i32 to vector<16xi32>
          %parallel_loop3A_174 = tpu.vector_load_idx %arg17[%parallel_loop3A_173] : memref<80xf32, #tpu.memory_space<vmem>>[vector<16xi32>], vector<16xf32>,
          %parallel_loop3A_175 = arith.index_cast %parallel_loop3A_172 : i32 to index
          %parallel_loop3A_176 = arith.constant 0 : index
          %parallel_loop3A_177 = tpu.vector_load %arg11[%parallel_loop3A_175, %parallel_loop3A_176] {strides = array<i32>} : memref<80x128xf32, #tpu.memory_space<vmem>>, vector<16xf32>,
          %parallel_loop3A_178 = arith.mulf %parallel_loop3A_177, %parallel_loop3A_174 : vector<16xf32>
          %parallel_loop3A_179 = arith.index_cast %parallel_loop3A_172 : i32 to index
          %parallel_loop3A_180 = arith.constant 0 : index
          %parallel_loop3A_181 = tpu.vector_load %arg11[%parallel_loop3A_179, %parallel_loop3A_180] {strides = array<i32>} : memref<80x128xf32, #tpu.memory_space<vmem>>, vector<16xf32>,
          tpu.vector_store %arg11[%parallel_loop3A_179, %parallel_loop3A_180], %parallel_loop3A_178 {strides = array<i32>} : memref<80x128xf32, #tpu.memory_space<vmem>>, vector<16xf32>,
          %parallel_loop3A_182 = arith.index_cast %parallel_loop3A_172 : i32 to index
          %parallel_loop3A_183 = arith.constant 16 : index
          %parallel_loop3A_184 = tpu.vector_load %arg11[%parallel_loop3A_182, %parallel_loop3A_183] {strides = array<i32>} : memref<80x128xf32, #tpu.memory_space<vmem>>, vector<16xf32>,
          %parallel_loop3A_185 = arith.mulf %parallel_loop3A_184, %parallel_loop3A_174 : vector<16xf32>
          %parallel_loop3A_186 = arith.index_cast %parallel_loop3A_172 : i32 to index
          %parallel_loop3A_187 = arith.constant 16 : index
          %parallel_loop3A_188 = tpu.vector_load %arg11[%parallel_loop3A_186, %parallel_loop3A_187] {strides = array<i32>} : memref<80x128xf32, #tpu.memory_space<vmem>>, vector<16xf32>,
          tpu.vector_store %arg11[%parallel_loop3A_186, %parallel_loop3A_187], %parallel_loop3A_185 {strides = array<i32>} : memref<80x128xf32, #tpu.memory_space<vmem>>, vector<16xf32>,
          %parallel_loop3A_189 = arith.index_cast %parallel_loop3A_172 : i32 to index
          %parallel_loop3A_190 = arith.constant 32 : index
          %parallel_loop3A_191 = tpu.vector_load %arg11[%parallel_loop3A_189, %parallel_loop3A_190] {strides = array<i32>} : memref<80x128xf32, #tpu.memory_space<vmem>>, vector<16xf32>,
          %parallel_loop3A_192 = arith.mulf %parallel_loop3A_191, %parallel_loop3A_174 : vector<16xf32>
          %parallel_loop3A_193 = arith.index_cast %parallel_loop3A_172 : i32 to index
          %parallel_loop3A_194 = arith.constant 32 : index
          %parallel_loop3A_195 = tpu.vector_load %arg11[%parallel_loop3A_193, %parallel_loop3A_194] {strides = array<i32>} : memref<80x128xf32, #tpu.memory_space<vmem>>, vector<16xf32>,
          tpu.vector_store %arg11[%parallel_loop3A_193, %parallel_loop3A_194], %parallel_loop3A_192 {strides = array<i32>} : memref<80x128xf32, #tpu.memory_space<vmem>>, vector<16xf32>,
          %parallel_loop3A_196 = arith.index_cast %parallel_loop3A_172 : i32 to index
          %parallel_loop3A_197 = arith.constant 48 : index
          %parallel_loop3A_198 = tpu.vector_load %arg11[%parallel_loop3A_196, %parallel_loop3A_197] {strides = array<i32>} : memref<80x128xf32, #tpu.memory_space<vmem>>, vector<16xf32>,
          %parallel_loop3A_199 = arith.mulf %parallel_loop3A_198, %parallel_loop3A_174 : vector<16xf32>
          %parallel_loop3A_200 = arith.index_cast %parallel_loop3A_172 : i32 to index
          %parallel_loop3A_201 = arith.constant 48 : index
          %parallel_loop3A_202 = tpu.vector_load %arg11[%parallel_loop3A_200, %parallel_loop3A_201] {strides = array<i32>} : memref<80x128xf32, #tpu.memory_space<vmem>>, vector<16xf32>,
          tpu.vector_store %arg11[%parallel_loop3A_200, %parallel_loop3A_201], %parallel_loop3A_199 {strides = array<i32>} : memref<80x128xf32, #tpu.memory_space<vmem>>, vector<16xf32>,
          %parallel_loop3A_203 = arith.index_cast %parallel_loop3A_172 : i32 to index
          %parallel_loop3A_204 = arith.constant 64 : index
          %parallel_loop3A_205 = tpu.vector_load %arg11[%parallel_loop3A_203, %parallel_loop3A_204] {strides = array<i32>} : memref<80x128xf32, #tpu.memory_space<vmem>>, vector<16xf32>,
          %parallel_loop3A_206 = arith.mulf %parallel_loop3A_205, %parallel_loop3A_174 : vector<16xf32>
          %parallel_loop3A_207 = arith.index_cast %parallel_loop3A_172 : i32 to index
          %parallel_loop3A_208 = arith.constant 64 : index
          %parallel_loop3A_209 = tpu.vector_load %arg11[%parallel_loop3A_207, %parallel_loop3A_208] {strides = array<i32>} : memref<80x128xf32, #tpu.memory_space<vmem>>, vector<16xf32>,
          tpu.vector_store %arg11[%parallel_loop3A_207, %parallel_loop3A_208], %parallel_loop3A_206 {strides = array<i32>} : memref<80x128xf32, #tpu.memory_space<vmem>>, vector<16xf32>,
          %parallel_loop3A_210 = arith.index_cast %parallel_loop3A_172 : i32 to index
          %parallel_loop3A_211 = arith.constant 80 : index
          %parallel_loop3A_212 = tpu.vector_load %arg11[%parallel_loop3A_210, %parallel_loop3A_211] {strides = array<i32>} : memref<80x128xf32, #tpu.memory_space<vmem>>, vector<16xf32>,
          %parallel_loop3A_213 = arith.mulf %parallel_loop3A_212, %parallel_loop3A_174 : vector<16xf32>
          %parallel_loop3A_214 = arith.index_cast %parallel_loop3A_172 : i32 to index
          %parallel_loop3A_215 = arith.constant 80 : index
          %parallel_loop3A_216 = tpu.vector_load %arg11[%parallel_loop3A_214, %parallel_loop3A_215] {strides = array<i32>} : memref<80x128xf32, #tpu.memory_space<vmem>>, vector<16xf32>,
          tpu.vector_store %arg11[%parallel_loop3A_214, %parallel_loop3A_215], %parallel_loop3A_213 {strides = array<i32>} : memref<80x128xf32, #tpu.memory_space<vmem>>, vector<16xf32>,
          %parallel_loop3A_217 = arith.index_cast %parallel_loop3A_172 : i32 to index
          %parallel_loop3A_218 = arith.constant 96 : index
          %parallel_loop3A_219 = tpu.vector_load %arg11[%parallel_loop3A_217, %parallel_loop3A_218] {strides = array<i32>} : memref<80x128xf32, #tpu.memory_space<vmem>>, vector<16xf32>,
          %parallel_loop3A_220 = arith.mulf %parallel_loop3A_219, %parallel_loop3A_174 : vector<16xf32>
          %parallel_loop3A_221 = arith.index_cast %parallel_loop3A_172 : i32 to index
          %parallel_loop3A_222 = arith.constant 96 : index
          %parallel_loop3A_223 = tpu.vector_load %arg11[%parallel_loop3A_221, %parallel_loop3A_222] {strides = array<i32>} : memref<80x128xf32, #tpu.memory_space<vmem>>, vector<16xf32>,
          tpu.vector_store %arg11[%parallel_loop3A_221, %parallel_loop3A_222], %parallel_loop3A_220 {strides = array<i32>} : memref<80x128xf32, #tpu.memory_space<vmem>>, vector<16xf32>,
          %parallel_loop3A_224 = arith.index_cast %parallel_loop3A_172 : i32 to index
          %parallel_loop3A_225 = arith.constant 112 : index
          %parallel_loop3A_226 = tpu.vector_load %arg11[%parallel_loop3A_224, %parallel_loop3A_225] {strides = array<i32>} : memref<80x128xf32, #tpu.memory_space<vmem>>, vector<16xf32>,
          %parallel_loop3A_227 = arith.mulf %parallel_loop3A_226, %parallel_loop3A_174 : vector<16xf32>
          %parallel_loop3A_228 = arith.index_cast %parallel_loop3A_172 : i32 to index
          %parallel_loop3A_229 = arith.constant 112 : index
          %parallel_loop3A_230 = tpu.vector_load %arg11[%parallel_loop3A_228, %parallel_loop3A_229] {strides = array<i32>} : memref<80x128xf32, #tpu.memory_space<vmem>>, vector<16xf32>,
          tpu.vector_store %arg11[%parallel_loop3A_228, %parallel_loop3A_229], %parallel_loop3A_227 {strides = array<i32>} : memref<80x128xf32, #tpu.memory_space<vmem>>, vector<16xf32>,
        } {sc.loop_unroll_factor = 4 : i64, sc.parallel_access}
        %dma_start3A_162 = arith.constant 0 : i32
        %dma_start3A_163 = arith.constant 0 : i32
        %dma_start3A_164 = tpu.memref_slice %arg31[%dma_start3A_162, %dma_start3A_163] : memref<10000x128xf32, #tpu.memory_space<vmem_shared>> -> memref<10000x128xf32, #tpu.memory_space<vmem_shared>>
        tpu.enqueue_indirect_dma source(%arg11 : memref<80x128xf32, #tpu.memory_space<vmem>>) target(%dma_start3A_164 : memref<10000x128xf32, #tpu.memory_space<vmem_shared>>) offsets(%arg19 : memref<80xi32, #tpu.memory_space<vmem>>) semaphore(%arg28 : memref<!tpu.dma_semaphore, #tpu.memory_space<semaphore_mem>>) {add = true}
        %add3A_165 = arith.constant 3 : i32
        %add3A_166 = arith.addi %add3A_121, %add3A_165 : i32
        %le3A_167 = arith.constant 124 : i32
        %le3A_168 = arith.cmpi sle, %add3A_166, %le3A_167 : i32
        %convert_element_type3A_169 = arith.extui %le3A_168 : i1 to i32
        %cond3A_170 = arith.constant 0 : i32
        %cond3A_171 = arith.cmpi ne, %convert_element_type3A_169, %cond3A_170 : i32
        scf.if %cond3A_171 {
          %add3A_172 = arith.constant 3 : i32
          %add3A_173 = arith.addi %add3A_121, %add3A_172 : i32
          %dma_start3A_174 = arith.constant 0 : i32
          %dma_start3A_175 = arith.constant 0 : i32
          %dma_start3A_176 = tpu.memref_slice %arg2[%add3A, %add3A_173, %dma_start3A_174, %dma_start3A_175] : memref<32x125x2x80xi32, #tpu.memory_space<hbm>> -> memref<1x1x2x80xi32, #tpu.memory_space<hbm>>
          %dma_start3A_177 = tpu.memref_squeeze %dma_start3A_176 : memref<1x1x2x80xi32, #tpu.memory_space<hbm>> -> memref<2x80xi32, #tpu.memory_space<hbm>>
          %dma_start3A_178 = arith.constant 0 : i32
          %dma_start3A_179 = arith.constant 0 : i32
          %dma_start3A_180 = tpu.memref_slice %arg2[%add3A, %add3A_173, %dma_start3A_178, %dma_start3A_179] : memref<32x125x2x80xi32, #tpu.memory_space<hbm>> -> memref<1x1x2x80xi32, #tpu.memory_space<hbm>>
          %dma_start3A_181 = tpu.memref_squeeze %dma_start3A_180 : memref<1x1x2x80xi32, #tpu.memory_space<hbm>> -> memref<2x80xi32, #tpu.memory_space<hbm>>
          tpu.enqueue_dma source(%dma_start3A_181 : memref<2x80xi32, #tpu.memory_space<hbm>>) target(%arg13 : memref<2x80xi32, #tpu.memory_space<vmem>>) target_semaphore(%arg22 : memref<!tpu.dma_semaphore, #tpu.memory_space<semaphore_mem>>)
        } else {
        }
      } else {
      }
      %mul3A_135 = arith.constant 4 : i32
      %mul3A_136 = arith.muli %scan3A_85, %mul3A_135 : i32
      %add3A_137 = arith.constant 3 : i32
      %add3A_138 = arith.addi %mul3A_136, %add3A_137 : i32
      %le3A_139 = arith.constant 124 : i32
      %le3A_140 = arith.cmpi sle, %add3A_138, %le3A_139 : i32
      %convert_element_type3A_141 = arith.extui %le3A_140 : i1 to i32
      %cond3A_142 = arith.constant 0 : i32
      %cond3A_143 = arith.cmpi ne, %convert_element_type3A_141, %cond3A_142 : i32
      scf.if %cond3A_143 {
        %dma_wait3A_153 = arith.constant 0 : i32
        %dma_wait3A_154 = arith.constant 0 : i32
        %dma_wait3A_155 = tpu.memref_slice %arg2[%add3A, %add3A_138, %dma_wait3A_153, %dma_wait3A_154] : memref<32x125x2x80xi32, #tpu.memory_space<hbm>> -> memref<1x1x2x80xi32, #tpu.memory_space<hbm>>
        %dma_wait3A_156 = tpu.memref_squeeze %dma_wait3A_155 : memref<1x1x2x80xi32, #tpu.memory_space<hbm>> -> memref<2x80xi32, #tpu.memory_space<hbm>>
        %dma_wait3A_157 = arith.constant 0 : i32
        %dma_wait3A_158 = arith.constant 0 : i32
        %dma_wait3A_159 = tpu.memref_slice %arg2[%add3A, %add3A_138, %dma_wait3A_157, %dma_wait3A_158] : memref<32x125x2x80xi32, #tpu.memory_space<hbm>> -> memref<1x1x2x80xi32, #tpu.memory_space<hbm>>
        %dma_wait3A_160 = tpu.memref_squeeze %dma_wait3A_159 : memref<1x1x2x80xi32, #tpu.memory_space<hbm>> -> memref<2x80xi32, #tpu.memory_space<hbm>>
        tpu.wait_dma2 semaphore(%arg24 : memref<!tpu.dma_semaphore, #tpu.memory_space<semaphore_mem>>) src(%dma_wait3A_160 : memref<2x80xi32, #tpu.memory_space<hbm>>) dst(%arg15 : memref<2x80xi32, #tpu.memory_space<vmem>>)
        %ge3A_161 = arith.constant 2 : i32
        %ge3A_162 = arith.cmpi sge, %add3A_138, %ge3A_161 : i32
        %convert_element_type3A_163 = arith.extui %ge3A_162 : i1 to i32
        %cond3A_164 = arith.constant 0 : i32
        %cond3A_165 = arith.cmpi ne, %convert_element_type3A_163, %cond3A_164 : i32
        scf.if %cond3A_165 {
          %dma_wait3A_271 = arith.constant 0 : i32
          %dma_wait3A_272 = tpu.memref_slice %arg32[%dma_wait3A_271] : memref<10000xf32, #tpu.memory_space<vmem_shared>> -> memref<10000xf32, #tpu.memory_space<vmem_shared>>
          tpu.wait_indirect_dma semaphore(%arg30 : memref<!tpu.dma_semaphore, #tpu.memory_space<semaphore_mem>>) src(%arg17 : memref<80xf32, #tpu.memory_space<vmem>>) dst(%dma_wait3A_272 : memref<10000xf32, #tpu.memory_space<vmem_shared>>)
          %dma_wait3A_273 = arith.constant 0 : i32
          %dma_wait3A_274 = arith.constant 0 : i32
          %dma_wait3A_275 = tpu.memref_slice %arg31[%dma_wait3A_273, %dma_wait3A_274] : memref<10000x128xf32, #tpu.memory_space<vmem_shared>> -> memref<10000x128xf32, #tpu.memory_space<vmem_shared>>
          tpu.wait_indirect_dma semaphore(%arg28 : memref<!tpu.dma_semaphore, #tpu.memory_space<semaphore_mem>>) src(%arg11 : memref<80x128xf32, #tpu.memory_space<vmem>>) dst(%dma_wait3A_275 : memref<10000x128xf32, #tpu.memory_space<vmem_shared>>)
        } else {
        }
        %get3A = arith.constant 0 : i32
        %get3A_166 = arith.index_cast %get3A : i32 to index
        %get3A_167 = arith.constant 0 : index
        %get3A_168 = tpu.vector_load %arg15[%get3A_166, %get3A_167] {strides = array<i32>} : memref<2x80xi32, #tpu.memory_space<vmem>>, vector<16xi32>,
        %get3A_169 = arith.constant 1 : i32
        %get3A_170 = arith.index_cast %get3A_169 : i32 to index
        %get3A_171 = arith.constant 0 : index
        %get3A_172 = tpu.vector_load %arg15[%get3A_170, %get3A_171] {strides = array<i32>} : memref<2x80xi32, #tpu.memory_space<vmem>>, vector<16xi32>,
        %gather3A = tpu.vector_load_idx %arg8[%get3A_168] : memref<10000xf32, #tpu.memory_space<vmem>>[vector<16xi32>], vector<16xf32>,
        %gather3A_173 = tpu.vector_load_idx %arg9[%get3A_172] : memref<10000xf32, #tpu.memory_space<vmem>>[vector<16xi32>], vector<16xf32>,
        %add3A_174 = arith.addf %gather3A, %gather3A_173 : vector<16xf32>
        %mul3A_175 = arith.constant 2.000000e-01 : f32
        %mul3A_176 = vector.broadcast %mul3A_175 : f32 to vector<16xf32>
        %mul3A_177 = arith.mulf %mul3A_176, %add3A_174 : vector<16xf32>
        %max3A = arith.maximumf %add3A_174, %mul3A_177 : vector<16xf32>
        %exp3A = math.exp %max3A : vector<16xf32>
        %swap3A_178 = arith.constant 0 : index
        %swap3A_179 = tpu.vector_load %arg17[%swap3A_178] {strides = array<i32>} : memref<80xf32, #tpu.memory_space<vmem>>, vector<16xf32>,
        tpu.vector_store %arg17[%swap3A_178], %exp3A {strides = array<i32>} : memref<80xf32, #tpu.memory_space<vmem>>, vector<16xf32>,
        %swap3A_180 = arith.constant 0 : index
        %swap3A_181 = tpu.vector_load %arg19[%swap3A_180] {strides = array<i32>} : memref<80xi32, #tpu.memory_space<vmem>>, vector<16xi32>,
        tpu.vector_store %arg19[%swap3A_180], %get3A_172 {strides = array<i32>} : memref<80xi32, #tpu.memory_space<vmem>>, vector<16xi32>,
        %get3A_182 = arith.constant 0 : i32
        %get3A_183 = arith.index_cast %get3A_182 : i32 to index
        %get3A_184 = arith.constant 16 : index
        %get3A_185 = tpu.vector_load %arg15[%get3A_183, %get3A_184] {strides = array<i32>} : memref<2x80xi32, #tpu.memory_space<vmem>>, vector<16xi32>,
        %get3A_186 = arith.constant 1 : i32
        %get3A_187 = arith.index_cast %get3A_186 : i32 to index
        %get3A_188 = arith.constant 16 : index
        %get3A_189 = tpu.vector_load %arg15[%get3A_187, %get3A_188] {strides = array<i32>} : memref<2x80xi32, #tpu.memory_space<vmem>>, vector<16xi32>,
        %gather3A_190 = tpu.vector_load_idx %arg8[%get3A_185] : memref<10000xf32, #tpu.memory_space<vmem>>[vector<16xi32>], vector<16xf32>,
        %gather3A_191 = tpu.vector_load_idx %arg9[%get3A_189] : memref<10000xf32, #tpu.memory_space<vmem>>[vector<16xi32>], vector<16xf32>,
        %add3A_192 = arith.addf %gather3A_190, %gather3A_191 : vector<16xf32>
        %mul3A_193 = arith.constant 2.000000e-01 : f32
        %mul3A_194 = vector.broadcast %mul3A_193 : f32 to vector<16xf32>
        %mul3A_195 = arith.mulf %mul3A_194, %add3A_192 : vector<16xf32>
        %max3A_196 = arith.maximumf %add3A_192, %mul3A_195 : vector<16xf32>
        %exp3A_197 = math.exp %max3A_196 : vector<16xf32>
        %swap3A_198 = arith.constant 16 : index
        %swap3A_199 = tpu.vector_load %arg17[%swap3A_198] {strides = array<i32>} : memref<80xf32, #tpu.memory_space<vmem>>, vector<16xf32>,
        tpu.vector_store %arg17[%swap3A_198], %exp3A_197 {strides = array<i32>} : memref<80xf32, #tpu.memory_space<vmem>>, vector<16xf32>,
        %swap3A_200 = arith.constant 16 : index
        %swap3A_201 = tpu.vector_load %arg19[%swap3A_200] {strides = array<i32>} : memref<80xi32, #tpu.memory_space<vmem>>, vector<16xi32>,
        tpu.vector_store %arg19[%swap3A_200], %get3A_189 {strides = array<i32>} : memref<80xi32, #tpu.memory_space<vmem>>, vector<16xi32>,
        %get3A_202 = arith.constant 0 : i32
        %get3A_203 = arith.index_cast %get3A_202 : i32 to index
        %get3A_204 = arith.constant 32 : index
        %get3A_205 = tpu.vector_load %arg15[%get3A_203, %get3A_204] {strides = array<i32>} : memref<2x80xi32, #tpu.memory_space<vmem>>, vector<16xi32>,
        %get3A_206 = arith.constant 1 : i32
        %get3A_207 = arith.index_cast %get3A_206 : i32 to index
        %get3A_208 = arith.constant 32 : index
        %get3A_209 = tpu.vector_load %arg15[%get3A_207, %get3A_208] {strides = array<i32>} : memref<2x80xi32, #tpu.memory_space<vmem>>, vector<16xi32>,
        %gather3A_210 = tpu.vector_load_idx %arg8[%get3A_205] : memref<10000xf32, #tpu.memory_space<vmem>>[vector<16xi32>], vector<16xf32>,
        %gather3A_211 = tpu.vector_load_idx %arg9[%get3A_209] : memref<10000xf32, #tpu.memory_space<vmem>>[vector<16xi32>], vector<16xf32>,
        %add3A_212 = arith.addf %gather3A_210, %gather3A_211 : vector<16xf32>
        %mul3A_213 = arith.constant 2.000000e-01 : f32
        %mul3A_214 = vector.broadcast %mul3A_213 : f32 to vector<16xf32>
        %mul3A_215 = arith.mulf %mul3A_214, %add3A_212 : vector<16xf32>
        %max3A_216 = arith.maximumf %add3A_212, %mul3A_215 : vector<16xf32>
        %exp3A_217 = math.exp %max3A_216 : vector<16xf32>
        %swap3A_218 = arith.constant 32 : index
        %swap3A_219 = tpu.vector_load %arg17[%swap3A_218] {strides = array<i32>} : memref<80xf32, #tpu.memory_space<vmem>>, vector<16xf32>,
        tpu.vector_store %arg17[%swap3A_218], %exp3A_217 {strides = array<i32>} : memref<80xf32, #tpu.memory_space<vmem>>, vector<16xf32>,
        %swap3A_220 = arith.constant 32 : index
        %swap3A_221 = tpu.vector_load %arg19[%swap3A_220] {strides = array<i32>} : memref<80xi32, #tpu.memory_space<vmem>>, vector<16xi32>,
        tpu.vector_store %arg19[%swap3A_220], %get3A_209 {strides = array<i32>} : memref<80xi32, #tpu.memory_space<vmem>>, vector<16xi32>,
        %get3A_222 = arith.constant 0 : i32
        %get3A_223 = arith.index_cast %get3A_222 : i32 to index
        %get3A_224 = arith.constant 48 : index
        %get3A_225 = tpu.vector_load %arg15[%get3A_223, %get3A_224] {strides = array<i32>} : memref<2x80xi32, #tpu.memory_space<vmem>>, vector<16xi32>,
        %get3A_226 = arith.constant 1 : i32
        %get3A_227 = arith.index_cast %get3A_226 : i32 to index
        %get3A_228 = arith.constant 48 : index
        %get3A_229 = tpu.vector_load %arg15[%get3A_227, %get3A_228] {strides = array<i32>} : memref<2x80xi32, #tpu.memory_space<vmem>>, vector<16xi32>,
        %gather3A_230 = tpu.vector_load_idx %arg8[%get3A_225] : memref<10000xf32, #tpu.memory_space<vmem>>[vector<16xi32>], vector<16xf32>,
        %gather3A_231 = tpu.vector_load_idx %arg9[%get3A_229] : memref<10000xf32, #tpu.memory_space<vmem>>[vector<16xi32>], vector<16xf32>,
        %add3A_232 = arith.addf %gather3A_230, %gather3A_231 : vector<16xf32>
        %mul3A_233 = arith.constant 2.000000e-01 : f32
        %mul3A_234 = vector.broadcast %mul3A_233 : f32 to vector<16xf32>
        %mul3A_235 = arith.mulf %mul3A_234, %add3A_232 : vector<16xf32>
        %max3A_236 = arith.maximumf %add3A_232, %mul3A_235 : vector<16xf32>
        %exp3A_237 = math.exp %max3A_236 : vector<16xf32>
        %swap3A_238 = arith.constant 48 : index
        %swap3A_239 = tpu.vector_load %arg17[%swap3A_238] {strides = array<i32>} : memref<80xf32, #tpu.memory_space<vmem>>, vector<16xf32>,
        tpu.vector_store %arg17[%swap3A_238], %exp3A_237 {strides = array<i32>} : memref<80xf32, #tpu.memory_space<vmem>>, vector<16xf32>,
        %swap3A_240 = arith.constant 48 : index
        %swap3A_241 = tpu.vector_load %arg19[%swap3A_240] {strides = array<i32>} : memref<80xi32, #tpu.memory_space<vmem>>, vector<16xi32>,
        tpu.vector_store %arg19[%swap3A_240], %get3A_229 {strides = array<i32>} : memref<80xi32, #tpu.memory_space<vmem>>, vector<16xi32>,
        %get3A_242 = arith.constant 0 : i32
        %get3A_243 = arith.index_cast %get3A_242 : i32 to index
        %get3A_244 = arith.constant 64 : index
        %get3A_245 = tpu.vector_load %arg15[%get3A_243, %get3A_244] {strides = array<i32>} : memref<2x80xi32, #tpu.memory_space<vmem>>, vector<16xi32>,
        %get3A_246 = arith.constant 1 : i32
        %get3A_247 = arith.index_cast %get3A_246 : i32 to index
        %get3A_248 = arith.constant 64 : index
        %get3A_249 = tpu.vector_load %arg15[%get3A_247, %get3A_248] {strides = array<i32>} : memref<2x80xi32, #tpu.memory_space<vmem>>, vector<16xi32>,
        %gather3A_250 = tpu.vector_load_idx %arg8[%get3A_245] : memref<10000xf32, #tpu.memory_space<vmem>>[vector<16xi32>], vector<16xf32>,
        %gather3A_251 = tpu.vector_load_idx %arg9[%get3A_249] : memref<10000xf32, #tpu.memory_space<vmem>>[vector<16xi32>], vector<16xf32>,
        %add3A_252 = arith.addf %gather3A_250, %gather3A_251 : vector<16xf32>
        %mul3A_253 = arith.constant 2.000000e-01 : f32
        %mul3A_254 = vector.broadcast %mul3A_253 : f32 to vector<16xf32>
        %mul3A_255 = arith.mulf %mul3A_254, %add3A_252 : vector<16xf32>
        %max3A_256 = arith.maximumf %add3A_252, %mul3A_255 : vector<16xf32>
        %exp3A_257 = math.exp %max3A_256 : vector<16xf32>
        %swap3A_258 = arith.constant 64 : index
        %swap3A_259 = tpu.vector_load %arg17[%swap3A_258] {strides = array<i32>} : memref<80xf32, #tpu.memory_space<vmem>>, vector<16xf32>,
        tpu.vector_store %arg17[%swap3A_258], %exp3A_257 {strides = array<i32>} : memref<80xf32, #tpu.memory_space<vmem>>, vector<16xf32>,
        %swap3A_260 = arith.constant 64 : index
        %swap3A_261 = tpu.vector_load %arg19[%swap3A_260] {strides = array<i32>} : memref<80xi32, #tpu.memory_space<vmem>>, vector<16xi32>,
        tpu.vector_store %arg19[%swap3A_260], %get3A_249 {strides = array<i32>} : memref<80xi32, #tpu.memory_space<vmem>>, vector<16xi32>,
        %dma_start3A_262 = arith.constant 0 : i32
        %dma_start3A_263 = tpu.memref_slice %arg32[%dma_start3A_262] : memref<10000xf32, #tpu.memory_space<vmem_shared>> -> memref<10000xf32, #tpu.memory_space<vmem_shared>>
        tpu.enqueue_indirect_dma source(%arg17 : memref<80xf32, #tpu.memory_space<vmem>>) target(%dma_start3A_263 : memref<10000xf32, #tpu.memory_space<vmem_shared>>) offsets(%arg19 : memref<80xi32, #tpu.memory_space<vmem>>) semaphore(%arg30 : memref<!tpu.dma_semaphore, #tpu.memory_space<semaphore_mem>>) {add = true}
        %dma_start3A_264 = arith.constant 0 : i32
        %dma_start3A_265 = arith.constant 0 : i32
        %dma_start3A_266 = tpu.memref_slice %arg15[%dma_start3A_264, %dma_start3A_265] : memref<2x80xi32, #tpu.memory_space<vmem>> -> memref<1x80xi32, #tpu.memory_space<vmem>>
        %dma_start3A_267 = tpu.memref_squeeze %dma_start3A_266 : memref<1x80xi32, #tpu.memory_space<vmem>> -> memref<80xi32, #tpu.memory_space<vmem>>
        %dma_start3A_268 = arith.constant 0 : i32
        %dma_start3A_269 = arith.constant 0 : i32
        %dma_start3A_270 = tpu.memref_slice %arg5[%dma_start3A_268, %dma_start3A_269] : memref<10000x128xf32, #tpu.memory_space<hbm>> -> memref<10000x128xf32, #tpu.memory_space<hbm>>
        tpu.enqueue_indirect_dma source(%dma_start3A_270 : memref<10000x128xf32, #tpu.memory_space<hbm>>) target(%arg11 : memref<80x128xf32, #tpu.memory_space<vmem>>) offsets(%dma_start3A_267 : memref<80xi32, #tpu.memory_space<vmem>>) semaphore(%arg26 : memref<!tpu.dma_semaphore, #tpu.memory_space<semaphore_mem>>)
      } else {
      }
      %ge3A_144 = arith.constant 1 : i32
      %ge3A_145 = arith.cmpi sge, %add3A_138, %ge3A_144 : i32
      %le3A_146 = arith.constant 125 : i32
      %le3A_147 = arith.cmpi sle, %add3A_138, %le3A_146 : i32
      %and3A_148 = arith.andi %ge3A_145, %le3A_147 : i1
      %convert_element_type3A_149 = arith.extui %and3A_148 : i1 to i32
      %cond3A_150 = arith.constant 0 : i32
      %cond3A_151 = arith.cmpi ne, %convert_element_type3A_149, %cond3A_150 : i32
      scf.if %cond3A_151 {
        %dma_wait3A_153 = arith.constant 0 : i32
        %dma_wait3A_154 = arith.constant 0 : i32
        %dma_wait3A_155 = tpu.memref_slice %arg14[%dma_wait3A_153, %dma_wait3A_154] : memref<2x80xi32, #tpu.memory_space<vmem>> -> memref<1x80xi32, #tpu.memory_space<vmem>>
        %dma_wait3A_156 = tpu.memref_squeeze %dma_wait3A_155 : memref<1x80xi32, #tpu.memory_space<vmem>> -> memref<80xi32, #tpu.memory_space<vmem>>
        %dma_wait3A_157 = arith.constant 0 : i32
        %dma_wait3A_158 = arith.constant 0 : i32
        %dma_wait3A_159 = tpu.memref_slice %arg5[%dma_wait3A_157, %dma_wait3A_158] : memref<10000x128xf32, #tpu.memory_space<hbm>> -> memref<10000x128xf32, #tpu.memory_space<hbm>>
        tpu.wait_indirect_dma semaphore(%arg25 : memref<!tpu.dma_semaphore, #tpu.memory_space<semaphore_mem>>) src(%dma_wait3A_159 : memref<10000x128xf32, #tpu.memory_space<hbm>>) dst(%arg10 : memref<80x128xf32, #tpu.memory_space<vmem>>)
        %parallel_loop3A = arith.constant 0 : i32
        %parallel_loop3A_160 = arith.constant 80 : i32
        %parallel_loop3A_161 = arith.constant 1 : i32
        scf.for %parallel_loop3A_172 = %parallel_loop3A to %parallel_loop3A_160 step %parallel_loop3A_161  : i32 {
          %parallel_loop3A_173 = vector.broadcast %parallel_loop3A_172 : i32 to vector<16xi32>
          %parallel_loop3A_174 = tpu.vector_load_idx %arg16[%parallel_loop3A_173] : memref<80xf32, #tpu.memory_space<vmem>>[vector<16xi32>], vector<16xf32>,
          %parallel_loop3A_175 = arith.index_cast %parallel_loop3A_172 : i32 to index
          %parallel_loop3A_176 = arith.constant 0 : index
          %parallel_loop3A_177 = tpu.vector_load %arg10[%parallel_loop3A_175, %parallel_loop3A_176] {strides = array<i32>} : memref<80x128xf32, #tpu.memory_space<vmem>>, vector<16xf32>,
          %parallel_loop3A_178 = arith.mulf %parallel_loop3A_177, %parallel_loop3A_174 : vector<16xf32>
          %parallel_loop3A_179 = arith.index_cast %parallel_loop3A_172 : i32 to index
          %parallel_loop3A_180 = arith.constant 0 : index
          %parallel_loop3A_181 = tpu.vector_load %arg10[%parallel_loop3A_179, %parallel_loop3A_180] {strides = array<i32>} : memref<80x128xf32, #tpu.memory_space<vmem>>, vector<16xf32>,
          tpu.vector_store %arg10[%parallel_loop3A_179, %parallel_loop3A_180], %parallel_loop3A_178 {strides = array<i32>} : memref<80x128xf32, #tpu.memory_space<vmem>>, vector<16xf32>,
          %parallel_loop3A_182 = arith.index_cast %parallel_loop3A_172 : i32 to index
          %parallel_loop3A_183 = arith.constant 16 : index
          %parallel_loop3A_184 = tpu.vector_load %arg10[%parallel_loop3A_182, %parallel_loop3A_183] {strides = array<i32>} : memref<80x128xf32, #tpu.memory_space<vmem>>, vector<16xf32>,
          %parallel_loop3A_185 = arith.mulf %parallel_loop3A_184, %parallel_loop3A_174 : vector<16xf32>
          %parallel_loop3A_186 = arith.index_cast %parallel_loop3A_172 : i32 to index
          %parallel_loop3A_187 = arith.constant 16 : index
          %parallel_loop3A_188 = tpu.vector_load %arg10[%parallel_loop3A_186, %parallel_loop3A_187] {strides = array<i32>} : memref<80x128xf32, #tpu.memory_space<vmem>>, vector<16xf32>,
          tpu.vector_store %arg10[%parallel_loop3A_186, %parallel_loop3A_187], %parallel_loop3A_185 {strides = array<i32>} : memref<80x128xf32, #tpu.memory_space<vmem>>, vector<16xf32>,
          %parallel_loop3A_189 = arith.index_cast %parallel_loop3A_172 : i32 to index
          %parallel_loop3A_190 = arith.constant 32 : index
          %parallel_loop3A_191 = tpu.vector_load %arg10[%parallel_loop3A_189, %parallel_loop3A_190] {strides = array<i32>} : memref<80x128xf32, #tpu.memory_space<vmem>>, vector<16xf32>,
          %parallel_loop3A_192 = arith.mulf %parallel_loop3A_191, %parallel_loop3A_174 : vector<16xf32>
          %parallel_loop3A_193 = arith.index_cast %parallel_loop3A_172 : i32 to index
          %parallel_loop3A_194 = arith.constant 32 : index
          %parallel_loop3A_195 = tpu.vector_load %arg10[%parallel_loop3A_193, %parallel_loop3A_194] {strides = array<i32>} : memref<80x128xf32, #tpu.memory_space<vmem>>, vector<16xf32>,
          tpu.vector_store %arg10[%parallel_loop3A_193, %parallel_loop3A_194], %parallel_loop3A_192 {strides = array<i32>} : memref<80x128xf32, #tpu.memory_space<vmem>>, vector<16xf32>,
          %parallel_loop3A_196 = arith.index_cast %parallel_loop3A_172 : i32 to index
          %parallel_loop3A_197 = arith.constant 48 : index
          %parallel_loop3A_198 = tpu.vector_load %arg10[%parallel_loop3A_196, %parallel_loop3A_197] {strides = array<i32>} : memref<80x128xf32, #tpu.memory_space<vmem>>, vector<16xf32>,
          %parallel_loop3A_199 = arith.mulf %parallel_loop3A_198, %parallel_loop3A_174 : vector<16xf32>
          %parallel_loop3A_200 = arith.index_cast %parallel_loop3A_172 : i32 to index
          %parallel_loop3A_201 = arith.constant 48 : index
          %parallel_loop3A_202 = tpu.vector_load %arg10[%parallel_loop3A_200, %parallel_loop3A_201] {strides = array<i32>} : memref<80x128xf32, #tpu.memory_space<vmem>>, vector<16xf32>,
          tpu.vector_store %arg10[%parallel_loop3A_200, %parallel_loop3A_201], %parallel_loop3A_199 {strides = array<i32>} : memref<80x128xf32, #tpu.memory_space<vmem>>, vector<16xf32>,
          %parallel_loop3A_203 = arith.index_cast %parallel_loop3A_172 : i32 to index
          %parallel_loop3A_204 = arith.constant 64 : index
          %parallel_loop3A_205 = tpu.vector_load %arg10[%parallel_loop3A_203, %parallel_loop3A_204] {strides = array<i32>} : memref<80x128xf32, #tpu.memory_space<vmem>>, vector<16xf32>,
          %parallel_loop3A_206 = arith.mulf %parallel_loop3A_205, %parallel_loop3A_174 : vector<16xf32>
          %parallel_loop3A_207 = arith.index_cast %parallel_loop3A_172 : i32 to index
          %parallel_loop3A_208 = arith.constant 64 : index
          %parallel_loop3A_209 = tpu.vector_load %arg10[%parallel_loop3A_207, %parallel_loop3A_208] {strides = array<i32>} : memref<80x128xf32, #tpu.memory_space<vmem>>, vector<16xf32>,
          tpu.vector_store %arg10[%parallel_loop3A_207, %parallel_loop3A_208], %parallel_loop3A_206 {strides = array<i32>} : memref<80x128xf32, #tpu.memory_space<vmem>>, vector<16xf32>,
          %parallel_loop3A_210 = arith.index_cast %parallel_loop3A_172 : i32 to index
          %parallel_loop3A_211 = arith.constant 80 : index
          %parallel_loop3A_212 = tpu.vector_load %arg10[%parallel_loop3A_210, %parallel_loop3A_211] {strides = array<i32>} : memref<80x128xf32, #tpu.memory_space<vmem>>, vector<16xf32>,
          %parallel_loop3A_213 = arith.mulf %parallel_loop3A_212, %parallel_loop3A_174 : vector<16xf32>
          %parallel_loop3A_214 = arith.index_cast %parallel_loop3A_172 : i32 to index
          %parallel_loop3A_215 = arith.constant 80 : index
          %parallel_loop3A_216 = tpu.vector_load %arg10[%parallel_loop3A_214, %parallel_loop3A_215] {strides = array<i32>} : memref<80x128xf32, #tpu.memory_space<vmem>>, vector<16xf32>,
          tpu.vector_store %arg10[%parallel_loop3A_214, %parallel_loop3A_215], %parallel_loop3A_213 {strides = array<i32>} : memref<80x128xf32, #tpu.memory_space<vmem>>, vector<16xf32>,
          %parallel_loop3A_217 = arith.index_cast %parallel_loop3A_172 : i32 to index
          %parallel_loop3A_218 = arith.constant 96 : index
          %parallel_loop3A_219 = tpu.vector_load %arg10[%parallel_loop3A_217, %parallel_loop3A_218] {strides = array<i32>} : memref<80x128xf32, #tpu.memory_space<vmem>>, vector<16xf32>,
          %parallel_loop3A_220 = arith.mulf %parallel_loop3A_219, %parallel_loop3A_174 : vector<16xf32>
          %parallel_loop3A_221 = arith.index_cast %parallel_loop3A_172 : i32 to index
          %parallel_loop3A_222 = arith.constant 96 : index
          %parallel_loop3A_223 = tpu.vector_load %arg10[%parallel_loop3A_221, %parallel_loop3A_222] {strides = array<i32>} : memref<80x128xf32, #tpu.memory_space<vmem>>, vector<16xf32>,
          tpu.vector_store %arg10[%parallel_loop3A_221, %parallel_loop3A_222], %parallel_loop3A_220 {strides = array<i32>} : memref<80x128xf32, #tpu.memory_space<vmem>>, vector<16xf32>,
          %parallel_loop3A_224 = arith.index_cast %parallel_loop3A_172 : i32 to index
          %parallel_loop3A_225 = arith.constant 112 : index
          %parallel_loop3A_226 = tpu.vector_load %arg10[%parallel_loop3A_224, %parallel_loop3A_225] {strides = array<i32>} : memref<80x128xf32, #tpu.memory_space<vmem>>, vector<16xf32>,
          %parallel_loop3A_227 = arith.mulf %parallel_loop3A_226, %parallel_loop3A_174 : vector<16xf32>
          %parallel_loop3A_228 = arith.index_cast %parallel_loop3A_172 : i32 to index
          %parallel_loop3A_229 = arith.constant 112 : index
          %parallel_loop3A_230 = tpu.vector_load %arg10[%parallel_loop3A_228, %parallel_loop3A_229] {strides = array<i32>} : memref<80x128xf32, #tpu.memory_space<vmem>>, vector<16xf32>,
          tpu.vector_store %arg10[%parallel_loop3A_228, %parallel_loop3A_229], %parallel_loop3A_227 {strides = array<i32>} : memref<80x128xf32, #tpu.memory_space<vmem>>, vector<16xf32>,
        } {sc.loop_unroll_factor = 4 : i64, sc.parallel_access}
        %dma_start3A_162 = arith.constant 0 : i32
        %dma_start3A_163 = arith.constant 0 : i32
        %dma_start3A_164 = tpu.memref_slice %arg31[%dma_start3A_162, %dma_start3A_163] : memref<10000x128xf32, #tpu.memory_space<vmem_shared>> -> memref<10000x128xf32, #tpu.memory_space<vmem_shared>>
        tpu.enqueue_indirect_dma source(%arg10 : memref<80x128xf32, #tpu.memory_space<vmem>>) target(%dma_start3A_164 : memref<10000x128xf32, #tpu.memory_space<vmem_shared>>) offsets(%arg18 : memref<80xi32, #tpu.memory_space<vmem>>) semaphore(%arg27 : memref<!tpu.dma_semaphore, #tpu.memory_space<semaphore_mem>>) {add = true}
        %add3A_165 = arith.constant 3 : i32
        %add3A_166 = arith.addi %add3A_138, %add3A_165 : i32
        %le3A_167 = arith.constant 124 : i32
        %le3A_168 = arith.cmpi sle, %add3A_166, %le3A_167 : i32
        %convert_element_type3A_169 = arith.extui %le3A_168 : i1 to i32
        %cond3A_170 = arith.constant 0 : i32
        %cond3A_171 = arith.cmpi ne, %convert_element_type3A_169, %cond3A_170 : i32
        scf.if %cond3A_171 {
          %add3A_172 = arith.constant 3 : i32
          %add3A_173 = arith.addi %add3A_138, %add3A_172 : i32
          %dma_start3A_174 = arith.constant 0 : i32
          %dma_start3A_175 = arith.constant 0 : i32
          %dma_start3A_176 = tpu.memref_slice %arg2[%add3A, %add3A_173, %dma_start3A_174, %dma_start3A_175] : memref<32x125x2x80xi32, #tpu.memory_space<hbm>> -> memref<1x1x2x80xi32, #tpu.memory_space<hbm>>
          %dma_start3A_177 = tpu.memref_squeeze %dma_start3A_176 : memref<1x1x2x80xi32, #tpu.memory_space<hbm>> -> memref<2x80xi32, #tpu.memory_space<hbm>>
          %dma_start3A_178 = arith.constant 0 : i32
          %dma_start3A_179 = arith.constant 0 : i32
          %dma_start3A_180 = tpu.memref_slice %arg2[%add3A, %add3A_173, %dma_start3A_178, %dma_start3A_179] : memref<32x125x2x80xi32, #tpu.memory_space<hbm>> -> memref<1x1x2x80xi32, #tpu.memory_space<hbm>>
          %dma_start3A_181 = tpu.memref_squeeze %dma_start3A_180 : memref<1x1x2x80xi32, #tpu.memory_space<hbm>> -> memref<2x80xi32, #tpu.memory_space<hbm>>
          tpu.enqueue_dma source(%dma_start3A_181 : memref<2x80xi32, #tpu.memory_space<hbm>>) target(%arg14 : memref<2x80xi32, #tpu.memory_space<vmem>>) target_semaphore(%arg23 : memref<!tpu.dma_semaphore, #tpu.memory_space<semaphore_mem>>)
        } else {
        }
      } else {
      }
      %scan3A_152 = arith.constant 0 : i32
      scf.yield %scan3A_152 : i32
    }
    %scan3A_65 = arith.constant 32 : i32
    %dma_wait3A = arith.constant 0 : i32
    %dma_wait3A_66 = tpu.memref_slice %arg32[%dma_wait3A] : memref<10000xf32, #tpu.memory_space<vmem_shared>> -> memref<10000xf32, #tpu.memory_space<vmem_shared>>
    tpu.wait_indirect_dma semaphore(%arg29 : memref<!tpu.dma_semaphore, #tpu.memory_space<semaphore_mem>>) src(%arg16 : memref<80xf32, #tpu.memory_space<vmem>>) dst(%dma_wait3A_66 : memref<10000xf32, #tpu.memory_space<vmem_shared>>)
    %dma_wait3A_67 = arith.constant 0 : i32
    %dma_wait3A_68 = arith.constant 0 : i32
    %dma_wait3A_69 = tpu.memref_slice %arg31[%dma_wait3A_67, %dma_wait3A_68] : memref<10000x128xf32, #tpu.memory_space<vmem_shared>> -> memref<10000x128xf32, #tpu.memory_space<vmem_shared>>
    tpu.wait_indirect_dma semaphore(%arg27 : memref<!tpu.dma_semaphore, #tpu.memory_space<semaphore_mem>>) src(%arg10 : memref<80x128xf32, #tpu.memory_space<vmem>>) dst(%dma_wait3A_69 : memref<10000x128xf32, #tpu.memory_space<vmem_shared>>)
    %dma_wait3A_70 = arith.constant 0 : i32
    %dma_wait3A_71 = tpu.memref_slice %arg32[%dma_wait3A_70] : memref<10000xf32, #tpu.memory_space<vmem_shared>> -> memref<10000xf32, #tpu.memory_space<vmem_shared>>
    tpu.wait_indirect_dma semaphore(%arg30 : memref<!tpu.dma_semaphore, #tpu.memory_space<semaphore_mem>>) src(%arg17 : memref<80xf32, #tpu.memory_space<vmem>>) dst(%dma_wait3A_71 : memref<10000xf32, #tpu.memory_space<vmem_shared>>)
    %dma_wait3A_72 = arith.constant 0 : i32
    %dma_wait3A_73 = arith.constant 0 : i32
    %dma_wait3A_74 = tpu.memref_slice %arg31[%dma_wait3A_72, %dma_wait3A_73] : memref<10000x128xf32, #tpu.memory_space<vmem_shared>> -> memref<10000x128xf32, #tpu.memory_space<vmem_shared>>
    tpu.wait_indirect_dma semaphore(%arg28 : memref<!tpu.dma_semaphore, #tpu.memory_space<semaphore_mem>>) src(%arg11 : memref<80x128xf32, #tpu.memory_space<vmem>>) dst(%dma_wait3A_74 : memref<10000x128xf32, #tpu.memory_space<vmem_shared>>)
    %barrier3A_75 = arith.constant 0 : index
    tpu.barrier barrier_id(%barrier3A_75)
    %eq3A = arith.constant 0 : i32
    %eq3A_76 = arith.cmpi eq, %arg1, %eq3A : i32
    %convert_element_type3A = arith.extui %eq3A_76 : i1 to i32
    %cond3A = arith.constant 0 : i32
    %cond3A_77 = arith.cmpi ne, %convert_element_type3A, %cond3A : i32
    scf.if %cond3A_77 {
      "tpu.region"() ({
        %run_scoped3A = tpu.sem_alloc : memref<!tpu.dma_semaphore, #tpu.memory_space<semaphore_mem>>
        %dma_start3A_85 = arith.constant 0 : i32
        %dma_start3A_86 = tpu.memref_slice %arg7[%arg0, %dma_start3A_85] : memref<2x10000xf32, #tpu.memory_space<hbm>> -> memref<1x10000xf32, #tpu.memory_space<hbm>>
        %dma_start3A_87 = tpu.memref_squeeze %dma_start3A_86 : memref<1x10000xf32, #tpu.memory_space<hbm>> -> memref<10000xf32, #tpu.memory_space<hbm>>
        tpu.enqueue_dma source(%arg32 : memref<10000xf32, #tpu.memory_space<vmem_shared>>) target(%dma_start3A_87 : memref<10000xf32, #tpu.memory_space<hbm>>) target_semaphore(%run_scoped3A : memref<!tpu.dma_semaphore, #tpu.memory_space<semaphore_mem>>)
        %dma_wait3A_88 = arith.constant 0 : i32
        %dma_wait3A_89 = tpu.memref_slice %arg7[%arg0, %dma_wait3A_88] : memref<2x10000xf32, #tpu.memory_space<hbm>> -> memref<1x10000xf32, #tpu.memory_space<hbm>>
        %dma_wait3A_90 = tpu.memref_squeeze %dma_wait3A_89 : memref<1x10000xf32, #tpu.memory_space<hbm>> -> memref<10000xf32, #tpu.memory_space<hbm>>
        tpu.wait_dma2 semaphore(%run_scoped3A : memref<!tpu.dma_semaphore, #tpu.memory_space<semaphore_mem>>) src(%arg32 : memref<10000xf32, #tpu.memory_space<vmem_shared>>) dst(%dma_wait3A_90 : memref<10000xf32, #tpu.memory_space<hbm>>)
        tpu.yield
      }) : () -> ()
    } else {
    }
    %scan3A_78 = arith.constant 0 : i32
    %scan3A_79 = arith.constant 0 : i32
    %scan3A_80 = arith.constant 8 : i32
    %scan3A_81 = arith.addi %scan3A_79, %scan3A_80 : i32
    %scan3A_82 = arith.constant 1 : i32
    %scan3A_83 = scf.for %scan3A_85 = %scan3A_79 to %scan3A_81 step %scan3A_82 iter_args(%scan3A_86 = %scan3A_78) -> (i32)  : i32 {
      %mul3A_87 = arith.constant 16 : i32
      %mul3A_88 = arith.muli %scan3A_85, %mul3A_87 : i32
      %add3A_89 = arith.addi %arg1, %mul3A_88 : i32
      %lt3A = arith.constant 125 : i32
      %lt3A_90 = arith.cmpi slt, %add3A_89, %lt3A : i32
      %convert_element_type3A_91 = arith.extui %lt3A_90 : i1 to i32
      %cond3A_92 = arith.constant 0 : i32
      %cond3A_93 = arith.cmpi ne, %convert_element_type3A_91, %cond3A_92 : i32
      scf.if %cond3A_93 {
        %mul3A_95 = arith.constant 80 : i32
        %mul3A_96 = arith.muli %add3A_89, %mul3A_95 : i32
        "tpu.region"() ({
          %run_scoped3A = tpu.sem_alloc : memref<!tpu.dma_semaphore, #tpu.memory_space<semaphore_mem>>
          %dma_start3A_97 = arith.constant 0 : i32
          %dma_start3A_98 = tpu.memref_slice %arg6[%arg0, %mul3A_96, %dma_start3A_97] : memref<2x10000x128xf32, #tpu.memory_space<hbm>> -> memref<1x80x128xf32, #tpu.memory_space<hbm>>
          %dma_start3A_99 = tpu.memref_squeeze %dma_start3A_98 : memref<1x80x128xf32, #tpu.memory_space<hbm>> -> memref<80x128xf32, #tpu.memory_space<hbm>>
          %dma_start3A_100 = arith.constant 0 : i32
          %dma_start3A_101 = tpu.memref_slice %arg31[%mul3A_96, %dma_start3A_100] : memref<10000x128xf32, #tpu.memory_space<vmem_shared>> -> memref<80x128xf32, #tpu.memory_space<vmem_shared>>
          tpu.enqueue_dma source(%dma_start3A_101 : memref<80x128xf32, #tpu.memory_space<vmem_shared>>) target(%dma_start3A_99 : memref<80x128xf32, #tpu.memory_space<hbm>>) target_semaphore(%run_scoped3A : memref<!tpu.dma_semaphore, #tpu.memory_space<semaphore_mem>>)
          %dma_wait3A_102 = arith.constant 0 : i32
          %dma_wait3A_103 = tpu.memref_slice %arg6[%arg0, %mul3A_96, %dma_wait3A_102] : memref<2x10000x128xf32, #tpu.memory_space<hbm>> -> memref<1x80x128xf32, #tpu.memory_space<hbm>>
          %dma_wait3A_104 = tpu.memref_squeeze %dma_wait3A_103 : memref<1x80x128xf32, #tpu.memory_space<hbm>> -> memref<80x128xf32, #tpu.memory_space<hbm>>
          %dma_wait3A_105 = arith.constant 0 : i32
          %dma_wait3A_106 = tpu.memref_slice %arg31[%mul3A_96, %dma_wait3A_105] : memref<10000x128xf32, #tpu.memory_space<vmem_shared>> -> memref<80x128xf32, #tpu.memory_space<vmem_shared>>
          tpu.wait_dma2 semaphore(%run_scoped3A : memref<!tpu.dma_semaphore, #tpu.memory_space<semaphore_mem>>) src(%dma_wait3A_106 : memref<80x128xf32, #tpu.memory_space<vmem_shared>>) dst(%dma_wait3A_104 : memref<80x128xf32, #tpu.memory_space<hbm>>)
          tpu.yield
        }) : () -> ()
      } else {
      }
      %scan3A_94 = arith.constant 0 : i32
      scf.yield %scan3A_94 : i32
    }
    %scan3A_84 = arith.constant 8 : i32
    return
  }
}

#map = affine_map<(d0, d1) -> (0, 0, 0, 0)>
#map1 = affine_map<(d0, d1) -> (0)>
#map2 = affine_map<(d0, d1) -> (0, 0)>
#map3 = affine_map<(d0, d1) -> (0, 0, 0)>
module attributes {stable_mosaic.version = 14 : i64} {
  func.func @_sc_edge_body(%arg0: i32, %arg1: i32, %arg2: memref<32x125x2x80xi32, #tpu.memory_space<hbm>>, %arg3: memref<10000xf32, #tpu.memory_space<hbm>>, %arg4: memref<10000xf32, #tpu.memory_space<hbm>>, %arg5: memref<10000x128xf32, #tpu.memory_space<hbm>>, %arg6: memref<2x10000x128xf32, #tpu.memory_space<hbm>>, %arg7: memref<2x10000xf32, #tpu.memory_space<hbm>>, %arg8: memref<10000xf32, #tpu.memory_space<vmem>>, %arg9: memref<10000xf32, #tpu.memory_space<vmem>>, %arg10: memref<80x128xf32, #tpu.memory_space<vmem>>, %arg11: memref<80x128xf32, #tpu.memory_space<vmem>>, %arg12: memref<2x80xi32, #tpu.memory_space<vmem>>, %arg13: memref<2x80xi32, #tpu.memory_space<vmem>>, %arg14: memref<2x80xi32, #tpu.memory_space<vmem>>, %arg15: memref<2x80xi32, #tpu.memory_space<vmem>>, %arg16: memref<80xf32, #tpu.memory_space<vmem>>, %arg17: memref<80xf32, #tpu.memory_space<vmem>>, %arg18: memref<80xi32, #tpu.memory_space<vmem>>, %arg19: memref<80xi32, #tpu.memory_space<vmem>>, %arg20: memref<80xf32, #tpu.memory_space<vmem>>, %arg21: memref<!tpu.dma_semaphore, #tpu.memory_space<semaphore_mem>>, %arg22: memref<!tpu.dma_semaphore, #tpu.memory_space<semaphore_mem>>, %arg23: memref<!tpu.dma_semaphore, #tpu.memory_space<semaphore_mem>>, %arg24: memref<!tpu.dma_semaphore, #tpu.memory_space<semaphore_mem>>, %arg25: memref<!tpu.dma_semaphore, #tpu.memory_space<semaphore_mem>>, %arg26: memref<!tpu.dma_semaphore, #tpu.memory_space<semaphore_mem>>, %arg27: memref<!tpu.dma_semaphore, #tpu.memory_space<semaphore_mem>>, %arg28: memref<!tpu.dma_semaphore, #tpu.memory_space<semaphore_mem>>, %arg29: memref<!tpu.dma_semaphore, #tpu.memory_space<semaphore_mem>>, %arg30: memref<!tpu.dma_semaphore, #tpu.memory_space<semaphore_mem>>, %arg31: memref<10000x128xf32, #tpu.memory_space<vmem_shared>>, %arg32: memref<10000xf32, #tpu.memory_space<vmem_shared>>) attributes {dimension_semantics = [#tpu.dimension_semantics<core_parallel>, #tpu.dimension_semantics<subcore_parallel>], iteration_bounds = array<i64: 2, 16>, scalar_prefetch = 0 : i64, scratch_operands = 25 : i64, tpu.core_type = #tpu.core_type<sc_vector_subcore>, window_params = [{transform_indices = #map}, {transform_indices = #map1}, {transform_indices = #map1}, {transform_indices = #map2}, {transform_indices = #map3}, {transform_indices = #map2}]} {
    %mul3A = arith.constant 16 : i32
    %mul3A_0 = arith.muli %arg0, %mul3A : i32
    %add3A = arith.addi %mul3A_0, %arg1 : i32
    %dma_start3A = arith.constant 0 : i32
    %dma_start3A_1 = arith.constant 0 : i32
    %dma_start3A_2 = arith.constant 0 : i32
    %dma_start3A_3 = tpu.memref_slice %arg2[%add3A, %dma_start3A, %dma_start3A_1, %dma_start3A_2] : memref<32x125x2x80xi32, #tpu.memory_space<hbm>> -> memref<1x1x2x80xi32, #tpu.memory_space<hbm>>
    %dma_start3A_4 = tpu.memref_squeeze %dma_start3A_3 : memref<1x1x2x80xi32, #tpu.memory_space<hbm>> -> memref<2x80xi32, #tpu.memory_space<hbm>>
    %dma_start3A_5 = arith.constant 0 : i32
    %dma_start3A_6 = arith.constant 0 : i32
    %dma_start3A_7 = tpu.memref_slice %arg2[%add3A, %dma_start3A, %dma_start3A_5, %dma_start3A_6] : memref<32x125x2x80xi32, #tpu.memory_space<hbm>> -> memref<1x1x2x80xi32, #tpu.memory_space<hbm>>
    %dma_start3A_8 = tpu.memref_squeeze %dma_start3A_7 : memref<1x1x2x80xi32, #tpu.memory_space<hbm>> -> memref<2x80xi32, #tpu.memory_space<hbm>>
    tpu.enqueue_dma source(%dma_start3A_8 : memref<2x80xi32, #tpu.memory_space<hbm>>) target(%arg12 : memref<2x80xi32, #tpu.memory_space<vmem>>) target_semaphore(%arg21 : memref<!tpu.dma_semaphore, #tpu.memory_space<semaphore_mem>>)
    %dma_start3A_9 = arith.constant 1 : i32
    %dma_start3A_10 = arith.constant 0 : i32
    %dma_start3A_11 = arith.constant 0 : i32
    %dma_start3A_12 = tpu.memref_slice %arg2[%add3A, %dma_start3A_9, %dma_start3A_10, %dma_start3A_11] : memref<32x125x2x80xi32, #tpu.memory_space<hbm>> -> memref<1x1x2x80xi32, #tpu.memory_space<hbm>>
    %dma_start3A_13 = tpu.memref_squeeze %dma_start3A_12 : memref<1x1x2x80xi32, #tpu.memory_space<hbm>> -> memref<2x80xi32, #tpu.memory_space<hbm>>
    %dma_start3A_14 = arith.constant 0 : i32
    %dma_start3A_15 = arith.constant 0 : i32
    %dma_start3A_16 = tpu.memref_slice %arg2[%add3A, %dma_start3A_9, %dma_start3A_14, %dma_start3A_15] : memref<32x125x2x80xi32, #tpu.memory_space<hbm>> -> memref<1x1x2x80xi32, #tpu.memory_space<hbm>>
    %dma_start3A_17 = tpu.memref_squeeze %dma_start3A_16 : memref<1x1x2x80xi32, #tpu.memory_space<hbm>> -> memref<2x80xi32, #tpu.memory_space<hbm>>
    tpu.enqueue_dma source(%dma_start3A_17 : memref<2x80xi32, #tpu.memory_space<hbm>>) target(%arg13 : memref<2x80xi32, #tpu.memory_space<vmem>>) target_semaphore(%arg22 : memref<!tpu.dma_semaphore, #tpu.memory_space<semaphore_mem>>)
    %dma_start3A_18 = arith.constant 2 : i32
    %dma_start3A_19 = arith.constant 0 : i32
    %dma_start3A_20 = arith.constant 0 : i32
    %dma_start3A_21 = tpu.memref_slice %arg2[%add3A, %dma_start3A_18, %dma_start3A_19, %dma_start3A_20] : memref<32x125x2x80xi32, #tpu.memory_space<hbm>> -> memref<1x1x2x80xi32, #tpu.memory_space<hbm>>
    %dma_start3A_22 = tpu.memref_squeeze %dma_start3A_21 : memref<1x1x2x80xi32, #tpu.memory_space<hbm>> -> memref<2x80xi32, #tpu.memory_space<hbm>>
    %dma_start3A_23 = arith.constant 0 : i32
    %dma_start3A_24 = arith.constant 0 : i32
    %dma_start3A_25 = tpu.memref_slice %arg2[%add3A, %dma_start3A_18, %dma_start3A_23, %dma_start3A_24] : memref<32x125x2x80xi32, #tpu.memory_space<hbm>> -> memref<1x1x2x80xi32, #tpu.memory_space<hbm>>
    %dma_start3A_26 = tpu.memref_squeeze %dma_start3A_25 : memref<1x1x2x80xi32, #tpu.memory_space<hbm>> -> memref<2x80xi32, #tpu.memory_space<hbm>>
    tpu.enqueue_dma source(%dma_start3A_26 : memref<2x80xi32, #tpu.memory_space<hbm>>) target(%arg14 : memref<2x80xi32, #tpu.memory_space<vmem>>) target_semaphore(%arg23 : memref<!tpu.dma_semaphore, #tpu.memory_space<semaphore_mem>>)
    %dma_start3A_27 = arith.constant 3 : i32
    %dma_start3A_28 = arith.constant 0 : i32
    %dma_start3A_29 = arith.constant 0 : i32
    %dma_start3A_30 = tpu.memref_slice %arg2[%add3A, %dma_start3A_27, %dma_start3A_28, %dma_start3A_29] : memref<32x125x2x80xi32, #tpu.memory_space<hbm>> -> memref<1x1x2x80xi32, #tpu.memory_space<hbm>>
    %dma_start3A_31 = tpu.memref_squeeze %dma_start3A_30 : memref<1x1x2x80xi32, #tpu.memory_space<hbm>> -> memref<2x80xi32, #tpu.memory_space<hbm>>
    %dma_start3A_32 = arith.constant 0 : i32
    %dma_start3A_33 = arith.constant 0 : i32
    %dma_start3A_34 = tpu.memref_slice %arg2[%add3A, %dma_start3A_27, %dma_start3A_32, %dma_start3A_33] : memref<32x125x2x80xi32, #tpu.memory_space<hbm>> -> memref<1x1x2x80xi32, #tpu.memory_space<hbm>>
    %dma_start3A_35 = tpu.memref_squeeze %dma_start3A_34 : memref<1x1x2x80xi32, #tpu.memory_space<hbm>> -> memref<2x80xi32, #tpu.memory_space<hbm>>
    tpu.enqueue_dma source(%dma_start3A_35 : memref<2x80xi32, #tpu.memory_space<hbm>>) target(%arg15 : memref<2x80xi32, #tpu.memory_space<vmem>>) target_semaphore(%arg24 : memref<!tpu.dma_semaphore, #tpu.memory_space<semaphore_mem>>)
    "tpu.region"() ({
      %run_scoped3A = tpu.sem_alloc : memref<!tpu.dma_semaphore, #tpu.memory_space<semaphore_mem>>
      tpu.enqueue_dma source(%arg3 : memref<10000xf32, #tpu.memory_space<hbm>>) target(%arg8 : memref<10000xf32, #tpu.memory_space<vmem>>) target_semaphore(%run_scoped3A : memref<!tpu.dma_semaphore, #tpu.memory_space<semaphore_mem>>)
      tpu.wait_dma2 semaphore(%run_scoped3A : memref<!tpu.dma_semaphore, #tpu.memory_space<semaphore_mem>>) src(%arg3 : memref<10000xf32, #tpu.memory_space<hbm>>) dst(%arg8 : memref<10000xf32, #tpu.memory_space<vmem>>)
      tpu.yield
    }) : () -> ()
    "tpu.region"() ({
      %run_scoped3A = tpu.sem_alloc : memref<!tpu.dma_semaphore, #tpu.memory_space<semaphore_mem>>
      tpu.enqueue_dma source(%arg4 : memref<10000xf32, #tpu.memory_space<hbm>>) target(%arg9 : memref<10000xf32, #tpu.memory_space<vmem>>) target_semaphore(%run_scoped3A : memref<!tpu.dma_semaphore, #tpu.memory_space<semaphore_mem>>)
      tpu.wait_dma2 semaphore(%run_scoped3A : memref<!tpu.dma_semaphore, #tpu.memory_space<semaphore_mem>>) src(%arg4 : memref<10000xf32, #tpu.memory_space<hbm>>) dst(%arg9 : memref<10000xf32, #tpu.memory_space<vmem>>)
      tpu.yield
    }) : () -> ()
    %broadcast_in_dim3A = arith.constant 0.000000e+00 : f32
    %broadcast_in_dim3A_36 = vector.broadcast %broadcast_in_dim3A : f32 to vector<16xf32>
    %swap3A = arith.constant 0 : index
    %swap3A_37 = tpu.vector_load %arg20[%swap3A] {strides = array<i32>} : memref<80xf32, #tpu.memory_space<vmem>>, vector<16xf32>,
    tpu.vector_store %arg20[%swap3A], %broadcast_in_dim3A_36 {strides = array<i32>} : memref<80xf32, #tpu.memory_space<vmem>>, vector<16xf32>,
    %swap3A_38 = arith.constant 16 : index
    %swap3A_39 = tpu.vector_load %arg20[%swap3A_38] {strides = array<i32>} : memref<80xf32, #tpu.memory_space<vmem>>, vector<16xf32>,
    tpu.vector_store %arg20[%swap3A_38], %broadcast_in_dim3A_36 {strides = array<i32>} : memref<80xf32, #tpu.memory_space<vmem>>, vector<16xf32>,
    %swap3A_40 = arith.constant 32 : index
    %swap3A_41 = tpu.vector_load %arg20[%swap3A_40] {strides = array<i32>} : memref<80xf32, #tpu.memory_space<vmem>>, vector<16xf32>,
    tpu.vector_store %arg20[%swap3A_40], %broadcast_in_dim3A_36 {strides = array<i32>} : memref<80xf32, #tpu.memory_space<vmem>>, vector<16xf32>,
    %swap3A_42 = arith.constant 48 : index
    %swap3A_43 = tpu.vector_load %arg20[%swap3A_42] {strides = array<i32>} : memref<80xf32, #tpu.memory_space<vmem>>, vector<16xf32>,
    tpu.vector_store %arg20[%swap3A_42], %broadcast_in_dim3A_36 {strides = array<i32>} : memref<80xf32, #tpu.memory_space<vmem>>, vector<16xf32>,
    %swap3A_44 = arith.constant 64 : index
    %swap3A_45 = tpu.vector_load %arg20[%swap3A_44] {strides = array<i32>} : memref<80xf32, #tpu.memory_space<vmem>>, vector<16xf32>,
    tpu.vector_store %arg20[%swap3A_44], %broadcast_in_dim3A_36 {strides = array<i32>} : memref<80xf32, #tpu.memory_space<vmem>>, vector<16xf32>,
    %scan3A = arith.constant 0 : i32
    %scan3A_46 = arith.constant 0 : i32
    %scan3A_47 = arith.constant 80 : i32
    %scan3A_48 = arith.addi %scan3A_46, %scan3A_47 : i32
    %scan3A_49 = arith.constant 1 : i32
    %scan3A_50 = scf.for %scan3A_85 = %scan3A_46 to %scan3A_48 step %scan3A_49 iter_args(%scan3A_86 = %scan3A) -> (i32)  : i32 {
      %swap3A_87 = arith.index_cast %scan3A_85 : i32 to index
      %swap3A_88 = arith.constant 0 : index
      %swap3A_89 = tpu.vector_load %arg10[%swap3A_87, %swap3A_88] {strides = array<i32>} : memref<80x128xf32, #tpu.memory_space<vmem>>, vector<16xf32>,
      tpu.vector_store %arg10[%swap3A_87, %swap3A_88], %broadcast_in_dim3A_36 {strides = array<i32>} : memref<80x128xf32, #tpu.memory_space<vmem>>, vector<16xf32>,
      %swap3A_90 = arith.index_cast %scan3A_85 : i32 to index
      %swap3A_91 = arith.constant 16 : index
      %swap3A_92 = tpu.vector_load %arg10[%swap3A_90, %swap3A_91] {strides = array<i32>} : memref<80x128xf32, #tpu.memory_space<vmem>>, vector<16xf32>,
      tpu.vector_store %arg10[%swap3A_90, %swap3A_91], %broadcast_in_dim3A_36 {strides = array<i32>} : memref<80x128xf32, #tpu.memory_space<vmem>>, vector<16xf32>,
      %swap3A_93 = arith.index_cast %scan3A_85 : i32 to index
      %swap3A_94 = arith.constant 32 : index
      %swap3A_95 = tpu.vector_load %arg10[%swap3A_93, %swap3A_94] {strides = array<i32>} : memref<80x128xf32, #tpu.memory_space<vmem>>, vector<16xf32>,
      tpu.vector_store %arg10[%swap3A_93, %swap3A_94], %broadcast_in_dim3A_36 {strides = array<i32>} : memref<80x128xf32, #tpu.memory_space<vmem>>, vector<16xf32>,
      %swap3A_96 = arith.index_cast %scan3A_85 : i32 to index
      %swap3A_97 = arith.constant 48 : index
      %swap3A_98 = tpu.vector_load %arg10[%swap3A_96, %swap3A_97] {strides = array<i32>} : memref<80x128xf32, #tpu.memory_space<vmem>>, vector<16xf32>,
      tpu.vector_store %arg10[%swap3A_96, %swap3A_97], %broadcast_in_dim3A_36 {strides = array<i32>} : memref<80x128xf32, #tpu.memory_space<vmem>>, vector<16xf32>,
      %swap3A_99 = arith.index_cast %scan3A_85 : i32 to index
      %swap3A_100 = arith.constant 64 : index
      %swap3A_101 = tpu.vector_load %arg10[%swap3A_99, %swap3A_100] {strides = array<i32>} : memref<80x128xf32, #tpu.memory_space<vmem>>, vector<16xf32>,
      tpu.vector_store %arg10[%swap3A_99, %swap3A_100], %broadcast_in_dim3A_36 {strides = array<i32>} : memref<80x128xf32, #tpu.memory_space<vmem>>, vector<16xf32>,
      %swap3A_102 = arith.index_cast %scan3A_85 : i32 to index
      %swap3A_103 = arith.constant 80 : index
      %swap3A_104 = tpu.vector_load %arg10[%swap3A_102, %swap3A_103] {strides = array<i32>} : memref<80x128xf32, #tpu.memory_space<vmem>>, vector<16xf32>,
      tpu.vector_store %arg10[%swap3A_102, %swap3A_103], %broadcast_in_dim3A_36 {strides = array<i32>} : memref<80x128xf32, #tpu.memory_space<vmem>>, vector<16xf32>,
      %swap3A_105 = arith.index_cast %scan3A_85 : i32 to index
      %swap3A_106 = arith.constant 96 : index
      %swap3A_107 = tpu.vector_load %arg10[%swap3A_105, %swap3A_106] {strides = array<i32>} : memref<80x128xf32, #tpu.memory_space<vmem>>, vector<16xf32>,
      tpu.vector_store %arg10[%swap3A_105, %swap3A_106], %broadcast_in_dim3A_36 {strides = array<i32>} : memref<80x128xf32, #tpu.memory_space<vmem>>, vector<16xf32>,
      %swap3A_108 = arith.index_cast %scan3A_85 : i32 to index
      %swap3A_109 = arith.constant 112 : index
      %swap3A_110 = tpu.vector_load %arg10[%swap3A_108, %swap3A_109] {strides = array<i32>} : memref<80x128xf32, #tpu.memory_space<vmem>>, vector<16xf32>,
      tpu.vector_store %arg10[%swap3A_108, %swap3A_109], %broadcast_in_dim3A_36 {strides = array<i32>} : memref<80x128xf32, #tpu.memory_space<vmem>>, vector<16xf32>,
      %scan3A_111 = arith.constant 0 : i32
      scf.yield %scan3A_111 : i32
    }
    %scan3A_51 = arith.constant 80 : i32
    %scan3A_52 = arith.constant 0 : i32
    %scan3A_53 = arith.constant 0 : i32
    %scan3A_54 = arith.constant 8 : i32
    %scan3A_55 = arith.addi %scan3A_53, %scan3A_54 : i32
    %scan3A_56 = arith.constant 1 : i32
    %scan3A_57 = scf.for %scan3A_85 = %scan3A_53 to %scan3A_55 step %scan3A_56 iter_args(%scan3A_86 = %scan3A_52) -> (i32)  : i32 {
      %mul3A_87 = arith.constant 16 : i32
      %mul3A_88 = arith.muli %scan3A_85, %mul3A_87 : i32
      %add3A_89 = arith.addi %arg1, %mul3A_88 : i32
      %lt3A = arith.constant 125 : i32
      %lt3A_90 = arith.cmpi slt, %add3A_89, %lt3A : i32
      %convert_element_type3A_91 = arith.extui %lt3A_90 : i1 to i32
      %cond3A_92 = arith.constant 0 : i32
      %cond3A_93 = arith.cmpi ne, %convert_element_type3A_91, %cond3A_92 : i32
      scf.if %cond3A_93 {
        %mul3A_95 = arith.constant 80 : i32
        %mul3A_96 = arith.muli %add3A_89, %mul3A_95 : i32
        "tpu.region"() ({
          %run_scoped3A = tpu.sem_alloc : memref<!tpu.dma_semaphore, #tpu.memory_space<semaphore_mem>>
          %dma_start3A_99 = arith.constant 0 : i32
          %dma_start3A_100 = tpu.memref_slice %arg31[%mul3A_96, %dma_start3A_99] : memref<10000x128xf32, #tpu.memory_space<vmem_shared>> -> memref<80x128xf32, #tpu.memory_space<vmem_shared>>
          %dma_start3A_101 = arith.constant 0 : i32
          %dma_start3A_102 = tpu.memref_slice %arg31[%mul3A_96, %dma_start3A_101] : memref<10000x128xf32, #tpu.memory_space<vmem_shared>> -> memref<80x128xf32, #tpu.memory_space<vmem_shared>>
          tpu.enqueue_dma source(%arg10 : memref<80x128xf32, #tpu.memory_space<vmem>>) target(%dma_start3A_102 : memref<80x128xf32, #tpu.memory_space<vmem_shared>>) target_semaphore(%run_scoped3A : memref<!tpu.dma_semaphore, #tpu.memory_space<semaphore_mem>>)
          %dma_wait3A_103 = arith.constant 0 : i32
          %dma_wait3A_104 = tpu.memref_slice %arg31[%mul3A_96, %dma_wait3A_103] : memref<10000x128xf32, #tpu.memory_space<vmem_shared>> -> memref<80x128xf32, #tpu.memory_space<vmem_shared>>
          %dma_wait3A_105 = arith.constant 0 : i32
          %dma_wait3A_106 = tpu.memref_slice %arg31[%mul3A_96, %dma_wait3A_105] : memref<10000x128xf32, #tpu.memory_space<vmem_shared>> -> memref<80x128xf32, #tpu.memory_space<vmem_shared>>
          tpu.wait_dma2 semaphore(%run_scoped3A : memref<!tpu.dma_semaphore, #tpu.memory_space<semaphore_mem>>) src(%arg10 : memref<80x128xf32, #tpu.memory_space<vmem>>) dst(%dma_wait3A_106 : memref<80x128xf32, #tpu.memory_space<vmem_shared>>)
          tpu.yield
        }) : () -> ()
        %mul3A_97 = arith.constant 80 : i32
        %mul3A_98 = arith.muli %add3A_89, %mul3A_97 : i32
        "tpu.region"() ({
          %run_scoped3A = tpu.sem_alloc : memref<!tpu.dma_semaphore, #tpu.memory_space<semaphore_mem>>
          %dma_start3A_99 = tpu.memref_slice %arg32[%mul3A_98] : memref<10000xf32, #tpu.memory_space<vmem_shared>> -> memref<80xf32, #tpu.memory_space<vmem_shared>>
          %dma_start3A_100 = tpu.memref_slice %arg32[%mul3A_98] : memref<10000xf32, #tpu.memory_space<vmem_shared>> -> memref<80xf32, #tpu.memory_space<vmem_shared>>
          tpu.enqueue_dma source(%arg20 : memref<80xf32, #tpu.memory_space<vmem>>) target(%dma_start3A_100 : memref<80xf32, #tpu.memory_space<vmem_shared>>) target_semaphore(%run_scoped3A : memref<!tpu.dma_semaphore, #tpu.memory_space<semaphore_mem>>)
          %dma_wait3A_101 = tpu.memref_slice %arg32[%mul3A_98] : memref<10000xf32, #tpu.memory_space<vmem_shared>> -> memref<80xf32, #tpu.memory_space<vmem_shared>>
          %dma_wait3A_102 = tpu.memref_slice %arg32[%mul3A_98] : memref<10000xf32, #tpu.memory_space<vmem_shared>> -> memref<80xf32, #tpu.memory_space<vmem_shared>>
          tpu.wait_dma2 semaphore(%run_scoped3A : memref<!tpu.dma_semaphore, #tpu.memory_space<semaphore_mem>>) src(%arg20 : memref<80xf32, #tpu.memory_space<vmem>>) dst(%dma_wait3A_102 : memref<80xf32, #tpu.memory_space<vmem_shared>>)
          tpu.yield
        }) : () -> ()
      } else {
      }
      %scan3A_94 = arith.constant 0 : i32
      scf.yield %scan3A_94 : i32
    }
    %scan3A_58 = arith.constant 8 : i32
    %barrier3A = arith.constant 0 : index
    tpu.barrier barrier_id(%barrier3A)
    %scan3A_59 = arith.constant 0 : i32
    %scan3A_60 = arith.constant 0 : i32
    %scan3A_61 = arith.constant 32 : i32
    %scan3A_62 = arith.addi %scan3A_60, %scan3A_61 : i32
    %scan3A_63 = arith.constant 1 : i32
    %scan3A_64 = scf.for %scan3A_85 = %scan3A_60 to %scan3A_62 step %scan3A_63 iter_args(%scan3A_86 = %scan3A_59) -> (i32)  : i32 {
      %mul3A_87 = arith.constant 4 : i32
      %mul3A_88 = arith.muli %scan3A_85, %mul3A_87 : i32
      %add3A_89 = arith.constant 0 : i32
      %add3A_90 = arith.addi %mul3A_88, %add3A_89 : i32
      %le3A = arith.constant 124 : i32
      %le3A_91 = arith.cmpi sle, %add3A_90, %le3A : i32
      %convert_element_type3A_92 = arith.extui %le3A_91 : i1 to i32
      %cond3A_93 = arith.constant 0 : i32
      %cond3A_94 = arith.cmpi ne, %convert_element_type3A_92, %cond3A_93 : i32
      scf.if %cond3A_94 {
        %dma_wait3A_153 = arith.constant 0 : i32
        %dma_wait3A_154 = arith.constant 0 : i32
        %dma_wait3A_155 = tpu.memref_slice %arg2[%add3A, %add3A_90, %dma_wait3A_153, %dma_wait3A_154] : memref<32x125x2x80xi32, #tpu.memory_space<hbm>> -> memref<1x1x2x80xi32, #tpu.memory_space<hbm>>
        %dma_wait3A_156 = tpu.memref_squeeze %dma_wait3A_155 : memref<1x1x2x80xi32, #tpu.memory_space<hbm>> -> memref<2x80xi32, #tpu.memory_space<hbm>>
        %dma_wait3A_157 = arith.constant 0 : i32
        %dma_wait3A_158 = arith.constant 0 : i32
        %dma_wait3A_159 = tpu.memref_slice %arg2[%add3A, %add3A_90, %dma_wait3A_157, %dma_wait3A_158] : memref<32x125x2x80xi32, #tpu.memory_space<hbm>> -> memref<1x1x2x80xi32, #tpu.memory_space<hbm>>
        %dma_wait3A_160 = tpu.memref_squeeze %dma_wait3A_159 : memref<1x1x2x80xi32, #tpu.memory_space<hbm>> -> memref<2x80xi32, #tpu.memory_space<hbm>>
        tpu.wait_dma2 semaphore(%arg21 : memref<!tpu.dma_semaphore, #tpu.memory_space<semaphore_mem>>) src(%dma_wait3A_160 : memref<2x80xi32, #tpu.memory_space<hbm>>) dst(%arg12 : memref<2x80xi32, #tpu.memory_space<vmem>>)
        %ge3A_161 = arith.constant 2 : i32
        %ge3A_162 = arith.cmpi sge, %add3A_90, %ge3A_161 : i32
        %convert_element_type3A_163 = arith.extui %ge3A_162 : i1 to i32
        %cond3A_164 = arith.constant 0 : i32
        %cond3A_165 = arith.cmpi ne, %convert_element_type3A_163, %cond3A_164 : i32
        scf.if %cond3A_165 {
          %dma_wait3A_271 = arith.constant 0 : i32
          %dma_wait3A_272 = tpu.memref_slice %arg32[%dma_wait3A_271] : memref<10000xf32, #tpu.memory_space<vmem_shared>> -> memref<10000xf32, #tpu.memory_space<vmem_shared>>
          tpu.wait_indirect_dma semaphore(%arg29 : memref<!tpu.dma_semaphore, #tpu.memory_space<semaphore_mem>>) src(%arg16 : memref<80xf32, #tpu.memory_space<vmem>>) dst(%dma_wait3A_272 : memref<10000xf32, #tpu.memory_space<vmem_shared>>)
          %dma_wait3A_273 = arith.constant 0 : i32
          %dma_wait3A_274 = arith.constant 0 : i32
          %dma_wait3A_275 = tpu.memref_slice %arg31[%dma_wait3A_273, %dma_wait3A_274] : memref<10000x128xf32, #tpu.memory_space<vmem_shared>> -> memref<10000x128xf32, #tpu.memory_space<vmem_shared>>
          tpu.wait_indirect_dma semaphore(%arg27 : memref<!tpu.dma_semaphore, #tpu.memory_space<semaphore_mem>>) src(%arg10 : memref<80x128xf32, #tpu.memory_space<vmem>>) dst(%dma_wait3A_275 : memref<10000x128xf32, #tpu.memory_space<vmem_shared>>)
        } else {
        }
        %get3A = arith.constant 0 : i32
        %get3A_166 = arith.index_cast %get3A : i32 to index
        %get3A_167 = arith.constant 0 : index
        %get3A_168 = tpu.vector_load %arg12[%get3A_166, %get3A_167] {strides = array<i32>} : memref<2x80xi32, #tpu.memory_space<vmem>>, vector<16xi32>,
        %get3A_169 = arith.constant 1 : i32
        %get3A_170 = arith.index_cast %get3A_169 : i32 to index
        %get3A_171 = arith.constant 0 : index
        %get3A_172 = tpu.vector_load %arg12[%get3A_170, %get3A_171] {strides = array<i32>} : memref<2x80xi32, #tpu.memory_space<vmem>>, vector<16xi32>,
        %gather3A = tpu.vector_load_idx %arg8[%get3A_168] : memref<10000xf32, #tpu.memory_space<vmem>>[vector<16xi32>], vector<16xf32>,
        %gather3A_173 = tpu.vector_load_idx %arg9[%get3A_172] : memref<10000xf32, #tpu.memory_space<vmem>>[vector<16xi32>], vector<16xf32>,
        %add3A_174 = arith.addf %gather3A, %gather3A_173 : vector<16xf32>
        %mul3A_175 = arith.constant 2.000000e-01 : f32
        %mul3A_176 = vector.broadcast %mul3A_175 : f32 to vector<16xf32>
        %mul3A_177 = arith.mulf %mul3A_176, %add3A_174 : vector<16xf32>
        %max3A = arith.maximumf %add3A_174, %mul3A_177 : vector<16xf32>
        %exp3A = math.exp %max3A : vector<16xf32>
        %swap3A_178 = arith.constant 0 : index
        %swap3A_179 = tpu.vector_load %arg16[%swap3A_178] {strides = array<i32>} : memref<80xf32, #tpu.memory_space<vmem>>, vector<16xf32>,
        tpu.vector_store %arg16[%swap3A_178], %exp3A {strides = array<i32>} : memref<80xf32, #tpu.memory_space<vmem>>, vector<16xf32>,
        %swap3A_180 = arith.constant 0 : index
        %swap3A_181 = tpu.vector_load %arg18[%swap3A_180] {strides = array<i32>} : memref<80xi32, #tpu.memory_space<vmem>>, vector<16xi32>,
        tpu.vector_store %arg18[%swap3A_180], %get3A_172 {strides = array<i32>} : memref<80xi32, #tpu.memory_space<vmem>>, vector<16xi32>,
        %get3A_182 = arith.constant 0 : i32
        %get3A_183 = arith.index_cast %get3A_182 : i32 to index
        %get3A_184 = arith.constant 16 : index
        %get3A_185 = tpu.vector_load %arg12[%get3A_183, %get3A_184] {strides = array<i32>} : memref<2x80xi32, #tpu.memory_space<vmem>>, vector<16xi32>,
        %get3A_186 = arith.constant 1 : i32
        %get3A_187 = arith.index_cast %get3A_186 : i32 to index
        %get3A_188 = arith.constant 16 : index
        %get3A_189 = tpu.vector_load %arg12[%get3A_187, %get3A_188] {strides = array<i32>} : memref<2x80xi32, #tpu.memory_space<vmem>>, vector<16xi32>,
        %gather3A_190 = tpu.vector_load_idx %arg8[%get3A_185] : memref<10000xf32, #tpu.memory_space<vmem>>[vector<16xi32>], vector<16xf32>,
        %gather3A_191 = tpu.vector_load_idx %arg9[%get3A_189] : memref<10000xf32, #tpu.memory_space<vmem>>[vector<16xi32>], vector<16xf32>,
        %add3A_192 = arith.addf %gather3A_190, %gather3A_191 : vector<16xf32>
        %mul3A_193 = arith.constant 2.000000e-01 : f32
        %mul3A_194 = vector.broadcast %mul3A_193 : f32 to vector<16xf32>
        %mul3A_195 = arith.mulf %mul3A_194, %add3A_192 : vector<16xf32>
        %max3A_196 = arith.maximumf %add3A_192, %mul3A_195 : vector<16xf32>
        %exp3A_197 = math.exp %max3A_196 : vector<16xf32>
        %swap3A_198 = arith.constant 16 : index
        %swap3A_199 = tpu.vector_load %arg16[%swap3A_198] {strides = array<i32>} : memref<80xf32, #tpu.memory_space<vmem>>, vector<16xf32>,
        tpu.vector_store %arg16[%swap3A_198], %exp3A_197 {strides = array<i32>} : memref<80xf32, #tpu.memory_space<vmem>>, vector<16xf32>,
        %swap3A_200 = arith.constant 16 : index
        %swap3A_201 = tpu.vector_load %arg18[%swap3A_200] {strides = array<i32>} : memref<80xi32, #tpu.memory_space<vmem>>, vector<16xi32>,
        tpu.vector_store %arg18[%swap3A_200], %get3A_189 {strides = array<i32>} : memref<80xi32, #tpu.memory_space<vmem>>, vector<16xi32>,
        %get3A_202 = arith.constant 0 : i32
        %get3A_203 = arith.index_cast %get3A_202 : i32 to index
        %get3A_204 = arith.constant 32 : index
        %get3A_205 = tpu.vector_load %arg12[%get3A_203, %get3A_204] {strides = array<i32>} : memref<2x80xi32, #tpu.memory_space<vmem>>, vector<16xi32>,
        %get3A_206 = arith.constant 1 : i32
        %get3A_207 = arith.index_cast %get3A_206 : i32 to index
        %get3A_208 = arith.constant 32 : index
        %get3A_209 = tpu.vector_load %arg12[%get3A_207, %get3A_208] {strides = array<i32>} : memref<2x80xi32, #tpu.memory_space<vmem>>, vector<16xi32>,
        %gather3A_210 = tpu.vector_load_idx %arg8[%get3A_205] : memref<10000xf32, #tpu.memory_space<vmem>>[vector<16xi32>], vector<16xf32>,
        %gather3A_211 = tpu.vector_load_idx %arg9[%get3A_209] : memref<10000xf32, #tpu.memory_space<vmem>>[vector<16xi32>], vector<16xf32>,
        %add3A_212 = arith.addf %gather3A_210, %gather3A_211 : vector<16xf32>
        %mul3A_213 = arith.constant 2.000000e-01 : f32
        %mul3A_214 = vector.broadcast %mul3A_213 : f32 to vector<16xf32>
        %mul3A_215 = arith.mulf %mul3A_214, %add3A_212 : vector<16xf32>
        %max3A_216 = arith.maximumf %add3A_212, %mul3A_215 : vector<16xf32>
        %exp3A_217 = math.exp %max3A_216 : vector<16xf32>
        %swap3A_218 = arith.constant 32 : index
        %swap3A_219 = tpu.vector_load %arg16[%swap3A_218] {strides = array<i32>} : memref<80xf32, #tpu.memory_space<vmem>>, vector<16xf32>,
        tpu.vector_store %arg16[%swap3A_218], %exp3A_217 {strides = array<i32>} : memref<80xf32, #tpu.memory_space<vmem>>, vector<16xf32>,
        %swap3A_220 = arith.constant 32 : index
        %swap3A_221 = tpu.vector_load %arg18[%swap3A_220] {strides = array<i32>} : memref<80xi32, #tpu.memory_space<vmem>>, vector<16xi32>,
        tpu.vector_store %arg18[%swap3A_220], %get3A_209 {strides = array<i32>} : memref<80xi32, #tpu.memory_space<vmem>>, vector<16xi32>,
        %get3A_222 = arith.constant 0 : i32
        %get3A_223 = arith.index_cast %get3A_222 : i32 to index
        %get3A_224 = arith.constant 48 : index
        %get3A_225 = tpu.vector_load %arg12[%get3A_223, %get3A_224] {strides = array<i32>} : memref<2x80xi32, #tpu.memory_space<vmem>>, vector<16xi32>,
        %get3A_226 = arith.constant 1 : i32
        %get3A_227 = arith.index_cast %get3A_226 : i32 to index
        %get3A_228 = arith.constant 48 : index
        %get3A_229 = tpu.vector_load %arg12[%get3A_227, %get3A_228] {strides = array<i32>} : memref<2x80xi32, #tpu.memory_space<vmem>>, vector<16xi32>,
        %gather3A_230 = tpu.vector_load_idx %arg8[%get3A_225] : memref<10000xf32, #tpu.memory_space<vmem>>[vector<16xi32>], vector<16xf32>,
        %gather3A_231 = tpu.vector_load_idx %arg9[%get3A_229] : memref<10000xf32, #tpu.memory_space<vmem>>[vector<16xi32>], vector<16xf32>,
        %add3A_232 = arith.addf %gather3A_230, %gather3A_231 : vector<16xf32>
        %mul3A_233 = arith.constant 2.000000e-01 : f32
        %mul3A_234 = vector.broadcast %mul3A_233 : f32 to vector<16xf32>
        %mul3A_235 = arith.mulf %mul3A_234, %add3A_232 : vector<16xf32>
        %max3A_236 = arith.maximumf %add3A_232, %mul3A_235 : vector<16xf32>
        %exp3A_237 = math.exp %max3A_236 : vector<16xf32>
        %swap3A_238 = arith.constant 48 : index
        %swap3A_239 = tpu.vector_load %arg16[%swap3A_238] {strides = array<i32>} : memref<80xf32, #tpu.memory_space<vmem>>, vector<16xf32>,
        tpu.vector_store %arg16[%swap3A_238], %exp3A_237 {strides = array<i32>} : memref<80xf32, #tpu.memory_space<vmem>>, vector<16xf32>,
        %swap3A_240 = arith.constant 48 : index
        %swap3A_241 = tpu.vector_load %arg18[%swap3A_240] {strides = array<i32>} : memref<80xi32, #tpu.memory_space<vmem>>, vector<16xi32>,
        tpu.vector_store %arg18[%swap3A_240], %get3A_229 {strides = array<i32>} : memref<80xi32, #tpu.memory_space<vmem>>, vector<16xi32>,
        %get3A_242 = arith.constant 0 : i32
        %get3A_243 = arith.index_cast %get3A_242 : i32 to index
        %get3A_244 = arith.constant 64 : index
        %get3A_245 = tpu.vector_load %arg12[%get3A_243, %get3A_244] {strides = array<i32>} : memref<2x80xi32, #tpu.memory_space<vmem>>, vector<16xi32>,
        %get3A_246 = arith.constant 1 : i32
        %get3A_247 = arith.index_cast %get3A_246 : i32 to index
        %get3A_248 = arith.constant 64 : index
        %get3A_249 = tpu.vector_load %arg12[%get3A_247, %get3A_248] {strides = array<i32>} : memref<2x80xi32, #tpu.memory_space<vmem>>, vector<16xi32>,
        %gather3A_250 = tpu.vector_load_idx %arg8[%get3A_245] : memref<10000xf32, #tpu.memory_space<vmem>>[vector<16xi32>], vector<16xf32>,
        %gather3A_251 = tpu.vector_load_idx %arg9[%get3A_249] : memref<10000xf32, #tpu.memory_space<vmem>>[vector<16xi32>], vector<16xf32>,
        %add3A_252 = arith.addf %gather3A_250, %gather3A_251 : vector<16xf32>
        %mul3A_253 = arith.constant 2.000000e-01 : f32
        %mul3A_254 = vector.broadcast %mul3A_253 : f32 to vector<16xf32>
        %mul3A_255 = arith.mulf %mul3A_254, %add3A_252 : vector<16xf32>
        %max3A_256 = arith.maximumf %add3A_252, %mul3A_255 : vector<16xf32>
        %exp3A_257 = math.exp %max3A_256 : vector<16xf32>
        %swap3A_258 = arith.constant 64 : index
        %swap3A_259 = tpu.vector_load %arg16[%swap3A_258] {strides = array<i32>} : memref<80xf32, #tpu.memory_space<vmem>>, vector<16xf32>,
        tpu.vector_store %arg16[%swap3A_258], %exp3A_257 {strides = array<i32>} : memref<80xf32, #tpu.memory_space<vmem>>, vector<16xf32>,
        %swap3A_260 = arith.constant 64 : index
        %swap3A_261 = tpu.vector_load %arg18[%swap3A_260] {strides = array<i32>} : memref<80xi32, #tpu.memory_space<vmem>>, vector<16xi32>,
        tpu.vector_store %arg18[%swap3A_260], %get3A_249 {strides = array<i32>} : memref<80xi32, #tpu.memory_space<vmem>>, vector<16xi32>,
        %dma_start3A_262 = arith.constant 0 : i32
        %dma_start3A_263 = tpu.memref_slice %arg32[%dma_start3A_262] : memref<10000xf32, #tpu.memory_space<vmem_shared>> -> memref<10000xf32, #tpu.memory_space<vmem_shared>>
        tpu.enqueue_indirect_dma source(%arg16 : memref<80xf32, #tpu.memory_space<vmem>>) target(%dma_start3A_263 : memref<10000xf32, #tpu.memory_space<vmem_shared>>) offsets(%arg18 : memref<80xi32, #tpu.memory_space<vmem>>) semaphore(%arg29 : memref<!tpu.dma_semaphore, #tpu.memory_space<semaphore_mem>>) {add = true}
        %dma_start3A_264 = arith.constant 0 : i32
        %dma_start3A_265 = arith.constant 0 : i32
        %dma_start3A_266 = tpu.memref_slice %arg12[%dma_start3A_264, %dma_start3A_265] : memref<2x80xi32, #tpu.memory_space<vmem>> -> memref<1x80xi32, #tpu.memory_space<vmem>>
        %dma_start3A_267 = tpu.memref_squeeze %dma_start3A_266 : memref<1x80xi32, #tpu.memory_space<vmem>> -> memref<80xi32, #tpu.memory_space<vmem>>
        %dma_start3A_268 = arith.constant 0 : i32
        %dma_start3A_269 = arith.constant 0 : i32
        %dma_start3A_270 = tpu.memref_slice %arg5[%dma_start3A_268, %dma_start3A_269] : memref<10000x128xf32, #tpu.memory_space<hbm>> -> memref<10000x128xf32, #tpu.memory_space<hbm>>
        tpu.enqueue_indirect_dma source(%dma_start3A_270 : memref<10000x128xf32, #tpu.memory_space<hbm>>) target(%arg10 : memref<80x128xf32, #tpu.memory_space<vmem>>) offsets(%dma_start3A_267 : memref<80xi32, #tpu.memory_space<vmem>>) semaphore(%arg25 : memref<!tpu.dma_semaphore, #tpu.memory_space<semaphore_mem>>)
      } else {
      }
      %ge3A = arith.constant 1 : i32
      %ge3A_95 = arith.cmpi sge, %add3A_90, %ge3A : i32
      %le3A_96 = arith.constant 125 : i32
      %le3A_97 = arith.cmpi sle, %add3A_90, %le3A_96 : i32
      %and3A = arith.andi %ge3A_95, %le3A_97 : i1
      %convert_element_type3A_98 = arith.extui %and3A : i1 to i32
      %cond3A_99 = arith.constant 0 : i32
      %cond3A_100 = arith.cmpi ne, %convert_element_type3A_98, %cond3A_99 : i32
      scf.if %cond3A_100 {
        %dma_wait3A_153 = arith.constant 0 : i32
        %dma_wait3A_154 = arith.constant 0 : i32
        %dma_wait3A_155 = tpu.memref_slice %arg15[%dma_wait3A_153, %dma_wait3A_154] : memref<2x80xi32, #tpu.memory_space<vmem>> -> memref<1x80xi32, #tpu.memory_space<vmem>>
        %dma_wait3A_156 = tpu.memref_squeeze %dma_wait3A_155 : memref<1x80xi32, #tpu.memory_space<vmem>> -> memref<80xi32, #tpu.memory_space<vmem>>
        %dma_wait3A_157 = arith.constant 0 : i32
        %dma_wait3A_158 = arith.constant 0 : i32
        %dma_wait3A_159 = tpu.memref_slice %arg5[%dma_wait3A_157, %dma_wait3A_158] : memref<10000x128xf32, #tpu.memory_space<hbm>> -> memref<10000x128xf32, #tpu.memory_space<hbm>>
        tpu.wait_indirect_dma semaphore(%arg26 : memref<!tpu.dma_semaphore, #tpu.memory_space<semaphore_mem>>) src(%dma_wait3A_159 : memref<10000x128xf32, #tpu.memory_space<hbm>>) dst(%arg11 : memref<80x128xf32, #tpu.memory_space<vmem>>)
        %parallel_loop3A = arith.constant 0 : i32
        %parallel_loop3A_160 = arith.constant 80 : i32
        %parallel_loop3A_161 = arith.constant 1 : i32
        scf.for %parallel_loop3A_172 = %parallel_loop3A to %parallel_loop3A_160 step %parallel_loop3A_161  : i32 {
          %parallel_loop3A_173 = vector.broadcast %parallel_loop3A_172 : i32 to vector<16xi32>
          %parallel_loop3A_174 = tpu.vector_load_idx %arg17[%parallel_loop3A_173] : memref<80xf32, #tpu.memory_space<vmem>>[vector<16xi32>], vector<16xf32>,
          %parallel_loop3A_175 = arith.index_cast %parallel_loop3A_172 : i32 to index
          %parallel_loop3A_176 = arith.constant 0 : index
          %parallel_loop3A_177 = tpu.vector_load %arg11[%parallel_loop3A_175, %parallel_loop3A_176] {strides = array<i32>} : memref<80x128xf32, #tpu.memory_space<vmem>>, vector<16xf32>,
          %parallel_loop3A_178 = arith.mulf %parallel_loop3A_177, %parallel_loop3A_174 : vector<16xf32>
          %parallel_loop3A_179 = arith.index_cast %parallel_loop3A_172 : i32 to index
          %parallel_loop3A_180 = arith.constant 0 : index
          %parallel_loop3A_181 = tpu.vector_load %arg11[%parallel_loop3A_179, %parallel_loop3A_180] {strides = array<i32>} : memref<80x128xf32, #tpu.memory_space<vmem>>, vector<16xf32>,
          tpu.vector_store %arg11[%parallel_loop3A_179, %parallel_loop3A_180], %parallel_loop3A_178 {strides = array<i32>} : memref<80x128xf32, #tpu.memory_space<vmem>>, vector<16xf32>,
          %parallel_loop3A_182 = arith.index_cast %parallel_loop3A_172 : i32 to index
          %parallel_loop3A_183 = arith.constant 16 : index
          %parallel_loop3A_184 = tpu.vector_load %arg11[%parallel_loop3A_182, %parallel_loop3A_183] {strides = array<i32>} : memref<80x128xf32, #tpu.memory_space<vmem>>, vector<16xf32>,
          %parallel_loop3A_185 = arith.mulf %parallel_loop3A_184, %parallel_loop3A_174 : vector<16xf32>
          %parallel_loop3A_186 = arith.index_cast %parallel_loop3A_172 : i32 to index
          %parallel_loop3A_187 = arith.constant 16 : index
          %parallel_loop3A_188 = tpu.vector_load %arg11[%parallel_loop3A_186, %parallel_loop3A_187] {strides = array<i32>} : memref<80x128xf32, #tpu.memory_space<vmem>>, vector<16xf32>,
          tpu.vector_store %arg11[%parallel_loop3A_186, %parallel_loop3A_187], %parallel_loop3A_185 {strides = array<i32>} : memref<80x128xf32, #tpu.memory_space<vmem>>, vector<16xf32>,
          %parallel_loop3A_189 = arith.index_cast %parallel_loop3A_172 : i32 to index
          %parallel_loop3A_190 = arith.constant 32 : index
          %parallel_loop3A_191 = tpu.vector_load %arg11[%parallel_loop3A_189, %parallel_loop3A_190] {strides = array<i32>} : memref<80x128xf32, #tpu.memory_space<vmem>>, vector<16xf32>,
          %parallel_loop3A_192 = arith.mulf %parallel_loop3A_191, %parallel_loop3A_174 : vector<16xf32>
          %parallel_loop3A_193 = arith.index_cast %parallel_loop3A_172 : i32 to index
          %parallel_loop3A_194 = arith.constant 32 : index
          %parallel_loop3A_195 = tpu.vector_load %arg11[%parallel_loop3A_193, %parallel_loop3A_194] {strides = array<i32>} : memref<80x128xf32, #tpu.memory_space<vmem>>, vector<16xf32>,
          tpu.vector_store %arg11[%parallel_loop3A_193, %parallel_loop3A_194], %parallel_loop3A_192 {strides = array<i32>} : memref<80x128xf32, #tpu.memory_space<vmem>>, vector<16xf32>,
          %parallel_loop3A_196 = arith.index_cast %parallel_loop3A_172 : i32 to index
          %parallel_loop3A_197 = arith.constant 48 : index
          %parallel_loop3A_198 = tpu.vector_load %arg11[%parallel_loop3A_196, %parallel_loop3A_197] {strides = array<i32>} : memref<80x128xf32, #tpu.memory_space<vmem>>, vector<16xf32>,
          %parallel_loop3A_199 = arith.mulf %parallel_loop3A_198, %parallel_loop3A_174 : vector<16xf32>
          %parallel_loop3A_200 = arith.index_cast %parallel_loop3A_172 : i32 to index
          %parallel_loop3A_201 = arith.constant 48 : index
          %parallel_loop3A_202 = tpu.vector_load %arg11[%parallel_loop3A_200, %parallel_loop3A_201] {strides = array<i32>} : memref<80x128xf32, #tpu.memory_space<vmem>>, vector<16xf32>,
          tpu.vector_store %arg11[%parallel_loop3A_200, %parallel_loop3A_201], %parallel_loop3A_199 {strides = array<i32>} : memref<80x128xf32, #tpu.memory_space<vmem>>, vector<16xf32>,
          %parallel_loop3A_203 = arith.index_cast %parallel_loop3A_172 : i32 to index
          %parallel_loop3A_204 = arith.constant 64 : index
          %parallel_loop3A_205 = tpu.vector_load %arg11[%parallel_loop3A_203, %parallel_loop3A_204] {strides = array<i32>} : memref<80x128xf32, #tpu.memory_space<vmem>>, vector<16xf32>,
          %parallel_loop3A_206 = arith.mulf %parallel_loop3A_205, %parallel_loop3A_174 : vector<16xf32>
          %parallel_loop3A_207 = arith.index_cast %parallel_loop3A_172 : i32 to index
          %parallel_loop3A_208 = arith.constant 64 : index
          %parallel_loop3A_209 = tpu.vector_load %arg11[%parallel_loop3A_207, %parallel_loop3A_208] {strides = array<i32>} : memref<80x128xf32, #tpu.memory_space<vmem>>, vector<16xf32>,
          tpu.vector_store %arg11[%parallel_loop3A_207, %parallel_loop3A_208], %parallel_loop3A_206 {strides = array<i32>} : memref<80x128xf32, #tpu.memory_space<vmem>>, vector<16xf32>,
          %parallel_loop3A_210 = arith.index_cast %parallel_loop3A_172 : i32 to index
          %parallel_loop3A_211 = arith.constant 80 : index
          %parallel_loop3A_212 = tpu.vector_load %arg11[%parallel_loop3A_210, %parallel_loop3A_211] {strides = array<i32>} : memref<80x128xf32, #tpu.memory_space<vmem>>, vector<16xf32>,
          %parallel_loop3A_213 = arith.mulf %parallel_loop3A_212, %parallel_loop3A_174 : vector<16xf32>
          %parallel_loop3A_214 = arith.index_cast %parallel_loop3A_172 : i32 to index
          %parallel_loop3A_215 = arith.constant 80 : index
          %parallel_loop3A_216 = tpu.vector_load %arg11[%parallel_loop3A_214, %parallel_loop3A_215] {strides = array<i32>} : memref<80x128xf32, #tpu.memory_space<vmem>>, vector<16xf32>,
          tpu.vector_store %arg11[%parallel_loop3A_214, %parallel_loop3A_215], %parallel_loop3A_213 {strides = array<i32>} : memref<80x128xf32, #tpu.memory_space<vmem>>, vector<16xf32>,
          %parallel_loop3A_217 = arith.index_cast %parallel_loop3A_172 : i32 to index
          %parallel_loop3A_218 = arith.constant 96 : index
          %parallel_loop3A_219 = tpu.vector_load %arg11[%parallel_loop3A_217, %parallel_loop3A_218] {strides = array<i32>} : memref<80x128xf32, #tpu.memory_space<vmem>>, vector<16xf32>,
          %parallel_loop3A_220 = arith.mulf %parallel_loop3A_219, %parallel_loop3A_174 : vector<16xf32>
          %parallel_loop3A_221 = arith.index_cast %parallel_loop3A_172 : i32 to index
          %parallel_loop3A_222 = arith.constant 96 : index
          %parallel_loop3A_223 = tpu.vector_load %arg11[%parallel_loop3A_221, %parallel_loop3A_222] {strides = array<i32>} : memref<80x128xf32, #tpu.memory_space<vmem>>, vector<16xf32>,
          tpu.vector_store %arg11[%parallel_loop3A_221, %parallel_loop3A_222], %parallel_loop3A_220 {strides = array<i32>} : memref<80x128xf32, #tpu.memory_space<vmem>>, vector<16xf32>,
          %parallel_loop3A_224 = arith.index_cast %parallel_loop3A_172 : i32 to index
          %parallel_loop3A_225 = arith.constant 112 : index
          %parallel_loop3A_226 = tpu.vector_load %arg11[%parallel_loop3A_224, %parallel_loop3A_225] {strides = array<i32>} : memref<80x128xf32, #tpu.memory_space<vmem>>, vector<16xf32>,
          %parallel_loop3A_227 = arith.mulf %parallel_loop3A_226, %parallel_loop3A_174 : vector<16xf32>
          %parallel_loop3A_228 = arith.index_cast %parallel_loop3A_172 : i32 to index
          %parallel_loop3A_229 = arith.constant 112 : index
          %parallel_loop3A_230 = tpu.vector_load %arg11[%parallel_loop3A_228, %parallel_loop3A_229] {strides = array<i32>} : memref<80x128xf32, #tpu.memory_space<vmem>>, vector<16xf32>,
          tpu.vector_store %arg11[%parallel_loop3A_228, %parallel_loop3A_229], %parallel_loop3A_227 {strides = array<i32>} : memref<80x128xf32, #tpu.memory_space<vmem>>, vector<16xf32>,
        } {sc.loop_unroll_factor = 4 : i64, sc.parallel_access}
        %dma_start3A_162 = arith.constant 0 : i32
        %dma_start3A_163 = arith.constant 0 : i32
        %dma_start3A_164 = tpu.memref_slice %arg31[%dma_start3A_162, %dma_start3A_163] : memref<10000x128xf32, #tpu.memory_space<vmem_shared>> -> memref<10000x128xf32, #tpu.memory_space<vmem_shared>>
        tpu.enqueue_indirect_dma source(%arg11 : memref<80x128xf32, #tpu.memory_space<vmem>>) target(%dma_start3A_164 : memref<10000x128xf32, #tpu.memory_space<vmem_shared>>) offsets(%arg19 : memref<80xi32, #tpu.memory_space<vmem>>) semaphore(%arg28 : memref<!tpu.dma_semaphore, #tpu.memory_space<semaphore_mem>>) {add = true}
        %add3A_165 = arith.constant 3 : i32
        %add3A_166 = arith.addi %add3A_90, %add3A_165 : i32
        %le3A_167 = arith.constant 124 : i32
        %le3A_168 = arith.cmpi sle, %add3A_166, %le3A_167 : i32
        %convert_element_type3A_169 = arith.extui %le3A_168 : i1 to i32
        %cond3A_170 = arith.constant 0 : i32
        %cond3A_171 = arith.cmpi ne, %convert_element_type3A_169, %cond3A_170 : i32
        scf.if %cond3A_171 {
          %add3A_172 = arith.constant 3 : i32
          %add3A_173 = arith.addi %add3A_90, %add3A_172 : i32
          %dma_start3A_174 = arith.constant 0 : i32
          %dma_start3A_175 = arith.constant 0 : i32
          %dma_start3A_176 = tpu.memref_slice %arg2[%add3A, %add3A_173, %dma_start3A_174, %dma_start3A_175] : memref<32x125x2x80xi32, #tpu.memory_space<hbm>> -> memref<1x1x2x80xi32, #tpu.memory_space<hbm>>
          %dma_start3A_177 = tpu.memref_squeeze %dma_start3A_176 : memref<1x1x2x80xi32, #tpu.memory_space<hbm>> -> memref<2x80xi32, #tpu.memory_space<hbm>>
          %dma_start3A_178 = arith.constant 0 : i32
          %dma_start3A_179 = arith.constant 0 : i32
          %dma_start3A_180 = tpu.memref_slice %arg2[%add3A, %add3A_173, %dma_start3A_178, %dma_start3A_179] : memref<32x125x2x80xi32, #tpu.memory_space<hbm>> -> memref<1x1x2x80xi32, #tpu.memory_space<hbm>>
          %dma_start3A_181 = tpu.memref_squeeze %dma_start3A_180 : memref<1x1x2x80xi32, #tpu.memory_space<hbm>> -> memref<2x80xi32, #tpu.memory_space<hbm>>
          tpu.enqueue_dma source(%dma_start3A_181 : memref<2x80xi32, #tpu.memory_space<hbm>>) target(%arg15 : memref<2x80xi32, #tpu.memory_space<vmem>>) target_semaphore(%arg24 : memref<!tpu.dma_semaphore, #tpu.memory_space<semaphore_mem>>)
        } else {
        }
      } else {
      }
      %mul3A_101 = arith.constant 4 : i32
      %mul3A_102 = arith.muli %scan3A_85, %mul3A_101 : i32
      %add3A_103 = arith.constant 1 : i32
      %add3A_104 = arith.addi %mul3A_102, %add3A_103 : i32
      %le3A_105 = arith.constant 124 : i32
      %le3A_106 = arith.cmpi sle, %add3A_104, %le3A_105 : i32
      %convert_element_type3A_107 = arith.extui %le3A_106 : i1 to i32
      %cond3A_108 = arith.constant 0 : i32
      %cond3A_109 = arith.cmpi ne, %convert_element_type3A_107, %cond3A_108 : i32
      scf.if %cond3A_109 {
        %dma_wait3A_153 = arith.constant 0 : i32
        %dma_wait3A_154 = arith.constant 0 : i32
        %dma_wait3A_155 = tpu.memref_slice %arg2[%add3A, %add3A_104, %dma_wait3A_153, %dma_wait3A_154] : memref<32x125x2x80xi32, #tpu.memory_space<hbm>> -> memref<1x1x2x80xi32, #tpu.memory_space<hbm>>
        %dma_wait3A_156 = tpu.memref_squeeze %dma_wait3A_155 : memref<1x1x2x80xi32, #tpu.memory_space<hbm>> -> memref<2x80xi32, #tpu.memory_space<hbm>>
        %dma_wait3A_157 = arith.constant 0 : i32
        %dma_wait3A_158 = arith.constant 0 : i32
        %dma_wait3A_159 = tpu.memref_slice %arg2[%add3A, %add3A_104, %dma_wait3A_157, %dma_wait3A_158] : memref<32x125x2x80xi32, #tpu.memory_space<hbm>> -> memref<1x1x2x80xi32, #tpu.memory_space<hbm>>
        %dma_wait3A_160 = tpu.memref_squeeze %dma_wait3A_159 : memref<1x1x2x80xi32, #tpu.memory_space<hbm>> -> memref<2x80xi32, #tpu.memory_space<hbm>>
        tpu.wait_dma2 semaphore(%arg22 : memref<!tpu.dma_semaphore, #tpu.memory_space<semaphore_mem>>) src(%dma_wait3A_160 : memref<2x80xi32, #tpu.memory_space<hbm>>) dst(%arg13 : memref<2x80xi32, #tpu.memory_space<vmem>>)
        %ge3A_161 = arith.constant 2 : i32
        %ge3A_162 = arith.cmpi sge, %add3A_104, %ge3A_161 : i32
        %convert_element_type3A_163 = arith.extui %ge3A_162 : i1 to i32
        %cond3A_164 = arith.constant 0 : i32
        %cond3A_165 = arith.cmpi ne, %convert_element_type3A_163, %cond3A_164 : i32
        scf.if %cond3A_165 {
          %dma_wait3A_271 = arith.constant 0 : i32
          %dma_wait3A_272 = tpu.memref_slice %arg32[%dma_wait3A_271] : memref<10000xf32, #tpu.memory_space<vmem_shared>> -> memref<10000xf32, #tpu.memory_space<vmem_shared>>
          tpu.wait_indirect_dma semaphore(%arg30 : memref<!tpu.dma_semaphore, #tpu.memory_space<semaphore_mem>>) src(%arg17 : memref<80xf32, #tpu.memory_space<vmem>>) dst(%dma_wait3A_272 : memref<10000xf32, #tpu.memory_space<vmem_shared>>)
          %dma_wait3A_273 = arith.constant 0 : i32
          %dma_wait3A_274 = arith.constant 0 : i32
          %dma_wait3A_275 = tpu.memref_slice %arg31[%dma_wait3A_273, %dma_wait3A_274] : memref<10000x128xf32, #tpu.memory_space<vmem_shared>> -> memref<10000x128xf32, #tpu.memory_space<vmem_shared>>
          tpu.wait_indirect_dma semaphore(%arg28 : memref<!tpu.dma_semaphore, #tpu.memory_space<semaphore_mem>>) src(%arg11 : memref<80x128xf32, #tpu.memory_space<vmem>>) dst(%dma_wait3A_275 : memref<10000x128xf32, #tpu.memory_space<vmem_shared>>)
        } else {
        }
        %get3A = arith.constant 0 : i32
        %get3A_166 = arith.index_cast %get3A : i32 to index
        %get3A_167 = arith.constant 0 : index
        %get3A_168 = tpu.vector_load %arg13[%get3A_166, %get3A_167] {strides = array<i32>} : memref<2x80xi32, #tpu.memory_space<vmem>>, vector<16xi32>,
        %get3A_169 = arith.constant 1 : i32
        %get3A_170 = arith.index_cast %get3A_169 : i32 to index
        %get3A_171 = arith.constant 0 : index
        %get3A_172 = tpu.vector_load %arg13[%get3A_170, %get3A_171] {strides = array<i32>} : memref<2x80xi32, #tpu.memory_space<vmem>>, vector<16xi32>,
        %gather3A = tpu.vector_load_idx %arg8[%get3A_168] : memref<10000xf32, #tpu.memory_space<vmem>>[vector<16xi32>], vector<16xf32>,
        %gather3A_173 = tpu.vector_load_idx %arg9[%get3A_172] : memref<10000xf32, #tpu.memory_space<vmem>>[vector<16xi32>], vector<16xf32>,
        %add3A_174 = arith.addf %gather3A, %gather3A_173 : vector<16xf32>
        %mul3A_175 = arith.constant 2.000000e-01 : f32
        %mul3A_176 = vector.broadcast %mul3A_175 : f32 to vector<16xf32>
        %mul3A_177 = arith.mulf %mul3A_176, %add3A_174 : vector<16xf32>
        %max3A = arith.maximumf %add3A_174, %mul3A_177 : vector<16xf32>
        %exp3A = math.exp %max3A : vector<16xf32>
        %swap3A_178 = arith.constant 0 : index
        %swap3A_179 = tpu.vector_load %arg17[%swap3A_178] {strides = array<i32>} : memref<80xf32, #tpu.memory_space<vmem>>, vector<16xf32>,
        tpu.vector_store %arg17[%swap3A_178], %exp3A {strides = array<i32>} : memref<80xf32, #tpu.memory_space<vmem>>, vector<16xf32>,
        %swap3A_180 = arith.constant 0 : index
        %swap3A_181 = tpu.vector_load %arg19[%swap3A_180] {strides = array<i32>} : memref<80xi32, #tpu.memory_space<vmem>>, vector<16xi32>,
        tpu.vector_store %arg19[%swap3A_180], %get3A_172 {strides = array<i32>} : memref<80xi32, #tpu.memory_space<vmem>>, vector<16xi32>,
        %get3A_182 = arith.constant 0 : i32
        %get3A_183 = arith.index_cast %get3A_182 : i32 to index
        %get3A_184 = arith.constant 16 : index
        %get3A_185 = tpu.vector_load %arg13[%get3A_183, %get3A_184] {strides = array<i32>} : memref<2x80xi32, #tpu.memory_space<vmem>>, vector<16xi32>,
        %get3A_186 = arith.constant 1 : i32
        %get3A_187 = arith.index_cast %get3A_186 : i32 to index
        %get3A_188 = arith.constant 16 : index
        %get3A_189 = tpu.vector_load %arg13[%get3A_187, %get3A_188] {strides = array<i32>} : memref<2x80xi32, #tpu.memory_space<vmem>>, vector<16xi32>,
        %gather3A_190 = tpu.vector_load_idx %arg8[%get3A_185] : memref<10000xf32, #tpu.memory_space<vmem>>[vector<16xi32>], vector<16xf32>,
        %gather3A_191 = tpu.vector_load_idx %arg9[%get3A_189] : memref<10000xf32, #tpu.memory_space<vmem>>[vector<16xi32>], vector<16xf32>,
        %add3A_192 = arith.addf %gather3A_190, %gather3A_191 : vector<16xf32>
        %mul3A_193 = arith.constant 2.000000e-01 : f32
        %mul3A_194 = vector.broadcast %mul3A_193 : f32 to vector<16xf32>
        %mul3A_195 = arith.mulf %mul3A_194, %add3A_192 : vector<16xf32>
        %max3A_196 = arith.maximumf %add3A_192, %mul3A_195 : vector<16xf32>
        %exp3A_197 = math.exp %max3A_196 : vector<16xf32>
        %swap3A_198 = arith.constant 16 : index
        %swap3A_199 = tpu.vector_load %arg17[%swap3A_198] {strides = array<i32>} : memref<80xf32, #tpu.memory_space<vmem>>, vector<16xf32>,
        tpu.vector_store %arg17[%swap3A_198], %exp3A_197 {strides = array<i32>} : memref<80xf32, #tpu.memory_space<vmem>>, vector<16xf32>,
        %swap3A_200 = arith.constant 16 : index
        %swap3A_201 = tpu.vector_load %arg19[%swap3A_200] {strides = array<i32>} : memref<80xi32, #tpu.memory_space<vmem>>, vector<16xi32>,
        tpu.vector_store %arg19[%swap3A_200], %get3A_189 {strides = array<i32>} : memref<80xi32, #tpu.memory_space<vmem>>, vector<16xi32>,
        %get3A_202 = arith.constant 0 : i32
        %get3A_203 = arith.index_cast %get3A_202 : i32 to index
        %get3A_204 = arith.constant 32 : index
        %get3A_205 = tpu.vector_load %arg13[%get3A_203, %get3A_204] {strides = array<i32>} : memref<2x80xi32, #tpu.memory_space<vmem>>, vector<16xi32>,
        %get3A_206 = arith.constant 1 : i32
        %get3A_207 = arith.index_cast %get3A_206 : i32 to index
        %get3A_208 = arith.constant 32 : index
        %get3A_209 = tpu.vector_load %arg13[%get3A_207, %get3A_208] {strides = array<i32>} : memref<2x80xi32, #tpu.memory_space<vmem>>, vector<16xi32>,
        %gather3A_210 = tpu.vector_load_idx %arg8[%get3A_205] : memref<10000xf32, #tpu.memory_space<vmem>>[vector<16xi32>], vector<16xf32>,
        %gather3A_211 = tpu.vector_load_idx %arg9[%get3A_209] : memref<10000xf32, #tpu.memory_space<vmem>>[vector<16xi32>], vector<16xf32>,
        %add3A_212 = arith.addf %gather3A_210, %gather3A_211 : vector<16xf32>
        %mul3A_213 = arith.constant 2.000000e-01 : f32
        %mul3A_214 = vector.broadcast %mul3A_213 : f32 to vector<16xf32>
        %mul3A_215 = arith.mulf %mul3A_214, %add3A_212 : vector<16xf32>
        %max3A_216 = arith.maximumf %add3A_212, %mul3A_215 : vector<16xf32>
        %exp3A_217 = math.exp %max3A_216 : vector<16xf32>
        %swap3A_218 = arith.constant 32 : index
        %swap3A_219 = tpu.vector_load %arg17[%swap3A_218] {strides = array<i32>} : memref<80xf32, #tpu.memory_space<vmem>>, vector<16xf32>,
        tpu.vector_store %arg17[%swap3A_218], %exp3A_217 {strides = array<i32>} : memref<80xf32, #tpu.memory_space<vmem>>, vector<16xf32>,
        %swap3A_220 = arith.constant 32 : index
        %swap3A_221 = tpu.vector_load %arg19[%swap3A_220] {strides = array<i32>} : memref<80xi32, #tpu.memory_space<vmem>>, vector<16xi32>,
        tpu.vector_store %arg19[%swap3A_220], %get3A_209 {strides = array<i32>} : memref<80xi32, #tpu.memory_space<vmem>>, vector<16xi32>,
        %get3A_222 = arith.constant 0 : i32
        %get3A_223 = arith.index_cast %get3A_222 : i32 to index
        %get3A_224 = arith.constant 48 : index
        %get3A_225 = tpu.vector_load %arg13[%get3A_223, %get3A_224] {strides = array<i32>} : memref<2x80xi32, #tpu.memory_space<vmem>>, vector<16xi32>,
        %get3A_226 = arith.constant 1 : i32
        %get3A_227 = arith.index_cast %get3A_226 : i32 to index
        %get3A_228 = arith.constant 48 : index
        %get3A_229 = tpu.vector_load %arg13[%get3A_227, %get3A_228] {strides = array<i32>} : memref<2x80xi32, #tpu.memory_space<vmem>>, vector<16xi32>,
        %gather3A_230 = tpu.vector_load_idx %arg8[%get3A_225] : memref<10000xf32, #tpu.memory_space<vmem>>[vector<16xi32>], vector<16xf32>,
        %gather3A_231 = tpu.vector_load_idx %arg9[%get3A_229] : memref<10000xf32, #tpu.memory_space<vmem>>[vector<16xi32>], vector<16xf32>,
        %add3A_232 = arith.addf %gather3A_230, %gather3A_231 : vector<16xf32>
        %mul3A_233 = arith.constant 2.000000e-01 : f32
        %mul3A_234 = vector.broadcast %mul3A_233 : f32 to vector<16xf32>
        %mul3A_235 = arith.mulf %mul3A_234, %add3A_232 : vector<16xf32>
        %max3A_236 = arith.maximumf %add3A_232, %mul3A_235 : vector<16xf32>
        %exp3A_237 = math.exp %max3A_236 : vector<16xf32>
        %swap3A_238 = arith.constant 48 : index
        %swap3A_239 = tpu.vector_load %arg17[%swap3A_238] {strides = array<i32>} : memref<80xf32, #tpu.memory_space<vmem>>, vector<16xf32>,
        tpu.vector_store %arg17[%swap3A_238], %exp3A_237 {strides = array<i32>} : memref<80xf32, #tpu.memory_space<vmem>>, vector<16xf32>,
        %swap3A_240 = arith.constant 48 : index
        %swap3A_241 = tpu.vector_load %arg19[%swap3A_240] {strides = array<i32>} : memref<80xi32, #tpu.memory_space<vmem>>, vector<16xi32>,
        tpu.vector_store %arg19[%swap3A_240], %get3A_229 {strides = array<i32>} : memref<80xi32, #tpu.memory_space<vmem>>, vector<16xi32>,
        %get3A_242 = arith.constant 0 : i32
        %get3A_243 = arith.index_cast %get3A_242 : i32 to index
        %get3A_244 = arith.constant 64 : index
        %get3A_245 = tpu.vector_load %arg13[%get3A_243, %get3A_244] {strides = array<i32>} : memref<2x80xi32, #tpu.memory_space<vmem>>, vector<16xi32>,
        %get3A_246 = arith.constant 1 : i32
        %get3A_247 = arith.index_cast %get3A_246 : i32 to index
        %get3A_248 = arith.constant 64 : index
        %get3A_249 = tpu.vector_load %arg13[%get3A_247, %get3A_248] {strides = array<i32>} : memref<2x80xi32, #tpu.memory_space<vmem>>, vector<16xi32>,
        %gather3A_250 = tpu.vector_load_idx %arg8[%get3A_245] : memref<10000xf32, #tpu.memory_space<vmem>>[vector<16xi32>], vector<16xf32>,
        %gather3A_251 = tpu.vector_load_idx %arg9[%get3A_249] : memref<10000xf32, #tpu.memory_space<vmem>>[vector<16xi32>], vector<16xf32>,
        %add3A_252 = arith.addf %gather3A_250, %gather3A_251 : vector<16xf32>
        %mul3A_253 = arith.constant 2.000000e-01 : f32
        %mul3A_254 = vector.broadcast %mul3A_253 : f32 to vector<16xf32>
        %mul3A_255 = arith.mulf %mul3A_254, %add3A_252 : vector<16xf32>
        %max3A_256 = arith.maximumf %add3A_252, %mul3A_255 : vector<16xf32>
        %exp3A_257 = math.exp %max3A_256 : vector<16xf32>
        %swap3A_258 = arith.constant 64 : index
        %swap3A_259 = tpu.vector_load %arg17[%swap3A_258] {strides = array<i32>} : memref<80xf32, #tpu.memory_space<vmem>>, vector<16xf32>,
        tpu.vector_store %arg17[%swap3A_258], %exp3A_257 {strides = array<i32>} : memref<80xf32, #tpu.memory_space<vmem>>, vector<16xf32>,
        %swap3A_260 = arith.constant 64 : index
        %swap3A_261 = tpu.vector_load %arg19[%swap3A_260] {strides = array<i32>} : memref<80xi32, #tpu.memory_space<vmem>>, vector<16xi32>,
        tpu.vector_store %arg19[%swap3A_260], %get3A_249 {strides = array<i32>} : memref<80xi32, #tpu.memory_space<vmem>>, vector<16xi32>,
        %dma_start3A_262 = arith.constant 0 : i32
        %dma_start3A_263 = tpu.memref_slice %arg32[%dma_start3A_262] : memref<10000xf32, #tpu.memory_space<vmem_shared>> -> memref<10000xf32, #tpu.memory_space<vmem_shared>>
        tpu.enqueue_indirect_dma source(%arg17 : memref<80xf32, #tpu.memory_space<vmem>>) target(%dma_start3A_263 : memref<10000xf32, #tpu.memory_space<vmem_shared>>) offsets(%arg19 : memref<80xi32, #tpu.memory_space<vmem>>) semaphore(%arg30 : memref<!tpu.dma_semaphore, #tpu.memory_space<semaphore_mem>>) {add = true}
        %dma_start3A_264 = arith.constant 0 : i32
        %dma_start3A_265 = arith.constant 0 : i32
        %dma_start3A_266 = tpu.memref_slice %arg13[%dma_start3A_264, %dma_start3A_265] : memref<2x80xi32, #tpu.memory_space<vmem>> -> memref<1x80xi32, #tpu.memory_space<vmem>>
        %dma_start3A_267 = tpu.memref_squeeze %dma_start3A_266 : memref<1x80xi32, #tpu.memory_space<vmem>> -> memref<80xi32, #tpu.memory_space<vmem>>
        %dma_start3A_268 = arith.constant 0 : i32
        %dma_start3A_269 = arith.constant 0 : i32
        %dma_start3A_270 = tpu.memref_slice %arg5[%dma_start3A_268, %dma_start3A_269] : memref<10000x128xf32, #tpu.memory_space<hbm>> -> memref<10000x128xf32, #tpu.memory_space<hbm>>
        tpu.enqueue_indirect_dma source(%dma_start3A_270 : memref<10000x128xf32, #tpu.memory_space<hbm>>) target(%arg11 : memref<80x128xf32, #tpu.memory_space<vmem>>) offsets(%dma_start3A_267 : memref<80xi32, #tpu.memory_space<vmem>>) semaphore(%arg26 : memref<!tpu.dma_semaphore, #tpu.memory_space<semaphore_mem>>)
      } else {
      }
      %ge3A_110 = arith.constant 1 : i32
      %ge3A_111 = arith.cmpi sge, %add3A_104, %ge3A_110 : i32
      %le3A_112 = arith.constant 125 : i32
      %le3A_113 = arith.cmpi sle, %add3A_104, %le3A_112 : i32
      %and3A_114 = arith.andi %ge3A_111, %le3A_113 : i1
      %convert_element_type3A_115 = arith.extui %and3A_114 : i1 to i32
      %cond3A_116 = arith.constant 0 : i32
      %cond3A_117 = arith.cmpi ne, %convert_element_type3A_115, %cond3A_116 : i32
      scf.if %cond3A_117 {
        %dma_wait3A_153 = arith.constant 0 : i32
        %dma_wait3A_154 = arith.constant 0 : i32
        %dma_wait3A_155 = tpu.memref_slice %arg12[%dma_wait3A_153, %dma_wait3A_154] : memref<2x80xi32, #tpu.memory_space<vmem>> -> memref<1x80xi32, #tpu.memory_space<vmem>>
        %dma_wait3A_156 = tpu.memref_squeeze %dma_wait3A_155 : memref<1x80xi32, #tpu.memory_space<vmem>> -> memref<80xi32, #tpu.memory_space<vmem>>
        %dma_wait3A_157 = arith.constant 0 : i32
        %dma_wait3A_158 = arith.constant 0 : i32
        %dma_wait3A_159 = tpu.memref_slice %arg5[%dma_wait3A_157, %dma_wait3A_158] : memref<10000x128xf32, #tpu.memory_space<hbm>> -> memref<10000x128xf32, #tpu.memory_space<hbm>>
        tpu.wait_indirect_dma semaphore(%arg25 : memref<!tpu.dma_semaphore, #tpu.memory_space<semaphore_mem>>) src(%dma_wait3A_159 : memref<10000x128xf32, #tpu.memory_space<hbm>>) dst(%arg10 : memref<80x128xf32, #tpu.memory_space<vmem>>)
        %parallel_loop3A = arith.constant 0 : i32
        %parallel_loop3A_160 = arith.constant 80 : i32
        %parallel_loop3A_161 = arith.constant 1 : i32
        scf.for %parallel_loop3A_172 = %parallel_loop3A to %parallel_loop3A_160 step %parallel_loop3A_161  : i32 {
          %parallel_loop3A_173 = vector.broadcast %parallel_loop3A_172 : i32 to vector<16xi32>
          %parallel_loop3A_174 = tpu.vector_load_idx %arg16[%parallel_loop3A_173] : memref<80xf32, #tpu.memory_space<vmem>>[vector<16xi32>], vector<16xf32>,
          %parallel_loop3A_175 = arith.index_cast %parallel_loop3A_172 : i32 to index
          %parallel_loop3A_176 = arith.constant 0 : index
          %parallel_loop3A_177 = tpu.vector_load %arg10[%parallel_loop3A_175, %parallel_loop3A_176] {strides = array<i32>} : memref<80x128xf32, #tpu.memory_space<vmem>>, vector<16xf32>,
          %parallel_loop3A_178 = arith.mulf %parallel_loop3A_177, %parallel_loop3A_174 : vector<16xf32>
          %parallel_loop3A_179 = arith.index_cast %parallel_loop3A_172 : i32 to index
          %parallel_loop3A_180 = arith.constant 0 : index
          %parallel_loop3A_181 = tpu.vector_load %arg10[%parallel_loop3A_179, %parallel_loop3A_180] {strides = array<i32>} : memref<80x128xf32, #tpu.memory_space<vmem>>, vector<16xf32>,
          tpu.vector_store %arg10[%parallel_loop3A_179, %parallel_loop3A_180], %parallel_loop3A_178 {strides = array<i32>} : memref<80x128xf32, #tpu.memory_space<vmem>>, vector<16xf32>,
          %parallel_loop3A_182 = arith.index_cast %parallel_loop3A_172 : i32 to index
          %parallel_loop3A_183 = arith.constant 16 : index
          %parallel_loop3A_184 = tpu.vector_load %arg10[%parallel_loop3A_182, %parallel_loop3A_183] {strides = array<i32>} : memref<80x128xf32, #tpu.memory_space<vmem>>, vector<16xf32>,
          %parallel_loop3A_185 = arith.mulf %parallel_loop3A_184, %parallel_loop3A_174 : vector<16xf32>
          %parallel_loop3A_186 = arith.index_cast %parallel_loop3A_172 : i32 to index
          %parallel_loop3A_187 = arith.constant 16 : index
          %parallel_loop3A_188 = tpu.vector_load %arg10[%parallel_loop3A_186, %parallel_loop3A_187] {strides = array<i32>} : memref<80x128xf32, #tpu.memory_space<vmem>>, vector<16xf32>,
          tpu.vector_store %arg10[%parallel_loop3A_186, %parallel_loop3A_187], %parallel_loop3A_185 {strides = array<i32>} : memref<80x128xf32, #tpu.memory_space<vmem>>, vector<16xf32>,
          %parallel_loop3A_189 = arith.index_cast %parallel_loop3A_172 : i32 to index
          %parallel_loop3A_190 = arith.constant 32 : index
          %parallel_loop3A_191 = tpu.vector_load %arg10[%parallel_loop3A_189, %parallel_loop3A_190] {strides = array<i32>} : memref<80x128xf32, #tpu.memory_space<vmem>>, vector<16xf32>,
          %parallel_loop3A_192 = arith.mulf %parallel_loop3A_191, %parallel_loop3A_174 : vector<16xf32>
          %parallel_loop3A_193 = arith.index_cast %parallel_loop3A_172 : i32 to index
          %parallel_loop3A_194 = arith.constant 32 : index
          %parallel_loop3A_195 = tpu.vector_load %arg10[%parallel_loop3A_193, %parallel_loop3A_194] {strides = array<i32>} : memref<80x128xf32, #tpu.memory_space<vmem>>, vector<16xf32>,
          tpu.vector_store %arg10[%parallel_loop3A_193, %parallel_loop3A_194], %parallel_loop3A_192 {strides = array<i32>} : memref<80x128xf32, #tpu.memory_space<vmem>>, vector<16xf32>,
          %parallel_loop3A_196 = arith.index_cast %parallel_loop3A_172 : i32 to index
          %parallel_loop3A_197 = arith.constant 48 : index
          %parallel_loop3A_198 = tpu.vector_load %arg10[%parallel_loop3A_196, %parallel_loop3A_197] {strides = array<i32>} : memref<80x128xf32, #tpu.memory_space<vmem>>, vector<16xf32>,
          %parallel_loop3A_199 = arith.mulf %parallel_loop3A_198, %parallel_loop3A_174 : vector<16xf32>
          %parallel_loop3A_200 = arith.index_cast %parallel_loop3A_172 : i32 to index
          %parallel_loop3A_201 = arith.constant 48 : index
          %parallel_loop3A_202 = tpu.vector_load %arg10[%parallel_loop3A_200, %parallel_loop3A_201] {strides = array<i32>} : memref<80x128xf32, #tpu.memory_space<vmem>>, vector<16xf32>,
          tpu.vector_store %arg10[%parallel_loop3A_200, %parallel_loop3A_201], %parallel_loop3A_199 {strides = array<i32>} : memref<80x128xf32, #tpu.memory_space<vmem>>, vector<16xf32>,
          %parallel_loop3A_203 = arith.index_cast %parallel_loop3A_172 : i32 to index
          %parallel_loop3A_204 = arith.constant 64 : index
          %parallel_loop3A_205 = tpu.vector_load %arg10[%parallel_loop3A_203, %parallel_loop3A_204] {strides = array<i32>} : memref<80x128xf32, #tpu.memory_space<vmem>>, vector<16xf32>,
          %parallel_loop3A_206 = arith.mulf %parallel_loop3A_205, %parallel_loop3A_174 : vector<16xf32>
          %parallel_loop3A_207 = arith.index_cast %parallel_loop3A_172 : i32 to index
          %parallel_loop3A_208 = arith.constant 64 : index
          %parallel_loop3A_209 = tpu.vector_load %arg10[%parallel_loop3A_207, %parallel_loop3A_208] {strides = array<i32>} : memref<80x128xf32, #tpu.memory_space<vmem>>, vector<16xf32>,
          tpu.vector_store %arg10[%parallel_loop3A_207, %parallel_loop3A_208], %parallel_loop3A_206 {strides = array<i32>} : memref<80x128xf32, #tpu.memory_space<vmem>>, vector<16xf32>,
          %parallel_loop3A_210 = arith.index_cast %parallel_loop3A_172 : i32 to index
          %parallel_loop3A_211 = arith.constant 80 : index
          %parallel_loop3A_212 = tpu.vector_load %arg10[%parallel_loop3A_210, %parallel_loop3A_211] {strides = array<i32>} : memref<80x128xf32, #tpu.memory_space<vmem>>, vector<16xf32>,
          %parallel_loop3A_213 = arith.mulf %parallel_loop3A_212, %parallel_loop3A_174 : vector<16xf32>
          %parallel_loop3A_214 = arith.index_cast %parallel_loop3A_172 : i32 to index
          %parallel_loop3A_215 = arith.constant 80 : index
          %parallel_loop3A_216 = tpu.vector_load %arg10[%parallel_loop3A_214, %parallel_loop3A_215] {strides = array<i32>} : memref<80x128xf32, #tpu.memory_space<vmem>>, vector<16xf32>,
          tpu.vector_store %arg10[%parallel_loop3A_214, %parallel_loop3A_215], %parallel_loop3A_213 {strides = array<i32>} : memref<80x128xf32, #tpu.memory_space<vmem>>, vector<16xf32>,
          %parallel_loop3A_217 = arith.index_cast %parallel_loop3A_172 : i32 to index
          %parallel_loop3A_218 = arith.constant 96 : index
          %parallel_loop3A_219 = tpu.vector_load %arg10[%parallel_loop3A_217, %parallel_loop3A_218] {strides = array<i32>} : memref<80x128xf32, #tpu.memory_space<vmem>>, vector<16xf32>,
          %parallel_loop3A_220 = arith.mulf %parallel_loop3A_219, %parallel_loop3A_174 : vector<16xf32>
          %parallel_loop3A_221 = arith.index_cast %parallel_loop3A_172 : i32 to index
          %parallel_loop3A_222 = arith.constant 96 : index
          %parallel_loop3A_223 = tpu.vector_load %arg10[%parallel_loop3A_221, %parallel_loop3A_222] {strides = array<i32>} : memref<80x128xf32, #tpu.memory_space<vmem>>, vector<16xf32>,
          tpu.vector_store %arg10[%parallel_loop3A_221, %parallel_loop3A_222], %parallel_loop3A_220 {strides = array<i32>} : memref<80x128xf32, #tpu.memory_space<vmem>>, vector<16xf32>,
          %parallel_loop3A_224 = arith.index_cast %parallel_loop3A_172 : i32 to index
          %parallel_loop3A_225 = arith.constant 112 : index
          %parallel_loop3A_226 = tpu.vector_load %arg10[%parallel_loop3A_224, %parallel_loop3A_225] {strides = array<i32>} : memref<80x128xf32, #tpu.memory_space<vmem>>, vector<16xf32>,
          %parallel_loop3A_227 = arith.mulf %parallel_loop3A_226, %parallel_loop3A_174 : vector<16xf32>
          %parallel_loop3A_228 = arith.index_cast %parallel_loop3A_172 : i32 to index
          %parallel_loop3A_229 = arith.constant 112 : index
          %parallel_loop3A_230 = tpu.vector_load %arg10[%parallel_loop3A_228, %parallel_loop3A_229] {strides = array<i32>} : memref<80x128xf32, #tpu.memory_space<vmem>>, vector<16xf32>,
          tpu.vector_store %arg10[%parallel_loop3A_228, %parallel_loop3A_229], %parallel_loop3A_227 {strides = array<i32>} : memref<80x128xf32, #tpu.memory_space<vmem>>, vector<16xf32>,
        } {sc.loop_unroll_factor = 4 : i64, sc.parallel_access}
        %dma_start3A_162 = arith.constant 0 : i32
        %dma_start3A_163 = arith.constant 0 : i32
        %dma_start3A_164 = tpu.memref_slice %arg31[%dma_start3A_162, %dma_start3A_163] : memref<10000x128xf32, #tpu.memory_space<vmem_shared>> -> memref<10000x128xf32, #tpu.memory_space<vmem_shared>>
        tpu.enqueue_indirect_dma source(%arg10 : memref<80x128xf32, #tpu.memory_space<vmem>>) target(%dma_start3A_164 : memref<10000x128xf32, #tpu.memory_space<vmem_shared>>) offsets(%arg18 : memref<80xi32, #tpu.memory_space<vmem>>) semaphore(%arg27 : memref<!tpu.dma_semaphore, #tpu.memory_space<semaphore_mem>>) {add = true}
        %add3A_165 = arith.constant 3 : i32
        %add3A_166 = arith.addi %add3A_104, %add3A_165 : i32
        %le3A_167 = arith.constant 124 : i32
        %le3A_168 = arith.cmpi sle, %add3A_166, %le3A_167 : i32
        %convert_element_type3A_169 = arith.extui %le3A_168 : i1 to i32
        %cond3A_170 = arith.constant 0 : i32
        %cond3A_171 = arith.cmpi ne, %convert_element_type3A_169, %cond3A_170 : i32
        scf.if %cond3A_171 {
          %add3A_172 = arith.constant 3 : i32
          %add3A_173 = arith.addi %add3A_104, %add3A_172 : i32
          %dma_start3A_174 = arith.constant 0 : i32
          %dma_start3A_175 = arith.constant 0 : i32
          %dma_start3A_176 = tpu.memref_slice %arg2[%add3A, %add3A_173, %dma_start3A_174, %dma_start3A_175] : memref<32x125x2x80xi32, #tpu.memory_space<hbm>> -> memref<1x1x2x80xi32, #tpu.memory_space<hbm>>
          %dma_start3A_177 = tpu.memref_squeeze %dma_start3A_176 : memref<1x1x2x80xi32, #tpu.memory_space<hbm>> -> memref<2x80xi32, #tpu.memory_space<hbm>>
          %dma_start3A_178 = arith.constant 0 : i32
          %dma_start3A_179 = arith.constant 0 : i32
          %dma_start3A_180 = tpu.memref_slice %arg2[%add3A, %add3A_173, %dma_start3A_178, %dma_start3A_179] : memref<32x125x2x80xi32, #tpu.memory_space<hbm>> -> memref<1x1x2x80xi32, #tpu.memory_space<hbm>>
          %dma_start3A_181 = tpu.memref_squeeze %dma_start3A_180 : memref<1x1x2x80xi32, #tpu.memory_space<hbm>> -> memref<2x80xi32, #tpu.memory_space<hbm>>
          tpu.enqueue_dma source(%dma_start3A_181 : memref<2x80xi32, #tpu.memory_space<hbm>>) target(%arg12 : memref<2x80xi32, #tpu.memory_space<vmem>>) target_semaphore(%arg21 : memref<!tpu.dma_semaphore, #tpu.memory_space<semaphore_mem>>)
        } else {
        }
      } else {
      }
      %mul3A_118 = arith.constant 4 : i32
      %mul3A_119 = arith.muli %scan3A_85, %mul3A_118 : i32
      %add3A_120 = arith.constant 2 : i32
      %add3A_121 = arith.addi %mul3A_119, %add3A_120 : i32
      %le3A_122 = arith.constant 124 : i32
      %le3A_123 = arith.cmpi sle, %add3A_121, %le3A_122 : i32
      %convert_element_type3A_124 = arith.extui %le3A_123 : i1 to i32
      %cond3A_125 = arith.constant 0 : i32
      %cond3A_126 = arith.cmpi ne, %convert_element_type3A_124, %cond3A_125 : i32
      scf.if %cond3A_126 {
        %dma_wait3A_153 = arith.constant 0 : i32
        %dma_wait3A_154 = arith.constant 0 : i32
        %dma_wait3A_155 = tpu.memref_slice %arg2[%add3A, %add3A_121, %dma_wait3A_153, %dma_wait3A_154] : memref<32x125x2x80xi32, #tpu.memory_space<hbm>> -> memref<1x1x2x80xi32, #tpu.memory_space<hbm>>
        %dma_wait3A_156 = tpu.memref_squeeze %dma_wait3A_155 : memref<1x1x2x80xi32, #tpu.memory_space<hbm>> -> memref<2x80xi32, #tpu.memory_space<hbm>>
        %dma_wait3A_157 = arith.constant 0 : i32
        %dma_wait3A_158 = arith.constant 0 : i32
        %dma_wait3A_159 = tpu.memref_slice %arg2[%add3A, %add3A_121, %dma_wait3A_157, %dma_wait3A_158] : memref<32x125x2x80xi32, #tpu.memory_space<hbm>> -> memref<1x1x2x80xi32, #tpu.memory_space<hbm>>
        %dma_wait3A_160 = tpu.memref_squeeze %dma_wait3A_159 : memref<1x1x2x80xi32, #tpu.memory_space<hbm>> -> memref<2x80xi32, #tpu.memory_space<hbm>>
        tpu.wait_dma2 semaphore(%arg23 : memref<!tpu.dma_semaphore, #tpu.memory_space<semaphore_mem>>) src(%dma_wait3A_160 : memref<2x80xi32, #tpu.memory_space<hbm>>) dst(%arg14 : memref<2x80xi32, #tpu.memory_space<vmem>>)
        %ge3A_161 = arith.constant 2 : i32
        %ge3A_162 = arith.cmpi sge, %add3A_121, %ge3A_161 : i32
        %convert_element_type3A_163 = arith.extui %ge3A_162 : i1 to i32
        %cond3A_164 = arith.constant 0 : i32
        %cond3A_165 = arith.cmpi ne, %convert_element_type3A_163, %cond3A_164 : i32
        scf.if %cond3A_165 {
          %dma_wait3A_271 = arith.constant 0 : i32
          %dma_wait3A_272 = tpu.memref_slice %arg32[%dma_wait3A_271] : memref<10000xf32, #tpu.memory_space<vmem_shared>> -> memref<10000xf32, #tpu.memory_space<vmem_shared>>
          tpu.wait_indirect_dma semaphore(%arg29 : memref<!tpu.dma_semaphore, #tpu.memory_space<semaphore_mem>>) src(%arg16 : memref<80xf32, #tpu.memory_space<vmem>>) dst(%dma_wait3A_272 : memref<10000xf32, #tpu.memory_space<vmem_shared>>)
          %dma_wait3A_273 = arith.constant 0 : i32
          %dma_wait3A_274 = arith.constant 0 : i32
          %dma_wait3A_275 = tpu.memref_slice %arg31[%dma_wait3A_273, %dma_wait3A_274] : memref<10000x128xf32, #tpu.memory_space<vmem_shared>> -> memref<10000x128xf32, #tpu.memory_space<vmem_shared>>
          tpu.wait_indirect_dma semaphore(%arg27 : memref<!tpu.dma_semaphore, #tpu.memory_space<semaphore_mem>>) src(%arg10 : memref<80x128xf32, #tpu.memory_space<vmem>>) dst(%dma_wait3A_275 : memref<10000x128xf32, #tpu.memory_space<vmem_shared>>)
        } else {
        }
        %get3A = arith.constant 0 : i32
        %get3A_166 = arith.index_cast %get3A : i32 to index
        %get3A_167 = arith.constant 0 : index
        %get3A_168 = tpu.vector_load %arg14[%get3A_166, %get3A_167] {strides = array<i32>} : memref<2x80xi32, #tpu.memory_space<vmem>>, vector<16xi32>,
        %get3A_169 = arith.constant 1 : i32
        %get3A_170 = arith.index_cast %get3A_169 : i32 to index
        %get3A_171 = arith.constant 0 : index
        %get3A_172 = tpu.vector_load %arg14[%get3A_170, %get3A_171] {strides = array<i32>} : memref<2x80xi32, #tpu.memory_space<vmem>>, vector<16xi32>,
        %gather3A = tpu.vector_load_idx %arg8[%get3A_168] : memref<10000xf32, #tpu.memory_space<vmem>>[vector<16xi32>], vector<16xf32>,
        %gather3A_173 = tpu.vector_load_idx %arg9[%get3A_172] : memref<10000xf32, #tpu.memory_space<vmem>>[vector<16xi32>], vector<16xf32>,
        %add3A_174 = arith.addf %gather3A, %gather3A_173 : vector<16xf32>
        %mul3A_175 = arith.constant 2.000000e-01 : f32
        %mul3A_176 = vector.broadcast %mul3A_175 : f32 to vector<16xf32>
        %mul3A_177 = arith.mulf %mul3A_176, %add3A_174 : vector<16xf32>
        %max3A = arith.maximumf %add3A_174, %mul3A_177 : vector<16xf32>
        %exp3A = math.exp %max3A : vector<16xf32>
        %swap3A_178 = arith.constant 0 : index
        %swap3A_179 = tpu.vector_load %arg16[%swap3A_178] {strides = array<i32>} : memref<80xf32, #tpu.memory_space<vmem>>, vector<16xf32>,
        tpu.vector_store %arg16[%swap3A_178], %exp3A {strides = array<i32>} : memref<80xf32, #tpu.memory_space<vmem>>, vector<16xf32>,
        %swap3A_180 = arith.constant 0 : index
        %swap3A_181 = tpu.vector_load %arg18[%swap3A_180] {strides = array<i32>} : memref<80xi32, #tpu.memory_space<vmem>>, vector<16xi32>,
        tpu.vector_store %arg18[%swap3A_180], %get3A_172 {strides = array<i32>} : memref<80xi32, #tpu.memory_space<vmem>>, vector<16xi32>,
        %get3A_182 = arith.constant 0 : i32
        %get3A_183 = arith.index_cast %get3A_182 : i32 to index
        %get3A_184 = arith.constant 16 : index
        %get3A_185 = tpu.vector_load %arg14[%get3A_183, %get3A_184] {strides = array<i32>} : memref<2x80xi32, #tpu.memory_space<vmem>>, vector<16xi32>,
        %get3A_186 = arith.constant 1 : i32
        %get3A_187 = arith.index_cast %get3A_186 : i32 to index
        %get3A_188 = arith.constant 16 : index
        %get3A_189 = tpu.vector_load %arg14[%get3A_187, %get3A_188] {strides = array<i32>} : memref<2x80xi32, #tpu.memory_space<vmem>>, vector<16xi32>,
        %gather3A_190 = tpu.vector_load_idx %arg8[%get3A_185] : memref<10000xf32, #tpu.memory_space<vmem>>[vector<16xi32>], vector<16xf32>,
        %gather3A_191 = tpu.vector_load_idx %arg9[%get3A_189] : memref<10000xf32, #tpu.memory_space<vmem>>[vector<16xi32>], vector<16xf32>,
        %add3A_192 = arith.addf %gather3A_190, %gather3A_191 : vector<16xf32>
        %mul3A_193 = arith.constant 2.000000e-01 : f32
        %mul3A_194 = vector.broadcast %mul3A_193 : f32 to vector<16xf32>
        %mul3A_195 = arith.mulf %mul3A_194, %add3A_192 : vector<16xf32>
        %max3A_196 = arith.maximumf %add3A_192, %mul3A_195 : vector<16xf32>
        %exp3A_197 = math.exp %max3A_196 : vector<16xf32>
        %swap3A_198 = arith.constant 16 : index
        %swap3A_199 = tpu.vector_load %arg16[%swap3A_198] {strides = array<i32>} : memref<80xf32, #tpu.memory_space<vmem>>, vector<16xf32>,
        tpu.vector_store %arg16[%swap3A_198], %exp3A_197 {strides = array<i32>} : memref<80xf32, #tpu.memory_space<vmem>>, vector<16xf32>,
        %swap3A_200 = arith.constant 16 : index
        %swap3A_201 = tpu.vector_load %arg18[%swap3A_200] {strides = array<i32>} : memref<80xi32, #tpu.memory_space<vmem>>, vector<16xi32>,
        tpu.vector_store %arg18[%swap3A_200], %get3A_189 {strides = array<i32>} : memref<80xi32, #tpu.memory_space<vmem>>, vector<16xi32>,
        %get3A_202 = arith.constant 0 : i32
        %get3A_203 = arith.index_cast %get3A_202 : i32 to index
        %get3A_204 = arith.constant 32 : index
        %get3A_205 = tpu.vector_load %arg14[%get3A_203, %get3A_204] {strides = array<i32>} : memref<2x80xi32, #tpu.memory_space<vmem>>, vector<16xi32>,
        %get3A_206 = arith.constant 1 : i32
        %get3A_207 = arith.index_cast %get3A_206 : i32 to index
        %get3A_208 = arith.constant 32 : index
        %get3A_209 = tpu.vector_load %arg14[%get3A_207, %get3A_208] {strides = array<i32>} : memref<2x80xi32, #tpu.memory_space<vmem>>, vector<16xi32>,
        %gather3A_210 = tpu.vector_load_idx %arg8[%get3A_205] : memref<10000xf32, #tpu.memory_space<vmem>>[vector<16xi32>], vector<16xf32>,
        %gather3A_211 = tpu.vector_load_idx %arg9[%get3A_209] : memref<10000xf32, #tpu.memory_space<vmem>>[vector<16xi32>], vector<16xf32>,
        %add3A_212 = arith.addf %gather3A_210, %gather3A_211 : vector<16xf32>
        %mul3A_213 = arith.constant 2.000000e-01 : f32
        %mul3A_214 = vector.broadcast %mul3A_213 : f32 to vector<16xf32>
        %mul3A_215 = arith.mulf %mul3A_214, %add3A_212 : vector<16xf32>
        %max3A_216 = arith.maximumf %add3A_212, %mul3A_215 : vector<16xf32>
        %exp3A_217 = math.exp %max3A_216 : vector<16xf32>
        %swap3A_218 = arith.constant 32 : index
        %swap3A_219 = tpu.vector_load %arg16[%swap3A_218] {strides = array<i32>} : memref<80xf32, #tpu.memory_space<vmem>>, vector<16xf32>,
        tpu.vector_store %arg16[%swap3A_218], %exp3A_217 {strides = array<i32>} : memref<80xf32, #tpu.memory_space<vmem>>, vector<16xf32>,
        %swap3A_220 = arith.constant 32 : index
        %swap3A_221 = tpu.vector_load %arg18[%swap3A_220] {strides = array<i32>} : memref<80xi32, #tpu.memory_space<vmem>>, vector<16xi32>,
        tpu.vector_store %arg18[%swap3A_220], %get3A_209 {strides = array<i32>} : memref<80xi32, #tpu.memory_space<vmem>>, vector<16xi32>,
        %get3A_222 = arith.constant 0 : i32
        %get3A_223 = arith.index_cast %get3A_222 : i32 to index
        %get3A_224 = arith.constant 48 : index
        %get3A_225 = tpu.vector_load %arg14[%get3A_223, %get3A_224] {strides = array<i32>} : memref<2x80xi32, #tpu.memory_space<vmem>>, vector<16xi32>,
        %get3A_226 = arith.constant 1 : i32
        %get3A_227 = arith.index_cast %get3A_226 : i32 to index
        %get3A_228 = arith.constant 48 : index
        %get3A_229 = tpu.vector_load %arg14[%get3A_227, %get3A_228] {strides = array<i32>} : memref<2x80xi32, #tpu.memory_space<vmem>>, vector<16xi32>,
        %gather3A_230 = tpu.vector_load_idx %arg8[%get3A_225] : memref<10000xf32, #tpu.memory_space<vmem>>[vector<16xi32>], vector<16xf32>,
        %gather3A_231 = tpu.vector_load_idx %arg9[%get3A_229] : memref<10000xf32, #tpu.memory_space<vmem>>[vector<16xi32>], vector<16xf32>,
        %add3A_232 = arith.addf %gather3A_230, %gather3A_231 : vector<16xf32>
        %mul3A_233 = arith.constant 2.000000e-01 : f32
        %mul3A_234 = vector.broadcast %mul3A_233 : f32 to vector<16xf32>
        %mul3A_235 = arith.mulf %mul3A_234, %add3A_232 : vector<16xf32>
        %max3A_236 = arith.maximumf %add3A_232, %mul3A_235 : vector<16xf32>
        %exp3A_237 = math.exp %max3A_236 : vector<16xf32>
        %swap3A_238 = arith.constant 48 : index
        %swap3A_239 = tpu.vector_load %arg16[%swap3A_238] {strides = array<i32>} : memref<80xf32, #tpu.memory_space<vmem>>, vector<16xf32>,
        tpu.vector_store %arg16[%swap3A_238], %exp3A_237 {strides = array<i32>} : memref<80xf32, #tpu.memory_space<vmem>>, vector<16xf32>,
        %swap3A_240 = arith.constant 48 : index
        %swap3A_241 = tpu.vector_load %arg18[%swap3A_240] {strides = array<i32>} : memref<80xi32, #tpu.memory_space<vmem>>, vector<16xi32>,
        tpu.vector_store %arg18[%swap3A_240], %get3A_229 {strides = array<i32>} : memref<80xi32, #tpu.memory_space<vmem>>, vector<16xi32>,
        %get3A_242 = arith.constant 0 : i32
        %get3A_243 = arith.index_cast %get3A_242 : i32 to index
        %get3A_244 = arith.constant 64 : index
        %get3A_245 = tpu.vector_load %arg14[%get3A_243, %get3A_244] {strides = array<i32>} : memref<2x80xi32, #tpu.memory_space<vmem>>, vector<16xi32>,
        %get3A_246 = arith.constant 1 : i32
        %get3A_247 = arith.index_cast %get3A_246 : i32 to index
        %get3A_248 = arith.constant 64 : index
        %get3A_249 = tpu.vector_load %arg14[%get3A_247, %get3A_248] {strides = array<i32>} : memref<2x80xi32, #tpu.memory_space<vmem>>, vector<16xi32>,
        %gather3A_250 = tpu.vector_load_idx %arg8[%get3A_245] : memref<10000xf32, #tpu.memory_space<vmem>>[vector<16xi32>], vector<16xf32>,
        %gather3A_251 = tpu.vector_load_idx %arg9[%get3A_249] : memref<10000xf32, #tpu.memory_space<vmem>>[vector<16xi32>], vector<16xf32>,
        %add3A_252 = arith.addf %gather3A_250, %gather3A_251 : vector<16xf32>
        %mul3A_253 = arith.constant 2.000000e-01 : f32
        %mul3A_254 = vector.broadcast %mul3A_253 : f32 to vector<16xf32>
        %mul3A_255 = arith.mulf %mul3A_254, %add3A_252 : vector<16xf32>
        %max3A_256 = arith.maximumf %add3A_252, %mul3A_255 : vector<16xf32>
        %exp3A_257 = math.exp %max3A_256 : vector<16xf32>
        %swap3A_258 = arith.constant 64 : index
        %swap3A_259 = tpu.vector_load %arg16[%swap3A_258] {strides = array<i32>} : memref<80xf32, #tpu.memory_space<vmem>>, vector<16xf32>,
        tpu.vector_store %arg16[%swap3A_258], %exp3A_257 {strides = array<i32>} : memref<80xf32, #tpu.memory_space<vmem>>, vector<16xf32>,
        %swap3A_260 = arith.constant 64 : index
        %swap3A_261 = tpu.vector_load %arg18[%swap3A_260] {strides = array<i32>} : memref<80xi32, #tpu.memory_space<vmem>>, vector<16xi32>,
        tpu.vector_store %arg18[%swap3A_260], %get3A_249 {strides = array<i32>} : memref<80xi32, #tpu.memory_space<vmem>>, vector<16xi32>,
        %dma_start3A_262 = arith.constant 0 : i32
        %dma_start3A_263 = tpu.memref_slice %arg32[%dma_start3A_262] : memref<10000xf32, #tpu.memory_space<vmem_shared>> -> memref<10000xf32, #tpu.memory_space<vmem_shared>>
        tpu.enqueue_indirect_dma source(%arg16 : memref<80xf32, #tpu.memory_space<vmem>>) target(%dma_start3A_263 : memref<10000xf32, #tpu.memory_space<vmem_shared>>) offsets(%arg18 : memref<80xi32, #tpu.memory_space<vmem>>) semaphore(%arg29 : memref<!tpu.dma_semaphore, #tpu.memory_space<semaphore_mem>>) {add = true}
        %dma_start3A_264 = arith.constant 0 : i32
        %dma_start3A_265 = arith.constant 0 : i32
        %dma_start3A_266 = tpu.memref_slice %arg14[%dma_start3A_264, %dma_start3A_265] : memref<2x80xi32, #tpu.memory_space<vmem>> -> memref<1x80xi32, #tpu.memory_space<vmem>>
        %dma_start3A_267 = tpu.memref_squeeze %dma_start3A_266 : memref<1x80xi32, #tpu.memory_space<vmem>> -> memref<80xi32, #tpu.memory_space<vmem>>
        %dma_start3A_268 = arith.constant 0 : i32
        %dma_start3A_269 = arith.constant 0 : i32
        %dma_start3A_270 = tpu.memref_slice %arg5[%dma_start3A_268, %dma_start3A_269] : memref<10000x128xf32, #tpu.memory_space<hbm>> -> memref<10000x128xf32, #tpu.memory_space<hbm>>
        tpu.enqueue_indirect_dma source(%dma_start3A_270 : memref<10000x128xf32, #tpu.memory_space<hbm>>) target(%arg10 : memref<80x128xf32, #tpu.memory_space<vmem>>) offsets(%dma_start3A_267 : memref<80xi32, #tpu.memory_space<vmem>>) semaphore(%arg25 : memref<!tpu.dma_semaphore, #tpu.memory_space<semaphore_mem>>)
      } else {
      }
      %ge3A_127 = arith.constant 1 : i32
      %ge3A_128 = arith.cmpi sge, %add3A_121, %ge3A_127 : i32
      %le3A_129 = arith.constant 125 : i32
      %le3A_130 = arith.cmpi sle, %add3A_121, %le3A_129 : i32
      %and3A_131 = arith.andi %ge3A_128, %le3A_130 : i1
      %convert_element_type3A_132 = arith.extui %and3A_131 : i1 to i32
      %cond3A_133 = arith.constant 0 : i32
      %cond3A_134 = arith.cmpi ne, %convert_element_type3A_132, %cond3A_133 : i32
      scf.if %cond3A_134 {
        %dma_wait3A_153 = arith.constant 0 : i32
        %dma_wait3A_154 = arith.constant 0 : i32
        %dma_wait3A_155 = tpu.memref_slice %arg13[%dma_wait3A_153, %dma_wait3A_154] : memref<2x80xi32, #tpu.memory_space<vmem>> -> memref<1x80xi32, #tpu.memory_space<vmem>>
        %dma_wait3A_156 = tpu.memref_squeeze %dma_wait3A_155 : memref<1x80xi32, #tpu.memory_space<vmem>> -> memref<80xi32, #tpu.memory_space<vmem>>
        %dma_wait3A_157 = arith.constant 0 : i32
        %dma_wait3A_158 = arith.constant 0 : i32
        %dma_wait3A_159 = tpu.memref_slice %arg5[%dma_wait3A_157, %dma_wait3A_158] : memref<10000x128xf32, #tpu.memory_space<hbm>> -> memref<10000x128xf32, #tpu.memory_space<hbm>>
        tpu.wait_indirect_dma semaphore(%arg26 : memref<!tpu.dma_semaphore, #tpu.memory_space<semaphore_mem>>) src(%dma_wait3A_159 : memref<10000x128xf32, #tpu.memory_space<hbm>>) dst(%arg11 : memref<80x128xf32, #tpu.memory_space<vmem>>)
        %parallel_loop3A = arith.constant 0 : i32
        %parallel_loop3A_160 = arith.constant 80 : i32
        %parallel_loop3A_161 = arith.constant 1 : i32
        scf.for %parallel_loop3A_172 = %parallel_loop3A to %parallel_loop3A_160 step %parallel_loop3A_161  : i32 {
          %parallel_loop3A_173 = vector.broadcast %parallel_loop3A_172 : i32 to vector<16xi32>
          %parallel_loop3A_174 = tpu.vector_load_idx %arg17[%parallel_loop3A_173] : memref<80xf32, #tpu.memory_space<vmem>>[vector<16xi32>], vector<16xf32>,
          %parallel_loop3A_175 = arith.index_cast %parallel_loop3A_172 : i32 to index
          %parallel_loop3A_176 = arith.constant 0 : index
          %parallel_loop3A_177 = tpu.vector_load %arg11[%parallel_loop3A_175, %parallel_loop3A_176] {strides = array<i32>} : memref<80x128xf32, #tpu.memory_space<vmem>>, vector<16xf32>,
          %parallel_loop3A_178 = arith.mulf %parallel_loop3A_177, %parallel_loop3A_174 : vector<16xf32>
          %parallel_loop3A_179 = arith.index_cast %parallel_loop3A_172 : i32 to index
          %parallel_loop3A_180 = arith.constant 0 : index
          %parallel_loop3A_181 = tpu.vector_load %arg11[%parallel_loop3A_179, %parallel_loop3A_180] {strides = array<i32>} : memref<80x128xf32, #tpu.memory_space<vmem>>, vector<16xf32>,
          tpu.vector_store %arg11[%parallel_loop3A_179, %parallel_loop3A_180], %parallel_loop3A_178 {strides = array<i32>} : memref<80x128xf32, #tpu.memory_space<vmem>>, vector<16xf32>,
          %parallel_loop3A_182 = arith.index_cast %parallel_loop3A_172 : i32 to index
          %parallel_loop3A_183 = arith.constant 16 : index
          %parallel_loop3A_184 = tpu.vector_load %arg11[%parallel_loop3A_182, %parallel_loop3A_183] {strides = array<i32>} : memref<80x128xf32, #tpu.memory_space<vmem>>, vector<16xf32>,
          %parallel_loop3A_185 = arith.mulf %parallel_loop3A_184, %parallel_loop3A_174 : vector<16xf32>
          %parallel_loop3A_186 = arith.index_cast %parallel_loop3A_172 : i32 to index
          %parallel_loop3A_187 = arith.constant 16 : index
          %parallel_loop3A_188 = tpu.vector_load %arg11[%parallel_loop3A_186, %parallel_loop3A_187] {strides = array<i32>} : memref<80x128xf32, #tpu.memory_space<vmem>>, vector<16xf32>,
          tpu.vector_store %arg11[%parallel_loop3A_186, %parallel_loop3A_187], %parallel_loop3A_185 {strides = array<i32>} : memref<80x128xf32, #tpu.memory_space<vmem>>, vector<16xf32>,
          %parallel_loop3A_189 = arith.index_cast %parallel_loop3A_172 : i32 to index
          %parallel_loop3A_190 = arith.constant 32 : index
          %parallel_loop3A_191 = tpu.vector_load %arg11[%parallel_loop3A_189, %parallel_loop3A_190] {strides = array<i32>} : memref<80x128xf32, #tpu.memory_space<vmem>>, vector<16xf32>,
          %parallel_loop3A_192 = arith.mulf %parallel_loop3A_191, %parallel_loop3A_174 : vector<16xf32>
          %parallel_loop3A_193 = arith.index_cast %parallel_loop3A_172 : i32 to index
          %parallel_loop3A_194 = arith.constant 32 : index
          %parallel_loop3A_195 = tpu.vector_load %arg11[%parallel_loop3A_193, %parallel_loop3A_194] {strides = array<i32>} : memref<80x128xf32, #tpu.memory_space<vmem>>, vector<16xf32>,
          tpu.vector_store %arg11[%parallel_loop3A_193, %parallel_loop3A_194], %parallel_loop3A_192 {strides = array<i32>} : memref<80x128xf32, #tpu.memory_space<vmem>>, vector<16xf32>,
          %parallel_loop3A_196 = arith.index_cast %parallel_loop3A_172 : i32 to index
          %parallel_loop3A_197 = arith.constant 48 : index
          %parallel_loop3A_198 = tpu.vector_load %arg11[%parallel_loop3A_196, %parallel_loop3A_197] {strides = array<i32>} : memref<80x128xf32, #tpu.memory_space<vmem>>, vector<16xf32>,
          %parallel_loop3A_199 = arith.mulf %parallel_loop3A_198, %parallel_loop3A_174 : vector<16xf32>
          %parallel_loop3A_200 = arith.index_cast %parallel_loop3A_172 : i32 to index
          %parallel_loop3A_201 = arith.constant 48 : index
          %parallel_loop3A_202 = tpu.vector_load %arg11[%parallel_loop3A_200, %parallel_loop3A_201] {strides = array<i32>} : memref<80x128xf32, #tpu.memory_space<vmem>>, vector<16xf32>,
          tpu.vector_store %arg11[%parallel_loop3A_200, %parallel_loop3A_201], %parallel_loop3A_199 {strides = array<i32>} : memref<80x128xf32, #tpu.memory_space<vmem>>, vector<16xf32>,
          %parallel_loop3A_203 = arith.index_cast %parallel_loop3A_172 : i32 to index
          %parallel_loop3A_204 = arith.constant 64 : index
          %parallel_loop3A_205 = tpu.vector_load %arg11[%parallel_loop3A_203, %parallel_loop3A_204] {strides = array<i32>} : memref<80x128xf32, #tpu.memory_space<vmem>>, vector<16xf32>,
          %parallel_loop3A_206 = arith.mulf %parallel_loop3A_205, %parallel_loop3A_174 : vector<16xf32>
          %parallel_loop3A_207 = arith.index_cast %parallel_loop3A_172 : i32 to index
          %parallel_loop3A_208 = arith.constant 64 : index
          %parallel_loop3A_209 = tpu.vector_load %arg11[%parallel_loop3A_207, %parallel_loop3A_208] {strides = array<i32>} : memref<80x128xf32, #tpu.memory_space<vmem>>, vector<16xf32>,
          tpu.vector_store %arg11[%parallel_loop3A_207, %parallel_loop3A_208], %parallel_loop3A_206 {strides = array<i32>} : memref<80x128xf32, #tpu.memory_space<vmem>>, vector<16xf32>,
          %parallel_loop3A_210 = arith.index_cast %parallel_loop3A_172 : i32 to index
          %parallel_loop3A_211 = arith.constant 80 : index
          %parallel_loop3A_212 = tpu.vector_load %arg11[%parallel_loop3A_210, %parallel_loop3A_211] {strides = array<i32>} : memref<80x128xf32, #tpu.memory_space<vmem>>, vector<16xf32>,
          %parallel_loop3A_213 = arith.mulf %parallel_loop3A_212, %parallel_loop3A_174 : vector<16xf32>
          %parallel_loop3A_214 = arith.index_cast %parallel_loop3A_172 : i32 to index
          %parallel_loop3A_215 = arith.constant 80 : index
          %parallel_loop3A_216 = tpu.vector_load %arg11[%parallel_loop3A_214, %parallel_loop3A_215] {strides = array<i32>} : memref<80x128xf32, #tpu.memory_space<vmem>>, vector<16xf32>,
          tpu.vector_store %arg11[%parallel_loop3A_214, %parallel_loop3A_215], %parallel_loop3A_213 {strides = array<i32>} : memref<80x128xf32, #tpu.memory_space<vmem>>, vector<16xf32>,
          %parallel_loop3A_217 = arith.index_cast %parallel_loop3A_172 : i32 to index
          %parallel_loop3A_218 = arith.constant 96 : index
          %parallel_loop3A_219 = tpu.vector_load %arg11[%parallel_loop3A_217, %parallel_loop3A_218] {strides = array<i32>} : memref<80x128xf32, #tpu.memory_space<vmem>>, vector<16xf32>,
          %parallel_loop3A_220 = arith.mulf %parallel_loop3A_219, %parallel_loop3A_174 : vector<16xf32>
          %parallel_loop3A_221 = arith.index_cast %parallel_loop3A_172 : i32 to index
          %parallel_loop3A_222 = arith.constant 96 : index
          %parallel_loop3A_223 = tpu.vector_load %arg11[%parallel_loop3A_221, %parallel_loop3A_222] {strides = array<i32>} : memref<80x128xf32, #tpu.memory_space<vmem>>, vector<16xf32>,
          tpu.vector_store %arg11[%parallel_loop3A_221, %parallel_loop3A_222], %parallel_loop3A_220 {strides = array<i32>} : memref<80x128xf32, #tpu.memory_space<vmem>>, vector<16xf32>,
          %parallel_loop3A_224 = arith.index_cast %parallel_loop3A_172 : i32 to index
          %parallel_loop3A_225 = arith.constant 112 : index
          %parallel_loop3A_226 = tpu.vector_load %arg11[%parallel_loop3A_224, %parallel_loop3A_225] {strides = array<i32>} : memref<80x128xf32, #tpu.memory_space<vmem>>, vector<16xf32>,
          %parallel_loop3A_227 = arith.mulf %parallel_loop3A_226, %parallel_loop3A_174 : vector<16xf32>
          %parallel_loop3A_228 = arith.index_cast %parallel_loop3A_172 : i32 to index
          %parallel_loop3A_229 = arith.constant 112 : index
          %parallel_loop3A_230 = tpu.vector_load %arg11[%parallel_loop3A_228, %parallel_loop3A_229] {strides = array<i32>} : memref<80x128xf32, #tpu.memory_space<vmem>>, vector<16xf32>,
          tpu.vector_store %arg11[%parallel_loop3A_228, %parallel_loop3A_229], %parallel_loop3A_227 {strides = array<i32>} : memref<80x128xf32, #tpu.memory_space<vmem>>, vector<16xf32>,
        } {sc.loop_unroll_factor = 4 : i64, sc.parallel_access}
        %dma_start3A_162 = arith.constant 0 : i32
        %dma_start3A_163 = arith.constant 0 : i32
        %dma_start3A_164 = tpu.memref_slice %arg31[%dma_start3A_162, %dma_start3A_163] : memref<10000x128xf32, #tpu.memory_space<vmem_shared>> -> memref<10000x128xf32, #tpu.memory_space<vmem_shared>>
        tpu.enqueue_indirect_dma source(%arg11 : memref<80x128xf32, #tpu.memory_space<vmem>>) target(%dma_start3A_164 : memref<10000x128xf32, #tpu.memory_space<vmem_shared>>) offsets(%arg19 : memref<80xi32, #tpu.memory_space<vmem>>) semaphore(%arg28 : memref<!tpu.dma_semaphore, #tpu.memory_space<semaphore_mem>>) {add = true}
        %add3A_165 = arith.constant 3 : i32
        %add3A_166 = arith.addi %add3A_121, %add3A_165 : i32
        %le3A_167 = arith.constant 124 : i32
        %le3A_168 = arith.cmpi sle, %add3A_166, %le3A_167 : i32
        %convert_element_type3A_169 = arith.extui %le3A_168 : i1 to i32
        %cond3A_170 = arith.constant 0 : i32
        %cond3A_171 = arith.cmpi ne, %convert_element_type3A_169, %cond3A_170 : i32
        scf.if %cond3A_171 {
          %add3A_172 = arith.constant 3 : i32
          %add3A_173 = arith.addi %add3A_121, %add3A_172 : i32
          %dma_start3A_174 = arith.constant 0 : i32
          %dma_start3A_175 = arith.constant 0 : i32
          %dma_start3A_176 = tpu.memref_slice %arg2[%add3A, %add3A_173, %dma_start3A_174, %dma_start3A_175] : memref<32x125x2x80xi32, #tpu.memory_space<hbm>> -> memref<1x1x2x80xi32, #tpu.memory_space<hbm>>
          %dma_start3A_177 = tpu.memref_squeeze %dma_start3A_176 : memref<1x1x2x80xi32, #tpu.memory_space<hbm>> -> memref<2x80xi32, #tpu.memory_space<hbm>>
          %dma_start3A_178 = arith.constant 0 : i32
          %dma_start3A_179 = arith.constant 0 : i32
          %dma_start3A_180 = tpu.memref_slice %arg2[%add3A, %add3A_173, %dma_start3A_178, %dma_start3A_179] : memref<32x125x2x80xi32, #tpu.memory_space<hbm>> -> memref<1x1x2x80xi32, #tpu.memory_space<hbm>>
          %dma_start3A_181 = tpu.memref_squeeze %dma_start3A_180 : memref<1x1x2x80xi32, #tpu.memory_space<hbm>> -> memref<2x80xi32, #tpu.memory_space<hbm>>
          tpu.enqueue_dma source(%dma_start3A_181 : memref<2x80xi32, #tpu.memory_space<hbm>>) target(%arg13 : memref<2x80xi32, #tpu.memory_space<vmem>>) target_semaphore(%arg22 : memref<!tpu.dma_semaphore, #tpu.memory_space<semaphore_mem>>)
        } else {
        }
      } else {
      }
      %mul3A_135 = arith.constant 4 : i32
      %mul3A_136 = arith.muli %scan3A_85, %mul3A_135 : i32
      %add3A_137 = arith.constant 3 : i32
      %add3A_138 = arith.addi %mul3A_136, %add3A_137 : i32
      %le3A_139 = arith.constant 124 : i32
      %le3A_140 = arith.cmpi sle, %add3A_138, %le3A_139 : i32
      %convert_element_type3A_141 = arith.extui %le3A_140 : i1 to i32
      %cond3A_142 = arith.constant 0 : i32
      %cond3A_143 = arith.cmpi ne, %convert_element_type3A_141, %cond3A_142 : i32
      scf.if %cond3A_143 {
        %dma_wait3A_153 = arith.constant 0 : i32
        %dma_wait3A_154 = arith.constant 0 : i32
        %dma_wait3A_155 = tpu.memref_slice %arg2[%add3A, %add3A_138, %dma_wait3A_153, %dma_wait3A_154] : memref<32x125x2x80xi32, #tpu.memory_space<hbm>> -> memref<1x1x2x80xi32, #tpu.memory_space<hbm>>
        %dma_wait3A_156 = tpu.memref_squeeze %dma_wait3A_155 : memref<1x1x2x80xi32, #tpu.memory_space<hbm>> -> memref<2x80xi32, #tpu.memory_space<hbm>>
        %dma_wait3A_157 = arith.constant 0 : i32
        %dma_wait3A_158 = arith.constant 0 : i32
        %dma_wait3A_159 = tpu.memref_slice %arg2[%add3A, %add3A_138, %dma_wait3A_157, %dma_wait3A_158] : memref<32x125x2x80xi32, #tpu.memory_space<hbm>> -> memref<1x1x2x80xi32, #tpu.memory_space<hbm>>
        %dma_wait3A_160 = tpu.memref_squeeze %dma_wait3A_159 : memref<1x1x2x80xi32, #tpu.memory_space<hbm>> -> memref<2x80xi32, #tpu.memory_space<hbm>>
        tpu.wait_dma2 semaphore(%arg24 : memref<!tpu.dma_semaphore, #tpu.memory_space<semaphore_mem>>) src(%dma_wait3A_160 : memref<2x80xi32, #tpu.memory_space<hbm>>) dst(%arg15 : memref<2x80xi32, #tpu.memory_space<vmem>>)
        %ge3A_161 = arith.constant 2 : i32
        %ge3A_162 = arith.cmpi sge, %add3A_138, %ge3A_161 : i32
        %convert_element_type3A_163 = arith.extui %ge3A_162 : i1 to i32
        %cond3A_164 = arith.constant 0 : i32
        %cond3A_165 = arith.cmpi ne, %convert_element_type3A_163, %cond3A_164 : i32
        scf.if %cond3A_165 {
          %dma_wait3A_271 = arith.constant 0 : i32
          %dma_wait3A_272 = tpu.memref_slice %arg32[%dma_wait3A_271] : memref<10000xf32, #tpu.memory_space<vmem_shared>> -> memref<10000xf32, #tpu.memory_space<vmem_shared>>
          tpu.wait_indirect_dma semaphore(%arg30 : memref<!tpu.dma_semaphore, #tpu.memory_space<semaphore_mem>>) src(%arg17 : memref<80xf32, #tpu.memory_space<vmem>>) dst(%dma_wait3A_272 : memref<10000xf32, #tpu.memory_space<vmem_shared>>)
          %dma_wait3A_273 = arith.constant 0 : i32
          %dma_wait3A_274 = arith.constant 0 : i32
          %dma_wait3A_275 = tpu.memref_slice %arg31[%dma_wait3A_273, %dma_wait3A_274] : memref<10000x128xf32, #tpu.memory_space<vmem_shared>> -> memref<10000x128xf32, #tpu.memory_space<vmem_shared>>
          tpu.wait_indirect_dma semaphore(%arg28 : memref<!tpu.dma_semaphore, #tpu.memory_space<semaphore_mem>>) src(%arg11 : memref<80x128xf32, #tpu.memory_space<vmem>>) dst(%dma_wait3A_275 : memref<10000x128xf32, #tpu.memory_space<vmem_shared>>)
        } else {
        }
        %get3A = arith.constant 0 : i32
        %get3A_166 = arith.index_cast %get3A : i32 to index
        %get3A_167 = arith.constant 0 : index
        %get3A_168 = tpu.vector_load %arg15[%get3A_166, %get3A_167] {strides = array<i32>} : memref<2x80xi32, #tpu.memory_space<vmem>>, vector<16xi32>,
        %get3A_169 = arith.constant 1 : i32
        %get3A_170 = arith.index_cast %get3A_169 : i32 to index
        %get3A_171 = arith.constant 0 : index
        %get3A_172 = tpu.vector_load %arg15[%get3A_170, %get3A_171] {strides = array<i32>} : memref<2x80xi32, #tpu.memory_space<vmem>>, vector<16xi32>,
        %gather3A = tpu.vector_load_idx %arg8[%get3A_168] : memref<10000xf32, #tpu.memory_space<vmem>>[vector<16xi32>], vector<16xf32>,
        %gather3A_173 = tpu.vector_load_idx %arg9[%get3A_172] : memref<10000xf32, #tpu.memory_space<vmem>>[vector<16xi32>], vector<16xf32>,
        %add3A_174 = arith.addf %gather3A, %gather3A_173 : vector<16xf32>
        %mul3A_175 = arith.constant 2.000000e-01 : f32
        %mul3A_176 = vector.broadcast %mul3A_175 : f32 to vector<16xf32>
        %mul3A_177 = arith.mulf %mul3A_176, %add3A_174 : vector<16xf32>
        %max3A = arith.maximumf %add3A_174, %mul3A_177 : vector<16xf32>
        %exp3A = math.exp %max3A : vector<16xf32>
        %swap3A_178 = arith.constant 0 : index
        %swap3A_179 = tpu.vector_load %arg17[%swap3A_178] {strides = array<i32>} : memref<80xf32, #tpu.memory_space<vmem>>, vector<16xf32>,
        tpu.vector_store %arg17[%swap3A_178], %exp3A {strides = array<i32>} : memref<80xf32, #tpu.memory_space<vmem>>, vector<16xf32>,
        %swap3A_180 = arith.constant 0 : index
        %swap3A_181 = tpu.vector_load %arg19[%swap3A_180] {strides = array<i32>} : memref<80xi32, #tpu.memory_space<vmem>>, vector<16xi32>,
        tpu.vector_store %arg19[%swap3A_180], %get3A_172 {strides = array<i32>} : memref<80xi32, #tpu.memory_space<vmem>>, vector<16xi32>,
        %get3A_182 = arith.constant 0 : i32
        %get3A_183 = arith.index_cast %get3A_182 : i32 to index
        %get3A_184 = arith.constant 16 : index
        %get3A_185 = tpu.vector_load %arg15[%get3A_183, %get3A_184] {strides = array<i32>} : memref<2x80xi32, #tpu.memory_space<vmem>>, vector<16xi32>,
        %get3A_186 = arith.constant 1 : i32
        %get3A_187 = arith.index_cast %get3A_186 : i32 to index
        %get3A_188 = arith.constant 16 : index
        %get3A_189 = tpu.vector_load %arg15[%get3A_187, %get3A_188] {strides = array<i32>} : memref<2x80xi32, #tpu.memory_space<vmem>>, vector<16xi32>,
        %gather3A_190 = tpu.vector_load_idx %arg8[%get3A_185] : memref<10000xf32, #tpu.memory_space<vmem>>[vector<16xi32>], vector<16xf32>,
        %gather3A_191 = tpu.vector_load_idx %arg9[%get3A_189] : memref<10000xf32, #tpu.memory_space<vmem>>[vector<16xi32>], vector<16xf32>,
        %add3A_192 = arith.addf %gather3A_190, %gather3A_191 : vector<16xf32>
        %mul3A_193 = arith.constant 2.000000e-01 : f32
        %mul3A_194 = vector.broadcast %mul3A_193 : f32 to vector<16xf32>
        %mul3A_195 = arith.mulf %mul3A_194, %add3A_192 : vector<16xf32>
        %max3A_196 = arith.maximumf %add3A_192, %mul3A_195 : vector<16xf32>
        %exp3A_197 = math.exp %max3A_196 : vector<16xf32>
        %swap3A_198 = arith.constant 16 : index
        %swap3A_199 = tpu.vector_load %arg17[%swap3A_198] {strides = array<i32>} : memref<80xf32, #tpu.memory_space<vmem>>, vector<16xf32>,
        tpu.vector_store %arg17[%swap3A_198], %exp3A_197 {strides = array<i32>} : memref<80xf32, #tpu.memory_space<vmem>>, vector<16xf32>,
        %swap3A_200 = arith.constant 16 : index
        %swap3A_201 = tpu.vector_load %arg19[%swap3A_200] {strides = array<i32>} : memref<80xi32, #tpu.memory_space<vmem>>, vector<16xi32>,
        tpu.vector_store %arg19[%swap3A_200], %get3A_189 {strides = array<i32>} : memref<80xi32, #tpu.memory_space<vmem>>, vector<16xi32>,
        %get3A_202 = arith.constant 0 : i32
        %get3A_203 = arith.index_cast %get3A_202 : i32 to index
        %get3A_204 = arith.constant 32 : index
        %get3A_205 = tpu.vector_load %arg15[%get3A_203, %get3A_204] {strides = array<i32>} : memref<2x80xi32, #tpu.memory_space<vmem>>, vector<16xi32>,
        %get3A_206 = arith.constant 1 : i32
        %get3A_207 = arith.index_cast %get3A_206 : i32 to index
        %get3A_208 = arith.constant 32 : index
        %get3A_209 = tpu.vector_load %arg15[%get3A_207, %get3A_208] {strides = array<i32>} : memref<2x80xi32, #tpu.memory_space<vmem>>, vector<16xi32>,
        %gather3A_210 = tpu.vector_load_idx %arg8[%get3A_205] : memref<10000xf32, #tpu.memory_space<vmem>>[vector<16xi32>], vector<16xf32>,
        %gather3A_211 = tpu.vector_load_idx %arg9[%get3A_209] : memref<10000xf32, #tpu.memory_space<vmem>>[vector<16xi32>], vector<16xf32>,
        %add3A_212 = arith.addf %gather3A_210, %gather3A_211 : vector<16xf32>
        %mul3A_213 = arith.constant 2.000000e-01 : f32
        %mul3A_214 = vector.broadcast %mul3A_213 : f32 to vector<16xf32>
        %mul3A_215 = arith.mulf %mul3A_214, %add3A_212 : vector<16xf32>
        %max3A_216 = arith.maximumf %add3A_212, %mul3A_215 : vector<16xf32>
        %exp3A_217 = math.exp %max3A_216 : vector<16xf32>
        %swap3A_218 = arith.constant 32 : index
        %swap3A_219 = tpu.vector_load %arg17[%swap3A_218] {strides = array<i32>} : memref<80xf32, #tpu.memory_space<vmem>>, vector<16xf32>,
        tpu.vector_store %arg17[%swap3A_218], %exp3A_217 {strides = array<i32>} : memref<80xf32, #tpu.memory_space<vmem>>, vector<16xf32>,
        %swap3A_220 = arith.constant 32 : index
        %swap3A_221 = tpu.vector_load %arg19[%swap3A_220] {strides = array<i32>} : memref<80xi32, #tpu.memory_space<vmem>>, vector<16xi32>,
        tpu.vector_store %arg19[%swap3A_220], %get3A_209 {strides = array<i32>} : memref<80xi32, #tpu.memory_space<vmem>>, vector<16xi32>,
        %get3A_222 = arith.constant 0 : i32
        %get3A_223 = arith.index_cast %get3A_222 : i32 to index
        %get3A_224 = arith.constant 48 : index
        %get3A_225 = tpu.vector_load %arg15[%get3A_223, %get3A_224] {strides = array<i32>} : memref<2x80xi32, #tpu.memory_space<vmem>>, vector<16xi32>,
        %get3A_226 = arith.constant 1 : i32
        %get3A_227 = arith.index_cast %get3A_226 : i32 to index
        %get3A_228 = arith.constant 48 : index
        %get3A_229 = tpu.vector_load %arg15[%get3A_227, %get3A_228] {strides = array<i32>} : memref<2x80xi32, #tpu.memory_space<vmem>>, vector<16xi32>,
        %gather3A_230 = tpu.vector_load_idx %arg8[%get3A_225] : memref<10000xf32, #tpu.memory_space<vmem>>[vector<16xi32>], vector<16xf32>,
        %gather3A_231 = tpu.vector_load_idx %arg9[%get3A_229] : memref<10000xf32, #tpu.memory_space<vmem>>[vector<16xi32>], vector<16xf32>,
        %add3A_232 = arith.addf %gather3A_230, %gather3A_231 : vector<16xf32>
        %mul3A_233 = arith.constant 2.000000e-01 : f32
        %mul3A_234 = vector.broadcast %mul3A_233 : f32 to vector<16xf32>
        %mul3A_235 = arith.mulf %mul3A_234, %add3A_232 : vector<16xf32>
        %max3A_236 = arith.maximumf %add3A_232, %mul3A_235 : vector<16xf32>
        %exp3A_237 = math.exp %max3A_236 : vector<16xf32>
        %swap3A_238 = arith.constant 48 : index
        %swap3A_239 = tpu.vector_load %arg17[%swap3A_238] {strides = array<i32>} : memref<80xf32, #tpu.memory_space<vmem>>, vector<16xf32>,
        tpu.vector_store %arg17[%swap3A_238], %exp3A_237 {strides = array<i32>} : memref<80xf32, #tpu.memory_space<vmem>>, vector<16xf32>,
        %swap3A_240 = arith.constant 48 : index
        %swap3A_241 = tpu.vector_load %arg19[%swap3A_240] {strides = array<i32>} : memref<80xi32, #tpu.memory_space<vmem>>, vector<16xi32>,
        tpu.vector_store %arg19[%swap3A_240], %get3A_229 {strides = array<i32>} : memref<80xi32, #tpu.memory_space<vmem>>, vector<16xi32>,
        %get3A_242 = arith.constant 0 : i32
        %get3A_243 = arith.index_cast %get3A_242 : i32 to index
        %get3A_244 = arith.constant 64 : index
        %get3A_245 = tpu.vector_load %arg15[%get3A_243, %get3A_244] {strides = array<i32>} : memref<2x80xi32, #tpu.memory_space<vmem>>, vector<16xi32>,
        %get3A_246 = arith.constant 1 : i32
        %get3A_247 = arith.index_cast %get3A_246 : i32 to index
        %get3A_248 = arith.constant 64 : index
        %get3A_249 = tpu.vector_load %arg15[%get3A_247, %get3A_248] {strides = array<i32>} : memref<2x80xi32, #tpu.memory_space<vmem>>, vector<16xi32>,
        %gather3A_250 = tpu.vector_load_idx %arg8[%get3A_245] : memref<10000xf32, #tpu.memory_space<vmem>>[vector<16xi32>], vector<16xf32>,
        %gather3A_251 = tpu.vector_load_idx %arg9[%get3A_249] : memref<10000xf32, #tpu.memory_space<vmem>>[vector<16xi32>], vector<16xf32>,
        %add3A_252 = arith.addf %gather3A_250, %gather3A_251 : vector<16xf32>
        %mul3A_253 = arith.constant 2.000000e-01 : f32
        %mul3A_254 = vector.broadcast %mul3A_253 : f32 to vector<16xf32>
        %mul3A_255 = arith.mulf %mul3A_254, %add3A_252 : vector<16xf32>
        %max3A_256 = arith.maximumf %add3A_252, %mul3A_255 : vector<16xf32>
        %exp3A_257 = math.exp %max3A_256 : vector<16xf32>
        %swap3A_258 = arith.constant 64 : index
        %swap3A_259 = tpu.vector_load %arg17[%swap3A_258] {strides = array<i32>} : memref<80xf32, #tpu.memory_space<vmem>>, vector<16xf32>,
        tpu.vector_store %arg17[%swap3A_258], %exp3A_257 {strides = array<i32>} : memref<80xf32, #tpu.memory_space<vmem>>, vector<16xf32>,
        %swap3A_260 = arith.constant 64 : index
        %swap3A_261 = tpu.vector_load %arg19[%swap3A_260] {strides = array<i32>} : memref<80xi32, #tpu.memory_space<vmem>>, vector<16xi32>,
        tpu.vector_store %arg19[%swap3A_260], %get3A_249 {strides = array<i32>} : memref<80xi32, #tpu.memory_space<vmem>>, vector<16xi32>,
        %dma_start3A_262 = arith.constant 0 : i32
        %dma_start3A_263 = tpu.memref_slice %arg32[%dma_start3A_262] : memref<10000xf32, #tpu.memory_space<vmem_shared>> -> memref<10000xf32, #tpu.memory_space<vmem_shared>>
        tpu.enqueue_indirect_dma source(%arg17 : memref<80xf32, #tpu.memory_space<vmem>>) target(%dma_start3A_263 : memref<10000xf32, #tpu.memory_space<vmem_shared>>) offsets(%arg19 : memref<80xi32, #tpu.memory_space<vmem>>) semaphore(%arg30 : memref<!tpu.dma_semaphore, #tpu.memory_space<semaphore_mem>>) {add = true}
        %dma_start3A_264 = arith.constant 0 : i32
        %dma_start3A_265 = arith.constant 0 : i32
        %dma_start3A_266 = tpu.memref_slice %arg15[%dma_start3A_264, %dma_start3A_265] : memref<2x80xi32, #tpu.memory_space<vmem>> -> memref<1x80xi32, #tpu.memory_space<vmem>>
        %dma_start3A_267 = tpu.memref_squeeze %dma_start3A_266 : memref<1x80xi32, #tpu.memory_space<vmem>> -> memref<80xi32, #tpu.memory_space<vmem>>
        %dma_start3A_268 = arith.constant 0 : i32
        %dma_start3A_269 = arith.constant 0 : i32
        %dma_start3A_270 = tpu.memref_slice %arg5[%dma_start3A_268, %dma_start3A_269] : memref<10000x128xf32, #tpu.memory_space<hbm>> -> memref<10000x128xf32, #tpu.memory_space<hbm>>
        tpu.enqueue_indirect_dma source(%dma_start3A_270 : memref<10000x128xf32, #tpu.memory_space<hbm>>) target(%arg11 : memref<80x128xf32, #tpu.memory_space<vmem>>) offsets(%dma_start3A_267 : memref<80xi32, #tpu.memory_space<vmem>>) semaphore(%arg26 : memref<!tpu.dma_semaphore, #tpu.memory_space<semaphore_mem>>)
      } else {
      }
      %ge3A_144 = arith.constant 1 : i32
      %ge3A_145 = arith.cmpi sge, %add3A_138, %ge3A_144 : i32
      %le3A_146 = arith.constant 125 : i32
      %le3A_147 = arith.cmpi sle, %add3A_138, %le3A_146 : i32
      %and3A_148 = arith.andi %ge3A_145, %le3A_147 : i1
      %convert_element_type3A_149 = arith.extui %and3A_148 : i1 to i32
      %cond3A_150 = arith.constant 0 : i32
      %cond3A_151 = arith.cmpi ne, %convert_element_type3A_149, %cond3A_150 : i32
      scf.if %cond3A_151 {
        %dma_wait3A_153 = arith.constant 0 : i32
        %dma_wait3A_154 = arith.constant 0 : i32
        %dma_wait3A_155 = tpu.memref_slice %arg14[%dma_wait3A_153, %dma_wait3A_154] : memref<2x80xi32, #tpu.memory_space<vmem>> -> memref<1x80xi32, #tpu.memory_space<vmem>>
        %dma_wait3A_156 = tpu.memref_squeeze %dma_wait3A_155 : memref<1x80xi32, #tpu.memory_space<vmem>> -> memref<80xi32, #tpu.memory_space<vmem>>
        %dma_wait3A_157 = arith.constant 0 : i32
        %dma_wait3A_158 = arith.constant 0 : i32
        %dma_wait3A_159 = tpu.memref_slice %arg5[%dma_wait3A_157, %dma_wait3A_158] : memref<10000x128xf32, #tpu.memory_space<hbm>> -> memref<10000x128xf32, #tpu.memory_space<hbm>>
        tpu.wait_indirect_dma semaphore(%arg25 : memref<!tpu.dma_semaphore, #tpu.memory_space<semaphore_mem>>) src(%dma_wait3A_159 : memref<10000x128xf32, #tpu.memory_space<hbm>>) dst(%arg10 : memref<80x128xf32, #tpu.memory_space<vmem>>)
        %parallel_loop3A = arith.constant 0 : i32
        %parallel_loop3A_160 = arith.constant 80 : i32
        %parallel_loop3A_161 = arith.constant 1 : i32
        scf.for %parallel_loop3A_172 = %parallel_loop3A to %parallel_loop3A_160 step %parallel_loop3A_161  : i32 {
          %parallel_loop3A_173 = vector.broadcast %parallel_loop3A_172 : i32 to vector<16xi32>
          %parallel_loop3A_174 = tpu.vector_load_idx %arg16[%parallel_loop3A_173] : memref<80xf32, #tpu.memory_space<vmem>>[vector<16xi32>], vector<16xf32>,
          %parallel_loop3A_175 = arith.index_cast %parallel_loop3A_172 : i32 to index
          %parallel_loop3A_176 = arith.constant 0 : index
          %parallel_loop3A_177 = tpu.vector_load %arg10[%parallel_loop3A_175, %parallel_loop3A_176] {strides = array<i32>} : memref<80x128xf32, #tpu.memory_space<vmem>>, vector<16xf32>,
          %parallel_loop3A_178 = arith.mulf %parallel_loop3A_177, %parallel_loop3A_174 : vector<16xf32>
          %parallel_loop3A_179 = arith.index_cast %parallel_loop3A_172 : i32 to index
          %parallel_loop3A_180 = arith.constant 0 : index
          %parallel_loop3A_181 = tpu.vector_load %arg10[%parallel_loop3A_179, %parallel_loop3A_180] {strides = array<i32>} : memref<80x128xf32, #tpu.memory_space<vmem>>, vector<16xf32>,
          tpu.vector_store %arg10[%parallel_loop3A_179, %parallel_loop3A_180], %parallel_loop3A_178 {strides = array<i32>} : memref<80x128xf32, #tpu.memory_space<vmem>>, vector<16xf32>,
          %parallel_loop3A_182 = arith.index_cast %parallel_loop3A_172 : i32 to index
          %parallel_loop3A_183 = arith.constant 16 : index
          %parallel_loop3A_184 = tpu.vector_load %arg10[%parallel_loop3A_182, %parallel_loop3A_183] {strides = array<i32>} : memref<80x128xf32, #tpu.memory_space<vmem>>, vector<16xf32>,
          %parallel_loop3A_185 = arith.mulf %parallel_loop3A_184, %parallel_loop3A_174 : vector<16xf32>
          %parallel_loop3A_186 = arith.index_cast %parallel_loop3A_172 : i32 to index
          %parallel_loop3A_187 = arith.constant 16 : index
          %parallel_loop3A_188 = tpu.vector_load %arg10[%parallel_loop3A_186, %parallel_loop3A_187] {strides = array<i32>} : memref<80x128xf32, #tpu.memory_space<vmem>>, vector<16xf32>,
          tpu.vector_store %arg10[%parallel_loop3A_186, %parallel_loop3A_187], %parallel_loop3A_185 {strides = array<i32>} : memref<80x128xf32, #tpu.memory_space<vmem>>, vector<16xf32>,
          %parallel_loop3A_189 = arith.index_cast %parallel_loop3A_172 : i32 to index
          %parallel_loop3A_190 = arith.constant 32 : index
          %parallel_loop3A_191 = tpu.vector_load %arg10[%parallel_loop3A_189, %parallel_loop3A_190] {strides = array<i32>} : memref<80x128xf32, #tpu.memory_space<vmem>>, vector<16xf32>,
          %parallel_loop3A_192 = arith.mulf %parallel_loop3A_191, %parallel_loop3A_174 : vector<16xf32>
          %parallel_loop3A_193 = arith.index_cast %parallel_loop3A_172 : i32 to index
          %parallel_loop3A_194 = arith.constant 32 : index
          %parallel_loop3A_195 = tpu.vector_load %arg10[%parallel_loop3A_193, %parallel_loop3A_194] {strides = array<i32>} : memref<80x128xf32, #tpu.memory_space<vmem>>, vector<16xf32>,
          tpu.vector_store %arg10[%parallel_loop3A_193, %parallel_loop3A_194], %parallel_loop3A_192 {strides = array<i32>} : memref<80x128xf32, #tpu.memory_space<vmem>>, vector<16xf32>,
          %parallel_loop3A_196 = arith.index_cast %parallel_loop3A_172 : i32 to index
          %parallel_loop3A_197 = arith.constant 48 : index
          %parallel_loop3A_198 = tpu.vector_load %arg10[%parallel_loop3A_196, %parallel_loop3A_197] {strides = array<i32>} : memref<80x128xf32, #tpu.memory_space<vmem>>, vector<16xf32>,
          %parallel_loop3A_199 = arith.mulf %parallel_loop3A_198, %parallel_loop3A_174 : vector<16xf32>
          %parallel_loop3A_200 = arith.index_cast %parallel_loop3A_172 : i32 to index
          %parallel_loop3A_201 = arith.constant 48 : index
          %parallel_loop3A_202 = tpu.vector_load %arg10[%parallel_loop3A_200, %parallel_loop3A_201] {strides = array<i32>} : memref<80x128xf32, #tpu.memory_space<vmem>>, vector<16xf32>,
          tpu.vector_store %arg10[%parallel_loop3A_200, %parallel_loop3A_201], %parallel_loop3A_199 {strides = array<i32>} : memref<80x128xf32, #tpu.memory_space<vmem>>, vector<16xf32>,
          %parallel_loop3A_203 = arith.index_cast %parallel_loop3A_172 : i32 to index
          %parallel_loop3A_204 = arith.constant 64 : index
          %parallel_loop3A_205 = tpu.vector_load %arg10[%parallel_loop3A_203, %parallel_loop3A_204] {strides = array<i32>} : memref<80x128xf32, #tpu.memory_space<vmem>>, vector<16xf32>,
          %parallel_loop3A_206 = arith.mulf %parallel_loop3A_205, %parallel_loop3A_174 : vector<16xf32>
          %parallel_loop3A_207 = arith.index_cast %parallel_loop3A_172 : i32 to index
          %parallel_loop3A_208 = arith.constant 64 : index
          %parallel_loop3A_209 = tpu.vector_load %arg10[%parallel_loop3A_207, %parallel_loop3A_208] {strides = array<i32>} : memref<80x128xf32, #tpu.memory_space<vmem>>, vector<16xf32>,
          tpu.vector_store %arg10[%parallel_loop3A_207, %parallel_loop3A_208], %parallel_loop3A_206 {strides = array<i32>} : memref<80x128xf32, #tpu.memory_space<vmem>>, vector<16xf32>,
          %parallel_loop3A_210 = arith.index_cast %parallel_loop3A_172 : i32 to index
          %parallel_loop3A_211 = arith.constant 80 : index
          %parallel_loop3A_212 = tpu.vector_load %arg10[%parallel_loop3A_210, %parallel_loop3A_211] {strides = array<i32>} : memref<80x128xf32, #tpu.memory_space<vmem>>, vector<16xf32>,
          %parallel_loop3A_213 = arith.mulf %parallel_loop3A_212, %parallel_loop3A_174 : vector<16xf32>
          %parallel_loop3A_214 = arith.index_cast %parallel_loop3A_172 : i32 to index
          %parallel_loop3A_215 = arith.constant 80 : index
          %parallel_loop3A_216 = tpu.vector_load %arg10[%parallel_loop3A_214, %parallel_loop3A_215] {strides = array<i32>} : memref<80x128xf32, #tpu.memory_space<vmem>>, vector<16xf32>,
          tpu.vector_store %arg10[%parallel_loop3A_214, %parallel_loop3A_215], %parallel_loop3A_213 {strides = array<i32>} : memref<80x128xf32, #tpu.memory_space<vmem>>, vector<16xf32>,
          %parallel_loop3A_217 = arith.index_cast %parallel_loop3A_172 : i32 to index
          %parallel_loop3A_218 = arith.constant 96 : index
          %parallel_loop3A_219 = tpu.vector_load %arg10[%parallel_loop3A_217, %parallel_loop3A_218] {strides = array<i32>} : memref<80x128xf32, #tpu.memory_space<vmem>>, vector<16xf32>,
          %parallel_loop3A_220 = arith.mulf %parallel_loop3A_219, %parallel_loop3A_174 : vector<16xf32>
          %parallel_loop3A_221 = arith.index_cast %parallel_loop3A_172 : i32 to index
          %parallel_loop3A_222 = arith.constant 96 : index
          %parallel_loop3A_223 = tpu.vector_load %arg10[%parallel_loop3A_221, %parallel_loop3A_222] {strides = array<i32>} : memref<80x128xf32, #tpu.memory_space<vmem>>, vector<16xf32>,
          tpu.vector_store %arg10[%parallel_loop3A_221, %parallel_loop3A_222], %parallel_loop3A_220 {strides = array<i32>} : memref<80x128xf32, #tpu.memory_space<vmem>>, vector<16xf32>,
          %parallel_loop3A_224 = arith.index_cast %parallel_loop3A_172 : i32 to index
          %parallel_loop3A_225 = arith.constant 112 : index
          %parallel_loop3A_226 = tpu.vector_load %arg10[%parallel_loop3A_224, %parallel_loop3A_225] {strides = array<i32>} : memref<80x128xf32, #tpu.memory_space<vmem>>, vector<16xf32>,
          %parallel_loop3A_227 = arith.mulf %parallel_loop3A_226, %parallel_loop3A_174 : vector<16xf32>
          %parallel_loop3A_228 = arith.index_cast %parallel_loop3A_172 : i32 to index
          %parallel_loop3A_229 = arith.constant 112 : index
          %parallel_loop3A_230 = tpu.vector_load %arg10[%parallel_loop3A_228, %parallel_loop3A_229] {strides = array<i32>} : memref<80x128xf32, #tpu.memory_space<vmem>>, vector<16xf32>,
          tpu.vector_store %arg10[%parallel_loop3A_228, %parallel_loop3A_229], %parallel_loop3A_227 {strides = array<i32>} : memref<80x128xf32, #tpu.memory_space<vmem>>, vector<16xf32>,
        } {sc.loop_unroll_factor = 4 : i64, sc.parallel_access}
        %dma_start3A_162 = arith.constant 0 : i32
        %dma_start3A_163 = arith.constant 0 : i32
        %dma_start3A_164 = tpu.memref_slice %arg31[%dma_start3A_162, %dma_start3A_163] : memref<10000x128xf32, #tpu.memory_space<vmem_shared>> -> memref<10000x128xf32, #tpu.memory_space<vmem_shared>>
        tpu.enqueue_indirect_dma source(%arg10 : memref<80x128xf32, #tpu.memory_space<vmem>>) target(%dma_start3A_164 : memref<10000x128xf32, #tpu.memory_space<vmem_shared>>) offsets(%arg18 : memref<80xi32, #tpu.memory_space<vmem>>) semaphore(%arg27 : memref<!tpu.dma_semaphore, #tpu.memory_space<semaphore_mem>>) {add = true}
        %add3A_165 = arith.constant 3 : i32
        %add3A_166 = arith.addi %add3A_138, %add3A_165 : i32
        %le3A_167 = arith.constant 124 : i32
        %le3A_168 = arith.cmpi sle, %add3A_166, %le3A_167 : i32
        %convert_element_type3A_169 = arith.extui %le3A_168 : i1 to i32
        %cond3A_170 = arith.constant 0 : i32
        %cond3A_171 = arith.cmpi ne, %convert_element_type3A_169, %cond3A_170 : i32
        scf.if %cond3A_171 {
          %add3A_172 = arith.constant 3 : i32
          %add3A_173 = arith.addi %add3A_138, %add3A_172 : i32
          %dma_start3A_174 = arith.constant 0 : i32
          %dma_start3A_175 = arith.constant 0 : i32
          %dma_start3A_176 = tpu.memref_slice %arg2[%add3A, %add3A_173, %dma_start3A_174, %dma_start3A_175] : memref<32x125x2x80xi32, #tpu.memory_space<hbm>> -> memref<1x1x2x80xi32, #tpu.memory_space<hbm>>
          %dma_start3A_177 = tpu.memref_squeeze %dma_start3A_176 : memref<1x1x2x80xi32, #tpu.memory_space<hbm>> -> memref<2x80xi32, #tpu.memory_space<hbm>>
          %dma_start3A_178 = arith.constant 0 : i32
          %dma_start3A_179 = arith.constant 0 : i32
          %dma_start3A_180 = tpu.memref_slice %arg2[%add3A, %add3A_173, %dma_start3A_178, %dma_start3A_179] : memref<32x125x2x80xi32, #tpu.memory_space<hbm>> -> memref<1x1x2x80xi32, #tpu.memory_space<hbm>>
          %dma_start3A_181 = tpu.memref_squeeze %dma_start3A_180 : memref<1x1x2x80xi32, #tpu.memory_space<hbm>> -> memref<2x80xi32, #tpu.memory_space<hbm>>
          tpu.enqueue_dma source(%dma_start3A_181 : memref<2x80xi32, #tpu.memory_space<hbm>>) target(%arg14 : memref<2x80xi32, #tpu.memory_space<vmem>>) target_semaphore(%arg23 : memref<!tpu.dma_semaphore, #tpu.memory_space<semaphore_mem>>)
        } else {
        }
      } else {
      }
      %scan3A_152 = arith.constant 0 : i32
      scf.yield %scan3A_152 : i32
    }
    %scan3A_65 = arith.constant 32 : i32
    %dma_wait3A = arith.constant 0 : i32
    %dma_wait3A_66 = tpu.memref_slice %arg32[%dma_wait3A] : memref<10000xf32, #tpu.memory_space<vmem_shared>> -> memref<10000xf32, #tpu.memory_space<vmem_shared>>
    tpu.wait_indirect_dma semaphore(%arg29 : memref<!tpu.dma_semaphore, #tpu.memory_space<semaphore_mem>>) src(%arg16 : memref<80xf32, #tpu.memory_space<vmem>>) dst(%dma_wait3A_66 : memref<10000xf32, #tpu.memory_space<vmem_shared>>)
    %dma_wait3A_67 = arith.constant 0 : i32
    %dma_wait3A_68 = arith.constant 0 : i32
    %dma_wait3A_69 = tpu.memref_slice %arg31[%dma_wait3A_67, %dma_wait3A_68] : memref<10000x128xf32, #tpu.memory_space<vmem_shared>> -> memref<10000x128xf32, #tpu.memory_space<vmem_shared>>
    tpu.wait_indirect_dma semaphore(%arg27 : memref<!tpu.dma_semaphore, #tpu.memory_space<semaphore_mem>>) src(%arg10 : memref<80x128xf32, #tpu.memory_space<vmem>>) dst(%dma_wait3A_69 : memref<10000x128xf32, #tpu.memory_space<vmem_shared>>)
    %dma_wait3A_70 = arith.constant 0 : i32
    %dma_wait3A_71 = tpu.memref_slice %arg32[%dma_wait3A_70] : memref<10000xf32, #tpu.memory_space<vmem_shared>> -> memref<10000xf32, #tpu.memory_space<vmem_shared>>
    tpu.wait_indirect_dma semaphore(%arg30 : memref<!tpu.dma_semaphore, #tpu.memory_space<semaphore_mem>>) src(%arg17 : memref<80xf32, #tpu.memory_space<vmem>>) dst(%dma_wait3A_71 : memref<10000xf32, #tpu.memory_space<vmem_shared>>)
    %dma_wait3A_72 = arith.constant 0 : i32
    %dma_wait3A_73 = arith.constant 0 : i32
    %dma_wait3A_74 = tpu.memref_slice %arg31[%dma_wait3A_72, %dma_wait3A_73] : memref<10000x128xf32, #tpu.memory_space<vmem_shared>> -> memref<10000x128xf32, #tpu.memory_space<vmem_shared>>
    tpu.wait_indirect_dma semaphore(%arg28 : memref<!tpu.dma_semaphore, #tpu.memory_space<semaphore_mem>>) src(%arg11 : memref<80x128xf32, #tpu.memory_space<vmem>>) dst(%dma_wait3A_74 : memref<10000x128xf32, #tpu.memory_space<vmem_shared>>)
    %barrier3A_75 = arith.constant 0 : index
    tpu.barrier barrier_id(%barrier3A_75)
    %eq3A = arith.constant 0 : i32
    %eq3A_76 = arith.cmpi eq, %arg1, %eq3A : i32
    %convert_element_type3A = arith.extui %eq3A_76 : i1 to i32
    %cond3A = arith.constant 0 : i32
    %cond3A_77 = arith.cmpi ne, %convert_element_type3A, %cond3A : i32
    scf.if %cond3A_77 {
      "tpu.region"() ({
        %run_scoped3A = tpu.sem_alloc : memref<!tpu.dma_semaphore, #tpu.memory_space<semaphore_mem>>
        %dma_start3A_85 = arith.constant 0 : i32
        %dma_start3A_86 = tpu.memref_slice %arg7[%arg0, %dma_start3A_85] : memref<2x10000xf32, #tpu.memory_space<hbm>> -> memref<1x10000xf32, #tpu.memory_space<hbm>>
        %dma_start3A_87 = tpu.memref_squeeze %dma_start3A_86 : memref<1x10000xf32, #tpu.memory_space<hbm>> -> memref<10000xf32, #tpu.memory_space<hbm>>
        tpu.enqueue_dma source(%arg32 : memref<10000xf32, #tpu.memory_space<vmem_shared>>) target(%dma_start3A_87 : memref<10000xf32, #tpu.memory_space<hbm>>) target_semaphore(%run_scoped3A : memref<!tpu.dma_semaphore, #tpu.memory_space<semaphore_mem>>)
        %dma_wait3A_88 = arith.constant 0 : i32
        %dma_wait3A_89 = tpu.memref_slice %arg7[%arg0, %dma_wait3A_88] : memref<2x10000xf32, #tpu.memory_space<hbm>> -> memref<1x10000xf32, #tpu.memory_space<hbm>>
        %dma_wait3A_90 = tpu.memref_squeeze %dma_wait3A_89 : memref<1x10000xf32, #tpu.memory_space<hbm>> -> memref<10000xf32, #tpu.memory_space<hbm>>
        tpu.wait_dma2 semaphore(%run_scoped3A : memref<!tpu.dma_semaphore, #tpu.memory_space<semaphore_mem>>) src(%arg32 : memref<10000xf32, #tpu.memory_space<vmem_shared>>) dst(%dma_wait3A_90 : memref<10000xf32, #tpu.memory_space<hbm>>)
        tpu.yield
      }) : () -> ()
    } else {
    }
    %scan3A_78 = arith.constant 0 : i32
    %scan3A_79 = arith.constant 0 : i32
    %scan3A_80 = arith.constant 8 : i32
    %scan3A_81 = arith.addi %scan3A_79, %scan3A_80 : i32
    %scan3A_82 = arith.constant 1 : i32
    %scan3A_83 = scf.for %scan3A_85 = %scan3A_79 to %scan3A_81 step %scan3A_82 iter_args(%scan3A_86 = %scan3A_78) -> (i32)  : i32 {
      %mul3A_87 = arith.constant 16 : i32
      %mul3A_88 = arith.muli %scan3A_85, %mul3A_87 : i32
      %add3A_89 = arith.addi %arg1, %mul3A_88 : i32
      %lt3A = arith.constant 125 : i32
      %lt3A_90 = arith.cmpi slt, %add3A_89, %lt3A : i32
      %convert_element_type3A_91 = arith.extui %lt3A_90 : i1 to i32
      %cond3A_92 = arith.constant 0 : i32
      %cond3A_93 = arith.cmpi ne, %convert_element_type3A_91, %cond3A_92 : i32
      scf.if %cond3A_93 {
        %mul3A_95 = arith.constant 80 : i32
        %mul3A_96 = arith.muli %add3A_89, %mul3A_95 : i32
        "tpu.region"() ({
          %run_scoped3A = tpu.sem_alloc : memref<!tpu.dma_semaphore, #tpu.memory_space<semaphore_mem>>
          %dma_start3A_97 = arith.constant 0 : i32
          %dma_start3A_98 = tpu.memref_slice %arg6[%arg0, %mul3A_96, %dma_start3A_97] : memref<2x10000x128xf32, #tpu.memory_space<hbm>> -> memref<1x80x128xf32, #tpu.memory_space<hbm>>
          %dma_start3A_99 = tpu.memref_squeeze %dma_start3A_98 : memref<1x80x128xf32, #tpu.memory_space<hbm>> -> memref<80x128xf32, #tpu.memory_space<hbm>>
          %dma_start3A_100 = arith.constant 0 : i32
          %dma_start3A_101 = tpu.memref_slice %arg31[%mul3A_96, %dma_start3A_100] : memref<10000x128xf32, #tpu.memory_space<vmem_shared>> -> memref<80x128xf32, #tpu.memory_space<vmem_shared>>
          tpu.enqueue_dma source(%dma_start3A_101 : memref<80x128xf32, #tpu.memory_space<vmem_shared>>) target(%dma_start3A_99 : memref<80x128xf32, #tpu.memory_space<hbm>>) target_semaphore(%run_scoped3A : memref<!tpu.dma_semaphore, #tpu.memory_space<semaphore_mem>>)
          %dma_wait3A_102 = arith.constant 0 : i32
          %dma_wait3A_103 = tpu.memref_slice %arg6[%arg0, %mul3A_96, %dma_wait3A_102] : memref<2x10000x128xf32, #tpu.memory_space<hbm>> -> memref<1x80x128xf32, #tpu.memory_space<hbm>>
          %dma_wait3A_104 = tpu.memref_squeeze %dma_wait3A_103 : memref<1x80x128xf32, #tpu.memory_space<hbm>> -> memref<80x128xf32, #tpu.memory_space<hbm>>
          %dma_wait3A_105 = arith.constant 0 : i32
          %dma_wait3A_106 = tpu.memref_slice %arg31[%mul3A_96, %dma_wait3A_105] : memref<10000x128xf32, #tpu.memory_space<vmem_shared>> -> memref<80x128xf32, #tpu.memory_space<vmem_shared>>
          tpu.wait_dma2 semaphore(%run_scoped3A : memref<!tpu.dma_semaphore, #tpu.memory_space<semaphore_mem>>) src(%dma_wait3A_106 : memref<80x128xf32, #tpu.memory_space<vmem_shared>>) dst(%dma_wait3A_104 : memref<80x128xf32, #tpu.memory_space<hbm>>)
          tpu.yield
        }) : () -> ()
      } else {
      }
      %scan3A_94 = arith.constant 0 : i32
      scf.yield %scan3A_94 : i32
    }
    %scan3A_84 = arith.constant 8 : i32
    return
  }
}

module attributes {stable_mosaic.version = 14 : i64} {
  func.func @_proj_body(%arg0: i32, %arg1: memref<2000x128xf32, #tpu.memory_space<vmem>>, %arg2: memref<128x128xf32, #tpu.memory_space<vmem>>, %arg3: memref<1x128xf32, #tpu.memory_space<vmem>>, %arg4: memref<1x128xf32, #tpu.memory_space<vmem>>, %arg5: memref<2000x128xf32, #tpu.memory_space<vmem>>, %arg6: memref<2000x2xf32, #tpu.memory_space<vmem>>) attributes {dimension_semantics = [#tpu.dimension_semantics<arbitrary>], iteration_bounds = array<i64: 5>, scalar_prefetch = 0 : i64, scratch_operands = 0 : i64, tpu.core_type = #tpu.core_type<tc>, window_params = [{transform_indices = @transform_0, window_bounds = array<i64: 2000, 128>}, {pipeline_mode = #tpu.pipeline_mode<synchronous>, transform_indices = @transform_1, window_bounds = array<i64: 128, 128>}, {pipeline_mode = #tpu.pipeline_mode<synchronous>, transform_indices = @transform_2, window_bounds = array<i64: 1, 128>}, {pipeline_mode = #tpu.pipeline_mode<synchronous>, transform_indices = @transform_3, window_bounds = array<i64: 1, 128>}, {transform_indices = @transform_4, window_bounds = array<i64: 2000, 128>}, {transform_indices = @transform_5, window_bounds = array<i64: 2000, 2>}]} {
    %get3A = arith.constant 0 : index
    %get3A_0 = arith.constant 0 : index
    %get3A_1 = vector.load %arg1[%get3A, %get3A_0] : memref<2000x128xf32, #tpu.memory_space<vmem>>, vector<2000x128xf32>
    %get3A_2 = arith.constant 0 : index
    %get3A_3 = arith.constant 0 : index
    %get3A_4 = vector.load %arg2[%get3A_2, %get3A_3] : memref<128x128xf32, #tpu.memory_space<vmem>>, vector<128x128xf32>
    %dot_general3A = arith.constant dense<0.000000e+00> : vector<2000x128xf32>
    %dot_general3A_5 = tpu.matmul %get3A_1, %get3A_4, %dot_general3A {dimension_numbers = #tpu.dot_dimension_numbers<[1], [0], [0], [1], [0, 0, 1, 1], [], []>, transpose_lhs_hint = false} : vector<2000x128xf32>, vector<128x128xf32>, vector<2000x128xf32> -> vector<2000x128xf32>
    %swap3A = arith.constant 0 : index
    %swap3A_6 = arith.constant 0 : index
    %swap3A_7 = vector.load %arg5[%swap3A, %swap3A_6] : memref<2000x128xf32, #tpu.memory_space<vmem>>, vector<2000x128xf32>
    tpu.vector_store %arg5[%swap3A, %swap3A_6], %dot_general3A_5 {strides = array<i32>} : memref<2000x128xf32, #tpu.memory_space<vmem>>, vector<2000x128xf32>,
    %get3A_8 = arith.constant 0 : index
    %get3A_9 = arith.constant 0 : index
    %get3A_10 = vector.load %arg3[%get3A_8, %get3A_9] : memref<1x128xf32, #tpu.memory_space<vmem>>, vector<1x128xf32>
    %transpose3A = tpu.transpose %get3A_10, [1, 0] : vector<1x128xf32> -> vector<128x1xf32>
    %dot_general3A_11 = arith.constant dense<0.000000e+00> : vector<2000x1xf32>
    %dot_general3A_12 = tpu.matmul %dot_general3A_5, %transpose3A, %dot_general3A_11 {dimension_numbers = #tpu.dot_dimension_numbers<[1], [0], [0], [1], [0, 0, 1, 1], [], []>, transpose_lhs_hint = false} : vector<2000x128xf32>, vector<128x1xf32>, vector<2000x1xf32> -> vector<2000x1xf32>
    %get3A_13 = arith.constant 0 : index
    %get3A_14 = arith.constant 0 : index
    %get3A_15 = vector.load %arg4[%get3A_13, %get3A_14] : memref<1x128xf32, #tpu.memory_space<vmem>>, vector<1x128xf32>
    %transpose3A_16 = tpu.transpose %get3A_15, [1, 0] : vector<1x128xf32> -> vector<128x1xf32>
    %dot_general3A_17 = arith.constant dense<0.000000e+00> : vector<2000x1xf32>
    %dot_general3A_18 = tpu.matmul %dot_general3A_5, %transpose3A_16, %dot_general3A_17 {dimension_numbers = #tpu.dot_dimension_numbers<[1], [0], [0], [1], [0, 0, 1, 1], [], []>, transpose_lhs_hint = false} : vector<2000x128xf32>, vector<128x1xf32>, vector<2000x1xf32> -> vector<2000x1xf32>
    %concatenate3A = tpu.concatenate %dot_general3A_12, %dot_general3A_18 in 1 : vector<2000x1xf32>, vector<2000x1xf32> -> vector<2000x2xf32>
    %swap3A_19 = arith.constant 0 : index
    %swap3A_20 = arith.constant 0 : index
    %swap3A_21 = vector.load %arg6[%swap3A_19, %swap3A_20] : memref<2000x2xf32, #tpu.memory_space<vmem>>, vector<2000x2xf32>
    tpu.vector_store %arg6[%swap3A_19, %swap3A_20], %concatenate3A {strides = array<i32>} : memref<2000x2xf32, #tpu.memory_space<vmem>>, vector<2000x2xf32>,
    return
  }
  func.func @transform_0(%arg0: i32) -> (i32, i32) {
    %c0_i32 = arith.constant 0 : i32
    %c0_i32_0 = arith.constant 0 : i32
    return %arg0, %c0_i32 : i32, i32
  }
  func.func @transform_1(%arg0: i32) -> (i32, i32) {
    %c0_i32 = arith.constant 0 : i32
    %c0_i32_0 = arith.constant 0 : i32
    %c0_i32_1 = arith.constant 0 : i32
    return %c0_i32, %c0_i32_0 : i32, i32
  }
  func.func @transform_2(%arg0: i32) -> (i32, i32) {
    %c0_i32 = arith.constant 0 : i32
    %c0_i32_0 = arith.constant 0 : i32
    %c0_i32_1 = arith.constant 0 : i32
    return %c0_i32, %c0_i32_0 : i32, i32
  }
  func.func @transform_3(%arg0: i32) -> (i32, i32) {
    %c0_i32 = arith.constant 0 : i32
    %c0_i32_0 = arith.constant 0 : i32
    %c0_i32_1 = arith.constant 0 : i32
    return %c0_i32, %c0_i32_0 : i32, i32
  }
  func.func @transform_4(%arg0: i32) -> (i32, i32) {
    %c0_i32 = arith.constant 0 : i32
    %c0_i32_0 = arith.constant 0 : i32
    return %arg0, %c0_i32 : i32, i32
  }
  func.func @transform_5(%arg0: i32) -> (i32, i32) {
    %c0_i32 = arith.constant 0 : i32
    %c0_i32_0 = arith.constant 0 : i32
    return %arg0, %c0_i32 : i32, i32
  }
}

module attributes {stable_mosaic.version = 14 : i64} {
  func.func @_epi_body(%arg0: i32, %arg1: memref<2x2000x128xf32, #tpu.memory_space<vmem>>, %arg2: memref<2000x2xf32, #tpu.memory_space<vmem>>, %arg3: memref<2000x2xf32, #tpu.memory_space<vmem>>, %arg4: memref<2000x128xf32, #tpu.memory_space<vmem>>, %arg5: memref<1x128xf32, #tpu.memory_space<vmem>>, %arg6: memref<128x128xf32, #tpu.memory_space<vmem>>, %arg7: memref<1x128xf32, #tpu.memory_space<vmem>>, %arg8: memref<1x128xf32, #tpu.memory_space<vmem>>, %arg9: memref<2000x128xf32, #tpu.memory_space<vmem>>, %arg10: memref<2000x2xf32, #tpu.memory_space<vmem>>) attributes {dimension_semantics = [#tpu.dimension_semantics<arbitrary>], iteration_bounds = array<i64: 5>, scalar_prefetch = 0 : i64, scratch_operands = 0 : i64, tpu.core_type = #tpu.core_type<tc>, window_params = [{transform_indices = @transform_0, window_bounds = array<i64: 2, 2000, 128>}, {transform_indices = @transform_1, window_bounds = array<i64: 2000, 2>}, {transform_indices = @transform_2, window_bounds = array<i64: 2000, 2>}, {transform_indices = @transform_3, window_bounds = array<i64: 2000, 128>}, {pipeline_mode = #tpu.pipeline_mode<synchronous>, transform_indices = @transform_4, window_bounds = array<i64: 1, 128>}, {pipeline_mode = #tpu.pipeline_mode<synchronous>, transform_indices = @transform_5, window_bounds = array<i64: 128, 128>}, {pipeline_mode = #tpu.pipeline_mode<synchronous>, transform_indices = @transform_6, window_bounds = array<i64: 1, 128>}, {pipeline_mode = #tpu.pipeline_mode<synchronous>, transform_indices = @transform_7, window_bounds = array<i64: 1, 128>}, {transform_indices = @transform_8, window_bounds = array<i64: 2000, 128>}, {transform_indices = @transform_9, window_bounds = array<i64: 2000, 2>}]} {
    %get3A = arith.constant 0 : index
    %get3A_0 = arith.constant 0 : index
    %get3A_1 = vector.load %arg2[%get3A, %get3A_0] : memref<2000x2xf32, #tpu.memory_space<vmem>>, vector<2000x1xf32>
    %get3A_2 = arith.constant 0 : index
    %get3A_3 = arith.constant 1 : index
    %get3A_4 = vector.load %arg2[%get3A_2, %get3A_3] : memref<2000x2xf32, #tpu.memory_space<vmem>>, vector<2000x1xf32>
    %add3A = arith.addf %get3A_1, %get3A_4 : vector<2000x1xf32>
    %get3A_5 = arith.constant 0 : index
    %get3A_6 = arith.constant 0 : index
    %get3A_7 = vector.load %arg3[%get3A_5, %get3A_6] : memref<2000x2xf32, #tpu.memory_space<vmem>>, vector<2000x1xf32>
    %get3A_8 = arith.constant 0 : index
    %get3A_9 = arith.constant 1 : index
    %get3A_10 = vector.load %arg3[%get3A_8, %get3A_9] : memref<2000x2xf32, #tpu.memory_space<vmem>>, vector<2000x1xf32>
    %add3A_11 = arith.addf %get3A_7, %get3A_10 : vector<2000x1xf32>
    %mul3A = arith.constant 2.000000e-01 : f32
    %mul3A_12 = vector.broadcast %mul3A : f32 to vector<2000x1xf32>
    %mul3A_13 = arith.mulf %mul3A_12, %add3A_11 : vector<2000x1xf32>
    %max3A = arith.maximumf %add3A_11, %mul3A_13 : vector<2000x1xf32>
    %exp3A = math.exp %max3A : vector<2000x1xf32>
    %add3A_14 = arith.addf %add3A, %exp3A : vector<2000x1xf32>
    %get3A_15 = arith.constant 0 : index
    %get3A_16 = arith.constant 0 : index
    %get3A_17 = arith.constant 0 : index
    %get3A_18 = vector.load %arg1[%get3A_15, %get3A_16, %get3A_17] : memref<2x2000x128xf32, #tpu.memory_space<vmem>>, vector<1x2000x128xf32>
    %get3A_19 = vector.shape_cast %get3A_18 : vector<1x2000x128xf32> to vector<2000x128xf32>
    %get3A_20 = arith.constant 1 : index
    %get3A_21 = arith.constant 0 : index
    %get3A_22 = arith.constant 0 : index
    %get3A_23 = vector.load %arg1[%get3A_20, %get3A_21, %get3A_22] : memref<2x2000x128xf32, #tpu.memory_space<vmem>>, vector<1x2000x128xf32>
    %get3A_24 = vector.shape_cast %get3A_23 : vector<1x2000x128xf32> to vector<2000x128xf32>
    %add3A_25 = arith.addf %get3A_19, %get3A_24 : vector<2000x128xf32>
    %get3A_26 = arith.constant 0 : index
    %get3A_27 = arith.constant 0 : index
    %get3A_28 = vector.load %arg4[%get3A_26, %get3A_27] : memref<2000x128xf32, #tpu.memory_space<vmem>>, vector<2000x128xf32>
    %mul3A_29 = vector.broadcast %exp3A : vector<2000x1xf32> to vector<2000x128xf32>
    %mul3A_30 = arith.mulf %mul3A_29, %get3A_28 : vector<2000x128xf32>
    %add3A_31 = arith.addf %add3A_25, %mul3A_30 : vector<2000x128xf32>
    %div3A = vector.broadcast %add3A_14 : vector<2000x1xf32> to vector<2000x128xf32>
    %div3A_32 = arith.divf %add3A_31, %div3A : vector<2000x128xf32>
    %get3A_33 = arith.constant 0 : index
    %get3A_34 = arith.constant 0 : index
    %get3A_35 = vector.load %arg5[%get3A_33, %get3A_34] : memref<1x128xf32, #tpu.memory_space<vmem>>, vector<1x128xf32>
    %add3A_36 = vector.broadcast %get3A_35 : vector<1x128xf32> to vector<2000x128xf32>
    %add3A_37 = arith.addf %div3A_32, %add3A_36 : vector<2000x128xf32>
    %max3A_38 = arith.constant 0.000000e+00 : f32
    %max3A_39 = vector.broadcast %max3A_38 : f32 to vector<2000x128xf32>
    %max3A_40 = arith.maximumf %add3A_37, %max3A_39 : vector<2000x128xf32>
    %get3A_41 = arith.constant 0 : index
    %get3A_42 = arith.constant 0 : index
    %get3A_43 = vector.load %arg6[%get3A_41, %get3A_42] : memref<128x128xf32, #tpu.memory_space<vmem>>, vector<128x128xf32>
    %dot_general3A = arith.constant dense<0.000000e+00> : vector<2000x128xf32>
    %dot_general3A_44 = tpu.matmul %max3A_40, %get3A_43, %dot_general3A {dimension_numbers = #tpu.dot_dimension_numbers<[1], [0], [0], [1], [0, 0, 1, 1], [], []>, transpose_lhs_hint = false} : vector<2000x128xf32>, vector<128x128xf32>, vector<2000x128xf32> -> vector<2000x128xf32>
    %swap3A = arith.constant 0 : index
    %swap3A_45 = arith.constant 0 : index
    %swap3A_46 = vector.load %arg9[%swap3A, %swap3A_45] : memref<2000x128xf32, #tpu.memory_space<vmem>>, vector<2000x128xf32>
    tpu.vector_store %arg9[%swap3A, %swap3A_45], %dot_general3A_44 {strides = array<i32>} : memref<2000x128xf32, #tpu.memory_space<vmem>>, vector<2000x128xf32>,
    %get3A_47 = arith.constant 0 : index
    %get3A_48 = arith.constant 0 : index
    %get3A_49 = vector.load %arg7[%get3A_47, %get3A_48] : memref<1x128xf32, #tpu.memory_space<vmem>>, vector<1x128xf32>
    %transpose3A = tpu.transpose %get3A_49, [1, 0] : vector<1x128xf32> -> vector<128x1xf32>
    %dot_general3A_50 = arith.constant dense<0.000000e+00> : vector<2000x1xf32>
    %dot_general3A_51 = tpu.matmul %dot_general3A_44, %transpose3A, %dot_general3A_50 {dimension_numbers = #tpu.dot_dimension_numbers<[1], [0], [0], [1], [0, 0, 1, 1], [], []>, transpose_lhs_hint = false} : vector<2000x128xf32>, vector<128x1xf32>, vector<2000x1xf32> -> vector<2000x1xf32>
    %get3A_52 = arith.constant 0 : index
    %get3A_53 = arith.constant 0 : index
    %get3A_54 = vector.load %arg8[%get3A_52, %get3A_53] : memref<1x128xf32, #tpu.memory_space<vmem>>, vector<1x128xf32>
    %transpose3A_55 = tpu.transpose %get3A_54, [1, 0] : vector<1x128xf32> -> vector<128x1xf32>
    %dot_general3A_56 = arith.constant dense<0.000000e+00> : vector<2000x1xf32>
    %dot_general3A_57 = tpu.matmul %dot_general3A_44, %transpose3A_55, %dot_general3A_56 {dimension_numbers = #tpu.dot_dimension_numbers<[1], [0], [0], [1], [0, 0, 1, 1], [], []>, transpose_lhs_hint = false} : vector<2000x128xf32>, vector<128x1xf32>, vector<2000x1xf32> -> vector<2000x1xf32>
    %concatenate3A = tpu.concatenate %dot_general3A_51, %dot_general3A_57 in 1 : vector<2000x1xf32>, vector<2000x1xf32> -> vector<2000x2xf32>
    %swap3A_58 = arith.constant 0 : index
    %swap3A_59 = arith.constant 0 : index
    %swap3A_60 = vector.load %arg10[%swap3A_58, %swap3A_59] : memref<2000x2xf32, #tpu.memory_space<vmem>>, vector<2000x2xf32>
    tpu.vector_store %arg10[%swap3A_58, %swap3A_59], %concatenate3A {strides = array<i32>} : memref<2000x2xf32, #tpu.memory_space<vmem>>, vector<2000x2xf32>,
    return
  }
  func.func @transform_0(%arg0: i32) -> (i32, i32, i32) {
    %c0_i32 = arith.constant 0 : i32
    %c0_i32_0 = arith.constant 0 : i32
    %c0_i32_1 = arith.constant 0 : i32
    return %c0_i32, %arg0, %c0_i32_0 : i32, i32, i32
  }
  func.func @transform_1(%arg0: i32) -> (i32, i32) {
    %c0_i32 = arith.constant 0 : i32
    %c0_i32_0 = arith.constant 0 : i32
    return %arg0, %c0_i32 : i32, i32
  }
  func.func @transform_2(%arg0: i32) -> (i32, i32) {
    %c0_i32 = arith.constant 0 : i32
    %c0_i32_0 = arith.constant 0 : i32
    return %arg0, %c0_i32 : i32, i32
  }
  func.func @transform_3(%arg0: i32) -> (i32, i32) {
    %c0_i32 = arith.constant 0 : i32
    %c0_i32_0 = arith.constant 0 : i32
    return %arg0, %c0_i32 : i32, i32
  }
  func.func @transform_4(%arg0: i32) -> (i32, i32) {
    %c0_i32 = arith.constant 0 : i32
    %c0_i32_0 = arith.constant 0 : i32
    %c0_i32_1 = arith.constant 0 : i32
    return %c0_i32, %c0_i32_0 : i32, i32
  }
  func.func @transform_5(%arg0: i32) -> (i32, i32) {
    %c0_i32 = arith.constant 0 : i32
    %c0_i32_0 = arith.constant 0 : i32
    %c0_i32_1 = arith.constant 0 : i32
    return %c0_i32, %c0_i32_0 : i32, i32
  }
  func.func @transform_6(%arg0: i32) -> (i32, i32) {
    %c0_i32 = arith.constant 0 : i32
    %c0_i32_0 = arith.constant 0 : i32
    %c0_i32_1 = arith.constant 0 : i32
    return %c0_i32, %c0_i32_0 : i32, i32
  }
  func.func @transform_7(%arg0: i32) -> (i32, i32) {
    %c0_i32 = arith.constant 0 : i32
    %c0_i32_0 = arith.constant 0 : i32
    %c0_i32_1 = arith.constant 0 : i32
    return %c0_i32, %c0_i32_0 : i32, i32
  }
  func.func @transform_8(%arg0: i32) -> (i32, i32) {
    %c0_i32 = arith.constant 0 : i32
    %c0_i32_0 = arith.constant 0 : i32
    return %arg0, %c0_i32 : i32, i32
  }
  func.func @transform_9(%arg0: i32) -> (i32, i32) {
    %c0_i32 = arith.constant 0 : i32
    %c0_i32_0 = arith.constant 0 : i32
    return %arg0, %c0_i32 : i32, i32
  }
}

module attributes {stable_mosaic.version = 14 : i64} {
  func.func @_epi_body(%arg0: i32, %arg1: memref<2x2000x128xf32, #tpu.memory_space<vmem>>, %arg2: memref<2000x2xf32, #tpu.memory_space<vmem>>, %arg3: memref<2000x2xf32, #tpu.memory_space<vmem>>, %arg4: memref<2000x128xf32, #tpu.memory_space<vmem>>, %arg5: memref<1x128xf32, #tpu.memory_space<vmem>>, %arg6: memref<128x128xf32, #tpu.memory_space<vmem>>, %arg7: memref<1x128xf32, #tpu.memory_space<vmem>>, %arg8: memref<1x128xf32, #tpu.memory_space<vmem>>, %arg9: memref<2000x128xf32, #tpu.memory_space<vmem>>, %arg10: memref<2000x2xf32, #tpu.memory_space<vmem>>) attributes {dimension_semantics = [#tpu.dimension_semantics<arbitrary>], iteration_bounds = array<i64: 5>, scalar_prefetch = 0 : i64, scratch_operands = 0 : i64, tpu.core_type = #tpu.core_type<tc>, window_params = [{transform_indices = @transform_0, window_bounds = array<i64: 2, 2000, 128>}, {transform_indices = @transform_1, window_bounds = array<i64: 2000, 2>}, {transform_indices = @transform_2, window_bounds = array<i64: 2000, 2>}, {transform_indices = @transform_3, window_bounds = array<i64: 2000, 128>}, {pipeline_mode = #tpu.pipeline_mode<synchronous>, transform_indices = @transform_4, window_bounds = array<i64: 1, 128>}, {pipeline_mode = #tpu.pipeline_mode<synchronous>, transform_indices = @transform_5, window_bounds = array<i64: 128, 128>}, {pipeline_mode = #tpu.pipeline_mode<synchronous>, transform_indices = @transform_6, window_bounds = array<i64: 1, 128>}, {pipeline_mode = #tpu.pipeline_mode<synchronous>, transform_indices = @transform_7, window_bounds = array<i64: 1, 128>}, {transform_indices = @transform_8, window_bounds = array<i64: 2000, 128>}, {transform_indices = @transform_9, window_bounds = array<i64: 2000, 2>}]} {
    %get3A = arith.constant 0 : index
    %get3A_0 = arith.constant 0 : index
    %get3A_1 = vector.load %arg2[%get3A, %get3A_0] : memref<2000x2xf32, #tpu.memory_space<vmem>>, vector<2000x1xf32>
    %get3A_2 = arith.constant 0 : index
    %get3A_3 = arith.constant 1 : index
    %get3A_4 = vector.load %arg2[%get3A_2, %get3A_3] : memref<2000x2xf32, #tpu.memory_space<vmem>>, vector<2000x1xf32>
    %add3A = arith.addf %get3A_1, %get3A_4 : vector<2000x1xf32>
    %get3A_5 = arith.constant 0 : index
    %get3A_6 = arith.constant 0 : index
    %get3A_7 = vector.load %arg3[%get3A_5, %get3A_6] : memref<2000x2xf32, #tpu.memory_space<vmem>>, vector<2000x1xf32>
    %get3A_8 = arith.constant 0 : index
    %get3A_9 = arith.constant 1 : index
    %get3A_10 = vector.load %arg3[%get3A_8, %get3A_9] : memref<2000x2xf32, #tpu.memory_space<vmem>>, vector<2000x1xf32>
    %add3A_11 = arith.addf %get3A_7, %get3A_10 : vector<2000x1xf32>
    %mul3A = arith.constant 2.000000e-01 : f32
    %mul3A_12 = vector.broadcast %mul3A : f32 to vector<2000x1xf32>
    %mul3A_13 = arith.mulf %mul3A_12, %add3A_11 : vector<2000x1xf32>
    %max3A = arith.maximumf %add3A_11, %mul3A_13 : vector<2000x1xf32>
    %exp3A = math.exp %max3A : vector<2000x1xf32>
    %add3A_14 = arith.addf %add3A, %exp3A : vector<2000x1xf32>
    %get3A_15 = arith.constant 0 : index
    %get3A_16 = arith.constant 0 : index
    %get3A_17 = arith.constant 0 : index
    %get3A_18 = vector.load %arg1[%get3A_15, %get3A_16, %get3A_17] : memref<2x2000x128xf32, #tpu.memory_space<vmem>>, vector<1x2000x128xf32>
    %get3A_19 = vector.shape_cast %get3A_18 : vector<1x2000x128xf32> to vector<2000x128xf32>
    %get3A_20 = arith.constant 1 : index
    %get3A_21 = arith.constant 0 : index
    %get3A_22 = arith.constant 0 : index
    %get3A_23 = vector.load %arg1[%get3A_20, %get3A_21, %get3A_22] : memref<2x2000x128xf32, #tpu.memory_space<vmem>>, vector<1x2000x128xf32>
    %get3A_24 = vector.shape_cast %get3A_23 : vector<1x2000x128xf32> to vector<2000x128xf32>
    %add3A_25 = arith.addf %get3A_19, %get3A_24 : vector<2000x128xf32>
    %get3A_26 = arith.constant 0 : index
    %get3A_27 = arith.constant 0 : index
    %get3A_28 = vector.load %arg4[%get3A_26, %get3A_27] : memref<2000x128xf32, #tpu.memory_space<vmem>>, vector<2000x128xf32>
    %mul3A_29 = vector.broadcast %exp3A : vector<2000x1xf32> to vector<2000x128xf32>
    %mul3A_30 = arith.mulf %mul3A_29, %get3A_28 : vector<2000x128xf32>
    %add3A_31 = arith.addf %add3A_25, %mul3A_30 : vector<2000x128xf32>
    %div3A = vector.broadcast %add3A_14 : vector<2000x1xf32> to vector<2000x128xf32>
    %div3A_32 = arith.divf %add3A_31, %div3A : vector<2000x128xf32>
    %get3A_33 = arith.constant 0 : index
    %get3A_34 = arith.constant 0 : index
    %get3A_35 = vector.load %arg5[%get3A_33, %get3A_34] : memref<1x128xf32, #tpu.memory_space<vmem>>, vector<1x128xf32>
    %add3A_36 = vector.broadcast %get3A_35 : vector<1x128xf32> to vector<2000x128xf32>
    %add3A_37 = arith.addf %div3A_32, %add3A_36 : vector<2000x128xf32>
    %get3A_38 = arith.constant 0 : index
    %get3A_39 = arith.constant 0 : index
    %get3A_40 = vector.load %arg6[%get3A_38, %get3A_39] : memref<128x128xf32, #tpu.memory_space<vmem>>, vector<128x128xf32>
    %dot_general3A = arith.constant dense<0.000000e+00> : vector<2000x128xf32>
    %dot_general3A_41 = tpu.matmul %add3A_37, %get3A_40, %dot_general3A {dimension_numbers = #tpu.dot_dimension_numbers<[1], [0], [0], [1], [0, 0, 1, 1], [], []>, transpose_lhs_hint = false} : vector<2000x128xf32>, vector<128x128xf32>, vector<2000x128xf32> -> vector<2000x128xf32>
    %get3A_42 = arith.constant 0 : index
    %get3A_43 = arith.constant 0 : index
    %get3A_44 = vector.load %arg7[%get3A_42, %get3A_43] : memref<1x128xf32, #tpu.memory_space<vmem>>, vector<1x128xf32>
    %add3A_45 = vector.broadcast %get3A_44 : vector<1x128xf32> to vector<2000x128xf32>
    %add3A_46 = arith.addf %dot_general3A_41, %add3A_45 : vector<2000x128xf32>
    %swap3A = arith.constant 0 : index
    %swap3A_47 = arith.constant 0 : index
    %swap3A_48 = vector.load %arg9[%swap3A, %swap3A_47] : memref<2000x128xf32, #tpu.memory_space<vmem>>, vector<2000x128xf32>
    tpu.vector_store %arg9[%swap3A, %swap3A_47], %add3A_46 {strides = array<i32>} : memref<2000x128xf32, #tpu.memory_space<vmem>>, vector<2000x128xf32>,
    %broadcast_in_dim3A = arith.constant 0.000000e+00 : f32
    %broadcast_in_dim3A_49 = vector.broadcast %broadcast_in_dim3A : f32 to vector<2000x2xf32>
    %swap3A_50 = arith.constant 0 : index
    %swap3A_51 = arith.constant 0 : index
    %swap3A_52 = vector.load %arg10[%swap3A_50, %swap3A_51] : memref<2000x2xf32, #tpu.memory_space<vmem>>, vector<2000x2xf32>
    tpu.vector_store %arg10[%swap3A_50, %swap3A_51], %broadcast_in_dim3A_49 {strides = array<i32>} : memref<2000x2xf32, #tpu.memory_space<vmem>>, vector<2000x2xf32>,
    return
  }
  func.func @transform_0(%arg0: i32) -> (i32, i32, i32) {
    %c0_i32 = arith.constant 0 : i32
    %c0_i32_0 = arith.constant 0 : i32
    %c0_i32_1 = arith.constant 0 : i32
    return %c0_i32, %arg0, %c0_i32_0 : i32, i32, i32
  }
  func.func @transform_1(%arg0: i32) -> (i32, i32) {
    %c0_i32 = arith.constant 0 : i32
    %c0_i32_0 = arith.constant 0 : i32
    return %arg0, %c0_i32 : i32, i32
  }
  func.func @transform_2(%arg0: i32) -> (i32, i32) {
    %c0_i32 = arith.constant 0 : i32
    %c0_i32_0 = arith.constant 0 : i32
    return %arg0, %c0_i32 : i32, i32
  }
  func.func @transform_3(%arg0: i32) -> (i32, i32) {
    %c0_i32 = arith.constant 0 : i32
    %c0_i32_0 = arith.constant 0 : i32
    return %arg0, %c0_i32 : i32, i32
  }
  func.func @transform_4(%arg0: i32) -> (i32, i32) {
    %c0_i32 = arith.constant 0 : i32
    %c0_i32_0 = arith.constant 0 : i32
    %c0_i32_1 = arith.constant 0 : i32
    return %c0_i32, %c0_i32_0 : i32, i32
  }
  func.func @transform_5(%arg0: i32) -> (i32, i32) {
    %c0_i32 = arith.constant 0 : i32
    %c0_i32_0 = arith.constant 0 : i32
    %c0_i32_1 = arith.constant 0 : i32
    return %c0_i32, %c0_i32_0 : i32, i32
  }
  func.func @transform_6(%arg0: i32) -> (i32, i32) {
    %c0_i32 = arith.constant 0 : i32
    %c0_i32_0 = arith.constant 0 : i32
    %c0_i32_1 = arith.constant 0 : i32
    return %c0_i32, %c0_i32_0 : i32, i32
  }
  func.func @transform_7(%arg0: i32) -> (i32, i32) {
    %c0_i32 = arith.constant 0 : i32
    %c0_i32_0 = arith.constant 0 : i32
    %c0_i32_1 = arith.constant 0 : i32
    return %c0_i32, %c0_i32_0 : i32, i32
  }
  func.func @transform_8(%arg0: i32) -> (i32, i32) {
    %c0_i32 = arith.constant 0 : i32
    %c0_i32_0 = arith.constant 0 : i32
    return %arg0, %c0_i32 : i32, i32
  }
  func.func @transform_9(%arg0: i32) -> (i32, i32) {
    %c0_i32 = arith.constant 0 : i32
    %c0_i32_0 = arith.constant 0 : i32
    return %arg0, %c0_i32 : i32, i32
  }
}

</mosaic_0001>

<sc_bundles>
// kernel: kernel.10.cloned.1.call-start
scs
__scs_entry_jumppad:
0x0: {  	(pc) =	sbr.rel $0x88, $3  }
0x1: {  	(tag) =	ssettag $0x0;
	lr =	simm.s32 $0x1  }
0x2: {  	[smem:$0x3F95] =	sst lr;
	_ =	strace $0xD0000000  }
0x3: {  	_ = 	snop  }
0x4: {  	_ = 	snop  }
0x5: {  	_ = 	snop  }
0x6: {  	_ = 	snop  }
0x7: {  	_ = 	snop  }
__scs_overlays_trampoline_lowered:
0x8: {  	[smem:$0x3FA4] =	sst s0  }
0x9: {  	[smem:$0x3FA5] =	sst s1  }
0xa: {  	[smem:$0x3FA6] =	sst s2  }
0xb: {  	[smem:$0x3FA7] =	sst s3  }
0xc: {  	[smem:$0x3FA8] =	sst s4  }
0xd: {  	[smem:$0x3FA9] =	sst s5  }
0xe: {  	[smem:$0x3FAA] =	sst s6  }
0xf: {  	[smem:$0x3FAB] =	sst s7  }
0x10: {  	[smem:$0x3FAC] =	sst s8  }
0x11: {  	[smem:$0x3FAD] =	sst s9;
	s0 =	simm.s32 @!p0 $0x0  }
0x12: {  	s1 =	sld [smem:$0x3F93];
	s0 =	simm.s32 @p0 $0x1  }
0x13: {  	[smem:$0x3FAE] =	sst s0;
	s0 =	simm.s32 @!p1 $0x0  }
0x14: {  	s2 =	sld [smem:$0x3F92];
	s0 =	simm.s32 @p1 $0x1  }
0x15: {  	[smem:$0x3FAF] =	sst s0;
	s0 =	simm.s32 @!p2 $0x0  }
0x16: {  	s3 =	sld [smem:$0x3FDB];
	s0 =	simm.s32 @p2 $0x1  }
0x17: {  	s4 =	simm.s32 $0x1BF5;
	[smem:$0x3FB1] =	sst s0  }
0x18: {  	s0 =	sld [smem:$0x3F94];
	_ =	swait.ge [sflag:s4], $0x0  }
0x19: {  	s7 =	sld [smem:$0x3F95]  }
0x1a: {  	s8 =	sadd.s32 $0xFFFFE003, lr  }
0x1b: {  	s9 =	sadd.s32 $0xFFFFFEF7, lr;
	s5 =	simm.s32 $0xFFFFFFFF;
	p2 =	slt.u32 s8, $0xFFFFF086  }
0x1c: {  	p1 =	slt.u32 s9, $0xF7A;
	s5 =	simm.s32 @!p2 $0x0  }
0x1d: {  	s5 =	simm.s32 @p1 $0x1;
	p0 =	seq.s32 s7, s2  }
0x1e: {  	s7 =	smul.u32 @!p0 $0xF7A, s2;
	p2 =	seq.s32 @!p0 s5, $0x0  }
0x1f: {  	s9 =	smul.u32 $0xF7A, s1;
	s8 =	simm.s32 @!p0 $0x1BF5;
	p2 =	por !p2, p0  }
0x20: {  	[sflag:s8] =	ssyncset.s32 @!p0 $0xFFFFF086;
	s6 =	sadd.s32 @!p0 s3, s7;
	s7 =	simm.s32 @!p0 $0x108  }
0x21: {  	s3 =	sadd.s32 s3, s9;
	s6 =	sadd.s32 @!p0 $0x88, s6;
	s7 =	simm.s32 @p2 $0x1082  }
0x22: {  	[simem:s7], [sflag:s8] =	dma.local @!p0 [hbm:s6], $0xF7A  }
0x23: {  	s9 =	sor.u32 $0xD0000000, s2;
	s6 =	simm.s32 $0x108;
	_ =	swait.ge @!p0 [sflag:s8], $0x0  }
0x24: {  	s3 =	sadd.s32 $0x88, s3;
	s6 =	simm.s32 @!p1 $0x1082;
	[sflag:s4] =	ssyncset.s32 $0xFFFFF086  }
0x25: {  	[simem:s6], [sflag:s4] =	dma.local [hbm:s3], $0xF7A  }
0x26: {  	[smem:$0x3F95] =	sst s1;
	(tag) =	ssettag s2;
	_ =	strace s9  }
0x27: {  	s1 =	sld [smem:$0x3FA5]  }
0x28: {  	s2 =	sld [smem:$0x3FA6]  }
0x29: {  	s4 =	sld [smem:$0x3FA8]  }
0x2a: {  	p0 =	seq.s32 s5, $0x0;
	s5 =	sld [smem:$0x3FA9]  }
0x2b: {  	s6 =	sld [smem:$0x3FAA]  }
0x2c: {  	s7 =	sld [smem:$0x3FAB]  }
0x2d: {  	s3 =	simm.s32 $0x108;
	s8 =	sld [smem:$0x3FAC]  }
0x2e: {  	s3 =	simm.s32 @!p0 $0x1082;
	s9 =	sld [smem:$0x3FAD]  }
0x2f: {  	lr =	sadd.s32 s0, s3;
	s0 =	sld [smem:$0x3FA4]  }
0x30: {  	s3 =	sld [smem:$0x3FA7]  }
0x31: {  	[smem:$0x3FB0] =	sst s10  }
0x32: {  	s10 =	sld [smem:$0x3FAE];
	_ =	sdelay $0x3  }
0x33: {  	p0 =	seq.s32 s10, $0x1;
	s10 =	sld [smem:$0x3FB0];
	_ =	sdelay $0x3  }
0x34: {  	[smem:$0x3FB0] =	sst s10  }
0x35: {  	s10 =	sld [smem:$0x3FAF];
	_ =	sdelay $0x3  }
0x36: {  	p1 =	seq.s32 s10, $0x1;
	s10 =	sld [smem:$0x3FB0];
	_ =	sdelay $0x3  }
0x37: {  	[smem:$0x3FB0] =	sst s10  }
0x38: {  	s10 =	sld [smem:$0x3FB1]  }
0x39: {  	_ = 	snop;
	(pc) =	sbr.ind lr, $3  }
0x3a: {  	_ = 	snop  }
0x3b: {  	_ = 	snop  }
0x3c: {  	p2 =	seq.s32 s10, $0x1;
	s10 =	sld [smem:$0x3FB0]  }
0x3d: {  	_ =	shalt  }
0x3e: {  	_ =	shalt  }
0x3f: {  	_ =	shalt  }
0x40: {  	_ =	shalt  }
0x41: {  	_ =	shalt  }
0x42: {  	_ =	shalt  }
0x43: {  	_ =	shalt  }
0x44: {  	_ =	shalt  }
0x45: {  	_ =	shalt  }
0x46: {  	_ =	shalt  }
0x47: {  	_ =	shalt  }
0x48: {  	_ =	shalt  }
0x49: {  	_ =	shalt  }
0x4a: {  	_ =	shalt  }
0x4b: {  	_ =	shalt  }
0x4c: {  	_ =	shalt  }
0x4d: {  	_ =	shalt  }
0x4e: {  	_ =	shalt  }
0x4f: {  	_ =	shalt  }
0x50: {  	_ =	shalt  }
0x51: {  	_ =	shalt  }
0x52: {  	_ =	shalt  }
0x53: {  	_ =	shalt  }
0x54: {  	_ =	shalt  }
0x55: {  	_ =	shalt  }
0x56: {  	_ =	shalt  }
0x57: {  	_ =	shalt  }
0x58: {  	_ =	shalt  }
0x59: {  	_ =	shalt  }
0x5a: {  	_ =	shalt  }
0x5b: {  	_ =	shalt  }
0x5c: {  	_ =	shalt  }
0x5d: {  	_ =	shalt  }
0x5e: {  	_ =	shalt  }
0x5f: {  	_ =	shalt  }
0x60: {  	_ =	shalt  }
0x61: {  	_ =	shalt  }
0x62: {  	_ =	shalt  }
0x63: {  	_ =	shalt  }
0x64: {  	_ =	shalt  }
0x65: {  	_ =	shalt  }
0x66: {  	_ =	shalt  }
0x67: {  	_ =	shalt  }
0x68: {  	_ =	shalt  }
0x69: {  	_ =	shalt  }
0x6a: {  	_ =	shalt  }
0x6b: {  	_ =	shalt  }
0x6c: {  	_ =	shalt  }
0x6d: {  	_ =	shalt  }
0x6e: {  	_ =	shalt  }
0x6f: {  	_ =	shalt  }
0x70: {  	_ =	shalt  }
0x71: {  	_ =	shalt  }
0x72: {  	_ =	shalt  }
0x73: {  	_ =	shalt  }
0x74: {  	_ =	shalt  }
0x75: {  	_ =	shalt  }
0x76: {  	_ =	shalt  }
0x77: {  	_ =	shalt  }
0x78: {  	_ =	shalt  }
0x79: {  	_ =	shalt  }
0x7a: {  	_ =	shalt  }
0x7b: {  	_ =	shalt  }
0x7c: {  	_ =	shalt  }
0x7d: {  	_ =	shalt  }
0x7e: {  	_ =	shalt  }
0x7f: {  	_ =	shalt  }
0x80: {  	_ =	shalt  }
0x81: {  	_ =	shalt  }
0x82: {  	_ =	shalt  }
0x83: {  	_ =	shalt  }
0x84: {  	_ =	shalt  }
0x85: {  	_ =	shalt  }
0x86: {  	_ =	shalt  }
0x87: {  	_ =	shalt  }
.Lfunc_end0:
.L_simem_size_0:
called_computation.1_lowered:
.L_overlay_start_0:
0x88: {  	s2 =	sld [smem:$0x3FD9]  }
0x89: {  	s3 =	sld [smem:$0x3FFE];
	_ =	sdelay $0x1  }
0x8a: {  	s1 =	srdreg.scid  }
0x8b: {  	s0 =	sand.u32 $0x1, s1  }
0x8c: {  	s17 =	sshll.u32 s0, $0xA;
	s2 =	sadd.s32 s3, s2  }
0x8d: {  	s2 =	sadd.s32 s2, s17  }
0x8e: {  	[smem:$0x3FBC] =	sst s2  }
0x8f: {  	_ = 	snop  }
0x90: {  	s2 =	sld [smem:$0x3FD0];
	(tm) =	ssettm $0x1  }
0x91: {  	s18 =	sld [smem:$0x3FFB];
	_ =	sdelay $0x3  }
0x92: {  	_ =	strace s18  }
0x93: {  	s3 =	sld [smem:$0x3FFC];
	_ =	sdelay $0x3  }
0x94: {  	_ =	strace s3  }
0x95: {  	s3 =	sld [smem:$0x3FFD];
	_ =	sdelay $0x3  }
0x96: {  	_ =	strace s3  }
0x97: {  	_ =	strace $0x8FFFFFFF  }
0x98: {  	s19 =	sld [smem:$0x3FDB];
	_ =	sdelay $0x1  }
0x99: {  	s4 =	simm.s32 $_scs_section_size  }
0x9a: {  	s5 =	simm.s32 $_size__tile_overlayer_lowered;
	s6 =	simm.s32 $_tile_overlayer_lowered  }
0x9b: {  	s22 =	simm.s32 $0x1BFF;
	s21 =	sshll.u32 s6, $0x1;
	s3 =	sadd.s32 s4, s19  }
0x9c: {  	s7 =	simm.s32 $0x0;
	s20 =	sshll.u32 s5, $0x1;
	s5 =	sadd.s32 s21, s3  }
0x9d: {  	[timem:s7], [sflag:s22] =	dma.local [hbm:s5], s20  }
0x9e: {  	_ =	swait.ge [sflag:s22], s20  }
0x9f: {  	s4 =	ssub.s32 $0x0, s20;
	[sflag:s22] =	ssyncset.done $0x0  }
0xa0: {  	[sflag:s22] =	ssyncadd.s32 s4;
	_ =	sdelay $0x1  }
0xa1: {  	s23 =	simm.s32 $0x1B8B  }
0xa2: {  	_ =	swait.ge [sflag:s23], $0x1  }
0xa3: {  	[sflag:s23] =	ssyncset.done $0x0  }
0xa4: {  	s25 =	simm.s32 $0x1B8E;
	s24 =	sld [smem:$0x3FFE];
	[sflag:s23] =	ssyncadd.s32 $0xFFFFFFFF  }
0xa5: {  	s26 =	simm.s32 $execute0_lowered;
	[smem:$0x3FD2] =	sst s25  }
0xa6: {  	s5 =	sshll.u32 s26, $0x1;
	_ =	strace $0x80000049;
	[dreg:$0x1] =	wrdreg $0xFFFFFFFF  }
0xa7: {  	s28 =	simm.s32 $_size_execute0_lowered;
	s3 =	sadd.s32 s3, s5;
	[dreg:$0x0] =	wrdreg $0x0  }
0xa8: {  	s5 =	sshll.u32 s28, $0x1;
	[dreg:$0x2] =	wrdreg s3  }
0xa9: {  	[dreg:$0x3] =	wrdreg s5  }
0xaa: {  	[dreg:$0x4] =	wrdreg $0xC0  }
0xab: {  	_ =	task [dreg:s7], $0x5FFFF  }
0xac: {  	[dreg:$0x1] =	wrdreg $0xFFFFFFFF  }
0xad: {  	[dreg:$0x0] =	wrdreg $0x60  }
0xae: {  	[dreg:$0x2] =	wrdreg s24  }
0xaf: {  	[dreg:$0x3] =	wrdreg s2  }
0xb0: {  	[dreg:$0x4] =	wrdreg $0xA5800  }
0xb1: {  	[dreg:$0x5] =	wrdreg $0x1DE000  }
0xb2: {  	[dreg:$0x6] =	wrdreg $0x9  }
0xb3: {  	_ =	task.clear_ibuf [dreg:s7], $0x7FFFF;
	_ =	strace $0x90000049  }
0xb4: {  	s29 =	simm.s32 $0x9;
	_ =	strace $0x8000004B  }
0xb5: {  	_ =	swait.ge [sflag:s29], $0x1  }
0xb6: {  	[sflag:s29] =	ssyncadd.s32 $0xFFFFFFFF  }
0xb7: {  	_ =	strace $0x9000004B  }
0xb8: {  	_ =	sfence  }
0xb9: {  	s30 =	sld [smem:$0x0];
	_ =	sdelay $0x2  }
0xba: {  	s31 =	sshll.u32 s1, $0xD;
	s1 =	sshrl.u32 s1, $0x2  }
0xbb: {  	s3 =	sand.u32 $0x4000, s31;
	s1 =	sadd.s32 s1, s30  }
0xbc: {  	s0 =	sor.u32 s3, s0;
	s1 =	sshll.u32 s1, $0x11  }
0xbd: {  	s0 =	sor.u32 s1, s0  }
0xbe: {  	s0 =	sadd.s32 $0x8F2B, s0  }
0xbf: {  	[sflag:s0] =	ssyncadd.remote.s32 $0x1  }
0xc0: {  	_ =	sfence.sel $0xFFFF  }
0xc1: {  	[dreg:$0x0] =	wrdreg $0xFFFFFFFF;
	(pc) =	sbr.abs _section_cstart, $3  }
0xc2: {  	[dreg:$0x1] =	wrdreg $0xFFFFFFFF  }
0xc3: {  	_ =	task.clear_ibuf [dreg:s7], $0x2FFFF;
	_ =	strace $0x9FFFFFFF  }
0xc4: {  	(tm) =	ssettm $0x7FFFFFFF  }
0xc5: {  	_ =	shalt  }
tec
execute0_lowered:
.L_overlay_start_1:
0x0: {  	(tag) =	ssettag $0x1  }
0x1: {  	s8 =	rddreg [dreg:$0x0]  }
0x2: {  	s1 =	rddreg [dreg:$0x1]  }
0x3: {  	s2 =	rddreg [dreg:$0x2]  }
0x4: {  	s3 =	rddreg [dreg:$0x3]  }
0x5: {  	s0 =	srdreg.scid;
	s4 =	simm.s32 $0x0;
	s24 =	stileid.u32  }
0x6: {  	s29 =	simm.s32 $0x2780;
	s31 =	simm.s32 $0x4F00;
	s28 =	simm.s32 $0x2  }
0x7: {  	s30 =	simm.s32 $0x5;
	s0 =	sand.u32 $0x1, s0;
	s12 =	smul.u32 $0x2800, s24  }
0x8: {  	[smem:$0x7FF] =	sst s4;
	s11 =	sor.u32 $0x10, s24;
	s10 =	smul.u32 $0x138800, s0  }
0x9: {  	s13 =	sor.u32 $0x20, s24;
	s15 =	sadd.s32 $0x23000, s8;
	s14 =	smul.u32 $0x2800, s11  }
0xa: {  	s9 =	sor.u32 $0x30, s24;
	s7 =	sor.u32 $0x40, s24;
	s16 =	smul.u32 $0x2800, s13  }
0xb: {  	s6 =	sor.u32 $0x50, s24;
	s5 =	sor.u32 $0x60, s24;
	s18 =	smul.u32 $0x2800, s9  }
0xc: {  	p1 =	sne.s32 s24, $0x0;
	_ =	strace $0x8000004A;
	s19 =	smul.u32 $0x2800, s7  }
0xd: {  	s17 =	sshll.u32 s0, $0x4;
	s0 =	ssub.s32 $0x2, s0;
	s21 =	smul.u32 $0x2800, s6  }
0xe: {  	s22 =	smul.u32 $0x2800, s5;
	s20 =	sshrl.u32 s0, $0x1;
	s26 =	sor.u32 s24, s17  }
0xf: {  	s20 =	ssub.s32 s0, s20;
	s0 =	sor.u32 $0x70, s24;
	s12 =	sadd.s32 s10, s12  }
0x10: {  	s14 =	sadd.s32 s10, s14;
	s16 =	sadd.s32 s10, s16;
	s18 =	sadd.s32 s10, s18  }
0x11: {  	s19 =	sadd.s32 s10, s19;
	s21 =	sadd.s32 s10, s21;
	s22 =	sadd.s32 s10, s22  }
0x12: {  	s23 =	smul.u32 $0x2800, s0;
	s12 =	sshrl.u32 s12, $0x3;
	s14 =	sshrl.u32 s14, $0x3  }
0x13: {  	s16 =	sshrl.u32 s16, $0x3;
	s25 =	sshrl.u32 s18, $0x3;
	p0 =	sgt.u32 s0, $0x7C  }
0x14: {  	s12 =	sadd.s32 s15, s12;
	s14 =	sadd.s32 s15, s14;
	s18 =	sadd.s32 s15, s25  }
0x15: {  	s25 =	sshrl.u32 s21, $0x3;
	s21 =	sadd.s32 $0x2C00, s8;
	[dreg:$0x6] =	wrdreg s12  }
0x16: {  	s10 =	sadd.s32 s10, s23;
	s23 =	smul.u32 $0x7D00, s26;
	[dreg:$0x7] =	wrdreg s14  }
0x17: {  	s26 =	sshrl.u32 s19, $0x3;
	s12 =	sadd.s32 s15, s16;
	[dreg:$0x9] =	wrdreg s18  }
0x18: {  	s18 =	sadd.s32 s17, s8;
	[dreg:$0xe] =	wrdreg s21;
	s14 =	smul.u32 $0x140, s11  }
0x19: {  	s21 =	smul.u32 $0xA000, s13;
	[dreg:$0x8] =	wrdreg s12;
	s19 =	sadd.s32 s15, s26  }
0x1a: {  	s26 =	sshrl.u32 s22, $0x3;
	s12 =	sadd.s32 s15, s25;
	[dreg:$0xa] =	wrdreg s19  }
0x1b: {  	s10 =	sshrl.u32 s10, $0x3;
	s25 =	smul.u32 $0x140, s24;
	[dreg:$0xb] =	wrdreg s12  }
0x1c: {  	s16 =	sadd.s32 s15, s26;
	s10 =	sadd.s32 s15, s10;
	s15 =	sadd.s32 $0x3200, s8  }
0x1d: {  	s19 =	smul.u32 $0xA000, s24;
	s22 =	sshrl.u32 s23, $0x3;
	[dreg:$0x5] =	wrdreg s23  }
0x1e: {  	s8 =	sadd.s32 $0x2600, s8;
	s12 =	smul.u32 $0xA000, s5;
	[dreg:$0xc] =	wrdreg s16  }
0x1f: {  	s26 =	smax.u32 s20, $0x1;
	s5 =	smul.u32 $0x140, s5;
	[dreg:$0xd] =	wrdreg s10  }
0x20: {  	[dreg:$0xf] =	wrdreg s8;
	s17 =	sadd.s32 s15, s22;
	s8 =	smul.u32 $0xA000, s11  }
0x21: {  	s10 =	sadd.s32 $0x22600, s18;
	[dreg:$0x12] =	wrdreg s26;
	s26 =	smul.u32 $0xA000, s9  }
0x22: {  	s18 =	sshrl.u32 s19, $0x2;
	s19 =	sshrl.u32 s25, $0x2;
	s25 =	smul.u32 $0x140, s13  }
0x23: {  	s16 =	sshrl.u32 s21, $0x2;
	[dreg:$0x11] =	wrdreg s10;
	s13 =	smul.u32 $0x140, s9  }
0x24: {  	s10 =	sshrl.u32 s14, $0x2;
	s9 =	sadd.s32 s16, s2;
	s14 =	smul.u32 $0xA000, s0  }
0x25: {  	s0 =	smul.u32 $0x140, s0;
	s5 =	sshrl.u32 s5, $0x2;
	s24 =	sadd.s32 $0x40, s17  }
0x26: {  	[dreg:$0x10] =	wrdreg s17;
	s20 =	sadd.s32 s18, s2;
	s22 =	sadd.s32 s19, s3  }
0x27: {  	s8 =	sshrl.u32 s8, $0x2;
	s19 =	smul.u32 $0xA000, s7;
	[dreg:$0x17] =	wrdreg s9  }
0x28: {  	s10 =	sadd.s32 s10, s3;
	s7 =	smul.u32 $0x140, s7;
	[smem:$0x7FB] =	sst s24  }
0x29: {  	s5 =	sadd.s32 s5, s3;
	s24 =	simm.s32 $0x3;
	[dreg:$0x14] =	wrdreg s22  }
0x2a: {  	s22 =	sadd.s32 s8, s2;
	[dreg:$0x16] =	wrdreg s10;
	s18 =	sshrl.u32 s25, $0x2  }
0x2b: {  	s25 =	sshrl.u32 s26, $0x2;
	s8 =	sshrl.u32 s13, $0x2;
	s26 =	smul.u32 $0xA000, s6  }
0x2c: {  	s6 =	smul.u32 $0x140, s6;
	s0 =	sshrl.u32 s0, $0x2;
	[smem:$0x7F7] =	sst s5  }
0x2d: {  	s10 =	simm.s32 $0x1;
	[dreg:$0x13] =	wrdreg s20;
	s21 =	sadd.s32 s18, s3  }
0x2e: {  	s9 =	sadd.s32 s25, s2;
	s8 =	sadd.s32 s8, s3;
	[dreg:$0x15] =	wrdreg s22  }
0x2f: {  	s11 =	sshrl.u32 s19, $0x2;
	s7 =	sshrl.u32 s7, $0x2;
	[dreg:$0x18] =	wrdreg s21  }
0x30: {  	s18 =	sshrl.u32 s14, $0x2;
	s0 =	sadd.s32 s0, s3;
	[dreg:$0x19] =	wrdreg s9  }
0x31: {  	s25 =	sadd.s32 $0x60, s17;
	s14 =	sadd.s32 $0x400, s23;
	[dreg:$0x1a] =	wrdreg s8  }
0x32: {  	s8 =	sadd.s32 s11, s2;
	s7 =	sadd.s32 s7, s3;
	s13 =	sshrl.u32 s26, $0x2  }
0x33: {  	s6 =	sshrl.u32 s6, $0x2;
	s9 =	sshrl.u32 s12, $0x2;
	[smem:$0x7F9] =	sst s0  }
0x34: {  	s19 =	sadd.s32 s18, s2;
	s21 =	sadd.s32 $0x20, s17;
	[smem:$0x7FC] =	sst s25  }
0x35: {  	s26 =	sadd.s32 $0x600, s23;
	s17 =	simm.s32 $0xB;
	[dreg:$0x1b] =	wrdreg s8  }
0x36: {  	s11 =	simm.s32 $0x50;
	s12 =	simm.s32 $0xA400;
	[dreg:$0x1c] =	wrdreg s7  }
0x37: {  	s18 =	simm.s32 $0x6;
	s25 =	simm.s32 $0x7700;
	[smem:$0x7F8] =	sst s19  }
0x38: {  	s0 =	simm.s32 $0x9;
	s7 =	sadd.s32 s13, s2;
	[smem:$0x7FA] =	sst s21  }
.Ltmp0:
0x39: {  	s6 =	sadd.s32 s6, s3;
	[smem:$0x7FD] =	sst s26;
	(pc) =	sbr.rel .LBB2_1-.Ltmp0, $4  }
0x3a: {  	s16 =	sadd.s32 s9, s2;
	s19 =	simm.s32 $0x9F00;
	[dreg:$0x1d] =	wrdreg s7  }
0x3b: {  	s13 =	simm.s32 $0xA300;
	s21 =	simm.s32 $0xA380;
	[dreg:$0x1e] =	wrdreg s6  }
0x3c: {  	s8 =	simm.s32 $0x8;
	s9 =	simm.s32 $0x0;
	[dreg:$0x1f] =	wrdreg s16  }
0x3d: {  	v0 =	vimm.f32 $0.0e+00;
	s16 =	sadd.s32 $0x500, s23;
	s23 =	simm.s32 $0xA480;
	s7 =	simm.s32 $0x7  }
.LBB2_19:
0x3e: {  	_ =	swait.ge [sflag:s0], $0x50  }
0x3f: {  	[sflag:s0] =	ssyncset.done $0x0  }
0x40: {  	[sflag:s0] =	ssyncadd.s32 $0xFFFFFFB0  }
0x41: {  	_ =	swait.ge [sflag:s7], $0x2800  }
0x42: {  	[sflag:s7] =	ssyncset.done $0x0  }
0x43: {  	s5 =	simm.s32 $0xA;
	[sflag:s7] =	ssyncadd.s32 $0xFFFFD800  }
0x44: {  	_ =	swait.ge [sflag:s5], $0x50  }
0x45: {  	[sflag:s5] =	ssyncset.done $0x0  }
0x46: {  	[sflag:s5] =	ssyncadd.s32 $0xFFFFFFB0  }
0x47: {  	_ =	swait.ge [sflag:s8], $0x2800  }
0x48: {  	[sflag:s8] =	ssyncset.done $0x0  }
0x49: {  	s6 =	simm.s32 @!p1 $0x1;
	[sflag:s8] =	ssyncadd.s32 $0xFFFFD800  }
0x4a: {  	s9 =	simm.s32 @!p1 $0x20;
	s17 =	simm.s32 @!p1 $0x10;
	[bflag:$0x0] =	sbarrier.arrive $0xFFFF  }
0x4b: {  	s20 =	simm.s32 @!p1 $0x1C0B;
	s5 =	sshrl.u32 @!p1 s3, $0x3;
	s22 =	rddreg [dreg:$0x11]  }
0x4c: {  	[hbm:s22@s9], [sflag:s20] =	dma.strided @!p1 [spmem:s5@s17], $0x4F0, s6, $0x10   }
0x4d: {  	s5 =	simm.s32 @!p1 $0xB  }
0x4e: {  	s20 =	stileid.u32;
	_ =	swait.ge @!p1 [sflag:s5], $0x4F0  }
0x4f: {  	s6 =	sshll.u32 s20, $0x6;
	s20 =	rddreg [dreg:$0x13]  }
0x50: {  	s17 =	simm.s32 $0xB;
	[sflag:s5] =	ssyncset.done @!p1 $0x0;
	s26 =	rddreg [dreg:$0x6]  }
0x51: {  	[sflag:s5] =	ssyncadd.s32 @!p1 $0xFFFFFB10;
	s5 =	sor.u32 $0x1C0B, s6;
	s22 =	sshrl.u32 s20, $0x3  }
0x52: {  	[hbm:s26], [sflag:s5] =	dma.local [spmem:s22], $0x500  }
0x53: {  	_ =	swait.ge [sflag:s17], $0x500  }
0x54: {  	[sflag:s17] =	ssyncset.done $0x0;
	s22 =	rddreg [dreg:$0x15]  }
0x55: {  	s26 =	rddreg [dreg:$0x7];
	[sflag:s17] =	ssyncadd.s32 $0xFFFFFB00;
	s9 =	sshrl.u32 s22, $0x3  }
0x56: {  	[hbm:s26], [sflag:s5] =	dma.local [spmem:s9], $0x500  }
0x57: {  	_ =	swait.ge [sflag:s17], $0x500  }
0x58: {  	[sflag:s17] =	ssyncset.done $0x0;
	s9 =	rddreg [dreg:$0x17]  }
0x59: {  	s26 =	rddreg [dreg:$0x8];
	[sflag:s17] =	ssyncadd.s32 $0xFFFFFB00;
	s6 =	sshrl.u32 s9, $0x3  }
0x5a: {  	[hbm:s26], [sflag:s5] =	dma.local [spmem:s6], $0x500  }
0x5b: {  	_ =	swait.ge [sflag:s17], $0x500  }
0x5c: {  	[sflag:s17] =	ssyncset.done $0x0;
	s9 =	rddreg [dreg:$0x19]  }
0x5d: {  	s26 =	rddreg [dreg:$0x9];
	[sflag:s17] =	ssyncadd.s32 $0xFFFFFB00;
	s6 =	sshrl.u32 s9, $0x3  }
0x5e: {  	[hbm:s26], [sflag:s5] =	dma.local [spmem:s6], $0x500  }
0x5f: {  	_ =	swait.ge [sflag:s17], $0x500  }
0x60: {  	[sflag:s17] =	ssyncset.done $0x0;
	s9 =	rddreg [dreg:$0x1b]  }
0x61: {  	s26 =	rddreg [dreg:$0xa];
	[sflag:s17] =	ssyncadd.s32 $0xFFFFFB00;
	s6 =	sshrl.u32 s9, $0x3  }
0x62: {  	[hbm:s26], [sflag:s5] =	dma.local [spmem:s6], $0x500  }
0x63: {  	_ =	swait.ge [sflag:s17], $0x500  }
0x64: {  	[sflag:s17] =	ssyncset.done $0x0;
	s9 =	rddreg [dreg:$0x1d]  }
0x65: {  	s26 =	rddreg [dreg:$0xb];
	[sflag:s17] =	ssyncadd.s32 $0xFFFFFB00;
	s6 =	sshrl.u32 s9, $0x3  }
0x66: {  	[hbm:s26], [sflag:s5] =	dma.local [spmem:s6], $0x500  }
0x67: {  	_ =	swait.ge [sflag:s17], $0x500  }
0x68: {  	[sflag:s17] =	ssyncset.done $0x0;
	s9 =	rddreg [dreg:$0x1f]  }
0x69: {  	s26 =	rddreg [dreg:$0xc];
	[sflag:s17] =	ssyncadd.s32 $0xFFFFFB00;
	s6 =	sshrl.u32 s9, $0x3  }
0x6a: {  	[hbm:s26], [sflag:s5] =	dma.local [spmem:s6], $0x500  }
0x6b: {  	_ =	swait.ge [sflag:s17], $0x500  }
0x6c: {  	s6 =	sld [smem:$0x7F8];
	_ =	sdelay $0x1  }
0x6d: {  	[sflag:s17] =	ssyncset.done $0x0  }
0x6e: {  	s9 =	rddreg [dreg:$0xd];
	[sflag:s17] =	ssyncadd.s32 $0xFFFFFB00;
	s6 =	sshrl.u32 @!p0 s6, $0x3  }
0x6f: {  	[hbm:s9], [sflag:s5] =	dma.local @!p0 [spmem:s6], $0x500  }
0x70: {  	s5 =	simm.s32 @!p0 $0xB  }
0x71: {  	_ =	swait.ge @!p0 [sflag:s5], $0x500  }
0x72: {  	s6 =	sld [smem:$0x7F6];
	_ =	sdelay $0x2  }
0x73: {  	s26 =	rddreg [dreg:$0x12];
	s9 =	sadd.s32 $0x1, s6  }
0x74: {  	p2 =	sne.s32 s9, s26  }
.Ltmp1:
0x75: {  	_ = 	snop;
	(pc) =	sbr.rel @!p2 .LBB2_20-.Ltmp1, $3  }
0x76: {  	_ =	sdelay $0x1  }
0x77: {  	[sflag:s5] =	ssyncset.done @!p0 $0x0  }
0x78: {  	[sflag:s5] =	ssyncadd.s32 @!p0 $0xFFFFFB00  }
.LBB2_1:
0x79: {  	[smem:$0x7F6] =	sst s9  }
0x7a: {  	s5 =	rddreg [dreg:$0x10]  }
0x7b: {  	s26 =	sld [smem:$0x7FA]  }
0x7c: {  	[tilespmem:s19], [sflag:$0x1] =	stream.linear.gather [hbm4b:s5+s4], $0x100, $0x38;
	[tilespmem:$0x1E078] =	vst v63  }
0x7d: {  	s6 =	simm.s32 $0xA000;
	s9 =	sld [smem:$0x7FB]  }
0x7e: {  	[tilespmem:s6], [sflag:$0x2] =	stream.linear.gather [hbm4b:s26+s4], $0x100, $0x38;
	[tilespmem:$0x1E078] =	vst v63  }
0x7f: {  	s26 =	simm.s32 $0xA100  }
0x80: {  	[tilespmem:s26], [sflag:$0x3] =	stream.linear.gather [hbm4b:s9+s4], $0x100, $0x38;
	[tilespmem:$0x1E078] =	vst v63  }
0x81: {  	s9 =	sld [smem:$0x7FC];
	_ =	sdelay $0x1  }
0x82: {  	s26 =	simm.s32 $0xA200  }
0x83: {  	[tilespmem:s26], [sflag:$0x4] =	stream.linear.gather [hbm4b:s9+s4], $0x100, $0x38;
	[tilespmem:$0x1E078] =	vst v63  }
0x84: {  	s9 =	rddreg [dreg:$0xe]  }
0x85: {  	[tilespmem:s4], [sflag:$0xB] =	stream.linear.gather [hbm4b:s9+s4], $0x2780, $0x38;
	[tilespmem:$0x1E078] =	vst v63  }
0x86: {  	_ =	swait.ge [sflag:s17], $0x2780  }
0x87: {  	[sflag:s17] =	ssyncset.done $0x0  }
0x88: {  	s26 =	rddreg [dreg:$0xf];
	[sflag:s17] =	ssyncadd.s32 $0xFFFFD880  }
0x89: {  	[tilespmem:s29], [sflag:$0xB] =	stream.linear.gather [hbm4b:s26+s4], $0x2780, $0x38;
	[tilespmem:$0x1E078] =	vst v63  }
0x8a: {  	_ =	swait.ge [sflag:s17], $0x2780  }
0x8b: {  	[sflag:s17] =	ssyncset.done $0x0  }
0x8c: {  	[sflag:s17] =	ssyncadd.s32 $0xFFFFD880  }
0x8d: {  	[tilespmem:$0xA500] =	vst v0  }
0x8e: {  	[tilespmem:$0xA510] =	vst v0  }
0x8f: {  	[tilespmem:$0xA520] =	vst v0  }
0x90: {  	[tilespmem:$0xA530] =	vst v0  }
0x91: {  	s5 =	simm.s32 $0x0;
	s6 =	simm.s32 $0x200;
	[tilespmem:$0xA540] =	vst v0  }
.LBB2_2:
0x92: {  	p2 =	sne.s32 s6, $0x9E00;
	[tilespmem:s5+$0x4F70] =	vst v0  }
0x93: {  	[tilespmem:s5+$0x4F00] =	vst v0  }
0x94: {  	[tilespmem:s5+$0x4F10] =	vst v0  }
.Ltmp2:
0x95: {  	[tilespmem:s5+$0x4F20] =	vst v0;
	(pc) =	sbr.rel @p2 .LBB2_2-.Ltmp2, $4  }
0x96: {  	[tilespmem:s5+$0x4F30] =	vst v0  }
0x97: {  	[tilespmem:s5+$0x4F40] =	vst v0  }
0x98: {  	[tilespmem:s5+$0x4F50] =	vst v0  }
0x99: {  	[tilespmem:s5+$0x4F60] =	vst v0;
	s5 =	sshra.s32 s6, $0x2;
	s6 =	sadd.s32 $0x200, s6  }
0x9a: {  	[tilespmem:s5+$0x4F70] =	vst v0  }
0x9b: {  	[tilespmem:s5+$0x4F00] =	vst v0  }
0x9c: {  	[tilespmem:s5+$0x4F10] =	vst v0  }
0x9d: {  	[tilespmem:s5+$0x4F20] =	vst v0  }
0x9e: {  	[tilespmem:s5+$0x4F30] =	vst v0  }
0x9f: {  	[tilespmem:s5+$0x4F40] =	vst v0  }
0xa0: {  	[tilespmem:s5+$0x4F50] =	vst v0  }
0xa1: {  	[tilespmem:s5+$0x4F60] =	vst v0;
	s6 =	simm.s32 $0xC  }
0xa2: {  	[spmem:s20] =	stream.linear.scatter [tilespmem:s31], [sflag:$0xC], $0x2800, $0x38;
	[tilespmem:$0x1E078] =	vst v63  }
0xa3: {  	_ =	swait.ge [sflag:s6], $0x2800  }
0xa4: {  	[sflag:s6] =	ssyncset.done $0x0  }
0xa5: {  	s9 =	simm.s32 $0xA500;
	s20 =	rddreg [dreg:$0x14];
	[sflag:s6] =	ssyncadd.s32 $0xFFFFD800  }
0xa6: {  	[spmem:s20] =	stream.linear.scatter [tilespmem:s9], [sflag:$0xB], $0x50, $0x38;
	[tilespmem:$0x1E078] =	vst v63  }
0xa7: {  	_ =	swait.ge [sflag:s17], $0x50  }
0xa8: {  	[sflag:s17] =	ssyncset.done $0x0  }
0xa9: {  	[sflag:s17] =	ssyncadd.s32 $0xFFFFFFB0  }
0xaa: {  	[spmem:s22] =	stream.linear.scatter [tilespmem:s31], [sflag:$0xC], $0x2800, $0x38;
	[tilespmem:$0x1E078] =	vst v63  }
0xab: {  	_ =	swait.ge [sflag:s6], $0x2800  }
0xac: {  	[sflag:s6] =	ssyncset.done $0x0  }
0xad: {  	s22 =	rddreg [dreg:$0x16];
	[sflag:s6] =	ssyncadd.s32 $0xFFFFD800  }
0xae: {  	[spmem:s22] =	stream.linear.scatter [tilespmem:s9], [sflag:$0xB], $0x50, $0x38;
	[tilespmem:$0x1E078] =	vst v63  }
0xaf: {  	_ =	swait.ge [sflag:s17], $0x50  }
0xb0: {  	[sflag:s17] =	ssyncset.done $0x0  }
0xb1: {  	s26 =	rddreg [dreg:$0x17];
	[sflag:s17] =	ssyncadd.s32 $0xFFFFFFB0  }
0xb2: {  	[spmem:s26] =	stream.linear.scatter [tilespmem:s31], [sflag:$0xC], $0x2800, $0x38;
	[tilespmem:$0x1E078] =	vst v63  }
0xb3: {  	_ =	swait.ge [sflag:s6], $0x2800  }
0xb4: {  	[sflag:s6] =	ssyncset.done $0x0  }
0xb5: {  	s20 =	rddreg [dreg:$0x18];
	[sflag:s6] =	ssyncadd.s32 $0xFFFFD800  }
0xb6: {  	[spmem:s20] =	stream.linear.scatter [tilespmem:s9], [sflag:$0xB], $0x50, $0x38;
	[tilespmem:$0x1E078] =	vst v63  }
0xb7: {  	_ =	swait.ge [sflag:s17], $0x50  }
0xb8: {  	[sflag:s17] =	ssyncset.done $0x0  }
0xb9: {  	s22 =	rddreg [dreg:$0x19];
	[sflag:s17] =	ssyncadd.s32 $0xFFFFFFB0  }
0xba: {  	[spmem:s22] =	stream.linear.scatter [tilespmem:s31], [sflag:$0xC], $0x2800, $0x38;
	[tilespmem:$0x1E078] =	vst v63  }
0xbb: {  	_ =	swait.ge [sflag:s6], $0x2800  }
0xbc: {  	[sflag:s6] =	ssyncset.done $0x0  }
0xbd: {  	s26 =	rddreg [dreg:$0x1a];
	[sflag:s6] =	ssyncadd.s32 $0xFFFFD800  }
0xbe: {  	[spmem:s26] =	stream.linear.scatter [tilespmem:s9], [sflag:$0xB], $0x50, $0x38;
	[tilespmem:$0x1E078] =	vst v63  }
0xbf: {  	_ =	swait.ge [sflag:s17], $0x50  }
0xc0: {  	[sflag:s17] =	ssyncset.done $0x0  }
0xc1: {  	s20 =	rddreg [dreg:$0x1b];
	[sflag:s17] =	ssyncadd.s32 $0xFFFFFFB0  }
0xc2: {  	[spmem:s20] =	stream.linear.scatter [tilespmem:s31], [sflag:$0xC], $0x2800, $0x38;
	[tilespmem:$0x1E078] =	vst v63  }
0xc3: {  	_ =	swait.ge [sflag:s6], $0x2800  }
0xc4: {  	[sflag:s6] =	ssyncset.done $0x0  }
0xc5: {  	s22 =	rddreg [dreg:$0x1c];
	[sflag:s6] =	ssyncadd.s32 $0xFFFFD800  }
0xc6: {  	[spmem:s22] =	stream.linear.scatter [tilespmem:s9], [sflag:$0xB], $0x50, $0x38;
	[tilespmem:$0x1E078] =	vst v63  }
0xc7: {  	_ =	swait.ge [sflag:s17], $0x50  }
0xc8: {  	[sflag:s17] =	ssyncset.done $0x0  }
0xc9: {  	s26 =	rddreg [dreg:$0x1d];
	[sflag:s17] =	ssyncadd.s32 $0xFFFFFFB0  }
0xca: {  	[spmem:s26] =	stream.linear.scatter [tilespmem:s31], [sflag:$0xC], $0x2800, $0x38;
	[tilespmem:$0x1E078] =	vst v63  }
0xcb: {  	_ =	swait.ge [sflag:s6], $0x2800  }
0xcc: {  	[sflag:s6] =	ssyncset.done $0x0  }
0xcd: {  	s20 =	rddreg [dreg:$0x1e];
	[sflag:s6] =	ssyncadd.s32 $0xFFFFD800  }
0xce: {  	[spmem:s20] =	stream.linear.scatter [tilespmem:s9], [sflag:$0xB], $0x50, $0x38;
	[tilespmem:$0x1E078] =	vst v63  }
0xcf: {  	_ =	swait.ge [sflag:s17], $0x50  }
0xd0: {  	[sflag:s17] =	ssyncset.done $0x0  }
0xd1: {  	s22 =	rddreg [dreg:$0x1f];
	[sflag:s17] =	ssyncadd.s32 $0xFFFFFFB0  }
0xd2: {  	[spmem:s22] =	stream.linear.scatter [tilespmem:s31], [sflag:$0xC], $0x2800, $0x38;
	[tilespmem:$0x1E078] =	vst v63  }
0xd3: {  	_ =	swait.ge [sflag:s6], $0x2800  }
0xd4: {  	s26 =	sld [smem:$0x7F7]  }
0xd5: {  	[sflag:s6] =	ssyncset.done $0x0  }
0xd6: {  	[sflag:s6] =	ssyncadd.s32 $0xFFFFD800  }
0xd7: {  	[spmem:s26] =	stream.linear.scatter [tilespmem:s9], [sflag:$0xB], $0x50, $0x38;
	[tilespmem:$0x1E078] =	vst v63  }
0xd8: {  	_ =	swait.ge [sflag:s17], $0x50  }
0xd9: {  	s6 =	sld [smem:$0x7F8]  }
0xda: {  	[sflag:s17] =	ssyncset.done $0x0  }
0xdb: {  	s5 =	simm.s32 @!p0 $0x4F00;
	[sflag:s17] =	ssyncadd.s32 $0xFFFFFFB0  }
0xdc: {  	[spmem:s6] =	stream.linear.scatter @!p0 [tilespmem:s5], [sflag:$0xC], $0x2800, $0x38;
	[tilespmem:$0x1E078] =	vst v63  }
0xdd: {  	s5 =	simm.s32 @!p0 $0xC  }
0xde: {  	_ =	swait.ge @!p0 [sflag:s5], $0x2800  }
0xdf: {  	s6 =	sld [smem:$0x7F9]  }
0xe0: {  	[sflag:s5] =	ssyncset.done @!p0 $0x0  }
0xe1: {  	[sflag:s5] =	ssyncadd.s32 @!p0 $0xFFFFD800;
	s5 =	simm.s32 @!p0 $0xA500  }
0xe2: {  	[spmem:s6] =	stream.linear.scatter @!p0 [tilespmem:s5], [sflag:$0xB], $0x50, $0x38;
	[tilespmem:$0x1E078] =	vst v63  }
0xe3: {  	s5 =	simm.s32 @!p0 $0xB  }
.Ltmp3:
0xe4: {  	_ =	swait.ge @!p0 [sflag:s5], $0x50;
	(pc) =	sbr.rel .LBB2_4-.Ltmp3, $4  }
0xe5: {  	[sflag:s5] =	ssyncset.done @!p0 $0x0  }
0xe6: {  	[sflag:s5] =	ssyncadd.s32 @!p0 $0xFFFFFFB0  }
0xe7: {  	[bflag:$0x0] =	sbarrier.arrive $0xFFFF  }
0xe8: {  	s20 =	simm.s32 $0x0  }
.LBB2_18:
0xe9: {  	s20 =	sadd.s32 $0x1, s20  }
.LBB2_4:
0xea: {  	_ =	swait.ge [sflag:s10], $0x100  }
0xeb: {  	p2 =	seq.s32 s20, $0x0;
	[sflag:s10] =	ssyncset.done $0x0  }
0xec: {  	s5 =	simm.s32 @!p2 $0x9;
	[sflag:s10] =	ssyncadd.s32 $0xFFFFFF00  }
0xed: {  	_ =	swait.ge @!p2 [sflag:s5], $0x50  }
0xee: {  	[sflag:s5] =	ssyncset.done @!p2 $0x0  }
0xef: {  	[sflag:s5] =	ssyncadd.s32 @!p2 $0xFFFFFFB0;
	s5 =	simm.s32 @!p2 $0x7  }
0xf0: {  	_ =	swait.ge @!p2 [sflag:s5], $0x2800  }
0xf1: {  	[sflag:s5] =	ssyncset.done @!p2 $0x0  }
0xf2: {  	[sflag:s5] =	ssyncadd.s32 @!p2 $0xFFFFD800  }
0xf3: {  	v1 =	vld [tilespmem:$0x9F00]  }
0xf4: {  	v2 =	vld [tilespmem:$0x9F80];
	_ =	sdelay $0x6  }
0xf5: {  	v1 =	vld.idx.msk [tilespmem:v1+s4+$0x0], $0xffff  }
0xf6: {  	v3 =	vld.idx.msk [tilespmem:v2+s29+$0x0], $0xffff;
	_ =	sdelay $0x4  }
0xf7: {  	v1 =	vadd.f32 v3, v1;
	_ =	sdelay $0x1  }
0xf8: {  	v3 =	vmul.f32 $2.000000030e-01, v1;
	_ =	sdelay $0x1  }
0xf9: {  	v1 =	vmax.f32 v1, v3  }
0xfa: {  	v1 =	vmul.f32 $1.442695020e+00, v1;
	_ =	sdelay $0x1  }
0xfb: {  	(erf) = vpow2.f32 v1;
	_ =	sdelay $0x2  }
0xfc: {  	v1 =	vld [tilespmem:$0x9F10]  }
0xfd: {  	v3 =	vld [tilespmem:$0x9F90];
	_ =	sdelay $0x4  }
0xfe: {  	[tilespmem:$0xA400] =	vst v2;
	v4 =	vpop (erf)  }
0xff: {  	[tilespmem:$0xA300] =	vst v4  }
0x100: {  	v1 =	vld.idx.msk [tilespmem:v1+s4+$0x0], $0xffff  }
0x101: {  	v2 =	vld.idx.msk [tilespmem:v3+s29+$0x0], $0xffff;
	_ =	sdelay $0x4  }
0x102: {  	v1 =	vadd.f32 v2, v1;
	_ =	sdelay $0x1  }
0x103: {  	v2 =	vmul.f32 $2.000000030e-01, v1;
	_ =	sdelay $0x1  }
0x104: {  	v1 =	vmax.f32 v1, v2  }
0x105: {  	v1 =	vmul.f32 $1.442695020e+00, v1;
	_ =	sdelay $0x1  }
0x106: {  	(erf) = vpow2.f32 v1;
	_ =	sdelay $0x2  }
0x107: {  	v1 =	vld [tilespmem:$0x9F20]  }
0x108: {  	v2 =	vld [tilespmem:$0x9FA0];
	_ =	sdelay $0x4  }
0x109: {  	[tilespmem:$0xA410] =	vst v3;
	v61 =	vpop (erf)  }
0x10a: {  	[tilespmem:$0xA310] =	vst v61  }
0x10b: {  	v1 =	vld.idx.msk [tilespmem:v1+s4+$0x0], $0xffff  }
0x10c: {  	v3 =	vld.idx.msk [tilespmem:v2+s29+$0x0], $0xffff;
	_ =	sdelay $0x4  }
0x10d: {  	v1 =	vadd.f32 v3, v1;
	_ =	sdelay $0x1  }
0x10e: {  	v3 =	vmul.f32 $2.000000030e-01, v1;
	_ =	sdelay $0x1  }
0x10f: {  	v1 =	vmax.f32 v1, v3  }
0x110: {  	v1 =	vmul.f32 $1.442695020e+00, v1;
	_ =	sdelay $0x1  }
0x111: {  	(erf) = vpow2.f32 v1;
	_ =	sdelay $0x2  }
0x112: {  	v1 =	vld [tilespmem:$0x9F30]  }
0x113: {  	v3 =	vld [tilespmem:$0x9FB0];
	_ =	sdelay $0x4  }
0x114: {  	[tilespmem:$0xA420] =	vst v2;
	v62 =	vpop (erf)  }
0x115: {  	[tilespmem:$0xA320] =	vst v62  }
0x116: {  	v1 =	vld.idx.msk [tilespmem:v1+s4+$0x0], $0xffff  }
0x117: {  	v2 =	vld.idx.msk [tilespmem:v3+s29+$0x0], $0xffff;
	_ =	sdelay $0x4  }
0x118: {  	v1 =	vadd.f32 v2, v1;
	_ =	sdelay $0x1  }
0x119: {  	v2 =	vmul.f32 $2.000000030e-01, v1;
	_ =	sdelay $0x1  }
0x11a: {  	v1 =	vmax.f32 v1, v2  }
0x11b: {  	v1 =	vmul.f32 $1.442695020e+00, v1;
	_ =	sdelay $0x1  }
0x11c: {  	(erf) = vpow2.f32 v1;
	_ =	sdelay $0x2  }
0x11d: {  	v1 =	vld [tilespmem:$0x9F40]  }
0x11e: {  	v2 =	vld [tilespmem:$0x9FC0];
	_ =	sdelay $0x4  }
0x11f: {  	[tilespmem:$0xA430] =	vst v3;
	v63 =	vpop (erf)  }
0x120: {  	[tilespmem:$0xA330] =	vst v63  }
0x121: {  	v1 =	vld.idx.msk [tilespmem:v1+s4+$0x0], $0xffff  }
0x122: {  	v3 =	vld.idx.msk [tilespmem:v2+s29+$0x0], $0xffff;
	_ =	sdelay $0x4  }
0x123: {  	v1 =	vadd.f32 v3, v1;
	_ =	sdelay $0x1  }
0x124: {  	v3 =	vmul.f32 $2.000000030e-01, v1;
	_ =	sdelay $0x1  }
0x125: {  	v1 =	vmax.f32 v1, v3  }
0x126: {  	v1 =	vmul.f32 $1.442695020e+00, v1;
	_ =	sdelay $0x1  }
0x127: {  	(erf) = vpow2.f32 v1;
	_ =	sdelay $0x5  }
0x128: {  	s17 =	sshll.u32 s20, $0x2  }
0x129: {  	s26 =	sadd.s32 $0xFFFFFFFF, s17  }
0x12a: {  	p3 =	sgt.u32 s26, $0x7C  }
.Ltmp4:
0x12b: {  	[tilespmem:$0xA440] =	vst v2;
	v1 =	vpop (erf);
	(pc) =	sbr.rel @p3 .LBB2_8-.Ltmp4, $4  }
0x12c: {  	[tilespmem:$0xA340] =	vst v1  }
0x12d: {  	[spmem:s3] =	stream.indirect.scatter.add.f32 [tilespmem:s13], [sflag:$0x9], $0x1, s12, s11, $0xb8;
	[tilespmem:$0x1E078] =	vst v63  }
0x12e: {  	_ = 	snop  }
0x12f: {  	[tilespmem:s31], [sflag:$0x5] =	stream.indirect.gather [hbm4b:s1+s11], $0x80, s19, s11, $0xb8;
	[tilespmem:$0x1E078] =	vst v63  }
0x130: {  	s5 =	simm.s32 $0x0  }
0x131: {  	s22 =	simm.s32 $0x2;
	v1 =	vmov s5  }
0x132: {  	_ =	swait.ge [sflag:s18], $0x2800;
	v2 =	vmov s22;
	v1 =	vand.u32 $0xFFFFFFFC, v1  }
0x133: {  	[sflag:s18] =	ssyncset.done $0x0;
	v2 =	vand.u32 $0xFFFFFFFE, v2;
	v1 =	vbroadcast v1, $0x0  }
0x134: {  	s6 =	simm.s32 $0x7800;
	[sflag:s18] =	ssyncadd.s32 $0xFFFFD800;
	v2 =	vbroadcast v2, $0x0  }
0x135: {  	v4 =	vld [tilespmem:s6+$0x70]  }
0x136: {  	v5 =	vld [tilespmem:s6+$0xFFFFFF00]  }
0x137: {  	s26 =	simm.s32 $0x1;
	v6 =	vld [tilespmem:s6+$0xFFFFFF10]  }
0x138: {  	v3 =	vmov s26;
	v7 =	vld [tilespmem:s6+$0xFFFFFF20]  }
0x139: {  	v3 =	vand.u32 $0xFFFFFFFD, v3;
	v1 =	vld.idx.msk [tilespmem:v1+s21+$0x0], $0xffff  }
0x13a: {  	v3 =	vbroadcast v3, $0x0;
	v2 =	vld.idx.msk [tilespmem:v2+s21+$0x0], $0xffff  }
0x13b: {  	v8 =	vld [tilespmem:s6+$0xFFFFFF30]  }
0x13c: {  	v9 =	vld [tilespmem:s6+$0xFFFFFF40]  }
0x13d: {  	v10 =	vld [tilespmem:s6+$0xFFFFFF50]  }
0x13e: {  	v11 =	vld [tilespmem:s6+$0xFFFFFF60];
	v5 =	vmul.f32 v5, v1  }
0x13f: {  	v13 =	vld [tilespmem:s6+$0x40];
	v4 =	vmul.f32 v4, v2  }
0x140: {  	v3 =	vld.idx.msk [tilespmem:v3+s21+$0x0], $0xffff;
	[tilespmem:s6+$0xFFFFFF00] =	vst v5;
	v5 =	vmul.f32 v6, v1  }
0x141: {  	v6 =	vld [tilespmem:s6+$0xFFFFFF70];
	[tilespmem:s6+$0x70] =	vst v4;
	v4 =	vmul.f32 v7, v1  }
0x142: {  	v7 =	vld [tilespmem:s6+$0xFFFFFF80];
	[tilespmem:s6+$0xFFFFFF10] =	vst v5;
	v5 =	vmul.f32 v8, v1  }
0x143: {  	v8 =	vld [tilespmem:s6+$0xFFFFFF90];
	[tilespmem:s6+$0xFFFFFF20] =	vst v4;
	v4 =	vmul.f32 v9, v1  }
0x144: {  	v9 =	vld [tilespmem:s6+$0xFFFFFFA0];
	[tilespmem:s6+$0xFFFFFF30] =	vst v5;
	v5 =	vmul.f32 v10, v1  }
0x145: {  	v10 =	vld [tilespmem:s6+$0xFFFFFFB0];
	[tilespmem:s6+$0xFFFFFF40] =	vst v4;
	v4 =	vmul.f32 v11, v1  }
0x146: {  	v11 =	vld [tilespmem:s6+$0xFFFFFFC0];
	v6 =	vmul.f32 v6, v1;
	[tilespmem:s6+$0xFFFFFF50] =	vst v5  }
0x147: {  	v5 =	vmul.f32 v7, v3;
	v7 =	vld [tilespmem:s6+$0xFFFFFFD0];
	[tilespmem:s6+$0xFFFFFF60] =	vst v4  }
0x148: {  	s9 =	simm.s32 $0x3;
	v4 =	vld [tilespmem:s6+$0xFFFFFFE0];
	v8 =	vmul.f32 v8, v3;
	[tilespmem:s6+$0xFFFFFF70] =	vst v6  }
0x149: {  	v12 =	vmov s9;
	v6 =	vld [tilespmem:s6+$0xFFFFFFF0];
	[tilespmem:s6+$0xFFFFFF80] =	vst v5;
	v5 =	vmul.f32 v9, v3  }
0x14a: {  	v9 =	vld [tilespmem:s6+$0x0];
	[tilespmem:s6+$0xFFFFFF90] =	vst v8;
	v8 =	vmul.f32 v10, v3  }
0x14b: {  	v10 =	vld [tilespmem:s6+$0x10];
	[tilespmem:s6+$0xFFFFFFA0] =	vst v5;
	v5 =	vmul.f32 v11, v3  }
0x14c: {  	[tilespmem:s6+$0xFFFFFFB0] =	vst v8;
	v7 =	vmul.f32 v7, v3;
	v8 =	vld [tilespmem:s6+$0x20]  }
0x14d: {  	v11 =	vld [tilespmem:s6+$0x30];
	v4 =	vmul.f32 v4, v3;
	[tilespmem:s6+$0xFFFFFFC0] =	vst v5  }
0x14e: {  	v1 =	vld.idx.msk [tilespmem:v12+s21+$0x0], $0xffff;
	v3 =	vmul.f32 v6, v3;
	[tilespmem:s6+$0xFFFFFFD0] =	vst v7  }
0x14f: {  	[tilespmem:s6+$0xFFFFFFE0] =	vst v4;
	v5 =	vmul.f32 v9, v2;
	v4 =	vld [tilespmem:s6+$0x50]  }
0x150: {  	s22 =	simm.s32 $0x4;
	[tilespmem:s6+$0xFFFFFFF0] =	vst v3;
	v6 =	vmul.f32 v10, v2;
	v3 =	vld [tilespmem:s6+$0x60]  }
0x151: {  	s26 =	simm.s32 $0x7;
	v7 =	vmov s22;
	[tilespmem:s6+$0x0] =	vst v5;
	v9 =	vmul.f32 v8, v2;
	v8 =	vld [tilespmem:s6+$0x80]  }
0x152: {  	s22 =	simm.s32 $0x5;
	v12 =	vand.u32 $0xFFFFFFFC, v7;
	v7 =	vld [tilespmem:s6+$0x90];
	v5 =	vmov s26;
	v10 =	vmul.f32 v11, v2;
	[tilespmem:s6+$0x10] =	vst v6  }
0x153: {  	s5 =	simm.s32 $0x8;
	s26 =	simm.s32 $0x6;
	v11 =	vmul.f32 v13, v2;
	v6 =	vbroadcast v12, $0x0;
	v12 =	vmov s22;
	s22 =	simm.s32 $0x7800;
	[tilespmem:s6+$0x20] =	vst v9;
	v9 =	vld [tilespmem:s6+$0xA0]  }
.LBB2_6:
0x154: {  	p3 =	slt.u32 s5, $0x4C;
	v12 =	vand.u32 $0xFFFFFFFD, v12;
	v13 =	vmov s26;
	[tilespmem:s6+$0x30] =	vst v10;
	v4 =	vmul.f32 v4, v2;
	v10 =	vld [tilespmem:s6+$0xB0]  }
0x155: {  	v12 =	vbroadcast v12, $0x0;
	v13 =	vand.u32 $0xFFFFFFFE, v13;
	[tilespmem:s6+$0x40] =	vst v11;
	v2 =	vmul.f32 v3, v2;
	v3 =	vld [tilespmem:s6+$0xC0]  }
0x156: {  	v11 =	vbroadcast v13, $0x0;
	[tilespmem:s6+$0x50] =	vst v4;
	v4 =	vmul.f32 v8, v1;
	v8 =	vld [tilespmem:s6+$0xD0]  }
0x157: {  	[tilespmem:s6+$0x60] =	vst v2;
	v2 =	vmul.f32 v7, v1;
	v7 =	vld [tilespmem:s6+$0xE0]  }
0x158: {  	[tilespmem:s6+$0x80] =	vst v4;
	v4 =	vmul.f32 v9, v1;
	v9 =	vld [tilespmem:s6+$0xF0]  }
0x159: {  	v5 =	vld.idx.msk [tilespmem:v5+s21+$0x0], $0xffff;
	[tilespmem:s6+$0x90] =	vst v2;
	v2 =	vmul.f32 v10, v1  }
0x15a: {  	v6 =	vld.idx.msk [tilespmem:v6+s21+$0x0], $0xffff;
	[tilespmem:s6+$0xA0] =	vst v4;
	v3 =	vmul.f32 v3, v1  }
0x15b: {  	v4 =	vld.idx.msk [tilespmem:v12+s21+$0x0], $0xffff;
	[tilespmem:s6+$0xB0] =	vst v2;
	v8 =	vmul.f32 v8, v1  }
0x15c: {  	s6 =	sadd.s32 $0x200, s6;
	v2 =	vld.idx.msk [tilespmem:v11+s21+$0x0], $0xffff;
	[tilespmem:s22+$0xC0] =	vst v3;
	v3 =	vmul.f32 v7, v1  }
0x15d: {  	v7 =	vld [tilespmem:s6+$0x70];
	[tilespmem:s22+$0xD0] =	vst v8;
	v9 =	vmul.f32 v9, v1  }
0x15e: {  	v8 =	vld [tilespmem:s6+$0xFFFFFF00];
	[tilespmem:s22+$0xE0] =	vst v3  }
0x15f: {  	v1 =	vmov v5;
	v3 =	vld [tilespmem:s6+$0xFFFFFF10];
	[tilespmem:s22+$0xF0] =	vst v9;
	s22 =	smov.u32 s6  }
0x160: {  	v5 =	vld [tilespmem:s6+$0xFFFFFF20]  }
0x161: {  	v9 =	vld [tilespmem:s6+$0xFFFFFF30]  }
0x162: {  	v10 =	vld [tilespmem:s6+$0xFFFFFF40];
	v7 =	vmul.f32 v7, v2  }
0x163: {  	v8 =	vmul.f32 v8, v6;
	v11 =	vld [tilespmem:s6+$0xFFFFFF50]  }
0x164: {  	v3 =	vmul.f32 v3, v6;
	v12 =	vld [tilespmem:s6+$0xFFFFFF60];
	[tilespmem:s6+$0x70] =	vst v7  }
0x165: {  	[tilespmem:s6+$0xFFFFFF00] =	vst v8;
	v5 =	vmul.f32 v5, v6;
	v7 =	vld [tilespmem:s6+$0xFFFFFF70]  }
0x166: {  	[tilespmem:s6+$0xFFFFFF10] =	vst v3;
	v3 =	vmul.f32 v9, v6;
	v8 =	vld [tilespmem:s6+$0xFFFFFF80]  }
0x167: {  	[tilespmem:s6+$0xFFFFFF20] =	vst v5;
	v5 =	vmul.f32 v10, v6;
	v9 =	vld [tilespmem:s6+$0xFFFFFF90]  }
0x168: {  	[tilespmem:s6+$0xFFFFFF30] =	vst v3;
	v3 =	vmul.f32 v11, v6;
	v10 =	vld [tilespmem:s6+$0xFFFFFFA0]  }
0x169: {  	[tilespmem:s6+$0xFFFFFF40] =	vst v5;
	v5 =	vmul.f32 v12, v6;
	v11 =	vld [tilespmem:s6+$0xFFFFFFB0]  }
0x16a: {  	[tilespmem:s6+$0xFFFFFF50] =	vst v3;
	v3 =	vmul.f32 v7, v6;
	v6 =	vld [tilespmem:s6+$0xFFFFFFC0]  }
0x16b: {  	[tilespmem:s6+$0xFFFFFF60] =	vst v5;
	v5 =	vmul.f32 v8, v4;
	v7 =	vld [tilespmem:s6+$0xFFFFFFD0]  }
0x16c: {  	[tilespmem:s6+$0xFFFFFF70] =	vst v3;
	v3 =	vmul.f32 v9, v4;
	v8 =	vld [tilespmem:s6+$0xFFFFFFE0]  }
0x16d: {  	[tilespmem:s6+$0xFFFFFF80] =	vst v5;
	v5 =	vmul.f32 v10, v4;
	v9 =	vld [tilespmem:s6+$0xFFFFFFF0]  }
0x16e: {  	[tilespmem:s6+$0xFFFFFF90] =	vst v3;
	v3 =	vmul.f32 v11, v4;
	v10 =	vld [tilespmem:s6+$0x0]  }
0x16f: {  	[tilespmem:s6+$0xFFFFFFA0] =	vst v5;
	v5 =	vmul.f32 v6, v4;
	v6 =	vld [tilespmem:s6+$0x10]  }
0x170: {  	[tilespmem:s6+$0xFFFFFFB0] =	vst v3;
	v3 =	vmul.f32 v7, v4;
	v7 =	vld [tilespmem:s6+$0x20]  }
0x171: {  	[tilespmem:s6+$0xFFFFFFC0] =	vst v5;
	v5 =	vmul.f32 v8, v4;
	v11 =	vld [tilespmem:s6+$0x30]  }
0x172: {  	[tilespmem:s6+$0xFFFFFFD0] =	vst v3;
	v3 =	vmul.f32 v9, v4;
	v9 =	vld [tilespmem:s6+$0x40]  }
.Ltmp5:
0x173: {  	[tilespmem:s6+$0xFFFFFFE0] =	vst v5;
	v5 =	vmul.f32 v10, v2;
	v4 =	vld [tilespmem:s6+$0x50];
	(pc) =	sbr.rel @p3 .LBB2_6-.Ltmp5, $4  }
0x174: {  	[tilespmem:s6+$0xFFFFFFF0] =	vst v3;
	v6 =	vmul.f32 v6, v2;
	v3 =	vld [tilespmem:s6+$0x60]  }
0x175: {  	s26 =	sadd.s32 $0x3, s5;
	v10 =	vmov s5;
	[tilespmem:s6+$0x0] =	vst v5;
	v13 =	vmul.f32 v7, v2;
	v8 =	vld [tilespmem:s6+$0x80]  }
0x176: {  	s9 =	sadd.s32 $0x1, s5;
	v12 =	vand.u32 $0xFFFFFFFC, v10;
	v5 =	vmov s26;
	[tilespmem:s6+$0x10] =	vst v6;
	v10 =	vmul.f32 v11, v2;
	v7 =	vld [tilespmem:s6+$0x90]  }
0x177: {  	s26 =	sadd.s32 $0x2, s5;
	s5 =	sadd.s32 $0x4, s5;
	v6 =	vbroadcast v12, $0x0;
	v12 =	vmov s9;
	[tilespmem:s6+$0x20] =	vst v13;
	v11 =	vmul.f32 v9, v2;
	v9 =	vld [tilespmem:s6+$0xA0]  }
0x178: {  	v13 =	vld [tilespmem:s6+$0xB0]  }
0x179: {  	v15 =	vld [tilespmem:s6+$0xC0]  }
0x17a: {  	v16 =	vld [tilespmem:s6+$0xD0]  }
0x17b: {  	v17 =	vld [tilespmem:s6+$0xE0]  }
0x17c: {  	v29 =	vld [tilespmem:s6+$0xF0];
	[tilespmem:s6+$0x30] =	vst v10;
	v4 =	vmul.f32 v4, v2  }
0x17d: {  	v5 =	vld.idx.msk [tilespmem:v5+s21+$0x0], $0xffff;
	[tilespmem:s6+$0x40] =	vst v11;
	v2 =	vmul.f32 v3, v2  }
0x17e: {  	s5 =	sadd.s32 $0x200, s6;
	v3 =	vld.idx.msk [tilespmem:v6+s21+$0x0], $0xffff;
	v8 =	vmul.f32 v8, v1;
	[tilespmem:s6+$0x50] =	vst v4  }
0x17f: {  	v14 =	vmov s26;
	v34 =	vld [tilespmem:s5+$0x70];
	v30 =	vmul.f32 v7, v1;
	[tilespmem:s6+$0x60] =	vst v2  }
0x180: {  	v14 =	vand.u32 $0xFFFFFFFE, v14;
	v35 =	vld [tilespmem:s5+$0xFFFFFF00];
	[tilespmem:s6+$0x80] =	vst v8;
	v2 =	vmul.f32 v9, v1  }
0x181: {  	v37 =	vld [tilespmem:s5+$0xFFFFFF10];
	v14 =	vbroadcast v14, $0x0;
	[tilespmem:s6+$0x90] =	vst v30;
	v33 =	vmul.f32 v13, v1  }
0x182: {  	v38 =	vld [tilespmem:s5+$0xFFFFFF20];
	[tilespmem:s6+$0xA0] =	vst v2;
	v2 =	vmul.f32 v15, v1  }
0x183: {  	v12 =	vand.u32 $0xFFFFFFFD, v12;
	v39 =	vld [tilespmem:s5+$0xFFFFFF30];
	v36 =	vmul.f32 v16, v1;
	[tilespmem:s6+$0xB0] =	vst v33  }
0x184: {  	v12 =	vbroadcast v12, $0x0;
	v41 =	vld [tilespmem:s5+$0xFFFFFF50];
	[tilespmem:s22+$0xC0] =	vst v2;
	v2 =	vmul.f32 v17, v1  }
0x185: {  	v43 =	vld [tilespmem:s5+$0xFFFFFF60];
	[tilespmem:s22+$0xD0] =	vst v36;
	v1 =	vmul.f32 v29, v1  }
0x186: {  	v42 =	vmul.f32 v37, v3;
	[tilespmem:s22+$0xE0] =	vst v2;
	v2 =	vld [tilespmem:s5+$0xFFFFFF40]  }
0x187: {  	v32 =	vld.idx.msk [tilespmem:v14+s21+$0x0], $0xffff;
	[tilespmem:s22+$0xF0] =	vst v1;
	v1 =	vmul.f32 v35, v3  }
0x188: {  	v44 =	vld [tilespmem:s5+$0xFFFFFF70];
	v4 =	vmul.f32 v39, v3;
	[tilespmem:s5+$0xFFFFFF10] =	vst v42  }
0x189: {  	v45 =	vld [tilespmem:s5+$0xFFFFFF80];
	[tilespmem:s5+$0xFFFFFF00] =	vst v1;
	v1 =	vmul.f32 v38, v3  }
0x18a: {  	v46 =	vmul.f32 v41, v3;
	v31 =	vld.idx.msk [tilespmem:v12+s21+$0x0], $0xffff;
	[tilespmem:s5+$0xFFFFFF30] =	vst v4  }
0x18b: {  	[tilespmem:s5+$0xFFFFFF20] =	vst v1;
	v1 =	vmul.f32 v2, v3;
	v2 =	vld [tilespmem:s5+$0xFFFFFF90]  }
0x18c: {  	v47 =	vld [tilespmem:s5+$0xFFFFFFA0];
	[tilespmem:s5+$0xFFFFFF50] =	vst v46;
	v40 =	vmul.f32 v34, v32  }
0x18d: {  	v48 =	vld [tilespmem:s5+$0xFFFFFFB0];
	[tilespmem:s5+$0xFFFFFF40] =	vst v1;
	v1 =	vmul.f32 v43, v3  }
0x18e: {  	v49 =	vld [tilespmem:s5+$0xFFFFFFC0];
	[tilespmem:s5+$0x70] =	vst v40;
	v3 =	vmul.f32 v44, v3  }
0x18f: {  	v50 =	vld [tilespmem:s5+$0xFFFFFFD0];
	[tilespmem:s5+$0xFFFFFF60] =	vst v1;
	v1 =	vmul.f32 v45, v31  }
0x190: {  	[tilespmem:s5+$0xFFFFFF70] =	vst v3;
	v3 =	vld [tilespmem:s5+$0xFFFFFFE0];
	v2 =	vmul.f32 v2, v31  }
0x191: {  	v51 =	vld [tilespmem:s5+$0xFFFFFFF0];
	[tilespmem:s5+$0xFFFFFF80] =	vst v1;
	v1 =	vmul.f32 v47, v31  }
0x192: {  	v52 =	vld [tilespmem:s5+$0x0];
	[tilespmem:s5+$0xFFFFFF90] =	vst v2;
	v2 =	vmul.f32 v48, v31  }
0x193: {  	v53 =	vld [tilespmem:s5+$0x10];
	[tilespmem:s5+$0xFFFFFFA0] =	vst v1;
	v1 =	vmul.f32 v49, v31  }
0x194: {  	v54 =	vld [tilespmem:s5+$0x20];
	[tilespmem:s5+$0xFFFFFFB0] =	vst v2;
	v2 =	vmul.f32 v50, v31  }
0x195: {  	[tilespmem:s5+$0xFFFFFFC0] =	vst v1;
	v1 =	vmul.f32 v3, v31;
	v3 =	vld [tilespmem:s5+$0x30]  }
0x196: {  	v55 =	vld [tilespmem:s5+$0x40];
	[tilespmem:s5+$0xFFFFFFD0] =	vst v2;
	v2 =	vmul.f32 v51, v31  }
0x197: {  	v56 =	vld [tilespmem:s5+$0x50];
	[tilespmem:s5+$0xFFFFFFE0] =	vst v1;
	v1 =	vmul.f32 v52, v32  }
0x198: {  	v57 =	vld [tilespmem:s5+$0x60];
	[tilespmem:s5+$0xFFFFFFF0] =	vst v2;
	v2 =	vmul.f32 v53, v32  }
0x199: {  	v58 =	vld [tilespmem:s5+$0x80];
	[tilespmem:s5+$0x0] =	vst v1;
	v1 =	vmul.f32 v54, v32  }
0x19a: {  	[tilespmem:s5+$0x10] =	vst v2;
	v2 =	vmul.f32 v3, v32;
	v3 =	vld [tilespmem:s5+$0x90]  }
0x19b: {  	v59 =	vld [tilespmem:s5+$0xA0];
	[tilespmem:s5+$0x20] =	vst v1;
	v1 =	vmul.f32 v55, v32  }
0x19c: {  	v60 =	vld [tilespmem:s5+$0xB0];
	[tilespmem:s5+$0x30] =	vst v2;
	v2 =	vmul.f32 v56, v32  }
0x19d: {  	v61 =	vld [tilespmem:s5+$0xC0];
	[tilespmem:s5+$0x40] =	vst v1;
	v1 =	vmul.f32 v57, v32  }
0x19e: {  	v62 =	vld [tilespmem:s5+$0xD0];
	[tilespmem:s5+$0x50] =	vst v2;
	v2 =	vmul.f32 v58, v5  }
0x19f: {  	[tilespmem:s5+$0x60] =	vst v1;
	v1 =	vmul.f32 v3, v5;
	v3 =	vld [tilespmem:s5+$0xE0]  }
0x1a0: {  	v63 =	vld [tilespmem:s5+$0xF0];
	[tilespmem:s5+$0x80] =	vst v2;
	v2 =	vmul.f32 v59, v5  }
0x1a1: {  	[tilespmem:s5+$0x90] =	vst v1;
	v1 =	vmul.f32 v60, v5  }
0x1a2: {  	[tilespmem:s5+$0xA0] =	vst v2;
	v2 =	vmul.f32 v61, v5  }
0x1a3: {  	[tilespmem:s5+$0xB0] =	vst v1;
	v1 =	vmul.f32 v62, v5  }
0x1a4: {  	[tilespmem:s5+$0xC0] =	vst v2;
	v2 =	vmul.f32 v3, v5  }
0x1a5: {  	[tilespmem:s5+$0xD0] =	vst v1;
	v1 =	vmul.f32 v63, v5  }
0x1a6: {  	[tilespmem:s5+$0xE0] =	vst v2  }
0x1a7: {  	[tilespmem:s5+$0xF0] =	vst v1;
	s5 =	sor.u32 $0x3, s17  }
0x1a8: {  	[spmem:s2] =	stream.indirect.scatter.add.f32 [tilespmem:s25], [sflag:$0x8], $0x80, s23, s11, $0xb8;
	[tilespmem:$0x1E078] =	vst v63  }
0x1a9: {  	p3 =	sgt.u32 s5, $0x7C  }
0x1aa: {  	s6 =	rddreg [dreg:$0x5];
	s5 =	sshll.u32 @!p3 s5, $0x8  }
0x1ab: {  	s5 =	sadd.s32 @!p3 s6, s5  }
0x1ac: {  	s5 =	sshrl.u32 @!p3 s5, $0x3  }
0x1ad: {  	s9 =	simm.s32 @!p3 $0xA200;
	s6 =	simm.s32 @!p3 $0x0;
	s5 =	sadd.s32 @!p3 s15, s5  }
0x1ae: {  	[tilespmem:s9], [sflag:$0x4] =	stream.linear.gather @!p3 [hbm4b:s5+s6], $0x100, $0x38;
	[tilespmem:$0x1E078] =	vst v63  }
0x1af: {  	p3 =	sgt.u32 s20, $0x1E  }
.Ltmp6:
0x1b0: {  	_ = 	snop;
	(pc) =	sbr.rel @p3 .LBB2_9-.Ltmp6, $1  }
0x1b1: {  	_ =	sdelay $0x3  }
.LBB2_8:
0x1b2: {  	_ =	swait.ge [sflag:s28], $0x100  }
0x1b3: {  	[sflag:s28] =	ssyncset.done $0x0  }
0x1b4: {  	s5 =	simm.s32 @!p2 $0xA;
	[sflag:s28] =	ssyncadd.s32 $0xFFFFFF00  }
0x1b5: {  	_ =	swait.ge @!p2 [sflag:s5], $0x50  }
0x1b6: {  	[sflag:s5] =	ssyncset.done @!p2 $0x0  }
0x1b7: {  	[sflag:s5] =	ssyncadd.s32 @!p2 $0xFFFFFFB0;
	s5 =	simm.s32 @!p2 $0x8  }
0x1b8: {  	_ =	swait.ge @!p2 [sflag:s5], $0x2800  }
0x1b9: {  	[sflag:s5] =	ssyncset.done @!p2 $0x0  }
0x1ba: {  	[sflag:s5] =	ssyncadd.s32 @!p2 $0xFFFFD800  }
0x1bb: {  	v1 =	vld [tilespmem:$0xA000]  }
0x1bc: {  	v2 =	vld [tilespmem:$0xA080];
	_ =	sdelay $0x6  }
0x1bd: {  	v1 =	vld.idx.msk [tilespmem:v1+s4+$0x0], $0xffff  }
0x1be: {  	v3 =	vld.idx.msk [tilespmem:v2+s29+$0x0], $0xffff;
	_ =	sdelay $0x4  }
0x1bf: {  	v1 =	vadd.f32 v3, v1;
	_ =	sdelay $0x1  }
0x1c0: {  	v3 =	vmul.f32 $2.000000030e-01, v1;
	_ =	sdelay $0x1  }
0x1c1: {  	v1 =	vmax.f32 v1, v3  }
0x1c2: {  	v1 =	vmul.f32 $1.442695020e+00, v1;
	_ =	sdelay $0x1  }
0x1c3: {  	(erf) = vpow2.f32 v1;
	_ =	sdelay $0x2  }
0x1c4: {  	v1 =	vld [tilespmem:$0xA010]  }
0x1c5: {  	v3 =	vld [tilespmem:$0xA090];
	_ =	sdelay $0x4  }
0x1c6: {  	[tilespmem:$0xA480] =	vst v2;
	v4 =	vpop (erf)  }
0x1c7: {  	[tilespmem:$0xA380] =	vst v4  }
0x1c8: {  	v1 =	vld.idx.msk [tilespmem:v1+s4+$0x0], $0xffff  }
0x1c9: {  	v2 =	vld.idx.msk [tilespmem:v3+s29+$0x0], $0xffff;
	_ =	sdelay $0x4  }
0x1ca: {  	v1 =	vadd.f32 v2, v1;
	_ =	sdelay $0x1  }
0x1cb: {  	v2 =	vmul.f32 $2.000000030e-01, v1;
	_ =	sdelay $0x1  }
0x1cc: {  	v1 =	vmax.f32 v1, v2  }
0x1cd: {  	v1 =	vmul.f32 $1.442695020e+00, v1;
	_ =	sdelay $0x1  }
0x1ce: {  	(erf) = vpow2.f32 v1;
	_ =	sdelay $0x2  }
0x1cf: {  	v1 =	vld [tilespmem:$0xA020]  }
0x1d0: {  	v2 =	vld [tilespmem:$0xA0A0];
	_ =	sdelay $0x4  }
0x1d1: {  	[tilespmem:$0xA490] =	vst v3;
	v61 =	vpop (erf)  }
0x1d2: {  	[tilespmem:$0xA390] =	vst v61  }
0x1d3: {  	v1 =	vld.idx.msk [tilespmem:v1+s4+$0x0], $0xffff  }
0x1d4: {  	v3 =	vld.idx.msk [tilespmem:v2+s29+$0x0], $0xffff;
	_ =	sdelay $0x4  }
0x1d5: {  	v1 =	vadd.f32 v3, v1;
	_ =	sdelay $0x1  }
0x1d6: {  	v3 =	vmul.f32 $2.000000030e-01, v1;
	_ =	sdelay $0x1  }
0x1d7: {  	v1 =	vmax.f32 v1, v3  }
0x1d8: {  	v1 =	vmul.f32 $1.442695020e+00, v1;
	_ =	sdelay $0x1  }
0x1d9: {  	(erf) = vpow2.f32 v1;
	_ =	sdelay $0x2  }
0x1da: {  	v1 =	vld [tilespmem:$0xA030]  }
0x1db: {  	v3 =	vld [tilespmem:$0xA0B0];
	_ =	sdelay $0x4  }
0x1dc: {  	[tilespmem:$0xA4A0] =	vst v2;
	v62 =	vpop (erf)  }
0x1dd: {  	[tilespmem:$0xA3A0] =	vst v62  }
0x1de: {  	v1 =	vld.idx.msk [tilespmem:v1+s4+$0x0], $0xffff  }
0x1df: {  	v2 =	vld.idx.msk [tilespmem:v3+s29+$0x0], $0xffff;
	_ =	sdelay $0x4  }
0x1e0: {  	v1 =	vadd.f32 v2, v1;
	_ =	sdelay $0x1  }
0x1e1: {  	v2 =	vmul.f32 $2.000000030e-01, v1;
	_ =	sdelay $0x1  }
0x1e2: {  	v1 =	vmax.f32 v1, v2  }
0x1e3: {  	v1 =	vmul.f32 $1.442695020e+00, v1;
	_ =	sdelay $0x1  }
0x1e4: {  	(erf) = vpow2.f32 v1;
	_ =	sdelay $0x2  }
0x1e5: {  	v1 =	vld [tilespmem:$0xA040]  }
0x1e6: {  	v2 =	vld [tilespmem:$0xA0C0];
	_ =	sdelay $0x4  }
0x1e7: {  	[tilespmem:$0xA4B0] =	vst v3;
	v63 =	vpop (erf)  }
0x1e8: {  	[tilespmem:$0xA3B0] =	vst v63  }
0x1e9: {  	v1 =	vld.idx.msk [tilespmem:v1+s4+$0x0], $0xffff  }
0x1ea: {  	v3 =	vld.idx.msk [tilespmem:v2+s29+$0x0], $0xffff;
	_ =	sdelay $0x4  }
0x1eb: {  	v1 =	vadd.f32 v3, v1;
	_ =	sdelay $0x1  }
0x1ec: {  	v3 =	vmul.f32 $2.000000030e-01, v1;
	_ =	sdelay $0x1  }
0x1ed: {  	v1 =	vmax.f32 v1, v3  }
0x1ee: {  	v1 =	vmul.f32 $1.442695020e+00, v1;
	_ =	sdelay $0x1  }
0x1ef: {  	(erf) = vpow2.f32 v1;
	_ =	sdelay $0x8  }
0x1f0: {  	[tilespmem:$0xA4C0] =	vst v2;
	v1 =	vpop (erf)  }
0x1f1: {  	[tilespmem:$0xA3C0] =	vst v1  }
0x1f2: {  	[spmem:s3] =	stream.indirect.scatter.add.f32 [tilespmem:s21], [sflag:$0xA], $0x1, s23, s11, $0xb8;
	[tilespmem:$0x1E078] =	vst v63  }
0x1f3: {  	s26 =	simm.s32 $0xA000  }
0x1f4: {  	[tilespmem:s25], [sflag:$0x6] =	stream.indirect.gather [hbm4b:s1+s11], $0x80, s26, s11, $0xb8;
	[tilespmem:$0x1E078] =	vst v63  }
.LBB2_9:
0x1f5: {  	s5 =	simm.s32 $0x0  }
0x1f6: {  	s6 =	simm.s32 $0x2;
	v1 =	vmov s5  }
0x1f7: {  	_ =	swait.ge [sflag:s30], $0x2800;
	v2 =	vmov s6;
	v1 =	vand.u32 $0xFFFFFFFC, v1  }
0x1f8: {  	[sflag:s30] =	ssyncset.done $0x0;
	v2 =	vand.u32 $0xFFFFFFFE, v2;
	v1 =	vbroadcast v1, $0x0  }
0x1f9: {  	s6 =	simm.s32 $0x5000;
	[sflag:s30] =	ssyncadd.s32 $0xFFFFD800;
	v2 =	vbroadcast v2, $0x0  }
0x1fa: {  	v4 =	vld [tilespmem:s6+$0x70]  }
0x1fb: {  	v5 =	vld [tilespmem:s6+$0xFFFFFF00]  }
0x1fc: {  	s9 =	simm.s32 $0x1;
	v6 =	vld [tilespmem:s6+$0xFFFFFF10]  }
0x1fd: {  	v3 =	vmov s9;
	v7 =	vld [tilespmem:s6+$0xFFFFFF20]  }
0x1fe: {  	v3 =	vand.u32 $0xFFFFFFFD, v3;
	v1 =	vld.idx.msk [tilespmem:v1+s13+$0x0], $0xffff  }
0x1ff: {  	v3 =	vbroadcast v3, $0x0;
	v2 =	vld.idx.msk [tilespmem:v2+s13+$0x0], $0xffff  }
0x200: {  	v8 =	vld [tilespmem:s6+$0xFFFFFF30]  }
0x201: {  	v9 =	vld [tilespmem:s6+$0xFFFFFF40]  }
0x202: {  	v10 =	vld [tilespmem:s6+$0xFFFFFF50]  }
0x203: {  	v11 =	vld [tilespmem:s6+$0xFFFFFF60];
	v5 =	vmul.f32 v5, v1  }
0x204: {  	v13 =	vld [tilespmem:s6+$0x40];
	v4 =	vmul.f32 v4, v2  }
0x205: {  	v3 =	vld.idx.msk [tilespmem:v3+s13+$0x0], $0xffff;
	[tilespmem:s6+$0xFFFFFF00] =	vst v5;
	v5 =	vmul.f32 v6, v1  }
0x206: {  	v6 =	vld [tilespmem:s6+$0xFFFFFF70];
	[tilespmem:s6+$0x70] =	vst v4;
	v4 =	vmul.f32 v7, v1  }
0x207: {  	v7 =	vld [tilespmem:s6+$0xFFFFFF80];
	[tilespmem:s6+$0xFFFFFF10] =	vst v5;
	v5 =	vmul.f32 v8, v1  }
0x208: {  	v8 =	vld [tilespmem:s6+$0xFFFFFF90];
	[tilespmem:s6+$0xFFFFFF20] =	vst v4;
	v4 =	vmul.f32 v9, v1  }
0x209: {  	v9 =	vld [tilespmem:s6+$0xFFFFFFA0];
	[tilespmem:s6+$0xFFFFFF30] =	vst v5;
	v5 =	vmul.f32 v10, v1  }
0x20a: {  	v10 =	vld [tilespmem:s6+$0xFFFFFFB0];
	[tilespmem:s6+$0xFFFFFF40] =	vst v4;
	v4 =	vmul.f32 v11, v1  }
0x20b: {  	v11 =	vld [tilespmem:s6+$0xFFFFFFC0];
	v6 =	vmul.f32 v6, v1;
	[tilespmem:s6+$0xFFFFFF50] =	vst v5  }
0x20c: {  	v5 =	vmul.f32 v7, v3;
	v7 =	vld [tilespmem:s6+$0xFFFFFFD0];
	[tilespmem:s6+$0xFFFFFF60] =	vst v4  }
0x20d: {  	s17 =	simm.s32 $0x3;
	v4 =	vld [tilespmem:s6+$0xFFFFFFE0];
	v8 =	vmul.f32 v8, v3;
	[tilespmem:s6+$0xFFFFFF70] =	vst v6  }
0x20e: {  	v12 =	vmov s17;
	v6 =	vld [tilespmem:s6+$0xFFFFFFF0];
	[tilespmem:s6+$0xFFFFFF80] =	vst v5;
	v5 =	vmul.f32 v9, v3  }
0x20f: {  	v9 =	vld [tilespmem:s6+$0x0];
	[tilespmem:s6+$0xFFFFFF90] =	vst v8;
	v8 =	vmul.f32 v10, v3  }
0x210: {  	v10 =	vld [tilespmem:s6+$0x10];
	[tilespmem:s6+$0xFFFFFFA0] =	vst v5;
	v5 =	vmul.f32 v11, v3  }
0x211: {  	[tilespmem:s6+$0xFFFFFFB0] =	vst v8;
	v7 =	vmul.f32 v7, v3;
	v8 =	vld [tilespmem:s6+$0x20]  }
0x212: {  	v11 =	vld [tilespmem:s6+$0x30];
	v4 =	vmul.f32 v4, v3;
	[tilespmem:s6+$0xFFFFFFC0] =	vst v5  }
0x213: {  	v1 =	vld.idx.msk [tilespmem:v12+s13+$0x0], $0xffff;
	v3 =	vmul.f32 v6, v3;
	[tilespmem:s6+$0xFFFFFFD0] =	vst v7  }
0x214: {  	[tilespmem:s6+$0xFFFFFFE0] =	vst v4;
	v5 =	vmul.f32 v9, v2;
	v4 =	vld [tilespmem:s6+$0x50]  }
0x215: {  	s22 =	simm.s32 $0x4;
	[tilespmem:s6+$0xFFFFFFF0] =	vst v3;
	v6 =	vmul.f32 v10, v2;
	v3 =	vld [tilespmem:s6+$0x60]  }
0x216: {  	s26 =	simm.s32 $0x7;
	v7 =	vmov s22;
	[tilespmem:s6+$0x0] =	vst v5;
	v9 =	vmul.f32 v8, v2;
	v8 =	vld [tilespmem:s6+$0x80]  }
0x217: {  	s9 =	simm.s32 $0x5;
	v12 =	vand.u32 $0xFFFFFFFC, v7;
	v7 =	vld [tilespmem:s6+$0x90];
	v5 =	vmov s26;
	v10 =	vmul.f32 v11, v2;
	[tilespmem:s6+$0x10] =	vst v6  }
0x218: {  	s5 =	simm.s32 $0x8;
	s17 =	simm.s32 $0x5000;
	s22 =	simm.s32 $0x6;
	v11 =	vmul.f32 v13, v2;
	v6 =	vbroadcast v12, $0x0;
	v12 =	vmov s9;
	[tilespmem:s6+$0x20] =	vst v9;
	v9 =	vld [tilespmem:s6+$0xA0]  }
.LBB2_10:
0x219: {  	p2 =	slt.u32 s5, $0x4C;
	v12 =	vand.u32 $0xFFFFFFFD, v12;
	v13 =	vmov s22;
	[tilespmem:s6+$0x30] =	vst v10;
	v4 =	vmul.f32 v4, v2;
	v10 =	vld [tilespmem:s6+$0xB0]  }
0x21a: {  	v12 =	vbroadcast v12, $0x0;
	v13 =	vand.u32 $0xFFFFFFFE, v13;
	[tilespmem:s6+$0x40] =	vst v11;
	v2 =	vmul.f32 v3, v2;
	v3 =	vld [tilespmem:s6+$0xC0]  }
0x21b: {  	v11 =	vbroadcast v13, $0x0;
	[tilespmem:s6+$0x50] =	vst v4;
	v4 =	vmul.f32 v8, v1;
	v8 =	vld [tilespmem:s6+$0xD0]  }
0x21c: {  	[tilespmem:s6+$0x60] =	vst v2;
	v2 =	vmul.f32 v7, v1;
	v7 =	vld [tilespmem:s6+$0xE0]  }
0x21d: {  	[tilespmem:s6+$0x80] =	vst v4;
	v4 =	vmul.f32 v9, v1;
	v9 =	vld [tilespmem:s6+$0xF0]  }
0x21e: {  	v5 =	vld.idx.msk [tilespmem:v5+s13+$0x0], $0xffff;
	[tilespmem:s6+$0x90] =	vst v2;
	v2 =	vmul.f32 v10, v1  }
0x21f: {  	v6 =	vld.idx.msk [tilespmem:v6+s13+$0x0], $0xffff;
	[tilespmem:s6+$0xA0] =	vst v4;
	v3 =	vmul.f32 v3, v1  }
0x220: {  	v4 =	vld.idx.msk [tilespmem:v12+s13+$0x0], $0xffff;
	[tilespmem:s6+$0xB0] =	vst v2;
	v8 =	vmul.f32 v8, v1  }
0x221: {  	s6 =	sadd.s32 $0x200, s6;
	v2 =	vld.idx.msk [tilespmem:v11+s13+$0x0], $0xffff;
	[tilespmem:s17+$0xC0] =	vst v3;
	v3 =	vmul.f32 v7, v1  }
0x222: {  	v7 =	vld [tilespmem:s6+$0x70];
	[tilespmem:s17+$0xD0] =	vst v8;
	v9 =	vmul.f32 v9, v1  }
0x223: {  	v8 =	vld [tilespmem:s6+$0xFFFFFF00];
	[tilespmem:s17+$0xE0] =	vst v3  }
0x224: {  	v1 =	vmov v5;
	v3 =	vld [tilespmem:s6+$0xFFFFFF10];
	[tilespmem:s17+$0xF0] =	vst v9;
	s17 =	smov.u32 s6  }
0x225: {  	v5 =	vld [tilespmem:s6+$0xFFFFFF20]  }
0x226: {  	v9 =	vld [tilespmem:s6+$0xFFFFFF30]  }
0x227: {  	v10 =	vld [tilespmem:s6+$0xFFFFFF40];
	v7 =	vmul.f32 v7, v2  }
0x228: {  	v8 =	vmul.f32 v8, v6;
	v11 =	vld [tilespmem:s6+$0xFFFFFF50]  }
0x229: {  	v3 =	vmul.f32 v3, v6;
	v12 =	vld [tilespmem:s6+$0xFFFFFF60];
	[tilespmem:s6+$0x70] =	vst v7  }
0x22a: {  	[tilespmem:s6+$0xFFFFFF00] =	vst v8;
	v5 =	vmul.f32 v5, v6;
	v7 =	vld [tilespmem:s6+$0xFFFFFF70]  }
0x22b: {  	[tilespmem:s6+$0xFFFFFF10] =	vst v3;
	v3 =	vmul.f32 v9, v6;
	v8 =	vld [tilespmem:s6+$0xFFFFFF80]  }
0x22c: {  	[tilespmem:s6+$0xFFFFFF20] =	vst v5;
	v5 =	vmul.f32 v10, v6;
	v9 =	vld [tilespmem:s6+$0xFFFFFF90]  }
0x22d: {  	[tilespmem:s6+$0xFFFFFF30] =	vst v3;
	v3 =	vmul.f32 v11, v6;
	v10 =	vld [tilespmem:s6+$0xFFFFFFA0]  }
0x22e: {  	[tilespmem:s6+$0xFFFFFF40] =	vst v5;
	v5 =	vmul.f32 v12, v6;
	v11 =	vld [tilespmem:s6+$0xFFFFFFB0]  }
0x22f: {  	[tilespmem:s6+$0xFFFFFF50] =	vst v3;
	v3 =	vmul.f32 v7, v6;
	v6 =	vld [tilespmem:s6+$0xFFFFFFC0]  }
0x230: {  	[tilespmem:s6+$0xFFFFFF60] =	vst v5;
	v5 =	vmul.f32 v8, v4;
	v7 =	vld [tilespmem:s6+$0xFFFFFFD0]  }
0x231: {  	[tilespmem:s6+$0xFFFFFF70] =	vst v3;
	v3 =	vmul.f32 v9, v4;
	v8 =	vld [tilespmem:s6+$0xFFFFFFE0]  }
0x232: {  	[tilespmem:s6+$0xFFFFFF80] =	vst v5;
	v5 =	vmul.f32 v10, v4;
	v9 =	vld [tilespmem:s6+$0xFFFFFFF0]  }
0x233: {  	[tilespmem:s6+$0xFFFFFF90] =	vst v3;
	v3 =	vmul.f32 v11, v4;
	v10 =	vld [tilespmem:s6+$0x0]  }
0x234: {  	[tilespmem:s6+$0xFFFFFFA0] =	vst v5;
	v5 =	vmul.f32 v6, v4;
	v6 =	vld [tilespmem:s6+$0x10]  }
0x235: {  	[tilespmem:s6+$0xFFFFFFB0] =	vst v3;
	v3 =	vmul.f32 v7, v4;
	v7 =	vld [tilespmem:s6+$0x20]  }
0x236: {  	[tilespmem:s6+$0xFFFFFFC0] =	vst v5;
	v5 =	vmul.f32 v8, v4;
	v11 =	vld [tilespmem:s6+$0x30]  }
0x237: {  	[tilespmem:s6+$0xFFFFFFD0] =	vst v3;
	v3 =	vmul.f32 v9, v4;
	v9 =	vld [tilespmem:s6+$0x40]  }
.Ltmp7:
0x238: {  	[tilespmem:s6+$0xFFFFFFE0] =	vst v5;
	v5 =	vmul.f32 v10, v2;
	v4 =	vld [tilespmem:s6+$0x50];
	(pc) =	sbr.rel @p2 .LBB2_10-.Ltmp7, $4  }
0x239: {  	[tilespmem:s6+$0xFFFFFFF0] =	vst v3;
	v6 =	vmul.f32 v6, v2;
	v3 =	vld [tilespmem:s6+$0x60]  }
0x23a: {  	s9 =	sadd.s32 $0x3, s5;
	v10 =	vmov s5;
	[tilespmem:s6+$0x0] =	vst v5;
	v13 =	vmul.f32 v7, v2;
	v8 =	vld [tilespmem:s6+$0x80]  }
0x23b: {  	s22 =	sadd.s32 $0x1, s5;
	v12 =	vand.u32 $0xFFFFFFFC, v10;
	v5 =	vmov s9;
	[tilespmem:s6+$0x10] =	vst v6;
	v10 =	vmul.f32 v11, v2;
	v7 =	vld [tilespmem:s6+$0x90]  }
0x23c: {  	v6 =	vbroadcast v12, $0x0;
	v12 =	vmov s22;
	s22 =	sadd.s32 $0x2, s5;
	s5 =	sadd.s32 $0x4, s5;
	[tilespmem:s6+$0x20] =	vst v13;
	v11 =	vmul.f32 v9, v2;
	v9 =	vld [tilespmem:s6+$0xA0]  }
0x23d: {  	v13 =	vld [tilespmem:s6+$0xB0]  }
0x23e: {  	v15 =	vld [tilespmem:s6+$0xC0]  }
0x23f: {  	v16 =	vld [tilespmem:s6+$0xD0]  }
0x240: {  	v17 =	vld [tilespmem:s6+$0xE0]  }
0x241: {  	v29 =	vld [tilespmem:s6+$0xF0];
	[tilespmem:s6+$0x30] =	vst v10;
	v4 =	vmul.f32 v4, v2  }
0x242: {  	v5 =	vld.idx.msk [tilespmem:v5+s13+$0x0], $0xffff;
	[tilespmem:s6+$0x40] =	vst v11;
	v2 =	vmul.f32 v3, v2  }
0x243: {  	s5 =	sadd.s32 $0x200, s6;
	v3 =	vld.idx.msk [tilespmem:v6+s13+$0x0], $0xffff;
	v8 =	vmul.f32 v8, v1;
	[tilespmem:s6+$0x50] =	vst v4  }
0x244: {  	v14 =	vmov s22;
	v34 =	vld [tilespmem:s5+$0x70];
	v30 =	vmul.f32 v7, v1;
	[tilespmem:s6+$0x60] =	vst v2  }
0x245: {  	v14 =	vand.u32 $0xFFFFFFFE, v14;
	v35 =	vld [tilespmem:s5+$0xFFFFFF00];
	[tilespmem:s6+$0x80] =	vst v8;
	v2 =	vmul.f32 v9, v1  }
0x246: {  	v37 =	vld [tilespmem:s5+$0xFFFFFF10];
	v14 =	vbroadcast v14, $0x0;
	[tilespmem:s6+$0x90] =	vst v30;
	v33 =	vmul.f32 v13, v1  }
0x247: {  	v38 =	vld [tilespmem:s5+$0xFFFFFF20];
	[tilespmem:s6+$0xA0] =	vst v2;
	v2 =	vmul.f32 v15, v1  }
0x248: {  	v12 =	vand.u32 $0xFFFFFFFD, v12;
	v39 =	vld [tilespmem:s5+$0xFFFFFF30];
	v36 =	vmul.f32 v16, v1;
	[tilespmem:s6+$0xB0] =	vst v33  }
0x249: {  	v12 =	vbroadcast v12, $0x0;
	v41 =	vld [tilespmem:s5+$0xFFFFFF50];
	[tilespmem:s17+$0xC0] =	vst v2;
	v2 =	vmul.f32 v17, v1  }
0x24a: {  	v43 =	vld [tilespmem:s5+$0xFFFFFF60];
	[tilespmem:s17+$0xD0] =	vst v36;
	v1 =	vmul.f32 v29, v1  }
0x24b: {  	v42 =	vmul.f32 v37, v3;
	[tilespmem:s17+$0xE0] =	vst v2;
	v2 =	vld [tilespmem:s5+$0xFFFFFF40]  }
0x24c: {  	v32 =	vld.idx.msk [tilespmem:v14+s13+$0x0], $0xffff;
	[tilespmem:s17+$0xF0] =	vst v1;
	v1 =	vmul.f32 v35, v3  }
0x24d: {  	v44 =	vld [tilespmem:s5+$0xFFFFFF70];
	v4 =	vmul.f32 v39, v3;
	[tilespmem:s5+$0xFFFFFF10] =	vst v42  }
0x24e: {  	v45 =	vld [tilespmem:s5+$0xFFFFFF80];
	[tilespmem:s5+$0xFFFFFF00] =	vst v1;
	v1 =	vmul.f32 v38, v3  }
0x24f: {  	v46 =	vmul.f32 v41, v3;
	v31 =	vld.idx.msk [tilespmem:v12+s13+$0x0], $0xffff;
	[tilespmem:s5+$0xFFFFFF30] =	vst v4  }
0x250: {  	[tilespmem:s5+$0xFFFFFF20] =	vst v1;
	v1 =	vmul.f32 v2, v3;
	v2 =	vld [tilespmem:s5+$0xFFFFFF90]  }
0x251: {  	v47 =	vld [tilespmem:s5+$0xFFFFFFA0];
	[tilespmem:s5+$0xFFFFFF50] =	vst v46;
	v40 =	vmul.f32 v34, v32  }
0x252: {  	v48 =	vld [tilespmem:s5+$0xFFFFFFB0];
	[tilespmem:s5+$0xFFFFFF40] =	vst v1;
	v1 =	vmul.f32 v43, v3  }
0x253: {  	v49 =	vld [tilespmem:s5+$0xFFFFFFC0];
	[tilespmem:s5+$0x70] =	vst v40;
	v3 =	vmul.f32 v44, v3  }
0x254: {  	v50 =	vld [tilespmem:s5+$0xFFFFFFD0];
	[tilespmem:s5+$0xFFFFFF60] =	vst v1;
	v1 =	vmul.f32 v45, v31  }
0x255: {  	[tilespmem:s5+$0xFFFFFF70] =	vst v3;
	v3 =	vld [tilespmem:s5+$0xFFFFFFE0];
	v2 =	vmul.f32 v2, v31  }
0x256: {  	v51 =	vld [tilespmem:s5+$0xFFFFFFF0];
	[tilespmem:s5+$0xFFFFFF80] =	vst v1;
	v1 =	vmul.f32 v47, v31  }
0x257: {  	v52 =	vld [tilespmem:s5+$0x0];
	[tilespmem:s5+$0xFFFFFF90] =	vst v2;
	v2 =	vmul.f32 v48, v31  }
0x258: {  	v53 =	vld [tilespmem:s5+$0x10];
	[tilespmem:s5+$0xFFFFFFA0] =	vst v1;
	v1 =	vmul.f32 v49, v31  }
0x259: {  	v54 =	vld [tilespmem:s5+$0x20];
	[tilespmem:s5+$0xFFFFFFB0] =	vst v2;
	v2 =	vmul.f32 v50, v31  }
0x25a: {  	[tilespmem:s5+$0xFFFFFFC0] =	vst v1;
	v1 =	vmul.f32 v3, v31;
	v3 =	vld [tilespmem:s5+$0x30]  }
0x25b: {  	v55 =	vld [tilespmem:s5+$0x40];
	[tilespmem:s5+$0xFFFFFFD0] =	vst v2;
	v2 =	vmul.f32 v51, v31  }
0x25c: {  	v56 =	vld [tilespmem:s5+$0x50];
	[tilespmem:s5+$0xFFFFFFE0] =	vst v1;
	v1 =	vmul.f32 v52, v32  }
0x25d: {  	v57 =	vld [tilespmem:s5+$0x60];
	[tilespmem:s5+$0xFFFFFFF0] =	vst v2;
	v2 =	vmul.f32 v53, v32  }
0x25e: {  	v58 =	vld [tilespmem:s5+$0x80];
	[tilespmem:s5+$0x0] =	vst v1;
	v1 =	vmul.f32 v54, v32  }
0x25f: {  	[tilespmem:s5+$0x10] =	vst v2;
	v2 =	vmul.f32 v3, v32;
	v3 =	vld [tilespmem:s5+$0x90]  }
0x260: {  	v59 =	vld [tilespmem:s5+$0xA0];
	[tilespmem:s5+$0x20] =	vst v1;
	v1 =	vmul.f32 v55, v32  }
0x261: {  	v60 =	vld [tilespmem:s5+$0xB0];
	[tilespmem:s5+$0x30] =	vst v2;
	v2 =	vmul.f32 v56, v32  }
0x262: {  	v61 =	vld [tilespmem:s5+$0xC0];
	[tilespmem:s5+$0x40] =	vst v1;
	v1 =	vmul.f32 v57, v32  }
0x263: {  	v62 =	vld [tilespmem:s5+$0xD0];
	[tilespmem:s5+$0x50] =	vst v2;
	v2 =	vmul.f32 v58, v5  }
0x264: {  	[tilespmem:s5+$0x60] =	vst v1;
	v1 =	vmul.f32 v3, v5;
	v3 =	vld [tilespmem:s5+$0xE0]  }
0x265: {  	v63 =	vld [tilespmem:s5+$0xF0];
	[tilespmem:s5+$0x80] =	vst v2;
	v2 =	vmul.f32 v59, v5  }
0x266: {  	[tilespmem:s5+$0x90] =	vst v1;
	v1 =	vmul.f32 v60, v5  }
0x267: {  	[tilespmem:s5+$0xA0] =	vst v2;
	v2 =	vmul.f32 v61, v5  }
0x268: {  	p2 =	seq.s32 s20, $0x1F;
	[tilespmem:s5+$0xB0] =	vst v1;
	v1 =	vmul.f32 v62, v5  }
.Ltmp8:
0x269: {  	[tilespmem:s5+$0xC0] =	vst v2;
	v2 =	vmul.f32 v3, v5;
	(pc) =	sbr.rel @p2 .LBB2_19-.Ltmp8, $4  }
0x26a: {  	[tilespmem:s5+$0xD0] =	vst v1;
	v1 =	vmul.f32 v63, v5  }
0x26b: {  	[tilespmem:s5+$0xE0] =	vst v2  }
0x26c: {  	[tilespmem:s5+$0xF0] =	vst v1  }
0x26d: {  	[spmem:s2] =	stream.indirect.scatter.add.f32 [tilespmem:s31], [sflag:$0x7], $0x80, s12, s11, $0xb8;
	[tilespmem:$0x1E078] =	vst v63  }
0x26e: {  	s17 =	sshll.u32 s20, $0xA  }
0x26f: {  	s5 =	sadd.s32 s17, s14  }
0x270: {  	s5 =	sshrl.u32 s5, $0x3  }
0x271: {  	s26 =	simm.s32 $0x0;
	s6 =	sadd.s32 s15, s5  }
0x272: {  	[tilespmem:s19], [sflag:$0x1] =	stream.linear.gather [hbm4b:s6+s26], $0x100, $0x38;
	[tilespmem:$0x1E078] =	vst v63  }
0x273: {  	_ =	swait.ge [sflag:s24], $0x100  }
0x274: {  	[sflag:s24] =	ssyncset.done $0x0  }
0x275: {  	[sflag:s24] =	ssyncadd.s32 $0xFFFFFF00  }
0x276: {  	_ =	swait.ge [sflag:s0], $0x50  }
0x277: {  	[sflag:s0] =	ssyncset.done $0x0  }
0x278: {  	[sflag:s0] =	ssyncadd.s32 $0xFFFFFFB0  }
0x279: {  	_ =	swait.ge [sflag:s7], $0x2800  }
0x27a: {  	[sflag:s7] =	ssyncset.done $0x0  }
0x27b: {  	[sflag:s7] =	ssyncadd.s32 $0xFFFFD800  }
0x27c: {  	v1 =	vld [tilespmem:$0xA100]  }
0x27d: {  	v2 =	vld [tilespmem:$0xA180];
	_ =	sdelay $0x6  }
0x27e: {  	v1 =	vld.idx.msk [tilespmem:v1+s26+$0x0], $0xffff  }
0x27f: {  	v3 =	vld.idx.msk [tilespmem:v2+s29+$0x0], $0xffff;
	_ =	sdelay $0x4  }
0x280: {  	v1 =	vadd.f32 v3, v1;
	_ =	sdelay $0x1  }
0x281: {  	v3 =	vmul.f32 $2.000000030e-01, v1;
	_ =	sdelay $0x1  }
0x282: {  	v1 =	vmax.f32 v1, v3  }
0x283: {  	v1 =	vmul.f32 $1.442695020e+00, v1;
	_ =	sdelay $0x1  }
0x284: {  	(erf) = vpow2.f32 v1;
	_ =	sdelay $0x2  }
0x285: {  	v1 =	vld [tilespmem:$0xA110]  }
0x286: {  	v3 =	vld [tilespmem:$0xA190];
	_ =	sdelay $0x4  }
0x287: {  	[tilespmem:$0xA400] =	vst v2;
	v4 =	vpop (erf)  }
0x288: {  	[tilespmem:$0xA300] =	vst v4  }
0x289: {  	v1 =	vld.idx.msk [tilespmem:v1+s26+$0x0], $0xffff  }
0x28a: {  	v2 =	vld.idx.msk [tilespmem:v3+s29+$0x0], $0xffff;
	_ =	sdelay $0x4  }
0x28b: {  	v1 =	vadd.f32 v2, v1;
	_ =	sdelay $0x1  }
0x28c: {  	v2 =	vmul.f32 $2.000000030e-01, v1;
	_ =	sdelay $0x1  }
0x28d: {  	v1 =	vmax.f32 v1, v2  }
0x28e: {  	v1 =	vmul.f32 $1.442695020e+00, v1;
	_ =	sdelay $0x1  }
0x28f: {  	(erf) = vpow2.f32 v1;
	_ =	sdelay $0x2  }
0x290: {  	v1 =	vld [tilespmem:$0xA120]  }
0x291: {  	v2 =	vld [tilespmem:$0xA1A0];
	_ =	sdelay $0x4  }
0x292: {  	[tilespmem:$0xA410] =	vst v3;
	v4 =	vpop (erf)  }
0x293: {  	[tilespmem:$0xA310] =	vst v4  }
0x294: {  	v1 =	vld.idx.msk [tilespmem:v1+s26+$0x0], $0xffff  }
0x295: {  	v3 =	vld.idx.msk [tilespmem:v2+s29+$0x0], $0xffff;
	_ =	sdelay $0x4  }
0x296: {  	v1 =	vadd.f32 v3, v1;
	_ =	sdelay $0x1  }
0x297: {  	v3 =	vmul.f32 $2.000000030e-01, v1;
	_ =	sdelay $0x1  }
0x298: {  	v1 =	vmax.f32 v1, v3  }
0x299: {  	v1 =	vmul.f32 $1.442695020e+00, v1;
	_ =	sdelay $0x1  }
0x29a: {  	(erf) = vpow2.f32 v1;
	_ =	sdelay $0x2  }
0x29b: {  	v1 =	vld [tilespmem:$0xA130]  }
0x29c: {  	v3 =	vld [tilespmem:$0xA1B0];
	_ =	sdelay $0x4  }
0x29d: {  	[tilespmem:$0xA420] =	vst v2;
	v4 =	vpop (erf)  }
0x29e: {  	[tilespmem:$0xA320] =	vst v4  }
0x29f: {  	v1 =	vld.idx.msk [tilespmem:v1+s26+$0x0], $0xffff  }
0x2a0: {  	v2 =	vld.idx.msk [tilespmem:v3+s29+$0x0], $0xffff;
	_ =	sdelay $0x4  }
0x2a1: {  	v1 =	vadd.f32 v2, v1;
	_ =	sdelay $0x1  }
0x2a2: {  	v2 =	vmul.f32 $2.000000030e-01, v1;
	_ =	sdelay $0x1  }
0x2a3: {  	v1 =	vmax.f32 v1, v2  }
0x2a4: {  	v1 =	vmul.f32 $1.442695020e+00, v1;
	_ =	sdelay $0x1  }
0x2a5: {  	(erf) = vpow2.f32 v1;
	_ =	sdelay $0x2  }
0x2a6: {  	v1 =	vld [tilespmem:$0xA140]  }
0x2a7: {  	v2 =	vld [tilespmem:$0xA1C0];
	_ =	sdelay $0x4  }
0x2a8: {  	[tilespmem:$0xA430] =	vst v3;
	v4 =	vpop (erf)  }
0x2a9: {  	[tilespmem:$0xA330] =	vst v4  }
0x2aa: {  	v1 =	vld.idx.msk [tilespmem:v1+s26+$0x0], $0xffff  }
0x2ab: {  	v3 =	vld.idx.msk [tilespmem:v2+s29+$0x0], $0xffff;
	_ =	sdelay $0x4  }
0x2ac: {  	v1 =	vadd.f32 v3, v1;
	_ =	sdelay $0x1  }
0x2ad: {  	v3 =	vmul.f32 $2.000000030e-01, v1;
	_ =	sdelay $0x1  }
0x2ae: {  	v1 =	vmax.f32 v1, v3  }
0x2af: {  	v1 =	vmul.f32 $1.442695020e+00, v1;
	_ =	sdelay $0x1  }
0x2b0: {  	(erf) = vpow2.f32 v1;
	_ =	sdelay $0x7  }
0x2b1: {  	s9 =	simm.s32 $0x2  }
0x2b2: {  	[tilespmem:$0xA440] =	vst v2;
	v2 =	vmov s9;
	v1 =	vpop (erf)  }
0x2b3: {  	v2 =	vand.u32 $0xFFFFFFFE, v2;
	[tilespmem:$0xA340] =	vst v1  }
0x2b4: {  	v2 =	vbroadcast v2, $0x0;
	[spmem:s3] =	stream.indirect.scatter.add.f32 [tilespmem:s13], [sflag:$0x9], $0x1, s12, s11, $0xb8;
	[tilespmem:$0x1E078] =	vst v63  }
0x2b5: {  	s22 =	simm.s32 $0xA100  }
0x2b6: {  	[tilespmem:s31], [sflag:$0x5] =	stream.indirect.gather [hbm4b:s1+s11], $0x80, s22, s11, $0xb8;
	[tilespmem:$0x1E078] =	vst v63  }
0x2b7: {  	v1 =	vmov s26;
	_ =	swait.ge [sflag:s18], $0x2800  }
0x2b8: {  	v1 =	vand.u32 $0xFFFFFFFC, v1;
	[sflag:s18] =	ssyncset.done $0x0  }
0x2b9: {  	v1 =	vbroadcast v1, $0x0;
	[sflag:s18] =	ssyncadd.s32 $0xFFFFD800  }
0x2ba: {  	s6 =	simm.s32 $0x7800;
	v2 =	vld.idx.msk [tilespmem:v2+s21+$0x0], $0xffff  }
0x2bb: {  	v4 =	vld [tilespmem:s6+$0x70]  }
0x2bc: {  	s26 =	simm.s32 $0x1;
	v5 =	vld [tilespmem:s6+$0xFFFFFF00]  }
0x2bd: {  	v3 =	vmov s26;
	v6 =	vld [tilespmem:s6+$0xFFFFFF10]  }
0x2be: {  	v3 =	vand.u32 $0xFFFFFFFD, v3;
	v7 =	vld [tilespmem:s6+$0xFFFFFF20]  }
0x2bf: {  	v3 =	vbroadcast v3, $0x0;
	v1 =	vld.idx.msk [tilespmem:v1+s21+$0x0], $0xffff  }
0x2c0: {  	v8 =	vld [tilespmem:s6+$0xFFFFFF30]  }
0x2c1: {  	v9 =	vld [tilespmem:s6+$0xFFFFFF40]  }
0x2c2: {  	v10 =	vld [tilespmem:s6+$0xFFFFFF50]  }
0x2c3: {  	v11 =	vld [tilespmem:s6+$0xFFFFFF60];
	v4 =	vmul.f32 v4, v2  }
0x2c4: {  	v13 =	vld [tilespmem:s6+$0x40];
	v5 =	vmul.f32 v5, v1  }
0x2c5: {  	v3 =	vld.idx.msk [tilespmem:v3+s21+$0x0], $0xffff;
	[tilespmem:s6+$0x70] =	vst v4;
	v4 =	vmul.f32 v7, v1  }
0x2c6: {  	[tilespmem:s6+$0xFFFFFF00] =	vst v5;
	v5 =	vmul.f32 v6, v1;
	v6 =	vld [tilespmem:s6+$0xFFFFFF70]  }
0x2c7: {  	v7 =	vld [tilespmem:s6+$0xFFFFFF80];
	[tilespmem:s6+$0xFFFFFF20] =	vst v4;
	v4 =	vmul.f32 v9, v1  }
0x2c8: {  	[tilespmem:s6+$0xFFFFFF10] =	vst v5;
	v5 =	vmul.f32 v8, v1;
	v8 =	vld [tilespmem:s6+$0xFFFFFF90]  }
0x2c9: {  	v9 =	vld [tilespmem:s6+$0xFFFFFFA0];
	[tilespmem:s6+$0xFFFFFF40] =	vst v4;
	v4 =	vmul.f32 v11, v1  }
0x2ca: {  	[tilespmem:s6+$0xFFFFFF30] =	vst v5;
	v5 =	vmul.f32 v10, v1;
	v10 =	vld [tilespmem:s6+$0xFFFFFFB0]  }
0x2cb: {  	v11 =	vld [tilespmem:s6+$0xFFFFFFC0];
	v6 =	vmul.f32 v6, v1;
	[tilespmem:s6+$0xFFFFFF60] =	vst v4  }
0x2cc: {  	v4 =	vld [tilespmem:s6+$0xFFFFFFE0];
	[tilespmem:s6+$0xFFFFFF50] =	vst v5;
	v5 =	vmul.f32 v7, v3  }
0x2cd: {  	s9 =	simm.s32 $0x3;
	v7 =	vld [tilespmem:s6+$0xFFFFFFD0];
	v8 =	vmul.f32 v8, v3;
	[tilespmem:s6+$0xFFFFFF70] =	vst v6  }
0x2ce: {  	v12 =	vmov s9;
	v6 =	vld [tilespmem:s6+$0xFFFFFFF0];
	[tilespmem:s6+$0xFFFFFF80] =	vst v5;
	v5 =	vmul.f32 v9, v3  }
0x2cf: {  	v9 =	vld [tilespmem:s6+$0x0];
	[tilespmem:s6+$0xFFFFFF90] =	vst v8;
	v8 =	vmul.f32 v10, v3  }
0x2d0: {  	v10 =	vld [tilespmem:s6+$0x10];
	[tilespmem:s6+$0xFFFFFFA0] =	vst v5;
	v5 =	vmul.f32 v11, v3  }
0x2d1: {  	v4 =	vmul.f32 v4, v3;
	[tilespmem:s6+$0xFFFFFFB0] =	vst v8;
	v8 =	vld [tilespmem:s6+$0x20]  }
0x2d2: {  	v11 =	vld [tilespmem:s6+$0x30];
	v7 =	vmul.f32 v7, v3;
	[tilespmem:s6+$0xFFFFFFC0] =	vst v5  }
0x2d3: {  	v1 =	vld.idx.msk [tilespmem:v12+s21+$0x0], $0xffff;
	v3 =	vmul.f32 v6, v3;
	[tilespmem:s6+$0xFFFFFFE0] =	vst v4  }
0x2d4: {  	v4 =	vld [tilespmem:s6+$0x50];
	[tilespmem:s6+$0xFFFFFFD0] =	vst v7;
	v5 =	vmul.f32 v9, v2  }
0x2d5: {  	s22 =	simm.s32 $0x4;
	[tilespmem:s6+$0xFFFFFFF0] =	vst v3;
	v6 =	vmul.f32 v10, v2;
	v3 =	vld [tilespmem:s6+$0x60]  }
0x2d6: {  	s26 =	simm.s32 $0x7;
	v7 =	vmov s22;
	[tilespmem:s6+$0x0] =	vst v5;
	v9 =	vmul.f32 v8, v2;
	v8 =	vld [tilespmem:s6+$0x80]  }
0x2d7: {  	s9 =	simm.s32 $0x5;
	v12 =	vand.u32 $0xFFFFFFFC, v7;
	v7 =	vld [tilespmem:s6+$0x90];
	v5 =	vmov s26;
	v10 =	vmul.f32 v11, v2;
	[tilespmem:s6+$0x10] =	vst v6  }
0x2d8: {  	s5 =	simm.s32 $0x8;
	s22 =	simm.s32 $0x7800;
	s26 =	simm.s32 $0x6;
	v11 =	vmul.f32 v13, v2;
	v6 =	vbroadcast v12, $0x0;
	v12 =	vmov s9;
	[tilespmem:s6+$0x20] =	vst v9;
	v9 =	vld [tilespmem:s6+$0xA0]  }
.LBB2_13:
0x2d9: {  	p2 =	slt.u32 s5, $0x4C;
	v12 =	vand.u32 $0xFFFFFFFD, v12;
	v13 =	vmov s26;
	[tilespmem:s6+$0x30] =	vst v10;
	v4 =	vmul.f32 v4, v2;
	v10 =	vld [tilespmem:s6+$0xB0]  }
0x2da: {  	v12 =	vbroadcast v12, $0x0;
	v13 =	vand.u32 $0xFFFFFFFE, v13;
	[tilespmem:s6+$0x40] =	vst v11;
	v2 =	vmul.f32 v3, v2;
	v3 =	vld [tilespmem:s6+$0xC0]  }
0x2db: {  	v11 =	vbroadcast v13, $0x0;
	[tilespmem:s6+$0x50] =	vst v4;
	v4 =	vmul.f32 v8, v1;
	v8 =	vld [tilespmem:s6+$0xD0]  }
0x2dc: {  	[tilespmem:s6+$0x60] =	vst v2;
	v2 =	vmul.f32 v7, v1;
	v7 =	vld [tilespmem:s6+$0xE0]  }
0x2dd: {  	[tilespmem:s6+$0x80] =	vst v4;
	v4 =	vmul.f32 v9, v1;
	v9 =	vld [tilespmem:s6+$0xF0]  }
0x2de: {  	v5 =	vld.idx.msk [tilespmem:v5+s21+$0x0], $0xffff;
	[tilespmem:s6+$0x90] =	vst v2;
	v2 =	vmul.f32 v10, v1  }
0x2df: {  	v6 =	vld.idx.msk [tilespmem:v6+s21+$0x0], $0xffff;
	[tilespmem:s6+$0xA0] =	vst v4;
	v3 =	vmul.f32 v3, v1  }
0x2e0: {  	v4 =	vld.idx.msk [tilespmem:v12+s21+$0x0], $0xffff;
	[tilespmem:s6+$0xB0] =	vst v2;
	v8 =	vmul.f32 v8, v1  }
0x2e1: {  	s6 =	sadd.s32 $0x200, s6;
	v2 =	vld.idx.msk [tilespmem:v11+s21+$0x0], $0xffff;
	[tilespmem:s22+$0xC0] =	vst v3;
	v3 =	vmul.f32 v7, v1  }
0x2e2: {  	v7 =	vld [tilespmem:s6+$0x70];
	[tilespmem:s22+$0xD0] =	vst v8;
	v9 =	vmul.f32 v9, v1  }
0x2e3: {  	v8 =	vld [tilespmem:s6+$0xFFFFFF00];
	[tilespmem:s22+$0xE0] =	vst v3  }
0x2e4: {  	v1 =	vmov v5;
	v3 =	vld [tilespmem:s6+$0xFFFFFF10];
	[tilespmem:s22+$0xF0] =	vst v9;
	s22 =	smov.u32 s6  }
0x2e5: {  	v5 =	vld [tilespmem:s6+$0xFFFFFF20]  }
0x2e6: {  	v9 =	vld [tilespmem:s6+$0xFFFFFF30]  }
0x2e7: {  	v10 =	vld [tilespmem:s6+$0xFFFFFF40];
	v7 =	vmul.f32 v7, v2  }
0x2e8: {  	v8 =	vmul.f32 v8, v6;
	v11 =	vld [tilespmem:s6+$0xFFFFFF50]  }
0x2e9: {  	v3 =	vmul.f32 v3, v6;
	v12 =	vld [tilespmem:s6+$0xFFFFFF60];
	[tilespmem:s6+$0x70] =	vst v7  }
0x2ea: {  	[tilespmem:s6+$0xFFFFFF00] =	vst v8;
	v5 =	vmul.f32 v5, v6;
	v7 =	vld [tilespmem:s6+$0xFFFFFF70]  }
0x2eb: {  	[tilespmem:s6+$0xFFFFFF10] =	vst v3;
	v3 =	vmul.f32 v9, v6;
	v8 =	vld [tilespmem:s6+$0xFFFFFF80]  }
0x2ec: {  	[tilespmem:s6+$0xFFFFFF20] =	vst v5;
	v5 =	vmul.f32 v10, v6;
	v9 =	vld [tilespmem:s6+$0xFFFFFF90]  }
0x2ed: {  	[tilespmem:s6+$0xFFFFFF30] =	vst v3;
	v3 =	vmul.f32 v11, v6;
	v10 =	vld [tilespmem:s6+$0xFFFFFFA0]  }
0x2ee: {  	[tilespmem:s6+$0xFFFFFF40] =	vst v5;
	v5 =	vmul.f32 v12, v6;
	v11 =	vld [tilespmem:s6+$0xFFFFFFB0]  }
0x2ef: {  	[tilespmem:s6+$0xFFFFFF50] =	vst v3;
	v3 =	vmul.f32 v7, v6;
	v6 =	vld [tilespmem:s6+$0xFFFFFFC0]  }
0x2f0: {  	[tilespmem:s6+$0xFFFFFF60] =	vst v5;
	v5 =	vmul.f32 v8, v4;
	v7 =	vld [tilespmem:s6+$0xFFFFFFD0]  }
0x2f1: {  	[tilespmem:s6+$0xFFFFFF70] =	vst v3;
	v3 =	vmul.f32 v9, v4;
	v8 =	vld [tilespmem:s6+$0xFFFFFFE0]  }
0x2f2: {  	[tilespmem:s6+$0xFFFFFF80] =	vst v5;
	v5 =	vmul.f32 v10, v4;
	v9 =	vld [tilespmem:s6+$0xFFFFFFF0]  }
0x2f3: {  	[tilespmem:s6+$0xFFFFFF90] =	vst v3;
	v3 =	vmul.f32 v11, v4;
	v10 =	vld [tilespmem:s6+$0x0]  }
0x2f4: {  	[tilespmem:s6+$0xFFFFFFA0] =	vst v5;
	v5 =	vmul.f32 v6, v4;
	v6 =	vld [tilespmem:s6+$0x10]  }
0x2f5: {  	[tilespmem:s6+$0xFFFFFFB0] =	vst v3;
	v3 =	vmul.f32 v7, v4;
	v7 =	vld [tilespmem:s6+$0x20]  }
0x2f6: {  	[tilespmem:s6+$0xFFFFFFC0] =	vst v5;
	v5 =	vmul.f32 v8, v4;
	v11 =	vld [tilespmem:s6+$0x30]  }
0x2f7: {  	[tilespmem:s6+$0xFFFFFFD0] =	vst v3;
	v3 =	vmul.f32 v9, v4;
	v9 =	vld [tilespmem:s6+$0x40]  }
.Ltmp9:
0x2f8: {  	[tilespmem:s6+$0xFFFFFFE0] =	vst v5;
	v5 =	vmul.f32 v10, v2;
	v4 =	vld [tilespmem:s6+$0x50];
	(pc) =	sbr.rel @p2 .LBB2_13-.Ltmp9, $4  }
0x2f9: {  	[tilespmem:s6+$0xFFFFFFF0] =	vst v3;
	v6 =	vmul.f32 v6, v2;
	v3 =	vld [tilespmem:s6+$0x60]  }
0x2fa: {  	s9 =	sadd.s32 $0x3, s5;
	v10 =	vmov s5;
	[tilespmem:s6+$0x0] =	vst v5;
	v13 =	vmul.f32 v7, v2;
	v8 =	vld [tilespmem:s6+$0x80]  }
0x2fb: {  	s26 =	sadd.s32 $0x1, s5;
	v12 =	vand.u32 $0xFFFFFFFC, v10;
	v5 =	vmov s9;
	[tilespmem:s6+$0x10] =	vst v6;
	v10 =	vmul.f32 v11, v2;
	v7 =	vld [tilespmem:s6+$0x90]  }
0x2fc: {  	v6 =	vbroadcast v12, $0x0;
	v12 =	vmov s26;
	s26 =	sadd.s32 $0x2, s5;
	s5 =	sadd.s32 $0x4, s5;
	[tilespmem:s6+$0x20] =	vst v13;
	v11 =	vmul.f32 v9, v2;
	v9 =	vld [tilespmem:s6+$0xA0]  }
0x2fd: {  	v13 =	vld [tilespmem:s6+$0xB0]  }
0x2fe: {  	v15 =	vld [tilespmem:s6+$0xC0]  }
0x2ff: {  	v16 =	vld [tilespmem:s6+$0xD0]  }
0x300: {  	v17 =	vld [tilespmem:s6+$0xE0]  }
0x301: {  	v29 =	vld [tilespmem:s6+$0xF0];
	[tilespmem:s6+$0x30] =	vst v10;
	v4 =	vmul.f32 v4, v2  }
0x302: {  	v5 =	vld.idx.msk [tilespmem:v5+s21+$0x0], $0xffff;
	[tilespmem:s6+$0x40] =	vst v11;
	v2 =	vmul.f32 v3, v2  }
0x303: {  	s5 =	sadd.s32 $0x200, s6;
	v3 =	vld.idx.msk [tilespmem:v6+s21+$0x0], $0xffff;
	v8 =	vmul.f32 v8, v1;
	[tilespmem:s6+$0x50] =	vst v4  }
0x304: {  	v14 =	vmov s26;
	v34 =	vld [tilespmem:s5+$0x70];
	v30 =	vmul.f32 v7, v1;
	[tilespmem:s6+$0x60] =	vst v2  }
0x305: {  	v14 =	vand.u32 $0xFFFFFFFE, v14;
	v35 =	vld [tilespmem:s5+$0xFFFFFF00];
	[tilespmem:s6+$0x80] =	vst v8;
	v2 =	vmul.f32 v9, v1  }
0x306: {  	v37 =	vld [tilespmem:s5+$0xFFFFFF10];
	v14 =	vbroadcast v14, $0x0;
	[tilespmem:s6+$0x90] =	vst v30;
	v33 =	vmul.f32 v13, v1  }
0x307: {  	v38 =	vld [tilespmem:s5+$0xFFFFFF20];
	[tilespmem:s6+$0xA0] =	vst v2;
	v2 =	vmul.f32 v15, v1  }
0x308: {  	v12 =	vand.u32 $0xFFFFFFFD, v12;
	v39 =	vld [tilespmem:s5+$0xFFFFFF30];
	v36 =	vmul.f32 v16, v1;
	[tilespmem:s6+$0xB0] =	vst v33  }
0x309: {  	v12 =	vbroadcast v12, $0x0;
	v41 =	vld [tilespmem:s5+$0xFFFFFF50];
	[tilespmem:s22+$0xC0] =	vst v2;
	v2 =	vmul.f32 v17, v1  }
0x30a: {  	v43 =	vld [tilespmem:s5+$0xFFFFFF60];
	[tilespmem:s22+$0xD0] =	vst v36;
	v1 =	vmul.f32 v29, v1  }
0x30b: {  	v42 =	vmul.f32 v37, v3;
	[tilespmem:s22+$0xE0] =	vst v2;
	v2 =	vld [tilespmem:s5+$0xFFFFFF40]  }
0x30c: {  	v32 =	vld.idx.msk [tilespmem:v14+s21+$0x0], $0xffff;
	[tilespmem:s22+$0xF0] =	vst v1;
	v1 =	vmul.f32 v35, v3  }
0x30d: {  	v44 =	vld [tilespmem:s5+$0xFFFFFF70];
	v4 =	vmul.f32 v39, v3;
	[tilespmem:s5+$0xFFFFFF10] =	vst v42  }
0x30e: {  	v45 =	vld [tilespmem:s5+$0xFFFFFF80];
	[tilespmem:s5+$0xFFFFFF00] =	vst v1;
	v1 =	vmul.f32 v38, v3  }
0x30f: {  	v46 =	vmul.f32 v41, v3;
	v31 =	vld.idx.msk [tilespmem:v12+s21+$0x0], $0xffff;
	[tilespmem:s5+$0xFFFFFF30] =	vst v4  }
0x310: {  	[tilespmem:s5+$0xFFFFFF20] =	vst v1;
	v1 =	vmul.f32 v2, v3;
	v2 =	vld [tilespmem:s5+$0xFFFFFF90]  }
0x311: {  	v47 =	vld [tilespmem:s5+$0xFFFFFFA0];
	[tilespmem:s5+$0xFFFFFF50] =	vst v46;
	v40 =	vmul.f32 v34, v32  }
0x312: {  	v48 =	vld [tilespmem:s5+$0xFFFFFFB0];
	[tilespmem:s5+$0xFFFFFF40] =	vst v1;
	v1 =	vmul.f32 v43, v3  }
0x313: {  	v49 =	vld [tilespmem:s5+$0xFFFFFFC0];
	[tilespmem:s5+$0x70] =	vst v40;
	v3 =	vmul.f32 v44, v3  }
0x314: {  	v50 =	vld [tilespmem:s5+$0xFFFFFFD0];
	[tilespmem:s5+$0xFFFFFF60] =	vst v1;
	v1 =	vmul.f32 v45, v31  }
0x315: {  	[tilespmem:s5+$0xFFFFFF70] =	vst v3;
	v3 =	vld [tilespmem:s5+$0xFFFFFFE0];
	v2 =	vmul.f32 v2, v31  }
0x316: {  	v51 =	vld [tilespmem:s5+$0xFFFFFFF0];
	[tilespmem:s5+$0xFFFFFF80] =	vst v1;
	v1 =	vmul.f32 v47, v31  }
0x317: {  	v52 =	vld [tilespmem:s5+$0x0];
	[tilespmem:s5+$0xFFFFFF90] =	vst v2;
	v2 =	vmul.f32 v48, v31  }
0x318: {  	v53 =	vld [tilespmem:s5+$0x10];
	[tilespmem:s5+$0xFFFFFFA0] =	vst v1;
	v1 =	vmul.f32 v49, v31  }
0x319: {  	v54 =	vld [tilespmem:s5+$0x20];
	[tilespmem:s5+$0xFFFFFFB0] =	vst v2;
	v2 =	vmul.f32 v50, v31  }
0x31a: {  	[tilespmem:s5+$0xFFFFFFC0] =	vst v1;
	v1 =	vmul.f32 v3, v31;
	v3 =	vld [tilespmem:s5+$0x30]  }
0x31b: {  	v55 =	vld [tilespmem:s5+$0x40];
	[tilespmem:s5+$0xFFFFFFD0] =	vst v2;
	v2 =	vmul.f32 v51, v31  }
0x31c: {  	v56 =	vld [tilespmem:s5+$0x50];
	[tilespmem:s5+$0xFFFFFFE0] =	vst v1;
	v1 =	vmul.f32 v52, v32  }
0x31d: {  	v57 =	vld [tilespmem:s5+$0x60];
	[tilespmem:s5+$0xFFFFFFF0] =	vst v2;
	v2 =	vmul.f32 v53, v32  }
0x31e: {  	v58 =	vld [tilespmem:s5+$0x80];
	[tilespmem:s5+$0x0] =	vst v1;
	v1 =	vmul.f32 v54, v32  }
0x31f: {  	[tilespmem:s5+$0x10] =	vst v2;
	v2 =	vmul.f32 v3, v32;
	v3 =	vld [tilespmem:s5+$0x90]  }
0x320: {  	v59 =	vld [tilespmem:s5+$0xA0];
	[tilespmem:s5+$0x20] =	vst v1;
	v1 =	vmul.f32 v55, v32  }
0x321: {  	v60 =	vld [tilespmem:s5+$0xB0];
	[tilespmem:s5+$0x30] =	vst v2;
	v2 =	vmul.f32 v56, v32  }
0x322: {  	v61 =	vld [tilespmem:s5+$0xC0];
	[tilespmem:s5+$0x40] =	vst v1;
	v1 =	vmul.f32 v57, v32  }
0x323: {  	v62 =	vld [tilespmem:s5+$0xD0];
	[tilespmem:s5+$0x50] =	vst v2;
	v2 =	vmul.f32 v58, v5  }
0x324: {  	[tilespmem:s5+$0x60] =	vst v1;
	v1 =	vmul.f32 v3, v5;
	v3 =	vld [tilespmem:s5+$0xE0]  }
0x325: {  	v63 =	vld [tilespmem:s5+$0xF0];
	[tilespmem:s5+$0x80] =	vst v2;
	v2 =	vmul.f32 v59, v5  }
0x326: {  	[tilespmem:s5+$0x90] =	vst v1;
	v1 =	vmul.f32 v60, v5  }
0x327: {  	[tilespmem:s5+$0xA0] =	vst v2;
	v2 =	vmul.f32 v61, v5  }
0x328: {  	[tilespmem:s5+$0xB0] =	vst v1;
	v1 =	vmul.f32 v62, v5  }
0x329: {  	p2 =	seq.s32 s20, $0x1E;
	[tilespmem:s5+$0xC0] =	vst v2;
	v2 =	vmul.f32 v3, v5  }
0x32a: {  	p3 =	sgt.u32 @!p2 s20, $0x1E;
	[tilespmem:s5+$0xD0] =	vst v1;
	v1 =	vmul.f32 v63, v5  }
0x32b: {  	p3 =	por p2, !p3;
	[tilespmem:s5+$0xE0] =	vst v2  }
.Ltmp10:
0x32c: {  	[tilespmem:s5+$0xF0] =	vst v1;
	s5 =	sadd.s32 @!p2 s17, s16;
	(pc) =	sbr.rel @!p3 .LBB2_18-.Ltmp10, $4  }
0x32d: {  	[spmem:s2] =	stream.indirect.scatter.add.f32 [tilespmem:s25], [sflag:$0x8], $0x80, s23, s11, $0xb8;
	[tilespmem:$0x1E078] =	vst v63  }
0x32e: {  	s5 =	sshrl.u32 @!p2 s5, $0x3  }
0x32f: {  	s9 =	simm.s32 @!p2 $0xA000;
	s6 =	simm.s32 @!p2 $0x0;
	s5 =	sadd.s32 @!p2 s15, s5  }
0x330: {  	[tilespmem:s9], [sflag:$0x2] =	stream.linear.gather @!p2 [hbm4b:s5+s6], $0x100, $0x38;
	[tilespmem:$0x1E078] =	vst v63  }
0x331: {  	s5 =	simm.s32 $0x4  }
0x332: {  	_ =	swait.ge [sflag:s5], $0x100  }
0x333: {  	[sflag:s5] =	ssyncset.done $0x0  }
0x334: {  	s26 =	simm.s32 $0xA;
	[sflag:s5] =	ssyncadd.s32 $0xFFFFFF00  }
0x335: {  	_ =	swait.ge [sflag:s26], $0x50  }
0x336: {  	[sflag:s26] =	ssyncset.done $0x0  }
0x337: {  	[sflag:s26] =	ssyncadd.s32 $0xFFFFFFB0  }
0x338: {  	_ =	swait.ge [sflag:s8], $0x2800  }
0x339: {  	[sflag:s8] =	ssyncset.done $0x0  }
0x33a: {  	[sflag:s8] =	ssyncadd.s32 $0xFFFFD800  }
0x33b: {  	v1 =	vld [tilespmem:$0xA200]  }
0x33c: {  	v2 =	vld [tilespmem:$0xA280];
	_ =	sdelay $0x5  }
0x33d: {  	s6 =	simm.s32 $0x0  }
0x33e: {  	v1 =	vld.idx.msk [tilespmem:v1+s6+$0x0], $0xffff  }
0x33f: {  	v3 =	vld.idx.msk [tilespmem:v2+s29+$0x0], $0xffff;
	_ =	sdelay $0x4  }
0x340: {  	v1 =	vadd.f32 v3, v1;
	_ =	sdelay $0x1  }
0x341: {  	v3 =	vmul.f32 $2.000000030e-01, v1;
	_ =	sdelay $0x1  }
0x342: {  	v1 =	vmax.f32 v1, v3  }
0x343: {  	v1 =	vmul.f32 $1.442695020e+00, v1;
	_ =	sdelay $0x1  }
0x344: {  	(erf) = vpow2.f32 v1;
	_ =	sdelay $0x2  }
0x345: {  	v1 =	vld [tilespmem:$0xA210]  }
0x346: {  	v3 =	vld [tilespmem:$0xA290];
	_ =	sdelay $0x4  }
0x347: {  	[tilespmem:$0xA480] =	vst v2;
	v4 =	vpop (erf)  }
0x348: {  	[tilespmem:$0xA380] =	vst v4  }
0x349: {  	v1 =	vld.idx.msk [tilespmem:v1+s6+$0x0], $0xffff  }
0x34a: {  	v2 =	vld.idx.msk [tilespmem:v3+s29+$0x0], $0xffff;
	_ =	sdelay $0x4  }
0x34b: {  	v1 =	vadd.f32 v2, v1;
	_ =	sdelay $0x1  }
0x34c: {  	v2 =	vmul.f32 $2.000000030e-01, v1;
	_ =	sdelay $0x1  }
0x34d: {  	v1 =	vmax.f32 v1, v2  }
0x34e: {  	v1 =	vmul.f32 $1.442695020e+00, v1;
	_ =	sdelay $0x1  }
0x34f: {  	(erf) = vpow2.f32 v1;
	_ =	sdelay $0x2  }
0x350: {  	v1 =	vld [tilespmem:$0xA220]  }
0x351: {  	v2 =	vld [tilespmem:$0xA2A0];
	_ =	sdelay $0x4  }
0x352: {  	[tilespmem:$0xA490] =	vst v3;
	v4 =	vpop (erf)  }
0x353: {  	[tilespmem:$0xA390] =	vst v4  }
0x354: {  	v1 =	vld.idx.msk [tilespmem:v1+s6+$0x0], $0xffff  }
0x355: {  	v3 =	vld.idx.msk [tilespmem:v2+s29+$0x0], $0xffff;
	_ =	sdelay $0x4  }
0x356: {  	v1 =	vadd.f32 v3, v1;
	_ =	sdelay $0x1  }
0x357: {  	v3 =	vmul.f32 $2.000000030e-01, v1;
	_ =	sdelay $0x1  }
0x358: {  	v1 =	vmax.f32 v1, v3  }
0x359: {  	v1 =	vmul.f32 $1.442695020e+00, v1;
	_ =	sdelay $0x1  }
0x35a: {  	(erf) = vpow2.f32 v1;
	_ =	sdelay $0x2  }
0x35b: {  	v1 =	vld [tilespmem:$0xA230]  }
0x35c: {  	v3 =	vld [tilespmem:$0xA2B0];
	_ =	sdelay $0x4  }
0x35d: {  	[tilespmem:$0xA4A0] =	vst v2;
	v4 =	vpop (erf)  }
0x35e: {  	[tilespmem:$0xA3A0] =	vst v4  }
0x35f: {  	v1 =	vld.idx.msk [tilespmem:v1+s6+$0x0], $0xffff  }
0x360: {  	v2 =	vld.idx.msk [tilespmem:v3+s29+$0x0], $0xffff;
	_ =	sdelay $0x4  }
0x361: {  	v1 =	vadd.f32 v2, v1;
	_ =	sdelay $0x1  }
0x362: {  	v2 =	vmul.f32 $2.000000030e-01, v1;
	_ =	sdelay $0x1  }
0x363: {  	v1 =	vmax.f32 v1, v2  }
0x364: {  	v1 =	vmul.f32 $1.442695020e+00, v1;
	_ =	sdelay $0x1  }
0x365: {  	(erf) = vpow2.f32 v1;
	_ =	sdelay $0x2  }
0x366: {  	v1 =	vld [tilespmem:$0xA240]  }
0x367: {  	v2 =	vld [tilespmem:$0xA2C0];
	_ =	sdelay $0x4  }
0x368: {  	[tilespmem:$0xA4B0] =	vst v3;
	v4 =	vpop (erf)  }
0x369: {  	[tilespmem:$0xA3B0] =	vst v4  }
0x36a: {  	v1 =	vld.idx.msk [tilespmem:v1+s6+$0x0], $0xffff  }
0x36b: {  	v3 =	vld.idx.msk [tilespmem:v2+s29+$0x0], $0xffff;
	_ =	sdelay $0x4  }
0x36c: {  	v1 =	vadd.f32 v3, v1;
	_ =	sdelay $0x1  }
0x36d: {  	v3 =	vmul.f32 $2.000000030e-01, v1;
	_ =	sdelay $0x1  }
0x36e: {  	v1 =	vmax.f32 v1, v3  }
0x36f: {  	v1 =	vmul.f32 $1.442695020e+00, v1;
	_ =	sdelay $0x1  }
0x370: {  	(erf) = vpow2.f32 v1;
	_ =	sdelay $0x7  }
0x371: {  	s9 =	simm.s32 $0x2  }
0x372: {  	[tilespmem:$0xA4C0] =	vst v2;
	v2 =	vmov s9;
	v1 =	vpop (erf)  }
0x373: {  	v2 =	vand.u32 $0xFFFFFFFE, v2;
	[tilespmem:$0xA3C0] =	vst v1  }
0x374: {  	v2 =	vbroadcast v2, $0x0;
	[spmem:s3] =	stream.indirect.scatter.add.f32 [tilespmem:s21], [sflag:$0xA], $0x1, s23, s11, $0xb8;
	[tilespmem:$0x1E078] =	vst v63  }
0x375: {  	s22 =	simm.s32 $0xA200  }
0x376: {  	[tilespmem:s25], [sflag:$0x6] =	stream.indirect.gather [hbm4b:s1+s11], $0x80, s22, s11, $0xb8;
	[tilespmem:$0x1E078] =	vst v63  }
0x377: {  	v1 =	vmov s6;
	_ =	swait.ge [sflag:s30], $0x2800  }
0x378: {  	v1 =	vand.u32 $0xFFFFFFFC, v1;
	[sflag:s30] =	ssyncset.done $0x0  }
0x379: {  	v1 =	vbroadcast v1, $0x0;
	[sflag:s30] =	ssyncadd.s32 $0xFFFFD800  }
0x37a: {  	s6 =	simm.s32 $0x5000;
	v2 =	vld.idx.msk [tilespmem:v2+s13+$0x0], $0xffff  }
0x37b: {  	s26 =	simm.s32 $0x1;
	v4 =	vld [tilespmem:s6+$0x70]  }
0x37c: {  	v3 =	vmov s26;
	v5 =	vld [tilespmem:s6+$0xFFFFFF00]  }
0x37d: {  	v3 =	vand.u32 $0xFFFFFFFD, v3;
	v6 =	vld [tilespmem:s6+$0xFFFFFF10]  }
0x37e: {  	v3 =	vbroadcast v3, $0x0;
	v7 =	vld [tilespmem:s6+$0xFFFFFF20]  }
0x37f: {  	v1 =	vld.idx.msk [tilespmem:v1+s13+$0x0], $0xffff  }
0x380: {  	v8 =	vld [tilespmem:s6+$0xFFFFFF30]  }
0x381: {  	v9 =	vld [tilespmem:s6+$0xFFFFFF40]  }
0x382: {  	v10 =	vld [tilespmem:s6+$0xFFFFFF50]  }
0x383: {  	v11 =	vld [tilespmem:s6+$0xFFFFFF60];
	v4 =	vmul.f32 v4, v2  }
0x384: {  	v3 =	vld.idx.msk [tilespmem:v3+s13+$0x0], $0xffff;
	v5 =	vmul.f32 v5, v1  }
0x385: {  	v13 =	vld [tilespmem:s6+$0x40];
	[tilespmem:s6+$0x70] =	vst v4;
	v4 =	vmul.f32 v7, v1  }
0x386: {  	[tilespmem:s6+$0xFFFFFF00] =	vst v5;
	v5 =	vmul.f32 v6, v1;
	v6 =	vld [tilespmem:s6+$0xFFFFFF70]  }
0x387: {  	v7 =	vld [tilespmem:s6+$0xFFFFFF80];
	[tilespmem:s6+$0xFFFFFF20] =	vst v4;
	v4 =	vmul.f32 v9, v1  }
0x388: {  	[tilespmem:s6+$0xFFFFFF10] =	vst v5;
	v5 =	vmul.f32 v8, v1;
	v8 =	vld [tilespmem:s6+$0xFFFFFF90]  }
0x389: {  	v9 =	vld [tilespmem:s6+$0xFFFFFFA0];
	[tilespmem:s6+$0xFFFFFF40] =	vst v4;
	v4 =	vmul.f32 v11, v1  }
0x38a: {  	[tilespmem:s6+$0xFFFFFF30] =	vst v5;
	v5 =	vmul.f32 v10, v1;
	v10 =	vld [tilespmem:s6+$0xFFFFFFB0]  }
0x38b: {  	v11 =	vld [tilespmem:s6+$0xFFFFFFC0];
	v6 =	vmul.f32 v6, v1;
	[tilespmem:s6+$0xFFFFFF60] =	vst v4  }
0x38c: {  	v4 =	vld [tilespmem:s6+$0xFFFFFFE0];
	[tilespmem:s6+$0xFFFFFF50] =	vst v5;
	v5 =	vmul.f32 v7, v3  }
0x38d: {  	s9 =	simm.s32 $0x3;
	v7 =	vld [tilespmem:s6+$0xFFFFFFD0];
	v8 =	vmul.f32 v8, v3;
	[tilespmem:s6+$0xFFFFFF70] =	vst v6  }
0x38e: {  	v12 =	vmov s9;
	v6 =	vld [tilespmem:s6+$0xFFFFFFF0];
	[tilespmem:s6+$0xFFFFFF80] =	vst v5;
	v5 =	vmul.f32 v9, v3  }
0x38f: {  	v9 =	vld [tilespmem:s6+$0x0];
	[tilespmem:s6+$0xFFFFFF90] =	vst v8;
	v8 =	vmul.f32 v10, v3  }
0x390: {  	v10 =	vld [tilespmem:s6+$0x10];
	[tilespmem:s6+$0xFFFFFFA0] =	vst v5;
	v5 =	vmul.f32 v11, v3  }
0x391: {  	v4 =	vmul.f32 v4, v3;
	[tilespmem:s6+$0xFFFFFFB0] =	vst v8;
	v8 =	vld [tilespmem:s6+$0x20]  }
0x392: {  	v11 =	vld [tilespmem:s6+$0x30];
	v7 =	vmul.f32 v7, v3;
	[tilespmem:s6+$0xFFFFFFC0] =	vst v5  }
0x393: {  	v1 =	vld.idx.msk [tilespmem:v12+s13+$0x0], $0xffff;
	v3 =	vmul.f32 v6, v3;
	[tilespmem:s6+$0xFFFFFFE0] =	vst v4  }
0x394: {  	v4 =	vld [tilespmem:s6+$0x50];
	[tilespmem:s6+$0xFFFFFFD0] =	vst v7;
	v5 =	vmul.f32 v9, v2  }
0x395: {  	s22 =	simm.s32 $0x4;
	[tilespmem:s6+$0xFFFFFFF0] =	vst v3;
	v6 =	vmul.f32 v10, v2;
	v3 =	vld [tilespmem:s6+$0x60]  }
0x396: {  	s26 =	simm.s32 $0x7;
	v7 =	vmov s22;
	[tilespmem:s6+$0x0] =	vst v5;
	v9 =	vmul.f32 v8, v2;
	v8 =	vld [tilespmem:s6+$0x80]  }
0x397: {  	s9 =	simm.s32 $0x5;
	v12 =	vand.u32 $0xFFFFFFFC, v7;
	v7 =	vld [tilespmem:s6+$0x90];
	v5 =	vmov s26;
	v10 =	vmul.f32 v11, v2;
	[tilespmem:s6+$0x10] =	vst v6  }
0x398: {  	s5 =	simm.s32 $0x8;
	s22 =	simm.s32 $0x5000;
	s26 =	simm.s32 $0x6;
	v11 =	vmul.f32 v13, v2;
	v6 =	vbroadcast v12, $0x0;
	v12 =	vmov s9;
	[tilespmem:s6+$0x20] =	vst v9;
	v9 =	vld [tilespmem:s6+$0xA0]  }
.LBB2_16:
0x399: {  	p3 =	slt.u32 s5, $0x4C;
	v12 =	vand.u32 $0xFFFFFFFD, v12;
	v13 =	vmov s26;
	[tilespmem:s6+$0x30] =	vst v10;
	v4 =	vmul.f32 v4, v2;
	v10 =	vld [tilespmem:s6+$0xB0]  }
0x39a: {  	v12 =	vbroadcast v12, $0x0;
	v13 =	vand.u32 $0xFFFFFFFE, v13;
	[tilespmem:s6+$0x40] =	vst v11;
	v2 =	vmul.f32 v3, v2;
	v3 =	vld [tilespmem:s6+$0xC0]  }
0x39b: {  	v11 =	vbroadcast v13, $0x0;
	[tilespmem:s6+$0x50] =	vst v4;
	v4 =	vmul.f32 v8, v1;
	v8 =	vld [tilespmem:s6+$0xD0]  }
0x39c: {  	[tilespmem:s6+$0x60] =	vst v2;
	v2 =	vmul.f32 v7, v1;
	v7 =	vld [tilespmem:s6+$0xE0]  }
0x39d: {  	[tilespmem:s6+$0x80] =	vst v4;
	v4 =	vmul.f32 v9, v1;
	v9 =	vld [tilespmem:s6+$0xF0]  }
0x39e: {  	v5 =	vld.idx.msk [tilespmem:v5+s13+$0x0], $0xffff;
	[tilespmem:s6+$0x90] =	vst v2;
	v2 =	vmul.f32 v10, v1  }
0x39f: {  	v6 =	vld.idx.msk [tilespmem:v6+s13+$0x0], $0xffff;
	[tilespmem:s6+$0xA0] =	vst v4;
	v3 =	vmul.f32 v3, v1  }
0x3a0: {  	v4 =	vld.idx.msk [tilespmem:v12+s13+$0x0], $0xffff;
	[tilespmem:s6+$0xB0] =	vst v2;
	v8 =	vmul.f32 v8, v1  }
0x3a1: {  	s6 =	sadd.s32 $0x200, s6;
	v2 =	vld.idx.msk [tilespmem:v11+s13+$0x0], $0xffff;
	[tilespmem:s22+$0xC0] =	vst v3;
	v3 =	vmul.f32 v7, v1  }
0x3a2: {  	v7 =	vld [tilespmem:s6+$0x70];
	[tilespmem:s22+$0xD0] =	vst v8;
	v9 =	vmul.f32 v9, v1  }
0x3a3: {  	v8 =	vld [tilespmem:s6+$0xFFFFFF00];
	[tilespmem:s22+$0xE0] =	vst v3  }
0x3a4: {  	v1 =	vmov v5;
	v3 =	vld [tilespmem:s6+$0xFFFFFF10];
	[tilespmem:s22+$0xF0] =	vst v9;
	s22 =	smov.u32 s6  }
0x3a5: {  	v5 =	vld [tilespmem:s6+$0xFFFFFF20]  }
0x3a6: {  	v9 =	vld [tilespmem:s6+$0xFFFFFF30]  }
0x3a7: {  	v10 =	vld [tilespmem:s6+$0xFFFFFF40];
	v7 =	vmul.f32 v7, v2  }
0x3a8: {  	v8 =	vmul.f32 v8, v6;
	v11 =	vld [tilespmem:s6+$0xFFFFFF50]  }
0x3a9: {  	v3 =	vmul.f32 v3, v6;
	v12 =	vld [tilespmem:s6+$0xFFFFFF60];
	[tilespmem:s6+$0x70] =	vst v7  }
0x3aa: {  	[tilespmem:s6+$0xFFFFFF00] =	vst v8;
	v5 =	vmul.f32 v5, v6;
	v7 =	vld [tilespmem:s6+$0xFFFFFF70]  }
0x3ab: {  	[tilespmem:s6+$0xFFFFFF10] =	vst v3;
	v3 =	vmul.f32 v9, v6;
	v8 =	vld [tilespmem:s6+$0xFFFFFF80]  }
0x3ac: {  	[tilespmem:s6+$0xFFFFFF20] =	vst v5;
	v5 =	vmul.f32 v10, v6;
	v9 =	vld [tilespmem:s6+$0xFFFFFF90]  }
0x3ad: {  	[tilespmem:s6+$0xFFFFFF30] =	vst v3;
	v3 =	vmul.f32 v11, v6;
	v10 =	vld [tilespmem:s6+$0xFFFFFFA0]  }
0x3ae: {  	[tilespmem:s6+$0xFFFFFF40] =	vst v5;
	v5 =	vmul.f32 v12, v6;
	v11 =	vld [tilespmem:s6+$0xFFFFFFB0]  }
0x3af: {  	[tilespmem:s6+$0xFFFFFF50] =	vst v3;
	v3 =	vmul.f32 v7, v6;
	v6 =	vld [tilespmem:s6+$0xFFFFFFC0]  }
0x3b0: {  	[tilespmem:s6+$0xFFFFFF60] =	vst v5;
	v5 =	vmul.f32 v8, v4;
	v7 =	vld [tilespmem:s6+$0xFFFFFFD0]  }
0x3b1: {  	[tilespmem:s6+$0xFFFFFF70] =	vst v3;
	v3 =	vmul.f32 v9, v4;
	v8 =	vld [tilespmem:s6+$0xFFFFFFE0]  }
0x3b2: {  	[tilespmem:s6+$0xFFFFFF80] =	vst v5;
	v5 =	vmul.f32 v10, v4;
	v9 =	vld [tilespmem:s6+$0xFFFFFFF0]  }
0x3b3: {  	[tilespmem:s6+$0xFFFFFF90] =	vst v3;
	v3 =	vmul.f32 v11, v4;
	v10 =	vld [tilespmem:s6+$0x0]  }
0x3b4: {  	[tilespmem:s6+$0xFFFFFFA0] =	vst v5;
	v5 =	vmul.f32 v6, v4;
	v6 =	vld [tilespmem:s6+$0x10]  }
0x3b5: {  	[tilespmem:s6+$0xFFFFFFB0] =	vst v3;
	v3 =	vmul.f32 v7, v4;
	v7 =	vld [tilespmem:s6+$0x20]  }
0x3b6: {  	[tilespmem:s6+$0xFFFFFFC0] =	vst v5;
	v5 =	vmul.f32 v8, v4;
	v11 =	vld [tilespmem:s6+$0x30]  }
0x3b7: {  	[tilespmem:s6+$0xFFFFFFD0] =	vst v3;
	v3 =	vmul.f32 v9, v4;
	v9 =	vld [tilespmem:s6+$0x40]  }
.Ltmp11:
0x3b8: {  	[tilespmem:s6+$0xFFFFFFE0] =	vst v5;
	v5 =	vmul.f32 v10, v2;
	v4 =	vld [tilespmem:s6+$0x50];
	(pc) =	sbr.rel @p3 .LBB2_16-.Ltmp11, $4  }
0x3b9: {  	[tilespmem:s6+$0xFFFFFFF0] =	vst v3;
	v6 =	vmul.f32 v6, v2;
	v3 =	vld [tilespmem:s6+$0x60]  }
0x3ba: {  	s9 =	sadd.s32 $0x3, s5;
	v10 =	vmov s5;
	[tilespmem:s6+$0x0] =	vst v5;
	v13 =	vmul.f32 v7, v2;
	v8 =	vld [tilespmem:s6+$0x80]  }
0x3bb: {  	s26 =	sadd.s32 $0x1, s5;
	v12 =	vand.u32 $0xFFFFFFFC, v10;
	v5 =	vmov s9;
	[tilespmem:s6+$0x10] =	vst v6;
	v10 =	vmul.f32 v11, v2;
	v7 =	vld [tilespmem:s6+$0x90]  }
0x3bc: {  	v6 =	vbroadcast v12, $0x0;
	v12 =	vmov s26;
	s26 =	sadd.s32 $0x2, s5;
	s5 =	sadd.s32 $0x4, s5;
	[tilespmem:s6+$0x20] =	vst v13;
	v11 =	vmul.f32 v9, v2;
	v9 =	vld [tilespmem:s6+$0xA0]  }
0x3bd: {  	v13 =	vld [tilespmem:s6+$0xB0]  }
0x3be: {  	v15 =	vld [tilespmem:s6+$0xC0]  }
0x3bf: {  	v16 =	vld [tilespmem:s6+$0xD0]  }
0x3c0: {  	v17 =	vld [tilespmem:s6+$0xE0]  }
0x3c1: {  	v29 =	vld [tilespmem:s6+$0xF0];
	[tilespmem:s6+$0x30] =	vst v10;
	v4 =	vmul.f32 v4, v2  }
0x3c2: {  	v5 =	vld.idx.msk [tilespmem:v5+s13+$0x0], $0xffff;
	[tilespmem:s6+$0x40] =	vst v11;
	v2 =	vmul.f32 v3, v2  }
0x3c3: {  	s5 =	sadd.s32 $0x200, s6;
	v3 =	vld.idx.msk [tilespmem:v6+s13+$0x0], $0xffff;
	v8 =	vmul.f32 v8, v1;
	[tilespmem:s6+$0x50] =	vst v4  }
0x3c4: {  	v14 =	vmov s26;
	v34 =	vld [tilespmem:s5+$0x70];
	v30 =	vmul.f32 v7, v1;
	[tilespmem:s6+$0x60] =	vst v2  }
0x3c5: {  	v14 =	vand.u32 $0xFFFFFFFE, v14;
	v35 =	vld [tilespmem:s5+$0xFFFFFF00];
	[tilespmem:s6+$0x80] =	vst v8;
	v2 =	vmul.f32 v9, v1  }
0x3c6: {  	v37 =	vld [tilespmem:s5+$0xFFFFFF10];
	v14 =	vbroadcast v14, $0x0;
	[tilespmem:s6+$0x90] =	vst v30;
	v33 =	vmul.f32 v13, v1  }
0x3c7: {  	v38 =	vld [tilespmem:s5+$0xFFFFFF20];
	[tilespmem:s6+$0xA0] =	vst v2;
	v2 =	vmul.f32 v15, v1  }
0x3c8: {  	v12 =	vand.u32 $0xFFFFFFFD, v12;
	v39 =	vld [tilespmem:s5+$0xFFFFFF30];
	v36 =	vmul.f32 v16, v1;
	[tilespmem:s6+$0xB0] =	vst v33  }
0x3c9: {  	v12 =	vbroadcast v12, $0x0;
	v41 =	vld [tilespmem:s5+$0xFFFFFF50];
	[tilespmem:s22+$0xC0] =	vst v2;
	v2 =	vmul.f32 v17, v1  }
0x3ca: {  	v43 =	vld [tilespmem:s5+$0xFFFFFF60];
	[tilespmem:s22+$0xD0] =	vst v36;
	v1 =	vmul.f32 v29, v1  }
0x3cb: {  	v42 =	vmul.f32 v37, v3;
	[tilespmem:s22+$0xE0] =	vst v2;
	v2 =	vld [tilespmem:s5+$0xFFFFFF40]  }
0x3cc: {  	v32 =	vld.idx.msk [tilespmem:v14+s13+$0x0], $0xffff;
	[tilespmem:s22+$0xF0] =	vst v1;
	v1 =	vmul.f32 v35, v3  }
0x3cd: {  	v44 =	vld [tilespmem:s5+$0xFFFFFF70];
	v4 =	vmul.f32 v39, v3;
	[tilespmem:s5+$0xFFFFFF10] =	vst v42  }
0x3ce: {  	v45 =	vld [tilespmem:s5+$0xFFFFFF80];
	[tilespmem:s5+$0xFFFFFF00] =	vst v1;
	v1 =	vmul.f32 v38, v3  }
0x3cf: {  	v46 =	vmul.f32 v41, v3;
	v31 =	vld.idx.msk [tilespmem:v12+s13+$0x0], $0xffff;
	[tilespmem:s5+$0xFFFFFF30] =	vst v4  }
0x3d0: {  	[tilespmem:s5+$0xFFFFFF20] =	vst v1;
	v1 =	vmul.f32 v2, v3;
	v2 =	vld [tilespmem:s5+$0xFFFFFF90]  }
0x3d1: {  	v47 =	vld [tilespmem:s5+$0xFFFFFFA0];
	[tilespmem:s5+$0xFFFFFF50] =	vst v46;
	v40 =	vmul.f32 v34, v32  }
0x3d2: {  	v48 =	vld [tilespmem:s5+$0xFFFFFFB0];
	[tilespmem:s5+$0xFFFFFF40] =	vst v1;
	v1 =	vmul.f32 v43, v3  }
0x3d3: {  	v49 =	vld [tilespmem:s5+$0xFFFFFFC0];
	[tilespmem:s5+$0x70] =	vst v40;
	v3 =	vmul.f32 v44, v3  }
0x3d4: {  	v50 =	vld [tilespmem:s5+$0xFFFFFFD0];
	[tilespmem:s5+$0xFFFFFF60] =	vst v1;
	v1 =	vmul.f32 v45, v31  }
0x3d5: {  	[tilespmem:s5+$0xFFFFFF70] =	vst v3;
	v3 =	vld [tilespmem:s5+$0xFFFFFFE0];
	v2 =	vmul.f32 v2, v31  }
0x3d6: {  	v51 =	vld [tilespmem:s5+$0xFFFFFFF0];
	[tilespmem:s5+$0xFFFFFF80] =	vst v1;
	v1 =	vmul.f32 v47, v31  }
0x3d7: {  	v52 =	vld [tilespmem:s5+$0x0];
	[tilespmem:s5+$0xFFFFFF90] =	vst v2;
	v2 =	vmul.f32 v48, v31  }
0x3d8: {  	v53 =	vld [tilespmem:s5+$0x10];
	[tilespmem:s5+$0xFFFFFFA0] =	vst v1;
	v1 =	vmul.f32 v49, v31  }
0x3d9: {  	v54 =	vld [tilespmem:s5+$0x20];
	[tilespmem:s5+$0xFFFFFFB0] =	vst v2;
	v2 =	vmul.f32 v50, v31  }
0x3da: {  	[tilespmem:s5+$0xFFFFFFC0] =	vst v1;
	v1 =	vmul.f32 v3, v31;
	v3 =	vld [tilespmem:s5+$0x30]  }
0x3db: {  	v55 =	vld [tilespmem:s5+$0x40];
	[tilespmem:s5+$0xFFFFFFD0] =	vst v2;
	v2 =	vmul.f32 v51, v31  }
0x3dc: {  	v56 =	vld [tilespmem:s5+$0x50];
	[tilespmem:s5+$0xFFFFFFE0] =	vst v1;
	v1 =	vmul.f32 v52, v32  }
0x3dd: {  	v57 =	vld [tilespmem:s5+$0x60];
	[tilespmem:s5+$0xFFFFFFF0] =	vst v2;
	v2 =	vmul.f32 v53, v32  }
0x3de: {  	v58 =	vld [tilespmem:s5+$0x80];
	[tilespmem:s5+$0x0] =	vst v1;
	v1 =	vmul.f32 v54, v32  }
0x3df: {  	[tilespmem:s5+$0x10] =	vst v2;
	v2 =	vmul.f32 v3, v32;
	v3 =	vld [tilespmem:s5+$0x90]  }
0x3e0: {  	v59 =	vld [tilespmem:s5+$0xA0];
	[tilespmem:s5+$0x20] =	vst v1;
	v1 =	vmul.f32 v55, v32  }
0x3e1: {  	v60 =	vld [tilespmem:s5+$0xB0];
	[tilespmem:s5+$0x30] =	vst v2;
	v2 =	vmul.f32 v56, v32  }
0x3e2: {  	v61 =	vld [tilespmem:s5+$0xC0];
	[tilespmem:s5+$0x40] =	vst v1;
	v1 =	vmul.f32 v57, v32  }
0x3e3: {  	v62 =	vld [tilespmem:s5+$0xD0];
	[tilespmem:s5+$0x50] =	vst v2;
	v2 =	vmul.f32 v58, v5  }
0x3e4: {  	[tilespmem:s5+$0x60] =	vst v1;
	v1 =	vmul.f32 v3, v5;
	v3 =	vld [tilespmem:s5+$0xE0]  }
0x3e5: {  	v63 =	vld [tilespmem:s5+$0xF0];
	[tilespmem:s5+$0x80] =	vst v2;
	v2 =	vmul.f32 v59, v5  }
0x3e6: {  	[tilespmem:s5+$0x90] =	vst v1;
	v1 =	vmul.f32 v60, v5  }
0x3e7: {  	[tilespmem:s5+$0xA0] =	vst v2;
	v2 =	vmul.f32 v61, v5  }
0x3e8: {  	[tilespmem:s5+$0xB0] =	vst v1;
	v1 =	vmul.f32 v62, v5  }
0x3e9: {  	[tilespmem:s5+$0xC0] =	vst v2;
	v2 =	vmul.f32 v3, v5  }
0x3ea: {  	[tilespmem:s5+$0xD0] =	vst v1;
	v1 =	vmul.f32 v63, v5  }
0x3eb: {  	[tilespmem:s5+$0xE0] =	vst v2  }
0x3ec: {  	[tilespmem:s5+$0xF0] =	vst v1  }
0x3ed: {  	s5 =	sld [smem:$0x7FD]  }
0x3ee: {  	[spmem:s2] =	stream.indirect.scatter.add.f32 [tilespmem:s31], [sflag:$0x7], $0x80, s12, s11, $0xb8;
	[tilespmem:$0x1E078] =	vst v63  }
.Ltmp12:
0x3ef: {  	_ = 	snop;
	(pc) =	sbr.rel .LBB2_18-.Ltmp12, $4  }
0x3f0: {  	s5 =	sadd.s32 @!p2 s17, s5  }
0x3f1: {  	s5 =	sshrl.u32 @!p2 s5, $0x3  }
0x3f2: {  	s9 =	simm.s32 @!p2 $0xA100;
	s6 =	simm.s32 @!p2 $0x0;
	s5 =	sadd.s32 @!p2 s15, s5  }
0x3f3: {  	[tilespmem:s9], [sflag:$0x3] =	stream.linear.gather @!p2 [hbm4b:s5+s6], $0x100, $0x38;
	[tilespmem:$0x1E078] =	vst v63  }
.LBB2_20:
0x3f4: {  	_ =	sfence.sel $0x180000  }
0x3f5: {  	[bflag:$0x0] =	sbarrier.arrive $0xFFFF  }
0x3f6: {  	_ =	strace $0x9000004A  }
0x3f7: {  	[bflag:$0x2] =	sbarrier.arrive $0xFFFF  }
0x3f8: {  	s0 =	rddreg [dreg:$0x4]  }
0x3f9: {  	s0 =	sadd.s32 @!p1 $0x100000, s0  }
0x3fa: {  	[sflag:s0] =	ssyncadd.tile.s32 @!p1 $0x1;
	_ =	shalt  }
.Lfunc_end2:
_tile_overlayer_lowered:
.L_overlay_start_2:
0x3fb: {  	(tag) =	ssettag $0x2  }
0x3fc: {  	s0 =	rddreg [dreg:$0x0];
	s2 =	stileid.u32  }
0x3fd: {  	s1 =	rddreg [dreg:$0x1];
	p0 =	sne.s32 s2, $0x0  }
0x3fe: {  	s3 =	rddreg [dreg:$0x2];
	[bflag:$0x3] =	sbarrier.arrive $0xFFFF;
	s2 =	simm.s32 @!p0 $0x1C0B  }
0x3ff: {  	[timem:s3], [sflag:s2] =	dma.local @!p0 [hbm:s0], s1  }
0x400: {  	s0 =	simm.s32 @!p0 $0xB  }
0x401: {  	_ =	swait.ge @!p0 [sflag:s0], s1  }
0x402: {  	s1 =	ssub.s32 @!p0 $0x0, s1;
	[sflag:s0] =	ssyncset.done @!p0 $0x0  }
0x403: {  	[sflag:s0] =	ssyncadd.s32 @!p0 s1  }
0x404: {  	[bflag:$0x3] =	sbarrier.arrive $0xFFFF  }
0x405: {  	_ =	shalt  }

// kernel: kernel.7.cloned.1.call-start
scs
__scs_entry_jumppad:
0x0: {  	(pc) =	sbr.rel $0x88, $3  }
0x1: {  	(tag) =	ssettag $0x0;
	lr =	simm.s32 $0x1  }
0x2: {  	[smem:$0x3F95] =	sst lr;
	_ =	strace $0xD0000000  }
0x3: {  	_ = 	snop  }
0x4: {  	_ = 	snop  }
0x5: {  	_ = 	snop  }
0x6: {  	_ = 	snop  }
0x7: {  	_ = 	snop  }
__scs_overlays_trampoline_lowered:
0x8: {  	[smem:$0x3FA4] =	sst s0  }
0x9: {  	[smem:$0x3FA5] =	sst s1  }
0xa: {  	[smem:$0x3FA6] =	sst s2  }
0xb: {  	[smem:$0x3FA7] =	sst s3  }
0xc: {  	[smem:$0x3FA8] =	sst s4  }
0xd: {  	[smem:$0x3FA9] =	sst s5  }
0xe: {  	[smem:$0x3FAA] =	sst s6  }
0xf: {  	[smem:$0x3FAB] =	sst s7  }
0x10: {  	[smem:$0x3FAC] =	sst s8  }
0x11: {  	[smem:$0x3FAD] =	sst s9;
	s0 =	simm.s32 @!p0 $0x0  }
0x12: {  	s1 =	sld [smem:$0x3F93];
	s0 =	simm.s32 @p0 $0x1  }
0x13: {  	[smem:$0x3FAE] =	sst s0;
	s0 =	simm.s32 @!p1 $0x0  }
0x14: {  	s2 =	sld [smem:$0x3F92];
	s0 =	simm.s32 @p1 $0x1  }
0x15: {  	[smem:$0x3FAF] =	sst s0;
	s0 =	simm.s32 @!p2 $0x0  }
0x16: {  	s3 =	sld [smem:$0x3FDB];
	s0 =	simm.s32 @p2 $0x1  }
0x17: {  	s4 =	simm.s32 $0x1BF5;
	[smem:$0x3FB1] =	sst s0  }
0x18: {  	s0 =	sld [smem:$0x3F94];
	_ =	swait.ge [sflag:s4], $0x0  }
0x19: {  	s7 =	sld [smem:$0x3F95]  }
0x1a: {  	s8 =	sadd.s32 $0xFFFFE003, lr  }
0x1b: {  	s9 =	sadd.s32 $0xFFFFFEF7, lr;
	s5 =	simm.s32 $0xFFFFFFFF;
	p2 =	slt.u32 s8, $0xFFFFF086  }
0x1c: {  	p1 =	slt.u32 s9, $0xF7A;
	s5 =	simm.s32 @!p2 $0x0  }
0x1d: {  	s5 =	simm.s32 @p1 $0x1;
	p0 =	seq.s32 s7, s2  }
0x1e: {  	s7 =	smul.u32 @!p0 $0xF7A, s2;
	p2 =	seq.s32 @!p0 s5, $0x0  }
0x1f: {  	s9 =	smul.u32 $0xF7A, s1;
	s8 =	simm.s32 @!p0 $0x1BF5;
	p2 =	por !p2, p0  }
0x20: {  	[sflag:s8] =	ssyncset.s32 @!p0 $0xFFFFF086;
	s6 =	sadd.s32 @!p0 s3, s7;
	s7 =	simm.s32 @!p0 $0x108  }
0x21: {  	s3 =	sadd.s32 s3, s9;
	s6 =	sadd.s32 @!p0 $0x88, s6;
	s7 =	simm.s32 @p2 $0x1082  }
0x22: {  	[simem:s7], [sflag:s8] =	dma.local @!p0 [hbm:s6], $0xF7A  }
0x23: {  	s9 =	sor.u32 $0xD0000000, s2;
	s6 =	simm.s32 $0x108;
	_ =	swait.ge @!p0 [sflag:s8], $0x0  }
0x24: {  	s3 =	sadd.s32 $0x88, s3;
	s6 =	simm.s32 @!p1 $0x1082;
	[sflag:s4] =	ssyncset.s32 $0xFFFFF086  }
0x25: {  	[simem:s6], [sflag:s4] =	dma.local [hbm:s3], $0xF7A  }
0x26: {  	[smem:$0x3F95] =	sst s1;
	(tag) =	ssettag s2;
	_ =	strace s9  }
0x27: {  	s1 =	sld [smem:$0x3FA5]  }
0x28: {  	s2 =	sld [smem:$0x3FA6]  }
0x29: {  	s4 =	sld [smem:$0x3FA8]  }
0x2a: {  	p0 =	seq.s32 s5, $0x0;
	s5 =	sld [smem:$0x3FA9]  }
0x2b: {  	s6 =	sld [smem:$0x3FAA]  }
0x2c: {  	s7 =	sld [smem:$0x3FAB]  }
0x2d: {  	s3 =	simm.s32 $0x108;
	s8 =	sld [smem:$0x3FAC]  }
0x2e: {  	s3 =	simm.s32 @!p0 $0x1082;
	s9 =	sld [smem:$0x3FAD]  }
0x2f: {  	lr =	sadd.s32 s0, s3;
	s0 =	sld [smem:$0x3FA4]  }
0x30: {  	s3 =	sld [smem:$0x3FA7]  }
0x31: {  	[smem:$0x3FB0] =	sst s10  }
0x32: {  	s10 =	sld [smem:$0x3FAE];
	_ =	sdelay $0x3  }
0x33: {  	p0 =	seq.s32 s10, $0x1;
	s10 =	sld [smem:$0x3FB0];
	_ =	sdelay $0x3  }
0x34: {  	[smem:$0x3FB0] =	sst s10  }
0x35: {  	s10 =	sld [smem:$0x3FAF];
	_ =	sdelay $0x3  }
0x36: {  	p1 =	seq.s32 s10, $0x1;
	s10 =	sld [smem:$0x3FB0];
	_ =	sdelay $0x3  }
0x37: {  	[smem:$0x3FB0] =	sst s10  }
0x38: {  	s10 =	sld [smem:$0x3FB1]  }
0x39: {  	_ = 	snop;
	(pc) =	sbr.ind lr, $3  }
0x3a: {  	_ = 	snop  }
0x3b: {  	_ = 	snop  }
0x3c: {  	p2 =	seq.s32 s10, $0x1;
	s10 =	sld [smem:$0x3FB0]  }
0x3d: {  	_ =	shalt  }
0x3e: {  	_ =	shalt  }
0x3f: {  	_ =	shalt  }
0x40: {  	_ =	shalt  }
0x41: {  	_ =	shalt  }
0x42: {  	_ =	shalt  }
0x43: {  	_ =	shalt  }
0x44: {  	_ =	shalt  }
0x45: {  	_ =	shalt  }
0x46: {  	_ =	shalt  }
0x47: {  	_ =	shalt  }
0x48: {  	_ =	shalt  }
0x49: {  	_ =	shalt  }
0x4a: {  	_ =	shalt  }
0x4b: {  	_ =	shalt  }
0x4c: {  	_ =	shalt  }
0x4d: {  	_ =	shalt  }
0x4e: {  	_ =	shalt  }
0x4f: {  	_ =	shalt  }
0x50: {  	_ =	shalt  }
0x51: {  	_ =	shalt  }
0x52: {  	_ =	shalt  }
0x53: {  	_ =	shalt  }
0x54: {  	_ =	shalt  }
0x55: {  	_ =	shalt  }
0x56: {  	_ =	shalt  }
0x57: {  	_ =	shalt  }
0x58: {  	_ =	shalt  }
0x59: {  	_ =	shalt  }
0x5a: {  	_ =	shalt  }
0x5b: {  	_ =	shalt  }
0x5c: {  	_ =	shalt  }
0x5d: {  	_ =	shalt  }
0x5e: {  	_ =	shalt  }
0x5f: {  	_ =	shalt  }
0x60: {  	_ =	shalt  }
0x61: {  	_ =	shalt  }
0x62: {  	_ =	shalt  }
0x63: {  	_ =	shalt  }
0x64: {  	_ =	shalt  }
0x65: {  	_ =	shalt  }
0x66: {  	_ =	shalt  }
0x67: {  	_ =	shalt  }
0x68: {  	_ =	shalt  }
0x69: {  	_ =	shalt  }
0x6a: {  	_ =	shalt  }
0x6b: {  	_ =	shalt  }
0x6c: {  	_ =	shalt  }
0x6d: {  	_ =	shalt  }
0x6e: {  	_ =	shalt  }
0x6f: {  	_ =	shalt  }
0x70: {  	_ =	shalt  }
0x71: {  	_ =	shalt  }
0x72: {  	_ =	shalt  }
0x73: {  	_ =	shalt  }
0x74: {  	_ =	shalt  }
0x75: {  	_ =	shalt  }
0x76: {  	_ =	shalt  }
0x77: {  	_ =	shalt  }
0x78: {  	_ =	shalt  }
0x79: {  	_ =	shalt  }
0x7a: {  	_ =	shalt  }
0x7b: {  	_ =	shalt  }
0x7c: {  	_ =	shalt  }
0x7d: {  	_ =	shalt  }
0x7e: {  	_ =	shalt  }
0x7f: {  	_ =	shalt  }
0x80: {  	_ =	shalt  }
0x81: {  	_ =	shalt  }
0x82: {  	_ =	shalt  }
0x83: {  	_ =	shalt  }
0x84: {  	_ =	shalt  }
0x85: {  	_ =	shalt  }
0x86: {  	_ =	shalt  }
0x87: {  	_ =	shalt  }
.Lfunc_end0:
.L_simem_size_0:
called_computation_lowered:
.L_overlay_start_0:
0x88: {  	s2 =	sld [smem:$0x3FD9]  }
0x89: {  	s3 =	sld [smem:$0x3FFE];
	_ =	sdelay $0x1  }
0x8a: {  	s1 =	srdreg.scid  }
0x8b: {  	s0 =	sand.u32 $0x1, s1  }
0x8c: {  	s17 =	sshll.u32 s0, $0xA;
	s2 =	sadd.s32 s3, s2  }
0x8d: {  	s2 =	sadd.s32 s2, s17  }
0x8e: {  	[smem:$0x3FBC] =	sst s2  }
0x8f: {  	_ = 	snop  }
0x90: {  	s2 =	sld [smem:$0x3FD0];
	(tm) =	ssettm $0x1  }
0x91: {  	s18 =	sld [smem:$0x3FFB];
	_ =	sdelay $0x3  }
0x92: {  	_ =	strace s18  }
0x93: {  	s3 =	sld [smem:$0x3FFC];
	_ =	sdelay $0x3  }
0x94: {  	_ =	strace s3  }
0x95: {  	s3 =	sld [smem:$0x3FFD];
	_ =	sdelay $0x3  }
0x96: {  	_ =	strace s3  }
0x97: {  	_ =	strace $0x8FFFFFFF  }
0x98: {  	s19 =	sld [smem:$0x3FDB];
	_ =	sdelay $0x1  }
0x99: {  	s4 =	simm.s32 $_scs_section_size  }
0x9a: {  	s5 =	simm.s32 $_size__tile_overlayer_lowered;
	s6 =	simm.s32 $_tile_overlayer_lowered  }
0x9b: {  	s22 =	simm.s32 $0x1BFF;
	s21 =	sshll.u32 s6, $0x1;
	s3 =	sadd.s32 s4, s19  }
0x9c: {  	s7 =	simm.s32 $0x0;
	s20 =	sshll.u32 s5, $0x1;
	s5 =	sadd.s32 s21, s3  }
0x9d: {  	[timem:s7], [sflag:s22] =	dma.local [hbm:s5], s20  }
0x9e: {  	_ =	swait.ge [sflag:s22], s20  }
0x9f: {  	s4 =	ssub.s32 $0x0, s20;
	[sflag:s22] =	ssyncset.done $0x0  }
0xa0: {  	[sflag:s22] =	ssyncadd.s32 s4;
	_ =	sdelay $0x1  }
0xa1: {  	s23 =	simm.s32 $0x1B8B  }
0xa2: {  	_ =	swait.ge [sflag:s23], $0x1  }
0xa3: {  	[sflag:s23] =	ssyncset.done $0x0  }
0xa4: {  	s25 =	simm.s32 $0x1B8E;
	s24 =	sld [smem:$0x3FFE];
	[sflag:s23] =	ssyncadd.s32 $0xFFFFFFFF  }
0xa5: {  	s26 =	simm.s32 $execute0_lowered;
	[smem:$0x3FD2] =	sst s25  }
0xa6: {  	s5 =	sshll.u32 s26, $0x1;
	_ =	strace $0x80000046;
	[dreg:$0x1] =	wrdreg $0xFFFFFFFF  }
0xa7: {  	s28 =	simm.s32 $_size_execute0_lowered;
	s3 =	sadd.s32 s3, s5;
	[dreg:$0x0] =	wrdreg $0x0  }
0xa8: {  	s5 =	sshll.u32 s28, $0x1;
	[dreg:$0x2] =	wrdreg s3  }
0xa9: {  	[dreg:$0x3] =	wrdreg s5  }
0xaa: {  	[dreg:$0x4] =	wrdreg $0xC0  }
0xab: {  	_ =	task [dreg:s7], $0x5FFFF  }
0xac: {  	[dreg:$0x1] =	wrdreg $0xFFFFFFFF  }
0xad: {  	[dreg:$0x0] =	wrdreg $0x60  }
0xae: {  	[dreg:$0x2] =	wrdreg s24  }
0xaf: {  	[dreg:$0x3] =	wrdreg s2  }
0xb0: {  	[dreg:$0x4] =	wrdreg $0xA5800  }
0xb1: {  	[dreg:$0x5] =	wrdreg $0x1DE000  }
0xb2: {  	[dreg:$0x6] =	wrdreg $0x9  }
0xb3: {  	_ =	task.clear_ibuf [dreg:s7], $0x7FFFF;
	_ =	strace $0x90000046  }
0xb4: {  	s29 =	simm.s32 $0x9;
	_ =	strace $0x80000048  }
0xb5: {  	_ =	swait.ge [sflag:s29], $0x1  }
0xb6: {  	[sflag:s29] =	ssyncadd.s32 $0xFFFFFFFF  }
0xb7: {  	_ =	strace $0x90000048  }
0xb8: {  	_ =	sfence  }
0xb9: {  	s30 =	sld [smem:$0x0];
	_ =	sdelay $0x2  }
0xba: {  	s31 =	sshll.u32 s1, $0xD;
	s1 =	sshrl.u32 s1, $0x2  }
0xbb: {  	s3 =	sand.u32 $0x4000, s31;
	s1 =	sadd.s32 s1, s30  }
0xbc: {  	s0 =	sor.u32 s3, s0;
	s1 =	sshll.u32 s1, $0x11  }
0xbd: {  	s0 =	sor.u32 s1, s0  }
0xbe: {  	s0 =	sadd.s32 $0x8F2B, s0  }
0xbf: {  	[sflag:s0] =	ssyncadd.remote.s32 $0x1  }
0xc0: {  	_ =	sfence.sel $0xFFFF  }
0xc1: {  	[dreg:$0x0] =	wrdreg $0xFFFFFFFF;
	(pc) =	sbr.abs _section_cstart, $3  }
0xc2: {  	[dreg:$0x1] =	wrdreg $0xFFFFFFFF  }
0xc3: {  	_ =	task.clear_ibuf [dreg:s7], $0x2FFFF;
	_ =	strace $0x9FFFFFFF  }
0xc4: {  	(tm) =	ssettm $0x7FFFFFFF  }
0xc5: {  	_ =	shalt  }
tec
execute0_lowered:
.L_overlay_start_1:
0x0: {  	(tag) =	ssettag $0x1  }
0x1: {  	s8 =	rddreg [dreg:$0x0]  }
0x2: {  	s1 =	rddreg [dreg:$0x1]  }
0x3: {  	s2 =	rddreg [dreg:$0x2]  }
0x4: {  	s3 =	rddreg [dreg:$0x3]  }
0x5: {  	s0 =	srdreg.scid;
	s4 =	simm.s32 $0x0;
	s24 =	stileid.u32  }
0x6: {  	s29 =	simm.s32 $0x2780;
	s31 =	simm.s32 $0x4F00;
	s28 =	simm.s32 $0x2  }
0x7: {  	s30 =	simm.s32 $0x5;
	s0 =	sand.u32 $0x1, s0;
	s12 =	smul.u32 $0x2800, s24  }
0x8: {  	[smem:$0x7FF] =	sst s4;
	s11 =	sor.u32 $0x10, s24;
	s10 =	smul.u32 $0x138800, s0  }
0x9: {  	s13 =	sor.u32 $0x20, s24;
	s15 =	sadd.s32 $0x23000, s8;
	s14 =	smul.u32 $0x2800, s11  }
0xa: {  	s9 =	sor.u32 $0x30, s24;
	s7 =	sor.u32 $0x40, s24;
	s16 =	smul.u32 $0x2800, s13  }
0xb: {  	s6 =	sor.u32 $0x50, s24;
	s5 =	sor.u32 $0x60, s24;
	s18 =	smul.u32 $0x2800, s9  }
0xc: {  	p1 =	sne.s32 s24, $0x0;
	_ =	strace $0x80000047;
	s19 =	smul.u32 $0x2800, s7  }
0xd: {  	s17 =	sshll.u32 s0, $0x4;
	s0 =	ssub.s32 $0x2, s0;
	s21 =	smul.u32 $0x2800, s6  }
0xe: {  	s22 =	smul.u32 $0x2800, s5;
	s20 =	sshrl.u32 s0, $0x1;
	s26 =	sor.u32 s24, s17  }
0xf: {  	s20 =	ssub.s32 s0, s20;
	s0 =	sor.u32 $0x70, s24;
	s12 =	sadd.s32 s10, s12  }
0x10: {  	s14 =	sadd.s32 s10, s14;
	s16 =	sadd.s32 s10, s16;
	s18 =	sadd.s32 s10, s18  }
0x11: {  	s19 =	sadd.s32 s10, s19;
	s21 =	sadd.s32 s10, s21;
	s22 =	sadd.s32 s10, s22  }
0x12: {  	s23 =	smul.u32 $0x2800, s0;
	s12 =	sshrl.u32 s12, $0x3;
	s14 =	sshrl.u32 s14, $0x3  }
0x13: {  	s16 =	sshrl.u32 s16, $0x3;
	s25 =	sshrl.u32 s18, $0x3;
	p0 =	sgt.u32 s0, $0x7C  }
0x14: {  	s12 =	sadd.s32 s15, s12;
	s14 =	sadd.s32 s15, s14;
	s18 =	sadd.s32 s15, s25  }
0x15: {  	s25 =	sshrl.u32 s21, $0x3;
	s21 =	sadd.s32 $0x2C00, s8;
	[dreg:$0x6] =	wrdreg s12  }
0x16: {  	s10 =	sadd.s32 s10, s23;
	s23 =	smul.u32 $0x7D00, s26;
	[dreg:$0x7] =	wrdreg s14  }
0x17: {  	s26 =	sshrl.u32 s19, $0x3;
	s12 =	sadd.s32 s15, s16;
	[dreg:$0x9] =	wrdreg s18  }
0x18: {  	s18 =	sadd.s32 s17, s8;
	[dreg:$0xe] =	wrdreg s21;
	s14 =	smul.u32 $0x140, s11  }
0x19: {  	s21 =	smul.u32 $0xA000, s13;
	[dreg:$0x8] =	wrdreg s12;
	s19 =	sadd.s32 s15, s26  }
0x1a: {  	s26 =	sshrl.u32 s22, $0x3;
	s12 =	sadd.s32 s15, s25;
	[dreg:$0xa] =	wrdreg s19  }
0x1b: {  	s10 =	sshrl.u32 s10, $0x3;
	s25 =	smul.u32 $0x140, s24;
	[dreg:$0xb] =	wrdreg s12  }
0x1c: {  	s16 =	sadd.s32 s15, s26;
	s10 =	sadd.s32 s15, s10;
	s15 =	sadd.s32 $0x3200, s8  }
0x1d: {  	s19 =	smul.u32 $0xA000, s24;
	s22 =	sshrl.u32 s23, $0x3;
	[dreg:$0x5] =	wrdreg s23  }
0x1e: {  	s8 =	sadd.s32 $0x2600, s8;
	s12 =	smul.u32 $0xA000, s5;
	[dreg:$0xc] =	wrdreg s16  }
0x1f: {  	s26 =	smax.u32 s20, $0x1;
	s5 =	smul.u32 $0x140, s5;
	[dreg:$0xd] =	wrdreg s10  }
0x20: {  	[dreg:$0xf] =	wrdreg s8;
	s17 =	sadd.s32 s15, s22;
	s8 =	smul.u32 $0xA000, s11  }
0x21: {  	s10 =	sadd.s32 $0x22600, s18;
	[dreg:$0x12] =	wrdreg s26;
	s26 =	smul.u32 $0xA000, s9  }
0x22: {  	s18 =	sshrl.u32 s19, $0x2;
	s19 =	sshrl.u32 s25, $0x2;
	s25 =	smul.u32 $0x140, s13  }
0x23: {  	s16 =	sshrl.u32 s21, $0x2;
	[dreg:$0x11] =	wrdreg s10;
	s13 =	smul.u32 $0x140, s9  }
0x24: {  	s10 =	sshrl.u32 s14, $0x2;
	s9 =	sadd.s32 s16, s2;
	s14 =	smul.u32 $0xA000, s0  }
0x25: {  	s0 =	smul.u32 $0x140, s0;
	s5 =	sshrl.u32 s5, $0x2;
	s24 =	sadd.s32 $0x40, s17  }
0x26: {  	[dreg:$0x10] =	wrdreg s17;
	s20 =	sadd.s32 s18, s2;
	s22 =	sadd.s32 s19, s3  }
0x27: {  	s8 =	sshrl.u32 s8, $0x2;
	s19 =	smul.u32 $0xA000, s7;
	[dreg:$0x17] =	wrdreg s9  }
0x28: {  	s10 =	sadd.s32 s10, s3;
	s7 =	smul.u32 $0x140, s7;
	[smem:$0x7FB] =	sst s24  }
0x29: {  	s5 =	sadd.s32 s5, s3;
	s24 =	simm.s32 $0x3;
	[dreg:$0x14] =	wrdreg s22  }
0x2a: {  	s22 =	sadd.s32 s8, s2;
	[dreg:$0x16] =	wrdreg s10;
	s18 =	sshrl.u32 s25, $0x2  }
0x2b: {  	s25 =	sshrl.u32 s26, $0x2;
	s8 =	sshrl.u32 s13, $0x2;
	s26 =	smul.u32 $0xA000, s6  }
0x2c: {  	s6 =	smul.u32 $0x140, s6;
	s0 =	sshrl.u32 s0, $0x2;
	[smem:$0x7F7] =	sst s5  }
0x2d: {  	s10 =	simm.s32 $0x1;
	[dreg:$0x13] =	wrdreg s20;
	s21 =	sadd.s32 s18, s3  }
0x2e: {  	s9 =	sadd.s32 s25, s2;
	s8 =	sadd.s32 s8, s3;
	[dreg:$0x15] =	wrdreg s22  }
0x2f: {  	s11 =	sshrl.u32 s19, $0x2;
	s7 =	sshrl.u32 s7, $0x2;
	[dreg:$0x18] =	wrdreg s21  }
0x30: {  	s18 =	sshrl.u32 s14, $0x2;
	s0 =	sadd.s32 s0, s3;
	[dreg:$0x19] =	wrdreg s9  }
0x31: {  	s25 =	sadd.s32 $0x60, s17;
	s14 =	sadd.s32 $0x400, s23;
	[dreg:$0x1a] =	wrdreg s8  }
0x32: {  	s8 =	sadd.s32 s11, s2;
	s7 =	sadd.s32 s7, s3;
	s13 =	sshrl.u32 s26, $0x2  }
0x33: {  	s6 =	sshrl.u32 s6, $0x2;
	s9 =	sshrl.u32 s12, $0x2;
	[smem:$0x7F9] =	sst s0  }
0x34: {  	s19 =	sadd.s32 s18, s2;
	s21 =	sadd.s32 $0x20, s17;
	[smem:$0x7FC] =	sst s25  }
0x35: {  	s26 =	sadd.s32 $0x600, s23;
	s17 =	simm.s32 $0xB;
	[dreg:$0x1b] =	wrdreg s8  }
0x36: {  	s11 =	simm.s32 $0x50;
	s12 =	simm.s32 $0xA400;
	[dreg:$0x1c] =	wrdreg s7  }
0x37: {  	s18 =	simm.s32 $0x6;
	s25 =	simm.s32 $0x7700;
	[smem:$0x7F8] =	sst s19  }
0x38: {  	s0 =	simm.s32 $0x9;
	s7 =	sadd.s32 s13, s2;
	[smem:$0x7FA] =	sst s21  }
.Ltmp0:
0x39: {  	s6 =	sadd.s32 s6, s3;
	[smem:$0x7FD] =	sst s26;
	(pc) =	sbr.rel .LBB2_1-.Ltmp0, $4  }
0x3a: {  	s16 =	sadd.s32 s9, s2;
	s19 =	simm.s32 $0x9F00;
	[dreg:$0x1d] =	wrdreg s7  }
0x3b: {  	s13 =	simm.s32 $0xA300;
	s21 =	simm.s32 $0xA380;
	[dreg:$0x1e] =	wrdreg s6  }
0x3c: {  	s8 =	simm.s32 $0x8;
	s9 =	simm.s32 $0x0;
	[dreg:$0x1f] =	wrdreg s16  }
0x3d: {  	v0 =	vimm.f32 $0.0e+00;
	s16 =	sadd.s32 $0x500, s23;
	s23 =	simm.s32 $0xA480;
	s7 =	simm.s32 $0x7  }
.LBB2_19:
0x3e: {  	_ =	swait.ge [sflag:s0], $0x50  }
0x3f: {  	[sflag:s0] =	ssyncset.done $0x0  }
0x40: {  	[sflag:s0] =	ssyncadd.s32 $0xFFFFFFB0  }
0x41: {  	_ =	swait.ge [sflag:s7], $0x2800  }
0x42: {  	[sflag:s7] =	ssyncset.done $0x0  }
0x43: {  	s5 =	simm.s32 $0xA;
	[sflag:s7] =	ssyncadd.s32 $0xFFFFD800  }
0x44: {  	_ =	swait.ge [sflag:s5], $0x50  }
0x45: {  	[sflag:s5] =	ssyncset.done $0x0  }
0x46: {  	[sflag:s5] =	ssyncadd.s32 $0xFFFFFFB0  }
0x47: {  	_ =	swait.ge [sflag:s8], $0x2800  }
0x48: {  	[sflag:s8] =	ssyncset.done $0x0  }
0x49: {  	s6 =	simm.s32 @!p1 $0x1;
	[sflag:s8] =	ssyncadd.s32 $0xFFFFD800  }
0x4a: {  	s9 =	simm.s32 @!p1 $0x20;
	s17 =	simm.s32 @!p1 $0x10;
	[bflag:$0x0] =	sbarrier.arrive $0xFFFF  }
0x4b: {  	s20 =	simm.s32 @!p1 $0x1C0B;
	s5 =	sshrl.u32 @!p1 s3, $0x3;
	s22 =	rddreg [dreg:$0x11]  }
0x4c: {  	[hbm:s22@s9], [sflag:s20] =	dma.strided @!p1 [spmem:s5@s17], $0x4F0, s6, $0x10   }
0x4d: {  	s5 =	simm.s32 @!p1 $0xB  }
0x4e: {  	s20 =	stileid.u32;
	_ =	swait.ge @!p1 [sflag:s5], $0x4F0  }
0x4f: {  	s6 =	sshll.u32 s20, $0x6;
	s20 =	rddreg [dreg:$0x13]  }
0x50: {  	s17 =	simm.s32 $0xB;
	[sflag:s5] =	ssyncset.done @!p1 $0x0;
	s26 =	rddreg [dreg:$0x6]  }
0x51: {  	[sflag:s5] =	ssyncadd.s32 @!p1 $0xFFFFFB10;
	s5 =	sor.u32 $0x1C0B, s6;
	s22 =	sshrl.u32 s20, $0x3  }
0x52: {  	[hbm:s26], [sflag:s5] =	dma.local [spmem:s22], $0x500  }
0x53: {  	_ =	swait.ge [sflag:s17], $0x500  }
0x54: {  	[sflag:s17] =	ssyncset.done $0x0;
	s22 =	rddreg [dreg:$0x15]  }
0x55: {  	s26 =	rddreg [dreg:$0x7];
	[sflag:s17] =	ssyncadd.s32 $0xFFFFFB00;
	s9 =	sshrl.u32 s22, $0x3  }
0x56: {  	[hbm:s26], [sflag:s5] =	dma.local [spmem:s9], $0x500  }
0x57: {  	_ =	swait.ge [sflag:s17], $0x500  }
0x58: {  	[sflag:s17] =	ssyncset.done $0x0;
	s9 =	rddreg [dreg:$0x17]  }
0x59: {  	s26 =	rddreg [dreg:$0x8];
	[sflag:s17] =	ssyncadd.s32 $0xFFFFFB00;
	s6 =	sshrl.u32 s9, $0x3  }
0x5a: {  	[hbm:s26], [sflag:s5] =	dma.local [spmem:s6], $0x500  }
0x5b: {  	_ =	swait.ge [sflag:s17], $0x500  }
0x5c: {  	[sflag:s17] =	ssyncset.done $0x0;
	s9 =	rddreg [dreg:$0x19]  }
0x5d: {  	s26 =	rddreg [dreg:$0x9];
	[sflag:s17] =	ssyncadd.s32 $0xFFFFFB00;
	s6 =	sshrl.u32 s9, $0x3  }
0x5e: {  	[hbm:s26], [sflag:s5] =	dma.local [spmem:s6], $0x500  }
0x5f: {  	_ =	swait.ge [sflag:s17], $0x500  }
0x60: {  	[sflag:s17] =	ssyncset.done $0x0;
	s9 =	rddreg [dreg:$0x1b]  }
0x61: {  	s26 =	rddreg [dreg:$0xa];
	[sflag:s17] =	ssyncadd.s32 $0xFFFFFB00;
	s6 =	sshrl.u32 s9, $0x3  }
0x62: {  	[hbm:s26], [sflag:s5] =	dma.local [spmem:s6], $0x500  }
0x63: {  	_ =	swait.ge [sflag:s17], $0x500  }
0x64: {  	[sflag:s17] =	ssyncset.done $0x0;
	s9 =	rddreg [dreg:$0x1d]  }
0x65: {  	s26 =	rddreg [dreg:$0xb];
	[sflag:s17] =	ssyncadd.s32 $0xFFFFFB00;
	s6 =	sshrl.u32 s9, $0x3  }
0x66: {  	[hbm:s26], [sflag:s5] =	dma.local [spmem:s6], $0x500  }
0x67: {  	_ =	swait.ge [sflag:s17], $0x500  }
0x68: {  	[sflag:s17] =	ssyncset.done $0x0;
	s9 =	rddreg [dreg:$0x1f]  }
0x69: {  	s26 =	rddreg [dreg:$0xc];
	[sflag:s17] =	ssyncadd.s32 $0xFFFFFB00;
	s6 =	sshrl.u32 s9, $0x3  }
0x6a: {  	[hbm:s26], [sflag:s5] =	dma.local [spmem:s6], $0x500  }
0x6b: {  	_ =	swait.ge [sflag:s17], $0x500  }
0x6c: {  	s6 =	sld [smem:$0x7F8];
	_ =	sdelay $0x1  }
0x6d: {  	[sflag:s17] =	ssyncset.done $0x0  }
0x6e: {  	s9 =	rddreg [dreg:$0xd];
	[sflag:s17] =	ssyncadd.s32 $0xFFFFFB00;
	s6 =	sshrl.u32 @!p0 s6, $0x3  }
0x6f: {  	[hbm:s9], [sflag:s5] =	dma.local @!p0 [spmem:s6], $0x500  }
0x70: {  	s5 =	simm.s32 @!p0 $0xB  }
0x71: {  	_ =	swait.ge @!p0 [sflag:s5], $0x500  }
0x72: {  	s6 =	sld [smem:$0x7F6];
	_ =	sdelay $0x2  }
0x73: {  	s26 =	rddreg [dreg:$0x12];
	s9 =	sadd.s32 $0x1, s6  }
0x74: {  	p2 =	sne.s32 s9, s26  }
.Ltmp1:
0x75: {  	_ = 	snop;
	(pc) =	sbr.rel @!p2 .LBB2_20-.Ltmp1, $3  }
0x76: {  	_ =	sdelay $0x1  }
0x77: {  	[sflag:s5] =	ssyncset.done @!p0 $0x0  }
0x78: {  	[sflag:s5] =	ssyncadd.s32 @!p0 $0xFFFFFB00  }
.LBB2_1:
0x79: {  	[smem:$0x7F6] =	sst s9  }
0x7a: {  	s5 =	rddreg [dreg:$0x10]  }
0x7b: {  	s26 =	sld [smem:$0x7FA]  }
0x7c: {  	[tilespmem:s19], [sflag:$0x1] =	stream.linear.gather [hbm4b:s5+s4], $0x100, $0x38;
	[tilespmem:$0x1E078] =	vst v63  }
0x7d: {  	s6 =	simm.s32 $0xA000;
	s9 =	sld [smem:$0x7FB]  }
0x7e: {  	[tilespmem:s6], [sflag:$0x2] =	stream.linear.gather [hbm4b:s26+s4], $0x100, $0x38;
	[tilespmem:$0x1E078] =	vst v63  }
0x7f: {  	s26 =	simm.s32 $0xA100  }
0x80: {  	[tilespmem:s26], [sflag:$0x3] =	stream.linear.gather [hbm4b:s9+s4], $0x100, $0x38;
	[tilespmem:$0x1E078] =	vst v63  }
0x81: {  	s9 =	sld [smem:$0x7FC];
	_ =	sdelay $0x1  }
0x82: {  	s26 =	simm.s32 $0xA200  }
0x83: {  	[tilespmem:s26], [sflag:$0x4] =	stream.linear.gather [hbm4b:s9+s4], $0x100, $0x38;
	[tilespmem:$0x1E078] =	vst v63  }
0x84: {  	s9 =	rddreg [dreg:$0xe]  }
0x85: {  	[tilespmem:s4], [sflag:$0xB] =	stream.linear.gather [hbm4b:s9+s4], $0x2780, $0x38;
	[tilespmem:$0x1E078] =	vst v63  }
0x86: {  	_ =	swait.ge [sflag:s17], $0x2780  }
0x87: {  	[sflag:s17] =	ssyncset.done $0x0  }
0x88: {  	s26 =	rddreg [dreg:$0xf];
	[sflag:s17] =	ssyncadd.s32 $0xFFFFD880  }
0x89: {  	[tilespmem:s29], [sflag:$0xB] =	stream.linear.gather [hbm4b:s26+s4], $0x2780, $0x38;
	[tilespmem:$0x1E078] =	vst v63  }
0x8a: {  	_ =	swait.ge [sflag:s17], $0x2780  }
0x8b: {  	[sflag:s17] =	ssyncset.done $0x0  }
0x8c: {  	[sflag:s17] =	ssyncadd.s32 $0xFFFFD880  }
0x8d: {  	[tilespmem:$0xA500] =	vst v0  }
0x8e: {  	[tilespmem:$0xA510] =	vst v0  }
0x8f: {  	[tilespmem:$0xA520] =	vst v0  }
0x90: {  	[tilespmem:$0xA530] =	vst v0  }
0x91: {  	s5 =	simm.s32 $0x0;
	s6 =	simm.s32 $0x200;
	[tilespmem:$0xA540] =	vst v0  }
.LBB2_2:
0x92: {  	p2 =	sne.s32 s6, $0x9E00;
	[tilespmem:s5+$0x4F70] =	vst v0  }
0x93: {  	[tilespmem:s5+$0x4F00] =	vst v0  }
0x94: {  	[tilespmem:s5+$0x4F10] =	vst v0  }
.Ltmp2:
0x95: {  	[tilespmem:s5+$0x4F20] =	vst v0;
	(pc) =	sbr.rel @p2 .LBB2_2-.Ltmp2, $4  }
0x96: {  	[tilespmem:s5+$0x4F30] =	vst v0  }
0x97: {  	[tilespmem:s5+$0x4F40] =	vst v0  }
0x98: {  	[tilespmem:s5+$0x4F50] =	vst v0  }
0x99: {  	[tilespmem:s5+$0x4F60] =	vst v0;
	s5 =	sshra.s32 s6, $0x2;
	s6 =	sadd.s32 $0x200, s6  }
0x9a: {  	[tilespmem:s5+$0x4F70] =	vst v0  }
0x9b: {  	[tilespmem:s5+$0x4F00] =	vst v0  }
0x9c: {  	[tilespmem:s5+$0x4F10] =	vst v0  }
0x9d: {  	[tilespmem:s5+$0x4F20] =	vst v0  }
0x9e: {  	[tilespmem:s5+$0x4F30] =	vst v0  }
0x9f: {  	[tilespmem:s5+$0x4F40] =	vst v0  }
0xa0: {  	[tilespmem:s5+$0x4F50] =	vst v0  }
0xa1: {  	[tilespmem:s5+$0x4F60] =	vst v0;
	s6 =	simm.s32 $0xC  }
0xa2: {  	[spmem:s20] =	stream.linear.scatter [tilespmem:s31], [sflag:$0xC], $0x2800, $0x38;
	[tilespmem:$0x1E078] =	vst v63  }
0xa3: {  	_ =	swait.ge [sflag:s6], $0x2800  }
0xa4: {  	[sflag:s6] =	ssyncset.done $0x0  }
0xa5: {  	s9 =	simm.s32 $0xA500;
	s20 =	rddreg [dreg:$0x14];
	[sflag:s6] =	ssyncadd.s32 $0xFFFFD800  }
0xa6: {  	[spmem:s20] =	stream.linear.scatter [tilespmem:s9], [sflag:$0xB], $0x50, $0x38;
	[tilespmem:$0x1E078] =	vst v63  }
0xa7: {  	_ =	swait.ge [sflag:s17], $0x50  }
0xa8: {  	[sflag:s17] =	ssyncset.done $0x0  }
0xa9: {  	[sflag:s17] =	ssyncadd.s32 $0xFFFFFFB0  }
0xaa: {  	[spmem:s22] =	stream.linear.scatter [tilespmem:s31], [sflag:$0xC], $0x2800, $0x38;
	[tilespmem:$0x1E078] =	vst v63  }
0xab: {  	_ =	swait.ge [sflag:s6], $0x2800  }
0xac: {  	[sflag:s6] =	ssyncset.done $0x0  }
0xad: {  	s22 =	rddreg [dreg:$0x16];
	[sflag:s6] =	ssyncadd.s32 $0xFFFFD800  }
0xae: {  	[spmem:s22] =	stream.linear.scatter [tilespmem:s9], [sflag:$0xB], $0x50, $0x38;
	[tilespmem:$0x1E078] =	vst v63  }
0xaf: {  	_ =	swait.ge [sflag:s17], $0x50  }
0xb0: {  	[sflag:s17] =	ssyncset.done $0x0  }
0xb1: {  	s26 =	rddreg [dreg:$0x17];
	[sflag:s17] =	ssyncadd.s32 $0xFFFFFFB0  }
0xb2: {  	[spmem:s26] =	stream.linear.scatter [tilespmem:s31], [sflag:$0xC], $0x2800, $0x38;
	[tilespmem:$0x1E078] =	vst v63  }
0xb3: {  	_ =	swait.ge [sflag:s6], $0x2800  }
0xb4: {  	[sflag:s6] =	ssyncset.done $0x0  }
0xb5: {  	s20 =	rddreg [dreg:$0x18];
	[sflag:s6] =	ssyncadd.s32 $0xFFFFD800  }
0xb6: {  	[spmem:s20] =	stream.linear.scatter [tilespmem:s9], [sflag:$0xB], $0x50, $0x38;
	[tilespmem:$0x1E078] =	vst v63  }
0xb7: {  	_ =	swait.ge [sflag:s17], $0x50  }
0xb8: {  	[sflag:s17] =	ssyncset.done $0x0  }
0xb9: {  	s22 =	rddreg [dreg:$0x19];
	[sflag:s17] =	ssyncadd.s32 $0xFFFFFFB0  }
0xba: {  	[spmem:s22] =	stream.linear.scatter [tilespmem:s31], [sflag:$0xC], $0x2800, $0x38;
	[tilespmem:$0x1E078] =	vst v63  }
0xbb: {  	_ =	swait.ge [sflag:s6], $0x2800  }
0xbc: {  	[sflag:s6] =	ssyncset.done $0x0  }
0xbd: {  	s26 =	rddreg [dreg:$0x1a];
	[sflag:s6] =	ssyncadd.s32 $0xFFFFD800  }
0xbe: {  	[spmem:s26] =	stream.linear.scatter [tilespmem:s9], [sflag:$0xB], $0x50, $0x38;
	[tilespmem:$0x1E078] =	vst v63  }
0xbf: {  	_ =	swait.ge [sflag:s17], $0x50  }
0xc0: {  	[sflag:s17] =	ssyncset.done $0x0  }
0xc1: {  	s20 =	rddreg [dreg:$0x1b];
	[sflag:s17] =	ssyncadd.s32 $0xFFFFFFB0  }
0xc2: {  	[spmem:s20] =	stream.linear.scatter [tilespmem:s31], [sflag:$0xC], $0x2800, $0x38;
	[tilespmem:$0x1E078] =	vst v63  }
0xc3: {  	_ =	swait.ge [sflag:s6], $0x2800  }
0xc4: {  	[sflag:s6] =	ssyncset.done $0x0  }
0xc5: {  	s22 =	rddreg [dreg:$0x1c];
	[sflag:s6] =	ssyncadd.s32 $0xFFFFD800  }
0xc6: {  	[spmem:s22] =	stream.linear.scatter [tilespmem:s9], [sflag:$0xB], $0x50, $0x38;
	[tilespmem:$0x1E078] =	vst v63  }
0xc7: {  	_ =	swait.ge [sflag:s17], $0x50  }
0xc8: {  	[sflag:s17] =	ssyncset.done $0x0  }
0xc9: {  	s26 =	rddreg [dreg:$0x1d];
	[sflag:s17] =	ssyncadd.s32 $0xFFFFFFB0  }
0xca: {  	[spmem:s26] =	stream.linear.scatter [tilespmem:s31], [sflag:$0xC], $0x2800, $0x38;
	[tilespmem:$0x1E078] =	vst v63  }
0xcb: {  	_ =	swait.ge [sflag:s6], $0x2800  }
0xcc: {  	[sflag:s6] =	ssyncset.done $0x0  }
0xcd: {  	s20 =	rddreg [dreg:$0x1e];
	[sflag:s6] =	ssyncadd.s32 $0xFFFFD800  }
0xce: {  	[spmem:s20] =	stream.linear.scatter [tilespmem:s9], [sflag:$0xB], $0x50, $0x38;
	[tilespmem:$0x1E078] =	vst v63  }
0xcf: {  	_ =	swait.ge [sflag:s17], $0x50  }
0xd0: {  	[sflag:s17] =	ssyncset.done $0x0  }
0xd1: {  	s22 =	rddreg [dreg:$0x1f];
	[sflag:s17] =	ssyncadd.s32 $0xFFFFFFB0  }
0xd2: {  	[spmem:s22] =	stream.linear.scatter [tilespmem:s31], [sflag:$0xC], $0x2800, $0x38;
	[tilespmem:$0x1E078] =	vst v63  }
0xd3: {  	_ =	swait.ge [sflag:s6], $0x2800  }
0xd4: {  	s26 =	sld [smem:$0x7F7]  }
0xd5: {  	[sflag:s6] =	ssyncset.done $0x0  }
0xd6: {  	[sflag:s6] =	ssyncadd.s32 $0xFFFFD800  }
0xd7: {  	[spmem:s26] =	stream.linear.scatter [tilespmem:s9], [sflag:$0xB], $0x50, $0x38;
	[tilespmem:$0x1E078] =	vst v63  }
0xd8: {  	_ =	swait.ge [sflag:s17], $0x50  }
0xd9: {  	s6 =	sld [smem:$0x7F8]  }
0xda: {  	[sflag:s17] =	ssyncset.done $0x0  }
0xdb: {  	s5 =	simm.s32 @!p0 $0x4F00;
	[sflag:s17] =	ssyncadd.s32 $0xFFFFFFB0  }
0xdc: {  	[spmem:s6] =	stream.linear.scatter @!p0 [tilespmem:s5], [sflag:$0xC], $0x2800, $0x38;
	[tilespmem:$0x1E078] =	vst v63  }
0xdd: {  	s5 =	simm.s32 @!p0 $0xC  }
0xde: {  	_ =	swait.ge @!p0 [sflag:s5], $0x2800  }
0xdf: {  	s6 =	sld [smem:$0x7F9]  }
0xe0: {  	[sflag:s5] =	ssyncset.done @!p0 $0x0  }
0xe1: {  	[sflag:s5] =	ssyncadd.s32 @!p0 $0xFFFFD800;
	s5 =	simm.s32 @!p0 $0xA500  }
0xe2: {  	[spmem:s6] =	stream.linear.scatter @!p0 [tilespmem:s5], [sflag:$0xB], $0x50, $0x38;
	[tilespmem:$0x1E078] =	vst v63  }
0xe3: {  	s5 =	simm.s32 @!p0 $0xB  }
.Ltmp3:
0xe4: {  	_ =	swait.ge @!p0 [sflag:s5], $0x50;
	(pc) =	sbr.rel .LBB2_4-.Ltmp3, $4  }
0xe5: {  	[sflag:s5] =	ssyncset.done @!p0 $0x0  }
0xe6: {  	[sflag:s5] =	ssyncadd.s32 @!p0 $0xFFFFFFB0  }
0xe7: {  	[bflag:$0x0] =	sbarrier.arrive $0xFFFF  }
0xe8: {  	s20 =	simm.s32 $0x0  }
.LBB2_18:
0xe9: {  	s20 =	sadd.s32 $0x1, s20  }
.LBB2_4:
0xea: {  	_ =	swait.ge [sflag:s10], $0x100  }
0xeb: {  	p2 =	seq.s32 s20, $0x0;
	[sflag:s10] =	ssyncset.done $0x0  }
0xec: {  	s5 =	simm.s32 @!p2 $0x9;
	[sflag:s10] =	ssyncadd.s32 $0xFFFFFF00  }
0xed: {  	_ =	swait.ge @!p2 [sflag:s5], $0x50  }
0xee: {  	[sflag:s5] =	ssyncset.done @!p2 $0x0  }
0xef: {  	[sflag:s5] =	ssyncadd.s32 @!p2 $0xFFFFFFB0;
	s5 =	simm.s32 @!p2 $0x7  }
0xf0: {  	_ =	swait.ge @!p2 [sflag:s5], $0x2800  }
0xf1: {  	[sflag:s5] =	ssyncset.done @!p2 $0x0  }
0xf2: {  	[sflag:s5] =	ssyncadd.s32 @!p2 $0xFFFFD800  }
0xf3: {  	v1 =	vld [tilespmem:$0x9F00]  }
0xf4: {  	v2 =	vld [tilespmem:$0x9F80];
	_ =	sdelay $0x6  }
0xf5: {  	v1 =	vld.idx.msk [tilespmem:v1+s4+$0x0], $0xffff  }
0xf6: {  	v3 =	vld.idx.msk [tilespmem:v2+s29+$0x0], $0xffff;
	_ =	sdelay $0x4  }
0xf7: {  	v1 =	vadd.f32 v3, v1;
	_ =	sdelay $0x1  }
0xf8: {  	v3 =	vmul.f32 $2.000000030e-01, v1;
	_ =	sdelay $0x1  }
0xf9: {  	v1 =	vmax.f32 v1, v3  }
0xfa: {  	v1 =	vmul.f32 $1.442695020e+00, v1;
	_ =	sdelay $0x1  }
0xfb: {  	(erf) = vpow2.f32 v1;
	_ =	sdelay $0x2  }
0xfc: {  	v1 =	vld [tilespmem:$0x9F10]  }
0xfd: {  	v3 =	vld [tilespmem:$0x9F90];
	_ =	sdelay $0x4  }
0xfe: {  	[tilespmem:$0xA400] =	vst v2;
	v4 =	vpop (erf)  }
0xff: {  	[tilespmem:$0xA300] =	vst v4  }
0x100: {  	v1 =	vld.idx.msk [tilespmem:v1+s4+$0x0], $0xffff  }
0x101: {  	v2 =	vld.idx.msk [tilespmem:v3+s29+$0x0], $0xffff;
	_ =	sdelay $0x4  }
0x102: {  	v1 =	vadd.f32 v2, v1;
	_ =	sdelay $0x1  }
0x103: {  	v2 =	vmul.f32 $2.000000030e-01, v1;
	_ =	sdelay $0x1  }
0x104: {  	v1 =	vmax.f32 v1, v2  }
0x105: {  	v1 =	vmul.f32 $1.442695020e+00, v1;
	_ =	sdelay $0x1  }
0x106: {  	(erf) = vpow2.f32 v1;
	_ =	sdelay $0x2  }
0x107: {  	v1 =	vld [tilespmem:$0x9F20]  }
0x108: {  	v2 =	vld [tilespmem:$0x9FA0];
	_ =	sdelay $0x4  }
0x109: {  	[tilespmem:$0xA410] =	vst v3;
	v61 =	vpop (erf)  }
0x10a: {  	[tilespmem:$0xA310] =	vst v61  }
0x10b: {  	v1 =	vld.idx.msk [tilespmem:v1+s4+$0x0], $0xffff  }
0x10c: {  	v3 =	vld.idx.msk [tilespmem:v2+s29+$0x0], $0xffff;
	_ =	sdelay $0x4  }
0x10d: {  	v1 =	vadd.f32 v3, v1;
	_ =	sdelay $0x1  }
0x10e: {  	v3 =	vmul.f32 $2.000000030e-01, v1;
	_ =	sdelay $0x1  }
0x10f: {  	v1 =	vmax.f32 v1, v3  }
0x110: {  	v1 =	vmul.f32 $1.442695020e+00, v1;
	_ =	sdelay $0x1  }
0x111: {  	(erf) = vpow2.f32 v1;
	_ =	sdelay $0x2  }
0x112: {  	v1 =	vld [tilespmem:$0x9F30]  }
0x113: {  	v3 =	vld [tilespmem:$0x9FB0];
	_ =	sdelay $0x4  }
0x114: {  	[tilespmem:$0xA420] =	vst v2;
	v62 =	vpop (erf)  }
0x115: {  	[tilespmem:$0xA320] =	vst v62  }
0x116: {  	v1 =	vld.idx.msk [tilespmem:v1+s4+$0x0], $0xffff  }
0x117: {  	v2 =	vld.idx.msk [tilespmem:v3+s29+$0x0], $0xffff;
	_ =	sdelay $0x4  }
0x118: {  	v1 =	vadd.f32 v2, v1;
	_ =	sdelay $0x1  }
0x119: {  	v2 =	vmul.f32 $2.000000030e-01, v1;
	_ =	sdelay $0x1  }
0x11a: {  	v1 =	vmax.f32 v1, v2  }
0x11b: {  	v1 =	vmul.f32 $1.442695020e+00, v1;
	_ =	sdelay $0x1  }
0x11c: {  	(erf) = vpow2.f32 v1;
	_ =	sdelay $0x2  }
0x11d: {  	v1 =	vld [tilespmem:$0x9F40]  }
0x11e: {  	v2 =	vld [tilespmem:$0x9FC0];
	_ =	sdelay $0x4  }
0x11f: {  	[tilespmem:$0xA430] =	vst v3;
	v63 =	vpop (erf)  }
0x120: {  	[tilespmem:$0xA330] =	vst v63  }
0x121: {  	v1 =	vld.idx.msk [tilespmem:v1+s4+$0x0], $0xffff  }
0x122: {  	v3 =	vld.idx.msk [tilespmem:v2+s29+$0x0], $0xffff;
	_ =	sdelay $0x4  }
0x123: {  	v1 =	vadd.f32 v3, v1;
	_ =	sdelay $0x1  }
0x124: {  	v3 =	vmul.f32 $2.000000030e-01, v1;
	_ =	sdelay $0x1  }
0x125: {  	v1 =	vmax.f32 v1, v3  }
0x126: {  	v1 =	vmul.f32 $1.442695020e+00, v1;
	_ =	sdelay $0x1  }
0x127: {  	(erf) = vpow2.f32 v1;
	_ =	sdelay $0x5  }
0x128: {  	s17 =	sshll.u32 s20, $0x2  }
0x129: {  	s26 =	sadd.s32 $0xFFFFFFFF, s17  }
0x12a: {  	p3 =	sgt.u32 s26, $0x7C  }
.Ltmp4:
0x12b: {  	[tilespmem:$0xA440] =	vst v2;
	v1 =	vpop (erf);
	(pc) =	sbr.rel @p3 .LBB2_8-.Ltmp4, $4  }
0x12c: {  	[tilespmem:$0xA340] =	vst v1  }
0x12d: {  	[spmem:s3] =	stream.indirect.scatter.add.f32 [tilespmem:s13], [sflag:$0x9], $0x1, s12, s11, $0xb8;
	[tilespmem:$0x1E078] =	vst v63  }
0x12e: {  	_ = 	snop  }
0x12f: {  	[tilespmem:s31], [sflag:$0x5] =	stream.indirect.gather [hbm4b:s1+s11], $0x80, s19, s11, $0xb8;
	[tilespmem:$0x1E078] =	vst v63  }
0x130: {  	s5 =	simm.s32 $0x0  }
0x131: {  	s22 =	simm.s32 $0x2;
	v1 =	vmov s5  }
0x132: {  	_ =	swait.ge [sflag:s18], $0x2800;
	v2 =	vmov s22;
	v1 =	vand.u32 $0xFFFFFFFC, v1  }
0x133: {  	[sflag:s18] =	ssyncset.done $0x0;
	v2 =	vand.u32 $0xFFFFFFFE, v2;
	v1 =	vbroadcast v1, $0x0  }
0x134: {  	s6 =	simm.s32 $0x7800;
	[sflag:s18] =	ssyncadd.s32 $0xFFFFD800;
	v2 =	vbroadcast v2, $0x0  }
0x135: {  	v4 =	vld [tilespmem:s6+$0x70]  }
0x136: {  	v5 =	vld [tilespmem:s6+$0xFFFFFF00]  }
0x137: {  	s26 =	simm.s32 $0x1;
	v6 =	vld [tilespmem:s6+$0xFFFFFF10]  }
0x138: {  	v3 =	vmov s26;
	v7 =	vld [tilespmem:s6+$0xFFFFFF20]  }
0x139: {  	v3 =	vand.u32 $0xFFFFFFFD, v3;
	v1 =	vld.idx.msk [tilespmem:v1+s21+$0x0], $0xffff  }
0x13a: {  	v3 =	vbroadcast v3, $0x0;
	v2 =	vld.idx.msk [tilespmem:v2+s21+$0x0], $0xffff  }
0x13b: {  	v8 =	vld [tilespmem:s6+$0xFFFFFF30]  }
0x13c: {  	v9 =	vld [tilespmem:s6+$0xFFFFFF40]  }
0x13d: {  	v10 =	vld [tilespmem:s6+$0xFFFFFF50]  }
0x13e: {  	v11 =	vld [tilespmem:s6+$0xFFFFFF60];
	v5 =	vmul.f32 v5, v1  }
0x13f: {  	v13 =	vld [tilespmem:s6+$0x40];
	v4 =	vmul.f32 v4, v2  }
0x140: {  	v3 =	vld.idx.msk [tilespmem:v3+s21+$0x0], $0xffff;
	[tilespmem:s6+$0xFFFFFF00] =	vst v5;
	v5 =	vmul.f32 v6, v1  }
0x141: {  	v6 =	vld [tilespmem:s6+$0xFFFFFF70];
	[tilespmem:s6+$0x70] =	vst v4;
	v4 =	vmul.f32 v7, v1  }
0x142: {  	v7 =	vld [tilespmem:s6+$0xFFFFFF80];
	[tilespmem:s6+$0xFFFFFF10] =	vst v5;
	v5 =	vmul.f32 v8, v1  }
0x143: {  	v8 =	vld [tilespmem:s6+$0xFFFFFF90];
	[tilespmem:s6+$0xFFFFFF20] =	vst v4;
	v4 =	vmul.f32 v9, v1  }
0x144: {  	v9 =	vld [tilespmem:s6+$0xFFFFFFA0];
	[tilespmem:s6+$0xFFFFFF30] =	vst v5;
	v5 =	vmul.f32 v10, v1  }
0x145: {  	v10 =	vld [tilespmem:s6+$0xFFFFFFB0];
	[tilespmem:s6+$0xFFFFFF40] =	vst v4;
	v4 =	vmul.f32 v11, v1  }
0x146: {  	v11 =	vld [tilespmem:s6+$0xFFFFFFC0];
	v6 =	vmul.f32 v6, v1;
	[tilespmem:s6+$0xFFFFFF50] =	vst v5  }
0x147: {  	v5 =	vmul.f32 v7, v3;
	v7 =	vld [tilespmem:s6+$0xFFFFFFD0];
	[tilespmem:s6+$0xFFFFFF60] =	vst v4  }
0x148: {  	s9 =	simm.s32 $0x3;
	v4 =	vld [tilespmem:s6+$0xFFFFFFE0];
	v8 =	vmul.f32 v8, v3;
	[tilespmem:s6+$0xFFFFFF70] =	vst v6  }
0x149: {  	v12 =	vmov s9;
	v6 =	vld [tilespmem:s6+$0xFFFFFFF0];
	[tilespmem:s6+$0xFFFFFF80] =	vst v5;
	v5 =	vmul.f32 v9, v3  }
0x14a: {  	v9 =	vld [tilespmem:s6+$0x0];
	[tilespmem:s6+$0xFFFFFF90] =	vst v8;
	v8 =	vmul.f32 v10, v3  }
0x14b: {  	v10 =	vld [tilespmem:s6+$0x10];
	[tilespmem:s6+$0xFFFFFFA0] =	vst v5;
	v5 =	vmul.f32 v11, v3  }
0x14c: {  	[tilespmem:s6+$0xFFFFFFB0] =	vst v8;
	v7 =	vmul.f32 v7, v3;
	v8 =	vld [tilespmem:s6+$0x20]  }
0x14d: {  	v11 =	vld [tilespmem:s6+$0x30];
	v4 =	vmul.f32 v4, v3;
	[tilespmem:s6+$0xFFFFFFC0] =	vst v5  }
0x14e: {  	v1 =	vld.idx.msk [tilespmem:v12+s21+$0x0], $0xffff;
	v3 =	vmul.f32 v6, v3;
	[tilespmem:s6+$0xFFFFFFD0] =	vst v7  }
0x14f: {  	[tilespmem:s6+$0xFFFFFFE0] =	vst v4;
	v5 =	vmul.f32 v9, v2;
	v4 =	vld [tilespmem:s6+$0x50]  }
0x150: {  	s22 =	simm.s32 $0x4;
	[tilespmem:s6+$0xFFFFFFF0] =	vst v3;
	v6 =	vmul.f32 v10, v2;
	v3 =	vld [tilespmem:s6+$0x60]  }
0x151: {  	s26 =	simm.s32 $0x7;
	v7 =	vmov s22;
	[tilespmem:s6+$0x0] =	vst v5;
	v9 =	vmul.f32 v8, v2;
	v8 =	vld [tilespmem:s6+$0x80]  }
0x152: {  	s22 =	simm.s32 $0x5;
	v12 =	vand.u32 $0xFFFFFFFC, v7;
	v7 =	vld [tilespmem:s6+$0x90];
	v5 =	vmov s26;
	v10 =	vmul.f32 v11, v2;
	[tilespmem:s6+$0x10] =	vst v6  }
0x153: {  	s5 =	simm.s32 $0x8;
	s26 =	simm.s32 $0x6;
	v11 =	vmul.f32 v13, v2;
	v6 =	vbroadcast v12, $0x0;
	v12 =	vmov s22;
	s22 =	simm.s32 $0x7800;
	[tilespmem:s6+$0x20] =	vst v9;
	v9 =	vld [tilespmem:s6+$0xA0]  }
.LBB2_6:
0x154: {  	p3 =	slt.u32 s5, $0x4C;
	v12 =	vand.u32 $0xFFFFFFFD, v12;
	v13 =	vmov s26;
	[tilespmem:s6+$0x30] =	vst v10;
	v4 =	vmul.f32 v4, v2;
	v10 =	vld [tilespmem:s6+$0xB0]  }
0x155: {  	v12 =	vbroadcast v12, $0x0;
	v13 =	vand.u32 $0xFFFFFFFE, v13;
	[tilespmem:s6+$0x40] =	vst v11;
	v2 =	vmul.f32 v3, v2;
	v3 =	vld [tilespmem:s6+$0xC0]  }
0x156: {  	v11 =	vbroadcast v13, $0x0;
	[tilespmem:s6+$0x50] =	vst v4;
	v4 =	vmul.f32 v8, v1;
	v8 =	vld [tilespmem:s6+$0xD0]  }
0x157: {  	[tilespmem:s6+$0x60] =	vst v2;
	v2 =	vmul.f32 v7, v1;
	v7 =	vld [tilespmem:s6+$0xE0]  }
0x158: {  	[tilespmem:s6+$0x80] =	vst v4;
	v4 =	vmul.f32 v9, v1;
	v9 =	vld [tilespmem:s6+$0xF0]  }
0x159: {  	v5 =	vld.idx.msk [tilespmem:v5+s21+$0x0], $0xffff;
	[tilespmem:s6+$0x90] =	vst v2;
	v2 =	vmul.f32 v10, v1  }
0x15a: {  	v6 =	vld.idx.msk [tilespmem:v6+s21+$0x0], $0xffff;
	[tilespmem:s6+$0xA0] =	vst v4;
	v3 =	vmul.f32 v3, v1  }
0x15b: {  	v4 =	vld.idx.msk [tilespmem:v12+s21+$0x0], $0xffff;
	[tilespmem:s6+$0xB0] =	vst v2;
	v8 =	vmul.f32 v8, v1  }
0x15c: {  	s6 =	sadd.s32 $0x200, s6;
	v2 =	vld.idx.msk [tilespmem:v11+s21+$0x0], $0xffff;
	[tilespmem:s22+$0xC0] =	vst v3;
	v3 =	vmul.f32 v7, v1  }
0x15d: {  	v7 =	vld [tilespmem:s6+$0x70];
	[tilespmem:s22+$0xD0] =	vst v8;
	v9 =	vmul.f32 v9, v1  }
0x15e: {  	v8 =	vld [tilespmem:s6+$0xFFFFFF00];
	[tilespmem:s22+$0xE0] =	vst v3  }
0x15f: {  	v1 =	vmov v5;
	v3 =	vld [tilespmem:s6+$0xFFFFFF10];
	[tilespmem:s22+$0xF0] =	vst v9;
	s22 =	smov.u32 s6  }
0x160: {  	v5 =	vld [tilespmem:s6+$0xFFFFFF20]  }
0x161: {  	v9 =	vld [tilespmem:s6+$0xFFFFFF30]  }
0x162: {  	v10 =	vld [tilespmem:s6+$0xFFFFFF40];
	v7 =	vmul.f32 v7, v2  }
0x163: {  	v8 =	vmul.f32 v8, v6;
	v11 =	vld [tilespmem:s6+$0xFFFFFF50]  }
0x164: {  	v3 =	vmul.f32 v3, v6;
	v12 =	vld [tilespmem:s6+$0xFFFFFF60];
	[tilespmem:s6+$0x70] =	vst v7  }
0x165: {  	[tilespmem:s6+$0xFFFFFF00] =	vst v8;
	v5 =	vmul.f32 v5, v6;
	v7 =	vld [tilespmem:s6+$0xFFFFFF70]  }
0x166: {  	[tilespmem:s6+$0xFFFFFF10] =	vst v3;
	v3 =	vmul.f32 v9, v6;
	v8 =	vld [tilespmem:s6+$0xFFFFFF80]  }
0x167: {  	[tilespmem:s6+$0xFFFFFF20] =	vst v5;
	v5 =	vmul.f32 v10, v6;
	v9 =	vld [tilespmem:s6+$0xFFFFFF90]  }
0x168: {  	[tilespmem:s6+$0xFFFFFF30] =	vst v3;
	v3 =	vmul.f32 v11, v6;
	v10 =	vld [tilespmem:s6+$0xFFFFFFA0]  }
0x169: {  	[tilespmem:s6+$0xFFFFFF40] =	vst v5;
	v5 =	vmul.f32 v12, v6;
	v11 =	vld [tilespmem:s6+$0xFFFFFFB0]  }
0x16a: {  	[tilespmem:s6+$0xFFFFFF50] =	vst v3;
	v3 =	vmul.f32 v7, v6;
	v6 =	vld [tilespmem:s6+$0xFFFFFFC0]  }
0x16b: {  	[tilespmem:s6+$0xFFFFFF60] =	vst v5;
	v5 =	vmul.f32 v8, v4;
	v7 =	vld [tilespmem:s6+$0xFFFFFFD0]  }
0x16c: {  	[tilespmem:s6+$0xFFFFFF70] =	vst v3;
	v3 =	vmul.f32 v9, v4;
	v8 =	vld [tilespmem:s6+$0xFFFFFFE0]  }
0x16d: {  	[tilespmem:s6+$0xFFFFFF80] =	vst v5;
	v5 =	vmul.f32 v10, v4;
	v9 =	vld [tilespmem:s6+$0xFFFFFFF0]  }
0x16e: {  	[tilespmem:s6+$0xFFFFFF90] =	vst v3;
	v3 =	vmul.f32 v11, v4;
	v10 =	vld [tilespmem:s6+$0x0]  }
0x16f: {  	[tilespmem:s6+$0xFFFFFFA0] =	vst v5;
	v5 =	vmul.f32 v6, v4;
	v6 =	vld [tilespmem:s6+$0x10]  }
0x170: {  	[tilespmem:s6+$0xFFFFFFB0] =	vst v3;
	v3 =	vmul.f32 v7, v4;
	v7 =	vld [tilespmem:s6+$0x20]  }
0x171: {  	[tilespmem:s6+$0xFFFFFFC0] =	vst v5;
	v5 =	vmul.f32 v8, v4;
	v11 =	vld [tilespmem:s6+$0x30]  }
0x172: {  	[tilespmem:s6+$0xFFFFFFD0] =	vst v3;
	v3 =	vmul.f32 v9, v4;
	v9 =	vld [tilespmem:s6+$0x40]  }
.Ltmp5:
0x173: {  	[tilespmem:s6+$0xFFFFFFE0] =	vst v5;
	v5 =	vmul.f32 v10, v2;
	v4 =	vld [tilespmem:s6+$0x50];
	(pc) =	sbr.rel @p3 .LBB2_6-.Ltmp5, $4  }
0x174: {  	[tilespmem:s6+$0xFFFFFFF0] =	vst v3;
	v6 =	vmul.f32 v6, v2;
	v3 =	vld [tilespmem:s6+$0x60]  }
0x175: {  	s26 =	sadd.s32 $0x3, s5;
	v10 =	vmov s5;
	[tilespmem:s6+$0x0] =	vst v5;
	v13 =	vmul.f32 v7, v2;
	v8 =	vld [tilespmem:s6+$0x80]  }
0x176: {  	s9 =	sadd.s32 $0x1, s5;
	v12 =	vand.u32 $0xFFFFFFFC, v10;
	v5 =	vmov s26;
	[tilespmem:s6+$0x10] =	vst v6;
	v10 =	vmul.f32 v11, v2;
	v7 =	vld [tilespmem:s6+$0x90]  }
0x177: {  	s26 =	sadd.s32 $0x2, s5;
	s5 =	sadd.s32 $0x4, s5;
	v6 =	vbroadcast v12, $0x0;
	v12 =	vmov s9;
	[tilespmem:s6+$0x20] =	vst v13;
	v11 =	vmul.f32 v9, v2;
	v9 =	vld [tilespmem:s6+$0xA0]  }
0x178: {  	v13 =	vld [tilespmem:s6+$0xB0]  }
0x179: {  	v15 =	vld [tilespmem:s6+$0xC0]  }
0x17a: {  	v16 =	vld [tilespmem:s6+$0xD0]  }
0x17b: {  	v17 =	vld [tilespmem:s6+$0xE0]  }
0x17c: {  	v29 =	vld [tilespmem:s6+$0xF0];
	[tilespmem:s6+$0x30] =	vst v10;
	v4 =	vmul.f32 v4, v2  }
0x17d: {  	v5 =	vld.idx.msk [tilespmem:v5+s21+$0x0], $0xffff;
	[tilespmem:s6+$0x40] =	vst v11;
	v2 =	vmul.f32 v3, v2  }
0x17e: {  	s5 =	sadd.s32 $0x200, s6;
	v3 =	vld.idx.msk [tilespmem:v6+s21+$0x0], $0xffff;
	v8 =	vmul.f32 v8, v1;
	[tilespmem:s6+$0x50] =	vst v4  }
0x17f: {  	v14 =	vmov s26;
	v34 =	vld [tilespmem:s5+$0x70];
	v30 =	vmul.f32 v7, v1;
	[tilespmem:s6+$0x60] =	vst v2  }
0x180: {  	v14 =	vand.u32 $0xFFFFFFFE, v14;
	v35 =	vld [tilespmem:s5+$0xFFFFFF00];
	[tilespmem:s6+$0x80] =	vst v8;
	v2 =	vmul.f32 v9, v1  }
0x181: {  	v37 =	vld [tilespmem:s5+$0xFFFFFF10];
	v14 =	vbroadcast v14, $0x0;
	[tilespmem:s6+$0x90] =	vst v30;
	v33 =	vmul.f32 v13, v1  }
0x182: {  	v38 =	vld [tilespmem:s5+$0xFFFFFF20];
	[tilespmem:s6+$0xA0] =	vst v2;
	v2 =	vmul.f32 v15, v1  }
0x183: {  	v12 =	vand.u32 $0xFFFFFFFD, v12;
	v39 =	vld [tilespmem:s5+$0xFFFFFF30];
	v36 =	vmul.f32 v16, v1;
	[tilespmem:s6+$0xB0] =	vst v33  }
0x184: {  	v12 =	vbroadcast v12, $0x0;
	v41 =	vld [tilespmem:s5+$0xFFFFFF50];
	[tilespmem:s22+$0xC0] =	vst v2;
	v2 =	vmul.f32 v17, v1  }
0x185: {  	v43 =	vld [tilespmem:s5+$0xFFFFFF60];
	[tilespmem:s22+$0xD0] =	vst v36;
	v1 =	vmul.f32 v29, v1  }
0x186: {  	v42 =	vmul.f32 v37, v3;
	[tilespmem:s22+$0xE0] =	vst v2;
	v2 =	vld [tilespmem:s5+$0xFFFFFF40]  }
0x187: {  	v32 =	vld.idx.msk [tilespmem:v14+s21+$0x0], $0xffff;
	[tilespmem:s22+$0xF0] =	vst v1;
	v1 =	vmul.f32 v35, v3  }
0x188: {  	v44 =	vld [tilespmem:s5+$0xFFFFFF70];
	v4 =	vmul.f32 v39, v3;
	[tilespmem:s5+$0xFFFFFF10] =	vst v42  }
0x189: {  	v45 =	vld [tilespmem:s5+$0xFFFFFF80];
	[tilespmem:s5+$0xFFFFFF00] =	vst v1;
	v1 =	vmul.f32 v38, v3  }
0x18a: {  	v46 =	vmul.f32 v41, v3;
	v31 =	vld.idx.msk [tilespmem:v12+s21+$0x0], $0xffff;
	[tilespmem:s5+$0xFFFFFF30] =	vst v4  }
0x18b: {  	[tilespmem:s5+$0xFFFFFF20] =	vst v1;
	v1 =	vmul.f32 v2, v3;
	v2 =	vld [tilespmem:s5+$0xFFFFFF90]  }
0x18c: {  	v47 =	vld [tilespmem:s5+$0xFFFFFFA0];
	[tilespmem:s5+$0xFFFFFF50] =	vst v46;
	v40 =	vmul.f32 v34, v32  }
0x18d: {  	v48 =	vld [tilespmem:s5+$0xFFFFFFB0];
	[tilespmem:s5+$0xFFFFFF40] =	vst v1;
	v1 =	vmul.f32 v43, v3  }
0x18e: {  	v49 =	vld [tilespmem:s5+$0xFFFFFFC0];
	[tilespmem:s5+$0x70] =	vst v40;
	v3 =	vmul.f32 v44, v3  }
0x18f: {  	v50 =	vld [tilespmem:s5+$0xFFFFFFD0];
	[tilespmem:s5+$0xFFFFFF60] =	vst v1;
	v1 =	vmul.f32 v45, v31  }
0x190: {  	[tilespmem:s5+$0xFFFFFF70] =	vst v3;
	v3 =	vld [tilespmem:s5+$0xFFFFFFE0];
	v2 =	vmul.f32 v2, v31  }
0x191: {  	v51 =	vld [tilespmem:s5+$0xFFFFFFF0];
	[tilespmem:s5+$0xFFFFFF80] =	vst v1;
	v1 =	vmul.f32 v47, v31  }
0x192: {  	v52 =	vld [tilespmem:s5+$0x0];
	[tilespmem:s5+$0xFFFFFF90] =	vst v2;
	v2 =	vmul.f32 v48, v31  }
0x193: {  	v53 =	vld [tilespmem:s5+$0x10];
	[tilespmem:s5+$0xFFFFFFA0] =	vst v1;
	v1 =	vmul.f32 v49, v31  }
0x194: {  	v54 =	vld [tilespmem:s5+$0x20];
	[tilespmem:s5+$0xFFFFFFB0] =	vst v2;
	v2 =	vmul.f32 v50, v31  }
0x195: {  	[tilespmem:s5+$0xFFFFFFC0] =	vst v1;
	v1 =	vmul.f32 v3, v31;
	v3 =	vld [tilespmem:s5+$0x30]  }
0x196: {  	v55 =	vld [tilespmem:s5+$0x40];
	[tilespmem:s5+$0xFFFFFFD0] =	vst v2;
	v2 =	vmul.f32 v51, v31  }
0x197: {  	v56 =	vld [tilespmem:s5+$0x50];
	[tilespmem:s5+$0xFFFFFFE0] =	vst v1;
	v1 =	vmul.f32 v52, v32  }
0x198: {  	v57 =	vld [tilespmem:s5+$0x60];
	[tilespmem:s5+$0xFFFFFFF0] =	vst v2;
	v2 =	vmul.f32 v53, v32  }
0x199: {  	v58 =	vld [tilespmem:s5+$0x80];
	[tilespmem:s5+$0x0] =	vst v1;
	v1 =	vmul.f32 v54, v32  }
0x19a: {  	[tilespmem:s5+$0x10] =	vst v2;
	v2 =	vmul.f32 v3, v32;
	v3 =	vld [tilespmem:s5+$0x90]  }
0x19b: {  	v59 =	vld [tilespmem:s5+$0xA0];
	[tilespmem:s5+$0x20] =	vst v1;
	v1 =	vmul.f32 v55, v32  }
0x19c: {  	v60 =	vld [tilespmem:s5+$0xB0];
	[tilespmem:s5+$0x30] =	vst v2;
	v2 =	vmul.f32 v56, v32  }
0x19d: {  	v61 =	vld [tilespmem:s5+$0xC0];
	[tilespmem:s5+$0x40] =	vst v1;
	v1 =	vmul.f32 v57, v32  }
0x19e: {  	v62 =	vld [tilespmem:s5+$0xD0];
	[tilespmem:s5+$0x50] =	vst v2;
	v2 =	vmul.f32 v58, v5  }
0x19f: {  	[tilespmem:s5+$0x60] =	vst v1;
	v1 =	vmul.f32 v3, v5;
	v3 =	vld [tilespmem:s5+$0xE0]  }
0x1a0: {  	v63 =	vld [tilespmem:s5+$0xF0];
	[tilespmem:s5+$0x80] =	vst v2;
	v2 =	vmul.f32 v59, v5  }
0x1a1: {  	[tilespmem:s5+$0x90] =	vst v1;
	v1 =	vmul.f32 v60, v5  }
0x1a2: {  	[tilespmem:s5+$0xA0] =	vst v2;
	v2 =	vmul.f32 v61, v5  }
0x1a3: {  	[tilespmem:s5+$0xB0] =	vst v1;
	v1 =	vmul.f32 v62, v5  }
0x1a4: {  	[tilespmem:s5+$0xC0] =	vst v2;
	v2 =	vmul.f32 v3, v5  }
0x1a5: {  	[tilespmem:s5+$0xD0] =	vst v1;
	v1 =	vmul.f32 v63, v5  }
0x1a6: {  	[tilespmem:s5+$0xE0] =	vst v2  }
0x1a7: {  	[tilespmem:s5+$0xF0] =	vst v1;
	s5 =	sor.u32 $0x3, s17  }
0x1a8: {  	[spmem:s2] =	stream.indirect.scatter.add.f32 [tilespmem:s25], [sflag:$0x8], $0x80, s23, s11, $0xb8;
	[tilespmem:$0x1E078] =	vst v63  }
0x1a9: {  	p3 =	sgt.u32 s5, $0x7C  }
0x1aa: {  	s6 =	rddreg [dreg:$0x5];
	s5 =	sshll.u32 @!p3 s5, $0x8  }
0x1ab: {  	s5 =	sadd.s32 @!p3 s6, s5  }
0x1ac: {  	s5 =	sshrl.u32 @!p3 s5, $0x3  }
0x1ad: {  	s9 =	simm.s32 @!p3 $0xA200;
	s6 =	simm.s32 @!p3 $0x0;
	s5 =	sadd.s32 @!p3 s15, s5  }
0x1ae: {  	[tilespmem:s9], [sflag:$0x4] =	stream.linear.gather @!p3 [hbm4b:s5+s6], $0x100, $0x38;
	[tilespmem:$0x1E078] =	vst v63  }
0x1af: {  	p3 =	sgt.u32 s20, $0x1E  }
.Ltmp6:
0x1b0: {  	_ = 	snop;
	(pc) =	sbr.rel @p3 .LBB2_9-.Ltmp6, $1  }
0x1b1: {  	_ =	sdelay $0x3  }
.LBB2_8:
0x1b2: {  	_ =	swait.ge [sflag:s28], $0x100  }
0x1b3: {  	[sflag:s28] =	ssyncset.done $0x0  }
0x1b4: {  	s5 =	simm.s32 @!p2 $0xA;
	[sflag:s28] =	ssyncadd.s32 $0xFFFFFF00  }
0x1b5: {  	_ =	swait.ge @!p2 [sflag:s5], $0x50  }
0x1b6: {  	[sflag:s5] =	ssyncset.done @!p2 $0x0  }
0x1b7: {  	[sflag:s5] =	ssyncadd.s32 @!p2 $0xFFFFFFB0;
	s5 =	simm.s32 @!p2 $0x8  }
0x1b8: {  	_ =	swait.ge @!p2 [sflag:s5], $0x2800  }
0x1b9: {  	[sflag:s5] =	ssyncset.done @!p2 $0x0  }
0x1ba: {  	[sflag:s5] =	ssyncadd.s32 @!p2 $0xFFFFD800  }
0x1bb: {  	v1 =	vld [tilespmem:$0xA000]  }
0x1bc: {  	v2 =	vld [tilespmem:$0xA080];
	_ =	sdelay $0x6  }
0x1bd: {  	v1 =	vld.idx.msk [tilespmem:v1+s4+$0x0], $0xffff  }
0x1be: {  	v3 =	vld.idx.msk [tilespmem:v2+s29+$0x0], $0xffff;
	_ =	sdelay $0x4  }
0x1bf: {  	v1 =	vadd.f32 v3, v1;
	_ =	sdelay $0x1  }
0x1c0: {  	v3 =	vmul.f32 $2.000000030e-01, v1;
	_ =	sdelay $0x1  }
0x1c1: {  	v1 =	vmax.f32 v1, v3  }
0x1c2: {  	v1 =	vmul.f32 $1.442695020e+00, v1;
	_ =	sdelay $0x1  }
0x1c3: {  	(erf) = vpow2.f32 v1;
	_ =	sdelay $0x2  }
0x1c4: {  	v1 =	vld [tilespmem:$0xA010]  }
0x1c5: {  	v3 =	vld [tilespmem:$0xA090];
	_ =	sdelay $0x4  }
0x1c6: {  	[tilespmem:$0xA480] =	vst v2;
	v4 =	vpop (erf)  }
0x1c7: {  	[tilespmem:$0xA380] =	vst v4  }
0x1c8: {  	v1 =	vld.idx.msk [tilespmem:v1+s4+$0x0], $0xffff  }
0x1c9: {  	v2 =	vld.idx.msk [tilespmem:v3+s29+$0x0], $0xffff;
	_ =	sdelay $0x4  }
0x1ca: {  	v1 =	vadd.f32 v2, v1;
	_ =	sdelay $0x1  }
0x1cb: {  	v2 =	vmul.f32 $2.000000030e-01, v1;
	_ =	sdelay $0x1  }
0x1cc: {  	v1 =	vmax.f32 v1, v2  }
0x1cd: {  	v1 =	vmul.f32 $1.442695020e+00, v1;
	_ =	sdelay $0x1  }
0x1ce: {  	(erf) = vpow2.f32 v1;
	_ =	sdelay $0x2  }
0x1cf: {  	v1 =	vld [tilespmem:$0xA020]  }
0x1d0: {  	v2 =	vld [tilespmem:$0xA0A0];
	_ =	sdelay $0x4  }
0x1d1: {  	[tilespmem:$0xA490] =	vst v3;
	v61 =	vpop (erf)  }
0x1d2: {  	[tilespmem:$0xA390] =	vst v61  }
0x1d3: {  	v1 =	vld.idx.msk [tilespmem:v1+s4+$0x0], $0xffff  }
0x1d4: {  	v3 =	vld.idx.msk [tilespmem:v2+s29+$0x0], $0xffff;
	_ =	sdelay $0x4  }
0x1d5: {  	v1 =	vadd.f32 v3, v1;
	_ =	sdelay $0x1  }
0x1d6: {  	v3 =	vmul.f32 $2.000000030e-01, v1;
	_ =	sdelay $0x1  }
0x1d7: {  	v1 =	vmax.f32 v1, v3  }
0x1d8: {  	v1 =	vmul.f32 $1.442695020e+00, v1;
	_ =	sdelay $0x1  }
0x1d9: {  	(erf) = vpow2.f32 v1;
	_ =	sdelay $0x2  }
0x1da: {  	v1 =	vld [tilespmem:$0xA030]  }
0x1db: {  	v3 =	vld [tilespmem:$0xA0B0];
	_ =	sdelay $0x4  }
0x1dc: {  	[tilespmem:$0xA4A0] =	vst v2;
	v62 =	vpop (erf)  }
0x1dd: {  	[tilespmem:$0xA3A0] =	vst v62  }
0x1de: {  	v1 =	vld.idx.msk [tilespmem:v1+s4+$0x0], $0xffff  }
0x1df: {  	v2 =	vld.idx.msk [tilespmem:v3+s29+$0x0], $0xffff;
	_ =	sdelay $0x4  }
0x1e0: {  	v1 =	vadd.f32 v2, v1;
	_ =	sdelay $0x1  }
0x1e1: {  	v2 =	vmul.f32 $2.000000030e-01, v1;
	_ =	sdelay $0x1  }
0x1e2: {  	v1 =	vmax.f32 v1, v2  }
0x1e3: {  	v1 =	vmul.f32 $1.442695020e+00, v1;
	_ =	sdelay $0x1  }
0x1e4: {  	(erf) = vpow2.f32 v1;
	_ =	sdelay $0x2  }
0x1e5: {  	v1 =	vld [tilespmem:$0xA040]  }
0x1e6: {  	v2 =	vld [tilespmem:$0xA0C0];
	_ =	sdelay $0x4  }
0x1e7: {  	[tilespmem:$0xA4B0] =	vst v3;
	v63 =	vpop (erf)  }
0x1e8: {  	[tilespmem:$0xA3B0] =	vst v63  }
0x1e9: {  	v1 =	vld.idx.msk [tilespmem:v1+s4+$0x0], $0xffff  }
0x1ea: {  	v3 =	vld.idx.msk [tilespmem:v2+s29+$0x0], $0xffff;
	_ =	sdelay $0x4  }
0x1eb: {  	v1 =	vadd.f32 v3, v1;
	_ =	sdelay $0x1  }
0x1ec: {  	v3 =	vmul.f32 $2.000000030e-01, v1;
	_ =	sdelay $0x1  }
0x1ed: {  	v1 =	vmax.f32 v1, v3  }
0x1ee: {  	v1 =	vmul.f32 $1.442695020e+00, v1;
	_ =	sdelay $0x1  }
0x1ef: {  	(erf) = vpow2.f32 v1;
	_ =	sdelay $0x8  }
0x1f0: {  	[tilespmem:$0xA4C0] =	vst v2;
	v1 =	vpop (erf)  }
0x1f1: {  	[tilespmem:$0xA3C0] =	vst v1  }
0x1f2: {  	[spmem:s3] =	stream.indirect.scatter.add.f32 [tilespmem:s21], [sflag:$0xA], $0x1, s23, s11, $0xb8;
	[tilespmem:$0x1E078] =	vst v63  }
0x1f3: {  	s26 =	simm.s32 $0xA000  }
0x1f4: {  	[tilespmem:s25], [sflag:$0x6] =	stream.indirect.gather [hbm4b:s1+s11], $0x80, s26, s11, $0xb8;
	[tilespmem:$0x1E078] =	vst v63  }
.LBB2_9:
0x1f5: {  	s5 =	simm.s32 $0x0  }
0x1f6: {  	s6 =	simm.s32 $0x2;
	v1 =	vmov s5  }
0x1f7: {  	_ =	swait.ge [sflag:s30], $0x2800;
	v2 =	vmov s6;
	v1 =	vand.u32 $0xFFFFFFFC, v1  }
0x1f8: {  	[sflag:s30] =	ssyncset.done $0x0;
	v2 =	vand.u32 $0xFFFFFFFE, v2;
	v1 =	vbroadcast v1, $0x0  }
0x1f9: {  	s6 =	simm.s32 $0x5000;
	[sflag:s30] =	ssyncadd.s32 $0xFFFFD800;
	v2 =	vbroadcast v2, $0x0  }
0x1fa: {  	v4 =	vld [tilespmem:s6+$0x70]  }
0x1fb: {  	v5 =	vld [tilespmem:s6+$0xFFFFFF00]  }
0x1fc: {  	s9 =	simm.s32 $0x1;
	v6 =	vld [tilespmem:s6+$0xFFFFFF10]  }
0x1fd: {  	v3 =	vmov s9;
	v7 =	vld [tilespmem:s6+$0xFFFFFF20]  }
0x1fe: {  	v3 =	vand.u32 $0xFFFFFFFD, v3;
	v1 =	vld.idx.msk [tilespmem:v1+s13+$0x0], $0xffff  }
0x1ff: {  	v3 =	vbroadcast v3, $0x0;
	v2 =	vld.idx.msk [tilespmem:v2+s13+$0x0], $0xffff  }
0x200: {  	v8 =	vld [tilespmem:s6+$0xFFFFFF30]  }
0x201: {  	v9 =	vld [tilespmem:s6+$0xFFFFFF40]  }
0x202: {  	v10 =	vld [tilespmem:s6+$0xFFFFFF50]  }
0x203: {  	v11 =	vld [tilespmem:s6+$0xFFFFFF60];
	v5 =	vmul.f32 v5, v1  }
0x204: {  	v13 =	vld [tilespmem:s6+$0x40];
	v4 =	vmul.f32 v4, v2  }
0x205: {  	v3 =	vld.idx.msk [tilespmem:v3+s13+$0x0], $0xffff;
	[tilespmem:s6+$0xFFFFFF00] =	vst v5;
	v5 =	vmul.f32 v6, v1  }
0x206: {  	v6 =	vld [tilespmem:s6+$0xFFFFFF70];
	[tilespmem:s6+$0x70] =	vst v4;
	v4 =	vmul.f32 v7, v1  }
0x207: {  	v7 =	vld [tilespmem:s6+$0xFFFFFF80];
	[tilespmem:s6+$0xFFFFFF10] =	vst v5;
	v5 =	vmul.f32 v8, v1  }
0x208: {  	v8 =	vld [tilespmem:s6+$0xFFFFFF90];
	[tilespmem:s6+$0xFFFFFF20] =	vst v4;
	v4 =	vmul.f32 v9, v1  }
0x209: {  	v9 =	vld [tilespmem:s6+$0xFFFFFFA0];
	[tilespmem:s6+$0xFFFFFF30] =	vst v5;
	v5 =	vmul.f32 v10, v1  }
0x20a: {  	v10 =	vld [tilespmem:s6+$0xFFFFFFB0];
	[tilespmem:s6+$0xFFFFFF40] =	vst v4;
	v4 =	vmul.f32 v11, v1  }
0x20b: {  	v11 =	vld [tilespmem:s6+$0xFFFFFFC0];
	v6 =	vmul.f32 v6, v1;
	[tilespmem:s6+$0xFFFFFF50] =	vst v5  }
0x20c: {  	v5 =	vmul.f32 v7, v3;
	v7 =	vld [tilespmem:s6+$0xFFFFFFD0];
	[tilespmem:s6+$0xFFFFFF60] =	vst v4  }
0x20d: {  	s17 =	simm.s32 $0x3;
	v4 =	vld [tilespmem:s6+$0xFFFFFFE0];
	v8 =	vmul.f32 v8, v3;
	[tilespmem:s6+$0xFFFFFF70] =	vst v6  }
0x20e: {  	v12 =	vmov s17;
	v6 =	vld [tilespmem:s6+$0xFFFFFFF0];
	[tilespmem:s6+$0xFFFFFF80] =	vst v5;
	v5 =	vmul.f32 v9, v3  }
0x20f: {  	v9 =	vld [tilespmem:s6+$0x0];
	[tilespmem:s6+$0xFFFFFF90] =	vst v8;
	v8 =	vmul.f32 v10, v3  }
0x210: {  	v10 =	vld [tilespmem:s6+$0x10];
	[tilespmem:s6+$0xFFFFFFA0] =	vst v5;
	v5 =	vmul.f32 v11, v3  }
0x211: {  	[tilespmem:s6+$0xFFFFFFB0] =	vst v8;
	v7 =	vmul.f32 v7, v3;
	v8 =	vld [tilespmem:s6+$0x20]  }
0x212: {  	v11 =	vld [tilespmem:s6+$0x30];
	v4 =	vmul.f32 v4, v3;
	[tilespmem:s6+$0xFFFFFFC0] =	vst v5  }
0x213: {  	v1 =	vld.idx.msk [tilespmem:v12+s13+$0x0], $0xffff;
	v3 =	vmul.f32 v6, v3;
	[tilespmem:s6+$0xFFFFFFD0] =	vst v7  }
0x214: {  	[tilespmem:s6+$0xFFFFFFE0] =	vst v4;
	v5 =	vmul.f32 v9, v2;
	v4 =	vld [tilespmem:s6+$0x50]  }
0x215: {  	s22 =	simm.s32 $0x4;
	[tilespmem:s6+$0xFFFFFFF0] =	vst v3;
	v6 =	vmul.f32 v10, v2;
	v3 =	vld [tilespmem:s6+$0x60]  }
0x216: {  	s26 =	simm.s32 $0x7;
	v7 =	vmov s22;
	[tilespmem:s6+$0x0] =	vst v5;
	v9 =	vmul.f32 v8, v2;
	v8 =	vld [tilespmem:s6+$0x80]  }
0x217: {  	s9 =	simm.s32 $0x5;
	v12 =	vand.u32 $0xFFFFFFFC, v7;
	v7 =	vld [tilespmem:s6+$0x90];
	v5 =	vmov s26;
	v10 =	vmul.f32 v11, v2;
	[tilespmem:s6+$0x10] =	vst v6  }
0x218: {  	s5 =	simm.s32 $0x8;
	s17 =	simm.s32 $0x5000;
	s22 =	simm.s32 $0x6;
	v11 =	vmul.f32 v13, v2;
	v6 =	vbroadcast v12, $0x0;
	v12 =	vmov s9;
	[tilespmem:s6+$0x20] =	vst v9;
	v9 =	vld [tilespmem:s6+$0xA0]  }
.LBB2_10:
0x219: {  	p2 =	slt.u32 s5, $0x4C;
	v12 =	vand.u32 $0xFFFFFFFD, v12;
	v13 =	vmov s22;
	[tilespmem:s6+$0x30] =	vst v10;
	v4 =	vmul.f32 v4, v2;
	v10 =	vld [tilespmem:s6+$0xB0]  }
0x21a: {  	v12 =	vbroadcast v12, $0x0;
	v13 =	vand.u32 $0xFFFFFFFE, v13;
	[tilespmem:s6+$0x40] =	vst v11;
	v2 =	vmul.f32 v3, v2;
	v3 =	vld [tilespmem:s6+$0xC0]  }
0x21b: {  	v11 =	vbroadcast v13, $0x0;
	[tilespmem:s6+$0x50] =	vst v4;
	v4 =	vmul.f32 v8, v1;
	v8 =	vld [tilespmem:s6+$0xD0]  }
0x21c: {  	[tilespmem:s6+$0x60] =	vst v2;
	v2 =	vmul.f32 v7, v1;
	v7 =	vld [tilespmem:s6+$0xE0]  }
0x21d: {  	[tilespmem:s6+$0x80] =	vst v4;
	v4 =	vmul.f32 v9, v1;
	v9 =	vld [tilespmem:s6+$0xF0]  }
0x21e: {  	v5 =	vld.idx.msk [tilespmem:v5+s13+$0x0], $0xffff;
	[tilespmem:s6+$0x90] =	vst v2;
	v2 =	vmul.f32 v10, v1  }
0x21f: {  	v6 =	vld.idx.msk [tilespmem:v6+s13+$0x0], $0xffff;
	[tilespmem:s6+$0xA0] =	vst v4;
	v3 =	vmul.f32 v3, v1  }
0x220: {  	v4 =	vld.idx.msk [tilespmem:v12+s13+$0x0], $0xffff;
	[tilespmem:s6+$0xB0] =	vst v2;
	v8 =	vmul.f32 v8, v1  }
0x221: {  	s6 =	sadd.s32 $0x200, s6;
	v2 =	vld.idx.msk [tilespmem:v11+s13+$0x0], $0xffff;
	[tilespmem:s17+$0xC0] =	vst v3;
	v3 =	vmul.f32 v7, v1  }
0x222: {  	v7 =	vld [tilespmem:s6+$0x70];
	[tilespmem:s17+$0xD0] =	vst v8;
	v9 =	vmul.f32 v9, v1  }
0x223: {  	v8 =	vld [tilespmem:s6+$0xFFFFFF00];
	[tilespmem:s17+$0xE0] =	vst v3  }
0x224: {  	v1 =	vmov v5;
	v3 =	vld [tilespmem:s6+$0xFFFFFF10];
	[tilespmem:s17+$0xF0] =	vst v9;
	s17 =	smov.u32 s6  }
0x225: {  	v5 =	vld [tilespmem:s6+$0xFFFFFF20]  }
0x226: {  	v9 =	vld [tilespmem:s6+$0xFFFFFF30]  }
0x227: {  	v10 =	vld [tilespmem:s6+$0xFFFFFF40];
	v7 =	vmul.f32 v7, v2  }
0x228: {  	v8 =	vmul.f32 v8, v6;
	v11 =	vld [tilespmem:s6+$0xFFFFFF50]  }
0x229: {  	v3 =	vmul.f32 v3, v6;
	v12 =	vld [tilespmem:s6+$0xFFFFFF60];
	[tilespmem:s6+$0x70] =	vst v7  }
0x22a: {  	[tilespmem:s6+$0xFFFFFF00] =	vst v8;
	v5 =	vmul.f32 v5, v6;
	v7 =	vld [tilespmem:s6+$0xFFFFFF70]  }
0x22b: {  	[tilespmem:s6+$0xFFFFFF10] =	vst v3;
	v3 =	vmul.f32 v9, v6;
	v8 =	vld [tilespmem:s6+$0xFFFFFF80]  }
0x22c: {  	[tilespmem:s6+$0xFFFFFF20] =	vst v5;
	v5 =	vmul.f32 v10, v6;
	v9 =	vld [tilespmem:s6+$0xFFFFFF90]  }
0x22d: {  	[tilespmem:s6+$0xFFFFFF30] =	vst v3;
	v3 =	vmul.f32 v11, v6;
	v10 =	vld [tilespmem:s6+$0xFFFFFFA0]  }
0x22e: {  	[tilespmem:s6+$0xFFFFFF40] =	vst v5;
	v5 =	vmul.f32 v12, v6;
	v11 =	vld [tilespmem:s6+$0xFFFFFFB0]  }
0x22f: {  	[tilespmem:s6+$0xFFFFFF50] =	vst v3;
	v3 =	vmul.f32 v7, v6;
	v6 =	vld [tilespmem:s6+$0xFFFFFFC0]  }
0x230: {  	[tilespmem:s6+$0xFFFFFF60] =	vst v5;
	v5 =	vmul.f32 v8, v4;
	v7 =	vld [tilespmem:s6+$0xFFFFFFD0]  }
0x231: {  	[tilespmem:s6+$0xFFFFFF70] =	vst v3;
	v3 =	vmul.f32 v9, v4;
	v8 =	vld [tilespmem:s6+$0xFFFFFFE0]  }
0x232: {  	[tilespmem:s6+$0xFFFFFF80] =	vst v5;
	v5 =	vmul.f32 v10, v4;
	v9 =	vld [tilespmem:s6+$0xFFFFFFF0]  }
0x233: {  	[tilespmem:s6+$0xFFFFFF90] =	vst v3;
	v3 =	vmul.f32 v11, v4;
	v10 =	vld [tilespmem:s6+$0x0]  }
0x234: {  	[tilespmem:s6+$0xFFFFFFA0] =	vst v5;
	v5 =	vmul.f32 v6, v4;
	v6 =	vld [tilespmem:s6+$0x10]  }
0x235: {  	[tilespmem:s6+$0xFFFFFFB0] =	vst v3;
	v3 =	vmul.f32 v7, v4;
	v7 =	vld [tilespmem:s6+$0x20]  }
0x236: {  	[tilespmem:s6+$0xFFFFFFC0] =	vst v5;
	v5 =	vmul.f32 v8, v4;
	v11 =	vld [tilespmem:s6+$0x30]  }
0x237: {  	[tilespmem:s6+$0xFFFFFFD0] =	vst v3;
	v3 =	vmul.f32 v9, v4;
	v9 =	vld [tilespmem:s6+$0x40]  }
.Ltmp7:
0x238: {  	[tilespmem:s6+$0xFFFFFFE0] =	vst v5;
	v5 =	vmul.f32 v10, v2;
	v4 =	vld [tilespmem:s6+$0x50];
	(pc) =	sbr.rel @p2 .LBB2_10-.Ltmp7, $4  }
0x239: {  	[tilespmem:s6+$0xFFFFFFF0] =	vst v3;
	v6 =	vmul.f32 v6, v2;
	v3 =	vld [tilespmem:s6+$0x60]  }
0x23a: {  	s9 =	sadd.s32 $0x3, s5;
	v10 =	vmov s5;
	[tilespmem:s6+$0x0] =	vst v5;
	v13 =	vmul.f32 v7, v2;
	v8 =	vld [tilespmem:s6+$0x80]  }
0x23b: {  	s22 =	sadd.s32 $0x1, s5;
	v12 =	vand.u32 $0xFFFFFFFC, v10;
	v5 =	vmov s9;
	[tilespmem:s6+$0x10] =	vst v6;
	v10 =	vmul.f32 v11, v2;
	v7 =	vld [tilespmem:s6+$0x90]  }
0x23c: {  	v6 =	vbroadcast v12, $0x0;
	v12 =	vmov s22;
	s22 =	sadd.s32 $0x2, s5;
	s5 =	sadd.s32 $0x4, s5;
	[tilespmem:s6+$0x20] =	vst v13;
	v11 =	vmul.f32 v9, v2;
	v9 =	vld [tilespmem:s6+$0xA0]  }
0x23d: {  	v13 =	vld [tilespmem:s6+$0xB0]  }
0x23e: {  	v15 =	vld [tilespmem:s6+$0xC0]  }
0x23f: {  	v16 =	vld [tilespmem:s6+$0xD0]  }
0x240: {  	v17 =	vld [tilespmem:s6+$0xE0]  }
0x241: {  	v29 =	vld [tilespmem:s6+$0xF0];
	[tilespmem:s6+$0x30] =	vst v10;
	v4 =	vmul.f32 v4, v2  }
0x242: {  	v5 =	vld.idx.msk [tilespmem:v5+s13+$0x0], $0xffff;
	[tilespmem:s6+$0x40] =	vst v11;
	v2 =	vmul.f32 v3, v2  }
0x243: {  	s5 =	sadd.s32 $0x200, s6;
	v3 =	vld.idx.msk [tilespmem:v6+s13+$0x0], $0xffff;
	v8 =	vmul.f32 v8, v1;
	[tilespmem:s6+$0x50] =	vst v4  }
0x244: {  	v14 =	vmov s22;
	v34 =	vld [tilespmem:s5+$0x70];
	v30 =	vmul.f32 v7, v1;
	[tilespmem:s6+$0x60] =	vst v2  }
0x245: {  	v14 =	vand.u32 $0xFFFFFFFE, v14;
	v35 =	vld [tilespmem:s5+$0xFFFFFF00];
	[tilespmem:s6+$0x80] =	vst v8;
	v2 =	vmul.f32 v9, v1  }
0x246: {  	v37 =	vld [tilespmem:s5+$0xFFFFFF10];
	v14 =	vbroadcast v14, $0x0;
	[tilespmem:s6+$0x90] =	vst v30;
	v33 =	vmul.f32 v13, v1  }
0x247: {  	v38 =	vld [tilespmem:s5+$0xFFFFFF20];
	[tilespmem:s6+$0xA0] =	vst v2;
	v2 =	vmul.f32 v15, v1  }
0x248: {  	v12 =	vand.u32 $0xFFFFFFFD, v12;
	v39 =	vld [tilespmem:s5+$0xFFFFFF30];
	v36 =	vmul.f32 v16, v1;
	[tilespmem:s6+$0xB0] =	vst v33  }
0x249: {  	v12 =	vbroadcast v12, $0x0;
	v41 =	vld [tilespmem:s5+$0xFFFFFF50];
	[tilespmem:s17+$0xC0] =	vst v2;
	v2 =	vmul.f32 v17, v1  }
0x24a: {  	v43 =	vld [tilespmem:s5+$0xFFFFFF60];
	[tilespmem:s17+$0xD0] =	vst v36;
	v1 =	vmul.f32 v29, v1  }
0x24b: {  	v42 =	vmul.f32 v37, v3;
	[tilespmem:s17+$0xE0] =	vst v2;
	v2 =	vld [tilespmem:s5+$0xFFFFFF40]  }
0x24c: {  	v32 =	vld.idx.msk [tilespmem:v14+s13+$0x0], $0xffff;
	[tilespmem:s17+$0xF0] =	vst v1;
	v1 =	vmul.f32 v35, v3  }
0x24d: {  	v44 =	vld [tilespmem:s5+$0xFFFFFF70];
	v4 =	vmul.f32 v39, v3;
	[tilespmem:s5+$0xFFFFFF10] =	vst v42  }
0x24e: {  	v45 =	vld [tilespmem:s5+$0xFFFFFF80];
	[tilespmem:s5+$0xFFFFFF00] =	vst v1;
	v1 =	vmul.f32 v38, v3  }
0x24f: {  	v46 =	vmul.f32 v41, v3;
	v31 =	vld.idx.msk [tilespmem:v12+s13+$0x0], $0xffff;
	[tilespmem:s5+$0xFFFFFF30] =	vst v4  }
0x250: {  	[tilespmem:s5+$0xFFFFFF20] =	vst v1;
	v1 =	vmul.f32 v2, v3;
	v2 =	vld [tilespmem:s5+$0xFFFFFF90]  }
0x251: {  	v47 =	vld [tilespmem:s5+$0xFFFFFFA0];
	[tilespmem:s5+$0xFFFFFF50] =	vst v46;
	v40 =	vmul.f32 v34, v32  }
0x252: {  	v48 =	vld [tilespmem:s5+$0xFFFFFFB0];
	[tilespmem:s5+$0xFFFFFF40] =	vst v1;
	v1 =	vmul.f32 v43, v3  }
0x253: {  	v49 =	vld [tilespmem:s5+$0xFFFFFFC0];
	[tilespmem:s5+$0x70] =	vst v40;
	v3 =	vmul.f32 v44, v3  }
0x254: {  	v50 =	vld [tilespmem:s5+$0xFFFFFFD0];
	[tilespmem:s5+$0xFFFFFF60] =	vst v1;
	v1 =	vmul.f32 v45, v31  }
0x255: {  	[tilespmem:s5+$0xFFFFFF70] =	vst v3;
	v3 =	vld [tilespmem:s5+$0xFFFFFFE0];
	v2 =	vmul.f32 v2, v31  }
0x256: {  	v51 =	vld [tilespmem:s5+$0xFFFFFFF0];
	[tilespmem:s5+$0xFFFFFF80] =	vst v1;
	v1 =	vmul.f32 v47, v31  }
0x257: {  	v52 =	vld [tilespmem:s5+$0x0];
	[tilespmem:s5+$0xFFFFFF90] =	vst v2;
	v2 =	vmul.f32 v48, v31  }
0x258: {  	v53 =	vld [tilespmem:s5+$0x10];
	[tilespmem:s5+$0xFFFFFFA0] =	vst v1;
	v1 =	vmul.f32 v49, v31  }
0x259: {  	v54 =	vld [tilespmem:s5+$0x20];
	[tilespmem:s5+$0xFFFFFFB0] =	vst v2;
	v2 =	vmul.f32 v50, v31  }
0x25a: {  	[tilespmem:s5+$0xFFFFFFC0] =	vst v1;
	v1 =	vmul.f32 v3, v31;
	v3 =	vld [tilespmem:s5+$0x30]  }
0x25b: {  	v55 =	vld [tilespmem:s5+$0x40];
	[tilespmem:s5+$0xFFFFFFD0] =	vst v2;
	v2 =	vmul.f32 v51, v31  }
0x25c: {  	v56 =	vld [tilespmem:s5+$0x50];
	[tilespmem:s5+$0xFFFFFFE0] =	vst v1;
	v1 =	vmul.f32 v52, v32  }
0x25d: {  	v57 =	vld [tilespmem:s5+$0x60];
	[tilespmem:s5+$0xFFFFFFF0] =	vst v2;
	v2 =	vmul.f32 v53, v32  }
0x25e: {  	v58 =	vld [tilespmem:s5+$0x80];
	[tilespmem:s5+$0x0] =	vst v1;
	v1 =	vmul.f32 v54, v32  }
0x25f: {  	[tilespmem:s5+$0x10] =	vst v2;
	v2 =	vmul.f32 v3, v32;
	v3 =	vld [tilespmem:s5+$0x90]  }
0x260: {  	v59 =	vld [tilespmem:s5+$0xA0];
	[tilespmem:s5+$0x20] =	vst v1;
	v1 =	vmul.f32 v55, v32  }
0x261: {  	v60 =	vld [tilespmem:s5+$0xB0];
	[tilespmem:s5+$0x30] =	vst v2;
	v2 =	vmul.f32 v56, v32  }
0x262: {  	v61 =	vld [tilespmem:s5+$0xC0];
	[tilespmem:s5+$0x40] =	vst v1;
	v1 =	vmul.f32 v57, v32  }
0x263: {  	v62 =	vld [tilespmem:s5+$0xD0];
	[tilespmem:s5+$0x50] =	vst v2;
	v2 =	vmul.f32 v58, v5  }
0x264: {  	[tilespmem:s5+$0x60] =	vst v1;
	v1 =	vmul.f32 v3, v5;
	v3 =	vld [tilespmem:s5+$0xE0]  }
0x265: {  	v63 =	vld [tilespmem:s5+$0xF0];
	[tilespmem:s5+$0x80] =	vst v2;
	v2 =	vmul.f32 v59, v5  }
0x266: {  	[tilespmem:s5+$0x90] =	vst v1;
	v1 =	vmul.f32 v60, v5  }
0x267: {  	[tilespmem:s5+$0xA0] =	vst v2;
	v2 =	vmul.f32 v61, v5  }
0x268: {  	p2 =	seq.s32 s20, $0x1F;
	[tilespmem:s5+$0xB0] =	vst v1;
	v1 =	vmul.f32 v62, v5  }
.Ltmp8:
0x269: {  	[tilespmem:s5+$0xC0] =	vst v2;
	v2 =	vmul.f32 v3, v5;
	(pc) =	sbr.rel @p2 .LBB2_19-.Ltmp8, $4  }
0x26a: {  	[tilespmem:s5+$0xD0] =	vst v1;
	v1 =	vmul.f32 v63, v5  }
0x26b: {  	[tilespmem:s5+$0xE0] =	vst v2  }
0x26c: {  	[tilespmem:s5+$0xF0] =	vst v1  }
0x26d: {  	[spmem:s2] =	stream.indirect.scatter.add.f32 [tilespmem:s31], [sflag:$0x7], $0x80, s12, s11, $0xb8;
	[tilespmem:$0x1E078] =	vst v63  }
0x26e: {  	s17 =	sshll.u32 s20, $0xA  }
0x26f: {  	s5 =	sadd.s32 s17, s14  }
0x270: {  	s5 =	sshrl.u32 s5, $0x3  }
0x271: {  	s26 =	simm.s32 $0x0;
	s6 =	sadd.s32 s15, s5  }
0x272: {  	[tilespmem:s19], [sflag:$0x1] =	stream.linear.gather [hbm4b:s6+s26], $0x100, $0x38;
	[tilespmem:$0x1E078] =	vst v63  }
0x273: {  	_ =	swait.ge [sflag:s24], $0x100  }
0x274: {  	[sflag:s24] =	ssyncset.done $0x0  }
0x275: {  	[sflag:s24] =	ssyncadd.s32 $0xFFFFFF00  }
0x276: {  	_ =	swait.ge [sflag:s0], $0x50  }
0x277: {  	[sflag:s0] =	ssyncset.done $0x0  }
0x278: {  	[sflag:s0] =	ssyncadd.s32 $0xFFFFFFB0  }
0x279: {  	_ =	swait.ge [sflag:s7], $0x2800  }
0x27a: {  	[sflag:s7] =	ssyncset.done $0x0  }
0x27b: {  	[sflag:s7] =	ssyncadd.s32 $0xFFFFD800  }
0x27c: {  	v1 =	vld [tilespmem:$0xA100]  }
0x27d: {  	v2 =	vld [tilespmem:$0xA180];
	_ =	sdelay $0x6  }
0x27e: {  	v1 =	vld.idx.msk [tilespmem:v1+s26+$0x0], $0xffff  }
0x27f: {  	v3 =	vld.idx.msk [tilespmem:v2+s29+$0x0], $0xffff;
	_ =	sdelay $0x4  }
0x280: {  	v1 =	vadd.f32 v3, v1;
	_ =	sdelay $0x1  }
0x281: {  	v3 =	vmul.f32 $2.000000030e-01, v1;
	_ =	sdelay $0x1  }
0x282: {  	v1 =	vmax.f32 v1, v3  }
0x283: {  	v1 =	vmul.f32 $1.442695020e+00, v1;
	_ =	sdelay $0x1  }
0x284: {  	(erf) = vpow2.f32 v1;
	_ =	sdelay $0x2  }
0x285: {  	v1 =	vld [tilespmem:$0xA110]  }
0x286: {  	v3 =	vld [tilespmem:$0xA190];
	_ =	sdelay $0x4  }
0x287: {  	[tilespmem:$0xA400] =	vst v2;
	v4 =	vpop (erf)  }
0x288: {  	[tilespmem:$0xA300] =	vst v4  }
0x289: {  	v1 =	vld.idx.msk [tilespmem:v1+s26+$0x0], $0xffff  }
0x28a: {  	v2 =	vld.idx.msk [tilespmem:v3+s29+$0x0], $0xffff;
	_ =	sdelay $0x4  }
0x28b: {  	v1 =	vadd.f32 v2, v1;
	_ =	sdelay $0x1  }
0x28c: {  	v2 =	vmul.f32 $2.000000030e-01, v1;
	_ =	sdelay $0x1  }
0x28d: {  	v1 =	vmax.f32 v1, v2  }
0x28e: {  	v1 =	vmul.f32 $1.442695020e+00, v1;
	_ =	sdelay $0x1  }
0x28f: {  	(erf) = vpow2.f32 v1;
	_ =	sdelay $0x2  }
0x290: {  	v1 =	vld [tilespmem:$0xA120]  }
0x291: {  	v2 =	vld [tilespmem:$0xA1A0];
	_ =	sdelay $0x4  }
0x292: {  	[tilespmem:$0xA410] =	vst v3;
	v4 =	vpop (erf)  }
0x293: {  	[tilespmem:$0xA310] =	vst v4  }
0x294: {  	v1 =	vld.idx.msk [tilespmem:v1+s26+$0x0], $0xffff  }
0x295: {  	v3 =	vld.idx.msk [tilespmem:v2+s29+$0x0], $0xffff;
	_ =	sdelay $0x4  }
0x296: {  	v1 =	vadd.f32 v3, v1;
	_ =	sdelay $0x1  }
0x297: {  	v3 =	vmul.f32 $2.000000030e-01, v1;
	_ =	sdelay $0x1  }
0x298: {  	v1 =	vmax.f32 v1, v3  }
0x299: {  	v1 =	vmul.f32 $1.442695020e+00, v1;
	_ =	sdelay $0x1  }
0x29a: {  	(erf) = vpow2.f32 v1;
	_ =	sdelay $0x2  }
0x29b: {  	v1 =	vld [tilespmem:$0xA130]  }
0x29c: {  	v3 =	vld [tilespmem:$0xA1B0];
	_ =	sdelay $0x4  }
0x29d: {  	[tilespmem:$0xA420] =	vst v2;
	v4 =	vpop (erf)  }
0x29e: {  	[tilespmem:$0xA320] =	vst v4  }
0x29f: {  	v1 =	vld.idx.msk [tilespmem:v1+s26+$0x0], $0xffff  }
0x2a0: {  	v2 =	vld.idx.msk [tilespmem:v3+s29+$0x0], $0xffff;
	_ =	sdelay $0x4  }
0x2a1: {  	v1 =	vadd.f32 v2, v1;
	_ =	sdelay $0x1  }
0x2a2: {  	v2 =	vmul.f32 $2.000000030e-01, v1;
	_ =	sdelay $0x1  }
0x2a3: {  	v1 =	vmax.f32 v1, v2  }
0x2a4: {  	v1 =	vmul.f32 $1.442695020e+00, v1;
	_ =	sdelay $0x1  }
0x2a5: {  	(erf) = vpow2.f32 v1;
	_ =	sdelay $0x2  }
0x2a6: {  	v1 =	vld [tilespmem:$0xA140]  }
0x2a7: {  	v2 =	vld [tilespmem:$0xA1C0];
	_ =	sdelay $0x4  }
0x2a8: {  	[tilespmem:$0xA430] =	vst v3;
	v4 =	vpop (erf)  }
0x2a9: {  	[tilespmem:$0xA330] =	vst v4  }
0x2aa: {  	v1 =	vld.idx.msk [tilespmem:v1+s26+$0x0], $0xffff  }
0x2ab: {  	v3 =	vld.idx.msk [tilespmem:v2+s29+$0x0], $0xffff;
	_ =	sdelay $0x4  }
0x2ac: {  	v1 =	vadd.f32 v3, v1;
	_ =	sdelay $0x1  }
0x2ad: {  	v3 =	vmul.f32 $2.000000030e-01, v1;
	_ =	sdelay $0x1  }
0x2ae: {  	v1 =	vmax.f32 v1, v3  }
0x2af: {  	v1 =	vmul.f32 $1.442695020e+00, v1;
	_ =	sdelay $0x1  }
0x2b0: {  	(erf) = vpow2.f32 v1;
	_ =	sdelay $0x7  }
0x2b1: {  	s9 =	simm.s32 $0x2  }
0x2b2: {  	[tilespmem:$0xA440] =	vst v2;
	v2 =	vmov s9;
	v1 =	vpop (erf)  }
0x2b3: {  	v2 =	vand.u32 $0xFFFFFFFE, v2;
	[tilespmem:$0xA340] =	vst v1  }
0x2b4: {  	v2 =	vbroadcast v2, $0x0;
	[spmem:s3] =	stream.indirect.scatter.add.f32 [tilespmem:s13], [sflag:$0x9], $0x1, s12, s11, $0xb8;
	[tilespmem:$0x1E078] =	vst v63  }
0x2b5: {  	s22 =	simm.s32 $0xA100  }
0x2b6: {  	[tilespmem:s31], [sflag:$0x5] =	stream.indirect.gather [hbm4b:s1+s11], $0x80, s22, s11, $0xb8;
	[tilespmem:$0x1E078] =	vst v63  }
0x2b7: {  	v1 =	vmov s26;
	_ =	swait.ge [sflag:s18], $0x2800  }
0x2b8: {  	v1 =	vand.u32 $0xFFFFFFFC, v1;
	[sflag:s18] =	ssyncset.done $0x0  }
0x2b9: {  	v1 =	vbroadcast v1, $0x0;
	[sflag:s18] =	ssyncadd.s32 $0xFFFFD800  }
0x2ba: {  	s6 =	simm.s32 $0x7800;
	v2 =	vld.idx.msk [tilespmem:v2+s21+$0x0], $0xffff  }
0x2bb: {  	v4 =	vld [tilespmem:s6+$0x70]  }
0x2bc: {  	s26 =	simm.s32 $0x1;
	v5 =	vld [tilespmem:s6+$0xFFFFFF00]  }
0x2bd: {  	v3 =	vmov s26;
	v6 =	vld [tilespmem:s6+$0xFFFFFF10]  }
0x2be: {  	v3 =	vand.u32 $0xFFFFFFFD, v3;
	v7 =	vld [tilespmem:s6+$0xFFFFFF20]  }
0x2bf: {  	v3 =	vbroadcast v3, $0x0;
	v1 =	vld.idx.msk [tilespmem:v1+s21+$0x0], $0xffff  }
0x2c0: {  	v8 =	vld [tilespmem:s6+$0xFFFFFF30]  }
0x2c1: {  	v9 =	vld [tilespmem:s6+$0xFFFFFF40]  }
0x2c2: {  	v10 =	vld [tilespmem:s6+$0xFFFFFF50]  }
0x2c3: {  	v11 =	vld [tilespmem:s6+$0xFFFFFF60];
	v4 =	vmul.f32 v4, v2  }
0x2c4: {  	v13 =	vld [tilespmem:s6+$0x40];
	v5 =	vmul.f32 v5, v1  }
0x2c5: {  	v3 =	vld.idx.msk [tilespmem:v3+s21+$0x0], $0xffff;
	[tilespmem:s6+$0x70] =	vst v4;
	v4 =	vmul.f32 v7, v1  }
0x2c6: {  	[tilespmem:s6+$0xFFFFFF00] =	vst v5;
	v5 =	vmul.f32 v6, v1;
	v6 =	vld [tilespmem:s6+$0xFFFFFF70]  }
0x2c7: {  	v7 =	vld [tilespmem:s6+$0xFFFFFF80];
	[tilespmem:s6+$0xFFFFFF20] =	vst v4;
	v4 =	vmul.f32 v9, v1  }
0x2c8: {  	[tilespmem:s6+$0xFFFFFF10] =	vst v5;
	v5 =	vmul.f32 v8, v1;
	v8 =	vld [tilespmem:s6+$0xFFFFFF90]  }
0x2c9: {  	v9 =	vld [tilespmem:s6+$0xFFFFFFA0];
	[tilespmem:s6+$0xFFFFFF40] =	vst v4;
	v4 =	vmul.f32 v11, v1  }
0x2ca: {  	[tilespmem:s6+$0xFFFFFF30] =	vst v5;
	v5 =	vmul.f32 v10, v1;
	v10 =	vld [tilespmem:s6+$0xFFFFFFB0]  }
0x2cb: {  	v11 =	vld [tilespmem:s6+$0xFFFFFFC0];
	v6 =	vmul.f32 v6, v1;
	[tilespmem:s6+$0xFFFFFF60] =	vst v4  }
0x2cc: {  	v4 =	vld [tilespmem:s6+$0xFFFFFFE0];
	[tilespmem:s6+$0xFFFFFF50] =	vst v5;
	v5 =	vmul.f32 v7, v3  }
0x2cd: {  	s9 =	simm.s32 $0x3;
	v7 =	vld [tilespmem:s6+$0xFFFFFFD0];
	v8 =	vmul.f32 v8, v3;
	[tilespmem:s6+$0xFFFFFF70] =	vst v6  }
0x2ce: {  	v12 =	vmov s9;
	v6 =	vld [tilespmem:s6+$0xFFFFFFF0];
	[tilespmem:s6+$0xFFFFFF80] =	vst v5;
	v5 =	vmul.f32 v9, v3  }
0x2cf: {  	v9 =	vld [tilespmem:s6+$0x0];
	[tilespmem:s6+$0xFFFFFF90] =	vst v8;
	v8 =	vmul.f32 v10, v3  }
0x2d0: {  	v10 =	vld [tilespmem:s6+$0x10];
	[tilespmem:s6+$0xFFFFFFA0] =	vst v5;
	v5 =	vmul.f32 v11, v3  }
0x2d1: {  	v4 =	vmul.f32 v4, v3;
	[tilespmem:s6+$0xFFFFFFB0] =	vst v8;
	v8 =	vld [tilespmem:s6+$0x20]  }
0x2d2: {  	v11 =	vld [tilespmem:s6+$0x30];
	v7 =	vmul.f32 v7, v3;
	[tilespmem:s6+$0xFFFFFFC0] =	vst v5  }
0x2d3: {  	v1 =	vld.idx.msk [tilespmem:v12+s21+$0x0], $0xffff;
	v3 =	vmul.f32 v6, v3;
	[tilespmem:s6+$0xFFFFFFE0] =	vst v4  }
0x2d4: {  	v4 =	vld [tilespmem:s6+$0x50];
	[tilespmem:s6+$0xFFFFFFD0] =	vst v7;
	v5 =	vmul.f32 v9, v2  }
0x2d5: {  	s22 =	simm.s32 $0x4;
	[tilespmem:s6+$0xFFFFFFF0] =	vst v3;
	v6 =	vmul.f32 v10, v2;
	v3 =	vld [tilespmem:s6+$0x60]  }
0x2d6: {  	s26 =	simm.s32 $0x7;
	v7 =	vmov s22;
	[tilespmem:s6+$0x0] =	vst v5;
	v9 =	vmul.f32 v8, v2;
	v8 =	vld [tilespmem:s6+$0x80]  }
0x2d7: {  	s9 =	simm.s32 $0x5;
	v12 =	vand.u32 $0xFFFFFFFC, v7;
	v7 =	vld [tilespmem:s6+$0x90];
	v5 =	vmov s26;
	v10 =	vmul.f32 v11, v2;
	[tilespmem:s6+$0x10] =	vst v6  }
0x2d8: {  	s5 =	simm.s32 $0x8;
	s22 =	simm.s32 $0x7800;
	s26 =	simm.s32 $0x6;
	v11 =	vmul.f32 v13, v2;
	v6 =	vbroadcast v12, $0x0;
	v12 =	vmov s9;
	[tilespmem:s6+$0x20] =	vst v9;
	v9 =	vld [tilespmem:s6+$0xA0]  }
.LBB2_13:
0x2d9: {  	p2 =	slt.u32 s5, $0x4C;
	v12 =	vand.u32 $0xFFFFFFFD, v12;
	v13 =	vmov s26;
	[tilespmem:s6+$0x30] =	vst v10;
	v4 =	vmul.f32 v4, v2;
	v10 =	vld [tilespmem:s6+$0xB0]  }
0x2da: {  	v12 =	vbroadcast v12, $0x0;
	v13 =	vand.u32 $0xFFFFFFFE, v13;
	[tilespmem:s6+$0x40] =	vst v11;
	v2 =	vmul.f32 v3, v2;
	v3 =	vld [tilespmem:s6+$0xC0]  }
0x2db: {  	v11 =	vbroadcast v13, $0x0;
	[tilespmem:s6+$0x50] =	vst v4;
	v4 =	vmul.f32 v8, v1;
	v8 =	vld [tilespmem:s6+$0xD0]  }
0x2dc: {  	[tilespmem:s6+$0x60] =	vst v2;
	v2 =	vmul.f32 v7, v1;
	v7 =	vld [tilespmem:s6+$0xE0]  }
0x2dd: {  	[tilespmem:s6+$0x80] =	vst v4;
	v4 =	vmul.f32 v9, v1;
	v9 =	vld [tilespmem:s6+$0xF0]  }
0x2de: {  	v5 =	vld.idx.msk [tilespmem:v5+s21+$0x0], $0xffff;
	[tilespmem:s6+$0x90] =	vst v2;
	v2 =	vmul.f32 v10, v1  }
0x2df: {  	v6 =	vld.idx.msk [tilespmem:v6+s21+$0x0], $0xffff;
	[tilespmem:s6+$0xA0] =	vst v4;
	v3 =	vmul.f32 v3, v1  }
0x2e0: {  	v4 =	vld.idx.msk [tilespmem:v12+s21+$0x0], $0xffff;
	[tilespmem:s6+$0xB0] =	vst v2;
	v8 =	vmul.f32 v8, v1  }
0x2e1: {  	s6 =	sadd.s32 $0x200, s6;
	v2 =	vld.idx.msk [tilespmem:v11+s21+$0x0], $0xffff;
	[tilespmem:s22+$0xC0] =	vst v3;
	v3 =	vmul.f32 v7, v1  }
0x2e2: {  	v7 =	vld [tilespmem:s6+$0x70];
	[tilespmem:s22+$0xD0] =	vst v8;
	v9 =	vmul.f32 v9, v1  }
0x2e3: {  	v8 =	vld [tilespmem:s6+$0xFFFFFF00];
	[tilespmem:s22+$0xE0] =	vst v3  }
0x2e4: {  	v1 =	vmov v5;
	v3 =	vld [tilespmem:s6+$0xFFFFFF10];
	[tilespmem:s22+$0xF0] =	vst v9;
	s22 =	smov.u32 s6  }
0x2e5: {  	v5 =	vld [tilespmem:s6+$0xFFFFFF20]  }
0x2e6: {  	v9 =	vld [tilespmem:s6+$0xFFFFFF30]  }
0x2e7: {  	v10 =	vld [tilespmem:s6+$0xFFFFFF40];
	v7 =	vmul.f32 v7, v2  }
0x2e8: {  	v8 =	vmul.f32 v8, v6;
	v11 =	vld [tilespmem:s6+$0xFFFFFF50]  }
0x2e9: {  	v3 =	vmul.f32 v3, v6;
	v12 =	vld [tilespmem:s6+$0xFFFFFF60];
	[tilespmem:s6+$0x70] =	vst v7  }
0x2ea: {  	[tilespmem:s6+$0xFFFFFF00] =	vst v8;
	v5 =	vmul.f32 v5, v6;
	v7 =	vld [tilespmem:s6+$0xFFFFFF70]  }
0x2eb: {  	[tilespmem:s6+$0xFFFFFF10] =	vst v3;
	v3 =	vmul.f32 v9, v6;
	v8 =	vld [tilespmem:s6+$0xFFFFFF80]  }
0x2ec: {  	[tilespmem:s6+$0xFFFFFF20] =	vst v5;
	v5 =	vmul.f32 v10, v6;
	v9 =	vld [tilespmem:s6+$0xFFFFFF90]  }
0x2ed: {  	[tilespmem:s6+$0xFFFFFF30] =	vst v3;
	v3 =	vmul.f32 v11, v6;
	v10 =	vld [tilespmem:s6+$0xFFFFFFA0]  }
0x2ee: {  	[tilespmem:s6+$0xFFFFFF40] =	vst v5;
	v5 =	vmul.f32 v12, v6;
	v11 =	vld [tilespmem:s6+$0xFFFFFFB0]  }
0x2ef: {  	[tilespmem:s6+$0xFFFFFF50] =	vst v3;
	v3 =	vmul.f32 v7, v6;
	v6 =	vld [tilespmem:s6+$0xFFFFFFC0]  }
0x2f0: {  	[tilespmem:s6+$0xFFFFFF60] =	vst v5;
	v5 =	vmul.f32 v8, v4;
	v7 =	vld [tilespmem:s6+$0xFFFFFFD0]  }
0x2f1: {  	[tilespmem:s6+$0xFFFFFF70] =	vst v3;
	v3 =	vmul.f32 v9, v4;
	v8 =	vld [tilespmem:s6+$0xFFFFFFE0]  }
0x2f2: {  	[tilespmem:s6+$0xFFFFFF80] =	vst v5;
	v5 =	vmul.f32 v10, v4;
	v9 =	vld [tilespmem:s6+$0xFFFFFFF0]  }
0x2f3: {  	[tilespmem:s6+$0xFFFFFF90] =	vst v3;
	v3 =	vmul.f32 v11, v4;
	v10 =	vld [tilespmem:s6+$0x0]  }
0x2f4: {  	[tilespmem:s6+$0xFFFFFFA0] =	vst v5;
	v5 =	vmul.f32 v6, v4;
	v6 =	vld [tilespmem:s6+$0x10]  }
0x2f5: {  	[tilespmem:s6+$0xFFFFFFB0] =	vst v3;
	v3 =	vmul.f32 v7, v4;
	v7 =	vld [tilespmem:s6+$0x20]  }
0x2f6: {  	[tilespmem:s6+$0xFFFFFFC0] =	vst v5;
	v5 =	vmul.f32 v8, v4;
	v11 =	vld [tilespmem:s6+$0x30]  }
0x2f7: {  	[tilespmem:s6+$0xFFFFFFD0] =	vst v3;
	v3 =	vmul.f32 v9, v4;
	v9 =	vld [tilespmem:s6+$0x40]  }
.Ltmp9:
0x2f8: {  	[tilespmem:s6+$0xFFFFFFE0] =	vst v5;
	v5 =	vmul.f32 v10, v2;
	v4 =	vld [tilespmem:s6+$0x50];
	(pc) =	sbr.rel @p2 .LBB2_13-.Ltmp9, $4  }
0x2f9: {  	[tilespmem:s6+$0xFFFFFFF0] =	vst v3;
	v6 =	vmul.f32 v6, v2;
	v3 =	vld [tilespmem:s6+$0x60]  }
0x2fa: {  	s9 =	sadd.s32 $0x3, s5;
	v10 =	vmov s5;
	[tilespmem:s6+$0x0] =	vst v5;
	v13 =	vmul.f32 v7, v2;
	v8 =	vld [tilespmem:s6+$0x80]  }
0x2fb: {  	s26 =	sadd.s32 $0x1, s5;
	v12 =	vand.u32 $0xFFFFFFFC, v10;
	v5 =	vmov s9;
	[tilespmem:s6+$0x10] =	vst v6;
	v10 =	vmul.f32 v11, v2;
	v7 =	vld [tilespmem:s6+$0x90]  }
0x2fc: {  	v6 =	vbroadcast v12, $0x0;
	v12 =	vmov s26;
	s26 =	sadd.s32 $0x2, s5;
	s5 =	sadd.s32 $0x4, s5;
	[tilespmem:s6+$0x20] =	vst v13;
	v11 =	vmul.f32 v9, v2;
	v9 =	vld [tilespmem:s6+$0xA0]  }
0x2fd: {  	v13 =	vld [tilespmem:s6+$0xB0]  }
0x2fe: {  	v15 =	vld [tilespmem:s6+$0xC0]  }
0x2ff: {  	v16 =	vld [tilespmem:s6+$0xD0]  }
0x300: {  	v17 =	vld [tilespmem:s6+$0xE0]  }
0x301: {  	v29 =	vld [tilespmem:s6+$0xF0];
	[tilespmem:s6+$0x30] =	vst v10;
	v4 =	vmul.f32 v4, v2  }
0x302: {  	v5 =	vld.idx.msk [tilespmem:v5+s21+$0x0], $0xffff;
	[tilespmem:s6+$0x40] =	vst v11;
	v2 =	vmul.f32 v3, v2  }
0x303: {  	s5 =	sadd.s32 $0x200, s6;
	v3 =	vld.idx.msk [tilespmem:v6+s21+$0x0], $0xffff;
	v8 =	vmul.f32 v8, v1;
	[tilespmem:s6+$0x50] =	vst v4  }
0x304: {  	v14 =	vmov s26;
	v34 =	vld [tilespmem:s5+$0x70];
	v30 =	vmul.f32 v7, v1;
	[tilespmem:s6+$0x60] =	vst v2  }
0x305: {  	v14 =	vand.u32 $0xFFFFFFFE, v14;
	v35 =	vld [tilespmem:s5+$0xFFFFFF00];
	[tilespmem:s6+$0x80] =	vst v8;
	v2 =	vmul.f32 v9, v1  }
0x306: {  	v37 =	vld [tilespmem:s5+$0xFFFFFF10];
	v14 =	vbroadcast v14, $0x0;
	[tilespmem:s6+$0x90] =	vst v30;
	v33 =	vmul.f32 v13, v1  }
0x307: {  	v38 =	vld [tilespmem:s5+$0xFFFFFF20];
	[tilespmem:s6+$0xA0] =	vst v2;
	v2 =	vmul.f32 v15, v1  }
0x308: {  	v12 =	vand.u32 $0xFFFFFFFD, v12;
	v39 =	vld [tilespmem:s5+$0xFFFFFF30];
	v36 =	vmul.f32 v16, v1;
	[tilespmem:s6+$0xB0] =	vst v33  }
0x309: {  	v12 =	vbroadcast v12, $0x0;
	v41 =	vld [tilespmem:s5+$0xFFFFFF50];
	[tilespmem:s22+$0xC0] =	vst v2;
	v2 =	vmul.f32 v17, v1  }
0x30a: {  	v43 =	vld [tilespmem:s5+$0xFFFFFF60];
	[tilespmem:s22+$0xD0] =	vst v36;
	v1 =	vmul.f32 v29, v1  }
0x30b: {  	v42 =	vmul.f32 v37, v3;
	[tilespmem:s22+$0xE0] =	vst v2;
	v2 =	vld [tilespmem:s5+$0xFFFFFF40]  }
0x30c: {  	v32 =	vld.idx.msk [tilespmem:v14+s21+$0x0], $0xffff;
	[tilespmem:s22+$0xF0] =	vst v1;
	v1 =	vmul.f32 v35, v3  }
0x30d: {  	v44 =	vld [tilespmem:s5+$0xFFFFFF70];
	v4 =	vmul.f32 v39, v3;
	[tilespmem:s5+$0xFFFFFF10] =	vst v42  }
0x30e: {  	v45 =	vld [tilespmem:s5+$0xFFFFFF80];
	[tilespmem:s5+$0xFFFFFF00] =	vst v1;
	v1 =	vmul.f32 v38, v3  }
0x30f: {  	v46 =	vmul.f32 v41, v3;
	v31 =	vld.idx.msk [tilespmem:v12+s21+$0x0], $0xffff;
	[tilespmem:s5+$0xFFFFFF30] =	vst v4  }
0x310: {  	[tilespmem:s5+$0xFFFFFF20] =	vst v1;
	v1 =	vmul.f32 v2, v3;
	v2 =	vld [tilespmem:s5+$0xFFFFFF90]  }
0x311: {  	v47 =	vld [tilespmem:s5+$0xFFFFFFA0];
	[tilespmem:s5+$0xFFFFFF50] =	vst v46;
	v40 =	vmul.f32 v34, v32  }
0x312: {  	v48 =	vld [tilespmem:s5+$0xFFFFFFB0];
	[tilespmem:s5+$0xFFFFFF40] =	vst v1;
	v1 =	vmul.f32 v43, v3  }
0x313: {  	v49 =	vld [tilespmem:s5+$0xFFFFFFC0];
	[tilespmem:s5+$0x70] =	vst v40;
	v3 =	vmul.f32 v44, v3  }
0x314: {  	v50 =	vld [tilespmem:s5+$0xFFFFFFD0];
	[tilespmem:s5+$0xFFFFFF60] =	vst v1;
	v1 =	vmul.f32 v45, v31  }
0x315: {  	[tilespmem:s5+$0xFFFFFF70] =	vst v3;
	v3 =	vld [tilespmem:s5+$0xFFFFFFE0];
	v2 =	vmul.f32 v2, v31  }
0x316: {  	v51 =	vld [tilespmem:s5+$0xFFFFFFF0];
	[tilespmem:s5+$0xFFFFFF80] =	vst v1;
	v1 =	vmul.f32 v47, v31  }
0x317: {  	v52 =	vld [tilespmem:s5+$0x0];
	[tilespmem:s5+$0xFFFFFF90] =	vst v2;
	v2 =	vmul.f32 v48, v31  }
0x318: {  	v53 =	vld [tilespmem:s5+$0x10];
	[tilespmem:s5+$0xFFFFFFA0] =	vst v1;
	v1 =	vmul.f32 v49, v31  }
0x319: {  	v54 =	vld [tilespmem:s5+$0x20];
	[tilespmem:s5+$0xFFFFFFB0] =	vst v2;
	v2 =	vmul.f32 v50, v31  }
0x31a: {  	[tilespmem:s5+$0xFFFFFFC0] =	vst v1;
	v1 =	vmul.f32 v3, v31;
	v3 =	vld [tilespmem:s5+$0x30]  }
0x31b: {  	v55 =	vld [tilespmem:s5+$0x40];
	[tilespmem:s5+$0xFFFFFFD0] =	vst v2;
	v2 =	vmul.f32 v51, v31  }
0x31c: {  	v56 =	vld [tilespmem:s5+$0x50];
	[tilespmem:s5+$0xFFFFFFE0] =	vst v1;
	v1 =	vmul.f32 v52, v32  }
0x31d: {  	v57 =	vld [tilespmem:s5+$0x60];
	[tilespmem:s5+$0xFFFFFFF0] =	vst v2;
	v2 =	vmul.f32 v53, v32  }
0x31e: {  	v58 =	vld [tilespmem:s5+$0x80];
	[tilespmem:s5+$0x0] =	vst v1;
	v1 =	vmul.f32 v54, v32  }
0x31f: {  	[tilespmem:s5+$0x10] =	vst v2;
	v2 =	vmul.f32 v3, v32;
	v3 =	vld [tilespmem:s5+$0x90]  }
0x320: {  	v59 =	vld [tilespmem:s5+$0xA0];
	[tilespmem:s5+$0x20] =	vst v1;
	v1 =	vmul.f32 v55, v32  }
0x321: {  	v60 =	vld [tilespmem:s5+$0xB0];
	[tilespmem:s5+$0x30] =	vst v2;
	v2 =	vmul.f32 v56, v32  }
0x322: {  	v61 =	vld [tilespmem:s5+$0xC0];
	[tilespmem:s5+$0x40] =	vst v1;
	v1 =	vmul.f32 v57, v32  }
0x323: {  	v62 =	vld [tilespmem:s5+$0xD0];
	[tilespmem:s5+$0x50] =	vst v2;
	v2 =	vmul.f32 v58, v5  }
0x324: {  	[tilespmem:s5+$0x60] =	vst v1;
	v1 =	vmul.f32 v3, v5;
	v3 =	vld [tilespmem:s5+$0xE0]  }
0x325: {  	v63 =	vld [tilespmem:s5+$0xF0];
	[tilespmem:s5+$0x80] =	vst v2;
	v2 =	vmul.f32 v59, v5  }
0x326: {  	[tilespmem:s5+$0x90] =	vst v1;
	v1 =	vmul.f32 v60, v5  }
0x327: {  	[tilespmem:s5+$0xA0] =	vst v2;
	v2 =	vmul.f32 v61, v5  }
0x328: {  	[tilespmem:s5+$0xB0] =	vst v1;
	v1 =	vmul.f32 v62, v5  }
0x329: {  	p2 =	seq.s32 s20, $0x1E;
	[tilespmem:s5+$0xC0] =	vst v2;
	v2 =	vmul.f32 v3, v5  }
0x32a: {  	p3 =	sgt.u32 @!p2 s20, $0x1E;
	[tilespmem:s5+$0xD0] =	vst v1;
	v1 =	vmul.f32 v63, v5  }
0x32b: {  	p3 =	por p2, !p3;
	[tilespmem:s5+$0xE0] =	vst v2  }
.Ltmp10:
0x32c: {  	[tilespmem:s5+$0xF0] =	vst v1;
	s5 =	sadd.s32 @!p2 s17, s16;
	(pc) =	sbr.rel @!p3 .LBB2_18-.Ltmp10, $4  }
0x32d: {  	[spmem:s2] =	stream.indirect.scatter.add.f32 [tilespmem:s25], [sflag:$0x8], $0x80, s23, s11, $0xb8;
	[tilespmem:$0x1E078] =	vst v63  }
0x32e: {  	s5 =	sshrl.u32 @!p2 s5, $0x3  }
0x32f: {  	s9 =	simm.s32 @!p2 $0xA000;
	s6 =	simm.s32 @!p2 $0x0;
	s5 =	sadd.s32 @!p2 s15, s5  }
0x330: {  	[tilespmem:s9], [sflag:$0x2] =	stream.linear.gather @!p2 [hbm4b:s5+s6], $0x100, $0x38;
	[tilespmem:$0x1E078] =	vst v63  }
0x331: {  	s5 =	simm.s32 $0x4  }
0x332: {  	_ =	swait.ge [sflag:s5], $0x100  }
0x333: {  	[sflag:s5] =	ssyncset.done $0x0  }
0x334: {  	s26 =	simm.s32 $0xA;
	[sflag:s5] =	ssyncadd.s32 $0xFFFFFF00  }
0x335: {  	_ =	swait.ge [sflag:s26], $0x50  }
0x336: {  	[sflag:s26] =	ssyncset.done $0x0  }
0x337: {  	[sflag:s26] =	ssyncadd.s32 $0xFFFFFFB0  }
0x338: {  	_ =	swait.ge [sflag:s8], $0x2800  }
0x339: {  	[sflag:s8] =	ssyncset.done $0x0  }
0x33a: {  	[sflag:s8] =	ssyncadd.s32 $0xFFFFD800  }
0x33b: {  	v1 =	vld [tilespmem:$0xA200]  }
0x33c: {  	v2 =	vld [tilespmem:$0xA280];
	_ =	sdelay $0x5  }
0x33d: {  	s6 =	simm.s32 $0x0  }
0x33e: {  	v1 =	vld.idx.msk [tilespmem:v1+s6+$0x0], $0xffff  }
0x33f: {  	v3 =	vld.idx.msk [tilespmem:v2+s29+$0x0], $0xffff;
	_ =	sdelay $0x4  }
0x340: {  	v1 =	vadd.f32 v3, v1;
	_ =	sdelay $0x1  }
0x341: {  	v3 =	vmul.f32 $2.000000030e-01, v1;
	_ =	sdelay $0x1  }
0x342: {  	v1 =	vmax.f32 v1, v3  }
0x343: {  	v1 =	vmul.f32 $1.442695020e+00, v1;
	_ =	sdelay $0x1  }
0x344: {  	(erf) = vpow2.f32 v1;
	_ =	sdelay $0x2  }
0x345: {  	v1 =	vld [tilespmem:$0xA210]  }
0x346: {  	v3 =	vld [tilespmem:$0xA290];
	_ =	sdelay $0x4  }
0x347: {  	[tilespmem:$0xA480] =	vst v2;
	v4 =	vpop (erf)  }
0x348: {  	[tilespmem:$0xA380] =	vst v4  }
0x349: {  	v1 =	vld.idx.msk [tilespmem:v1+s6+$0x0], $0xffff  }
0x34a: {  	v2 =	vld.idx.msk [tilespmem:v3+s29+$0x0], $0xffff;
	_ =	sdelay $0x4  }
0x34b: {  	v1 =	vadd.f32 v2, v1;
	_ =	sdelay $0x1  }
0x34c: {  	v2 =	vmul.f32 $2.000000030e-01, v1;
	_ =	sdelay $0x1  }
0x34d: {  	v1 =	vmax.f32 v1, v2  }
0x34e: {  	v1 =	vmul.f32 $1.442695020e+00, v1;
	_ =	sdelay $0x1  }
0x34f: {  	(erf) = vpow2.f32 v1;
	_ =	sdelay $0x2  }
0x350: {  	v1 =	vld [tilespmem:$0xA220]  }
0x351: {  	v2 =	vld [tilespmem:$0xA2A0];
	_ =	sdelay $0x4  }
0x352: {  	[tilespmem:$0xA490] =	vst v3;
	v4 =	vpop (erf)  }
0x353: {  	[tilespmem:$0xA390] =	vst v4  }
0x354: {  	v1 =	vld.idx.msk [tilespmem:v1+s6+$0x0], $0xffff  }
0x355: {  	v3 =	vld.idx.msk [tilespmem:v2+s29+$0x0], $0xffff;
	_ =	sdelay $0x4  }
0x356: {  	v1 =	vadd.f32 v3, v1;
	_ =	sdelay $0x1  }
0x357: {  	v3 =	vmul.f32 $2.000000030e-01, v1;
	_ =	sdelay $0x1  }
0x358: {  	v1 =	vmax.f32 v1, v3  }
0x359: {  	v1 =	vmul.f32 $1.442695020e+00, v1;
	_ =	sdelay $0x1  }
0x35a: {  	(erf) = vpow2.f32 v1;
	_ =	sdelay $0x2  }
0x35b: {  	v1 =	vld [tilespmem:$0xA230]  }
0x35c: {  	v3 =	vld [tilespmem:$0xA2B0];
	_ =	sdelay $0x4  }
0x35d: {  	[tilespmem:$0xA4A0] =	vst v2;
	v4 =	vpop (erf)  }
0x35e: {  	[tilespmem:$0xA3A0] =	vst v4  }
0x35f: {  	v1 =	vld.idx.msk [tilespmem:v1+s6+$0x0], $0xffff  }
0x360: {  	v2 =	vld.idx.msk [tilespmem:v3+s29+$0x0], $0xffff;
	_ =	sdelay $0x4  }
0x361: {  	v1 =	vadd.f32 v2, v1;
	_ =	sdelay $0x1  }
0x362: {  	v2 =	vmul.f32 $2.000000030e-01, v1;
	_ =	sdelay $0x1  }
0x363: {  	v1 =	vmax.f32 v1, v2  }
0x364: {  	v1 =	vmul.f32 $1.442695020e+00, v1;
	_ =	sdelay $0x1  }
0x365: {  	(erf) = vpow2.f32 v1;
	_ =	sdelay $0x2  }
0x366: {  	v1 =	vld [tilespmem:$0xA240]  }
0x367: {  	v2 =	vld [tilespmem:$0xA2C0];
	_ =	sdelay $0x4  }
0x368: {  	[tilespmem:$0xA4B0] =	vst v3;
	v4 =	vpop (erf)  }
0x369: {  	[tilespmem:$0xA3B0] =	vst v4  }
0x36a: {  	v1 =	vld.idx.msk [tilespmem:v1+s6+$0x0], $0xffff  }
0x36b: {  	v3 =	vld.idx.msk [tilespmem:v2+s29+$0x0], $0xffff;
	_ =	sdelay $0x4  }
0x36c: {  	v1 =	vadd.f32 v3, v1;
	_ =	sdelay $0x1  }
0x36d: {  	v3 =	vmul.f32 $2.000000030e-01, v1;
	_ =	sdelay $0x1  }
0x36e: {  	v1 =	vmax.f32 v1, v3  }
0x36f: {  	v1 =	vmul.f32 $1.442695020e+00, v1;
	_ =	sdelay $0x1  }
0x370: {  	(erf) = vpow2.f32 v1;
	_ =	sdelay $0x7  }
0x371: {  	s9 =	simm.s32 $0x2  }
0x372: {  	[tilespmem:$0xA4C0] =	vst v2;
	v2 =	vmov s9;
	v1 =	vpop (erf)  }
0x373: {  	v2 =	vand.u32 $0xFFFFFFFE, v2;
	[tilespmem:$0xA3C0] =	vst v1  }
0x374: {  	v2 =	vbroadcast v2, $0x0;
	[spmem:s3] =	stream.indirect.scatter.add.f32 [tilespmem:s21], [sflag:$0xA], $0x1, s23, s11, $0xb8;
	[tilespmem:$0x1E078] =	vst v63  }
0x375: {  	s22 =	simm.s32 $0xA200  }
0x376: {  	[tilespmem:s25], [sflag:$0x6] =	stream.indirect.gather [hbm4b:s1+s11], $0x80, s22, s11, $0xb8;
	[tilespmem:$0x1E078] =	vst v63  }
0x377: {  	v1 =	vmov s6;
	_ =	swait.ge [sflag:s30], $0x2800  }
0x378: {  	v1 =	vand.u32 $0xFFFFFFFC, v1;
	[sflag:s30] =	ssyncset.done $0x0  }
0x379: {  	v1 =	vbroadcast v1, $0x0;
	[sflag:s30] =	ssyncadd.s32 $0xFFFFD800  }
0x37a: {  	s6 =	simm.s32 $0x5000;
	v2 =	vld.idx.msk [tilespmem:v2+s13+$0x0], $0xffff  }
0x37b: {  	s26 =	simm.s32 $0x1;
	v4 =	vld [tilespmem:s6+$0x70]  }
0x37c: {  	v3 =	vmov s26;
	v5 =	vld [tilespmem:s6+$0xFFFFFF00]  }
0x37d: {  	v3 =	vand.u32 $0xFFFFFFFD, v3;
	v6 =	vld [tilespmem:s6+$0xFFFFFF10]  }
0x37e: {  	v3 =	vbroadcast v3, $0x0;
	v7 =	vld [tilespmem:s6+$0xFFFFFF20]  }
0x37f: {  	v1 =	vld.idx.msk [tilespmem:v1+s13+$0x0], $0xffff  }
0x380: {  	v8 =	vld [tilespmem:s6+$0xFFFFFF30]  }
0x381: {  	v9 =	vld [tilespmem:s6+$0xFFFFFF40]  }
0x382: {  	v10 =	vld [tilespmem:s6+$0xFFFFFF50]  }
0x383: {  	v11 =	vld [tilespmem:s6+$0xFFFFFF60];
	v4 =	vmul.f32 v4, v2  }
0x384: {  	v3 =	vld.idx.msk [tilespmem:v3+s13+$0x0], $0xffff;
	v5 =	vmul.f32 v5, v1  }
0x385: {  	v13 =	vld [tilespmem:s6+$0x40];
	[tilespmem:s6+$0x70] =	vst v4;
	v4 =	vmul.f32 v7, v1  }
0x386: {  	[tilespmem:s6+$0xFFFFFF00] =	vst v5;
	v5 =	vmul.f32 v6, v1;
	v6 =	vld [tilespmem:s6+$0xFFFFFF70]  }
0x387: {  	v7 =	vld [tilespmem:s6+$0xFFFFFF80];
	[tilespmem:s6+$0xFFFFFF20] =	vst v4;
	v4 =	vmul.f32 v9, v1  }
0x388: {  	[tilespmem:s6+$0xFFFFFF10] =	vst v5;
	v5 =	vmul.f32 v8, v1;
	v8 =	vld [tilespmem:s6+$0xFFFFFF90]  }
0x389: {  	v9 =	vld [tilespmem:s6+$0xFFFFFFA0];
	[tilespmem:s6+$0xFFFFFF40] =	vst v4;
	v4 =	vmul.f32 v11, v1  }
0x38a: {  	[tilespmem:s6+$0xFFFFFF30] =	vst v5;
	v5 =	vmul.f32 v10, v1;
	v10 =	vld [tilespmem:s6+$0xFFFFFFB0]  }
0x38b: {  	v11 =	vld [tilespmem:s6+$0xFFFFFFC0];
	v6 =	vmul.f32 v6, v1;
	[tilespmem:s6+$0xFFFFFF60] =	vst v4  }
0x38c: {  	v4 =	vld [tilespmem:s6+$0xFFFFFFE0];
	[tilespmem:s6+$0xFFFFFF50] =	vst v5;
	v5 =	vmul.f32 v7, v3  }
0x38d: {  	s9 =	simm.s32 $0x3;
	v7 =	vld [tilespmem:s6+$0xFFFFFFD0];
	v8 =	vmul.f32 v8, v3;
	[tilespmem:s6+$0xFFFFFF70] =	vst v6  }
0x38e: {  	v12 =	vmov s9;
	v6 =	vld [tilespmem:s6+$0xFFFFFFF0];
	[tilespmem:s6+$0xFFFFFF80] =	vst v5;
	v5 =	vmul.f32 v9, v3  }
0x38f: {  	v9 =	vld [tilespmem:s6+$0x0];
	[tilespmem:s6+$0xFFFFFF90] =	vst v8;
	v8 =	vmul.f32 v10, v3  }
0x390: {  	v10 =	vld [tilespmem:s6+$0x10];
	[tilespmem:s6+$0xFFFFFFA0] =	vst v5;
	v5 =	vmul.f32 v11, v3  }
0x391: {  	v4 =	vmul.f32 v4, v3;
	[tilespmem:s6+$0xFFFFFFB0] =	vst v8;
	v8 =	vld [tilespmem:s6+$0x20]  }
0x392: {  	v11 =	vld [tilespmem:s6+$0x30];
	v7 =	vmul.f32 v7, v3;
	[tilespmem:s6+$0xFFFFFFC0] =	vst v5  }
0x393: {  	v1 =	vld.idx.msk [tilespmem:v12+s13+$0x0], $0xffff;
	v3 =	vmul.f32 v6, v3;
	[tilespmem:s6+$0xFFFFFFE0] =	vst v4  }
0x394: {  	v4 =	vld [tilespmem:s6+$0x50];
	[tilespmem:s6+$0xFFFFFFD0] =	vst v7;
	v5 =	vmul.f32 v9, v2  }
0x395: {  	s22 =	simm.s32 $0x4;
	[tilespmem:s6+$0xFFFFFFF0] =	vst v3;
	v6 =	vmul.f32 v10, v2;
	v3 =	vld [tilespmem:s6+$0x60]  }
0x396: {  	s26 =	simm.s32 $0x7;
	v7 =	vmov s22;
	[tilespmem:s6+$0x0] =	vst v5;
	v9 =	vmul.f32 v8, v2;
	v8 =	vld [tilespmem:s6+$0x80]  }
0x397: {  	s9 =	simm.s32 $0x5;
	v12 =	vand.u32 $0xFFFFFFFC, v7;
	v7 =	vld [tilespmem:s6+$0x90];
	v5 =	vmov s26;
	v10 =	vmul.f32 v11, v2;
	[tilespmem:s6+$0x10] =	vst v6  }
0x398: {  	s5 =	simm.s32 $0x8;
	s22 =	simm.s32 $0x5000;
	s26 =	simm.s32 $0x6;
	v11 =	vmul.f32 v13, v2;
	v6 =	vbroadcast v12, $0x0;
	v12 =	vmov s9;
	[tilespmem:s6+$0x20] =	vst v9;
	v9 =	vld [tilespmem:s6+$0xA0]  }
.LBB2_16:
0x399: {  	p3 =	slt.u32 s5, $0x4C;
	v12 =	vand.u32 $0xFFFFFFFD, v12;
	v13 =	vmov s26;
	[tilespmem:s6+$0x30] =	vst v10;
	v4 =	vmul.f32 v4, v2;
	v10 =	vld [tilespmem:s6+$0xB0]  }
0x39a: {  	v12 =	vbroadcast v12, $0x0;
	v13 =	vand.u32 $0xFFFFFFFE, v13;
	[tilespmem:s6+$0x40] =	vst v11;
	v2 =	vmul.f32 v3, v2;
	v3 =	vld [tilespmem:s6+$0xC0]  }
0x39b: {  	v11 =	vbroadcast v13, $0x0;
	[tilespmem:s6+$0x50] =	vst v4;
	v4 =	vmul.f32 v8, v1;
	v8 =	vld [tilespmem:s6+$0xD0]  }
0x39c: {  	[tilespmem:s6+$0x60] =	vst v2;
	v2 =	vmul.f32 v7, v1;
	v7 =	vld [tilespmem:s6+$0xE0]  }
0x39d: {  	[tilespmem:s6+$0x80] =	vst v4;
	v4 =	vmul.f32 v9, v1;
	v9 =	vld [tilespmem:s6+$0xF0]  }
0x39e: {  	v5 =	vld.idx.msk [tilespmem:v5+s13+$0x0], $0xffff;
	[tilespmem:s6+$0x90] =	vst v2;
	v2 =	vmul.f32 v10, v1  }
0x39f: {  	v6 =	vld.idx.msk [tilespmem:v6+s13+$0x0], $0xffff;
	[tilespmem:s6+$0xA0] =	vst v4;
	v3 =	vmul.f32 v3, v1  }
0x3a0: {  	v4 =	vld.idx.msk [tilespmem:v12+s13+$0x0], $0xffff;
	[tilespmem:s6+$0xB0] =	vst v2;
	v8 =	vmul.f32 v8, v1  }
0x3a1: {  	s6 =	sadd.s32 $0x200, s6;
	v2 =	vld.idx.msk [tilespmem:v11+s13+$0x0], $0xffff;
	[tilespmem:s22+$0xC0] =	vst v3;
	v3 =	vmul.f32 v7, v1  }
0x3a2: {  	v7 =	vld [tilespmem:s6+$0x70];
	[tilespmem:s22+$0xD0] =	vst v8;
	v9 =	vmul.f32 v9, v1  }
0x3a3: {  	v8 =	vld [tilespmem:s6+$0xFFFFFF00];
	[tilespmem:s22+$0xE0] =	vst v3  }
0x3a4: {  	v1 =	vmov v5;
	v3 =	vld [tilespmem:s6+$0xFFFFFF10];
	[tilespmem:s22+$0xF0] =	vst v9;
	s22 =	smov.u32 s6  }
0x3a5: {  	v5 =	vld [tilespmem:s6+$0xFFFFFF20]  }
0x3a6: {  	v9 =	vld [tilespmem:s6+$0xFFFFFF30]  }
0x3a7: {  	v10 =	vld [tilespmem:s6+$0xFFFFFF40];
	v7 =	vmul.f32 v7, v2  }
0x3a8: {  	v8 =	vmul.f32 v8, v6;
	v11 =	vld [tilespmem:s6+$0xFFFFFF50]  }
0x3a9: {  	v3 =	vmul.f32 v3, v6;
	v12 =	vld [tilespmem:s6+$0xFFFFFF60];
	[tilespmem:s6+$0x70] =	vst v7  }
0x3aa: {  	[tilespmem:s6+$0xFFFFFF00] =	vst v8;
	v5 =	vmul.f32 v5, v6;
	v7 =	vld [tilespmem:s6+$0xFFFFFF70]  }
0x3ab: {  	[tilespmem:s6+$0xFFFFFF10] =	vst v3;
	v3 =	vmul.f32 v9, v6;
	v8 =	vld [tilespmem:s6+$0xFFFFFF80]  }
0x3ac: {  	[tilespmem:s6+$0xFFFFFF20] =	vst v5;
	v5 =	vmul.f32 v10, v6;
	v9 =	vld [tilespmem:s6+$0xFFFFFF90]  }
0x3ad: {  	[tilespmem:s6+$0xFFFFFF30] =	vst v3;
	v3 =	vmul.f32 v11, v6;
	v10 =	vld [tilespmem:s6+$0xFFFFFFA0]  }
0x3ae: {  	[tilespmem:s6+$0xFFFFFF40] =	vst v5;
	v5 =	vmul.f32 v12, v6;
	v11 =	vld [tilespmem:s6+$0xFFFFFFB0]  }
0x3af: {  	[tilespmem:s6+$0xFFFFFF50] =	vst v3;
	v3 =	vmul.f32 v7, v6;
	v6 =	vld [tilespmem:s6+$0xFFFFFFC0]  }
0x3b0: {  	[tilespmem:s6+$0xFFFFFF60] =	vst v5;
	v5 =	vmul.f32 v8, v4;
	v7 =	vld [tilespmem:s6+$0xFFFFFFD0]  }
0x3b1: {  	[tilespmem:s6+$0xFFFFFF70] =	vst v3;
	v3 =	vmul.f32 v9, v4;
	v8 =	vld [tilespmem:s6+$0xFFFFFFE0]  }
0x3b2: {  	[tilespmem:s6+$0xFFFFFF80] =	vst v5;
	v5 =	vmul.f32 v10, v4;
	v9 =	vld [tilespmem:s6+$0xFFFFFFF0]  }
0x3b3: {  	[tilespmem:s6+$0xFFFFFF90] =	vst v3;
	v3 =	vmul.f32 v11, v4;
	v10 =	vld [tilespmem:s6+$0x0]  }
0x3b4: {  	[tilespmem:s6+$0xFFFFFFA0] =	vst v5;
	v5 =	vmul.f32 v6, v4;
	v6 =	vld [tilespmem:s6+$0x10]  }
0x3b5: {  	[tilespmem:s6+$0xFFFFFFB0] =	vst v3;
	v3 =	vmul.f32 v7, v4;
	v7 =	vld [tilespmem:s6+$0x20]  }
0x3b6: {  	[tilespmem:s6+$0xFFFFFFC0] =	vst v5;
	v5 =	vmul.f32 v8, v4;
	v11 =	vld [tilespmem:s6+$0x30]  }
0x3b7: {  	[tilespmem:s6+$0xFFFFFFD0] =	vst v3;
	v3 =	vmul.f32 v9, v4;
	v9 =	vld [tilespmem:s6+$0x40]  }
.Ltmp11:
0x3b8: {  	[tilespmem:s6+$0xFFFFFFE0] =	vst v5;
	v5 =	vmul.f32 v10, v2;
	v4 =	vld [tilespmem:s6+$0x50];
	(pc) =	sbr.rel @p3 .LBB2_16-.Ltmp11, $4  }
0x3b9: {  	[tilespmem:s6+$0xFFFFFFF0] =	vst v3;
	v6 =	vmul.f32 v6, v2;
	v3 =	vld [tilespmem:s6+$0x60]  }
0x3ba: {  	s9 =	sadd.s32 $0x3, s5;
	v10 =	vmov s5;
	[tilespmem:s6+$0x0] =	vst v5;
	v13 =	vmul.f32 v7, v2;
	v8 =	vld [tilespmem:s6+$0x80]  }
0x3bb: {  	s26 =	sadd.s32 $0x1, s5;
	v12 =	vand.u32 $0xFFFFFFFC, v10;
	v5 =	vmov s9;
	[tilespmem:s6+$0x10] =	vst v6;
	v10 =	vmul.f32 v11, v2;
	v7 =	vld [tilespmem:s6+$0x90]  }
0x3bc: {  	v6 =	vbroadcast v12, $0x0;
	v12 =	vmov s26;
	s26 =	sadd.s32 $0x2, s5;
	s5 =	sadd.s32 $0x4, s5;
	[tilespmem:s6+$0x20] =	vst v13;
	v11 =	vmul.f32 v9, v2;
	v9 =	vld [tilespmem:s6+$0xA0]  }
0x3bd: {  	v13 =	vld [tilespmem:s6+$0xB0]  }
0x3be: {  	v15 =	vld [tilespmem:s6+$0xC0]  }
0x3bf: {  	v16 =	vld [tilespmem:s6+$0xD0]  }
0x3c0: {  	v17 =	vld [tilespmem:s6+$0xE0]  }
0x3c1: {  	v29 =	vld [tilespmem:s6+$0xF0];
	[tilespmem:s6+$0x30] =	vst v10;
	v4 =	vmul.f32 v4, v2  }
0x3c2: {  	v5 =	vld.idx.msk [tilespmem:v5+s13+$0x0], $0xffff;
	[tilespmem:s6+$0x40] =	vst v11;
	v2 =	vmul.f32 v3, v2  }
0x3c3: {  	s5 =	sadd.s32 $0x200, s6;
	v3 =	vld.idx.msk [tilespmem:v6+s13+$0x0], $0xffff;
	v8 =	vmul.f32 v8, v1;
	[tilespmem:s6+$0x50] =	vst v4  }
0x3c4: {  	v14 =	vmov s26;
	v34 =	vld [tilespmem:s5+$0x70];
	v30 =	vmul.f32 v7, v1;
	[tilespmem:s6+$0x60] =	vst v2  }
0x3c5: {  	v14 =	vand.u32 $0xFFFFFFFE, v14;
	v35 =	vld [tilespmem:s5+$0xFFFFFF00];
	[tilespmem:s6+$0x80] =	vst v8;
	v2 =	vmul.f32 v9, v1  }
0x3c6: {  	v37 =	vld [tilespmem:s5+$0xFFFFFF10];
	v14 =	vbroadcast v14, $0x0;
	[tilespmem:s6+$0x90] =	vst v30;
	v33 =	vmul.f32 v13, v1  }
0x3c7: {  	v38 =	vld [tilespmem:s5+$0xFFFFFF20];
	[tilespmem:s6+$0xA0] =	vst v2;
	v2 =	vmul.f32 v15, v1  }
0x3c8: {  	v12 =	vand.u32 $0xFFFFFFFD, v12;
	v39 =	vld [tilespmem:s5+$0xFFFFFF30];
	v36 =	vmul.f32 v16, v1;
	[tilespmem:s6+$0xB0] =	vst v33  }
0x3c9: {  	v12 =	vbroadcast v12, $0x0;
	v41 =	vld [tilespmem:s5+$0xFFFFFF50];
	[tilespmem:s22+$0xC0] =	vst v2;
	v2 =	vmul.f32 v17, v1  }
0x3ca: {  	v43 =	vld [tilespmem:s5+$0xFFFFFF60];
	[tilespmem:s22+$0xD0] =	vst v36;
	v1 =	vmul.f32 v29, v1  }
0x3cb: {  	v42 =	vmul.f32 v37, v3;
	[tilespmem:s22+$0xE0] =	vst v2;
	v2 =	vld [tilespmem:s5+$0xFFFFFF40]  }
0x3cc: {  	v32 =	vld.idx.msk [tilespmem:v14+s13+$0x0], $0xffff;
	[tilespmem:s22+$0xF0] =	vst v1;
	v1 =	vmul.f32 v35, v3  }
0x3cd: {  	v44 =	vld [tilespmem:s5+$0xFFFFFF70];
	v4 =	vmul.f32 v39, v3;
	[tilespmem:s5+$0xFFFFFF10] =	vst v42  }
0x3ce: {  	v45 =	vld [tilespmem:s5+$0xFFFFFF80];
	[tilespmem:s5+$0xFFFFFF00] =	vst v1;
	v1 =	vmul.f32 v38, v3  }
0x3cf: {  	v46 =	vmul.f32 v41, v3;
	v31 =	vld.idx.msk [tilespmem:v12+s13+$0x0], $0xffff;
	[tilespmem:s5+$0xFFFFFF30] =	vst v4  }
0x3d0: {  	[tilespmem:s5+$0xFFFFFF20] =	vst v1;
	v1 =	vmul.f32 v2, v3;
	v2 =	vld [tilespmem:s5+$0xFFFFFF90]  }
0x3d1: {  	v47 =	vld [tilespmem:s5+$0xFFFFFFA0];
	[tilespmem:s5+$0xFFFFFF50] =	vst v46;
	v40 =	vmul.f32 v34, v32  }
0x3d2: {  	v48 =	vld [tilespmem:s5+$0xFFFFFFB0];
	[tilespmem:s5+$0xFFFFFF40] =	vst v1;
	v1 =	vmul.f32 v43, v3  }
0x3d3: {  	v49 =	vld [tilespmem:s5+$0xFFFFFFC0];
	[tilespmem:s5+$0x70] =	vst v40;
	v3 =	vmul.f32 v44, v3  }
0x3d4: {  	v50 =	vld [tilespmem:s5+$0xFFFFFFD0];
	[tilespmem:s5+$0xFFFFFF60] =	vst v1;
	v1 =	vmul.f32 v45, v31  }
0x3d5: {  	[tilespmem:s5+$0xFFFFFF70] =	vst v3;
	v3 =	vld [tilespmem:s5+$0xFFFFFFE0];
	v2 =	vmul.f32 v2, v31  }
0x3d6: {  	v51 =	vld [tilespmem:s5+$0xFFFFFFF0];
	[tilespmem:s5+$0xFFFFFF80] =	vst v1;
	v1 =	vmul.f32 v47, v31  }
0x3d7: {  	v52 =	vld [tilespmem:s5+$0x0];
	[tilespmem:s5+$0xFFFFFF90] =	vst v2;
	v2 =	vmul.f32 v48, v31  }
0x3d8: {  	v53 =	vld [tilespmem:s5+$0x10];
	[tilespmem:s5+$0xFFFFFFA0] =	vst v1;
	v1 =	vmul.f32 v49, v31  }
0x3d9: {  	v54 =	vld [tilespmem:s5+$0x20];
	[tilespmem:s5+$0xFFFFFFB0] =	vst v2;
	v2 =	vmul.f32 v50, v31  }
0x3da: {  	[tilespmem:s5+$0xFFFFFFC0] =	vst v1;
	v1 =	vmul.f32 v3, v31;
	v3 =	vld [tilespmem:s5+$0x30]  }
0x3db: {  	v55 =	vld [tilespmem:s5+$0x40];
	[tilespmem:s5+$0xFFFFFFD0] =	vst v2;
	v2 =	vmul.f32 v51, v31  }
0x3dc: {  	v56 =	vld [tilespmem:s5+$0x50];
	[tilespmem:s5+$0xFFFFFFE0] =	vst v1;
	v1 =	vmul.f32 v52, v32  }
0x3dd: {  	v57 =	vld [tilespmem:s5+$0x60];
	[tilespmem:s5+$0xFFFFFFF0] =	vst v2;
	v2 =	vmul.f32 v53, v32  }
0x3de: {  	v58 =	vld [tilespmem:s5+$0x80];
	[tilespmem:s5+$0x0] =	vst v1;
	v1 =	vmul.f32 v54, v32  }
0x3df: {  	[tilespmem:s5+$0x10] =	vst v2;
	v2 =	vmul.f32 v3, v32;
	v3 =	vld [tilespmem:s5+$0x90]  }
0x3e0: {  	v59 =	vld [tilespmem:s5+$0xA0];
	[tilespmem:s5+$0x20] =	vst v1;
	v1 =	vmul.f32 v55, v32  }
0x3e1: {  	v60 =	vld [tilespmem:s5+$0xB0];
	[tilespmem:s5+$0x30] =	vst v2;
	v2 =	vmul.f32 v56, v32  }
0x3e2: {  	v61 =	vld [tilespmem:s5+$0xC0];
	[tilespmem:s5+$0x40] =	vst v1;
	v1 =	vmul.f32 v57, v32  }
0x3e3: {  	v62 =	vld [tilespmem:s5+$0xD0];
	[tilespmem:s5+$0x50] =	vst v2;
	v2 =	vmul.f32 v58, v5  }
0x3e4: {  	[tilespmem:s5+$0x60] =	vst v1;
	v1 =	vmul.f32 v3, v5;
	v3 =	vld [tilespmem:s5+$0xE0]  }
0x3e5: {  	v63 =	vld [tilespmem:s5+$0xF0];
	[tilespmem:s5+$0x80] =	vst v2;
	v2 =	vmul.f32 v59, v5  }
0x3e6: {  	[tilespmem:s5+$0x90] =	vst v1;
	v1 =	vmul.f32 v60, v5  }
0x3e7: {  	[tilespmem:s5+$0xA0] =	vst v2;
	v2 =	vmul.f32 v61, v5  }
0x3e8: {  	[tilespmem:s5+$0xB0] =	vst v1;
	v1 =	vmul.f32 v62, v5  }
0x3e9: {  	[tilespmem:s5+$0xC0] =	vst v2;
	v2 =	vmul.f32 v3, v5  }
0x3ea: {  	[tilespmem:s5+$0xD0] =	vst v1;
	v1 =	vmul.f32 v63, v5  }
0x3eb: {  	[tilespmem:s5+$0xE0] =	vst v2  }
0x3ec: {  	[tilespmem:s5+$0xF0] =	vst v1  }
0x3ed: {  	s5 =	sld [smem:$0x7FD]  }
0x3ee: {  	[spmem:s2] =	stream.indirect.scatter.add.f32 [tilespmem:s31], [sflag:$0x7], $0x80, s12, s11, $0xb8;
	[tilespmem:$0x1E078] =	vst v63  }
.Ltmp12:
0x3ef: {  	_ = 	snop;
	(pc) =	sbr.rel .LBB2_18-.Ltmp12, $4  }
0x3f0: {  	s5 =	sadd.s32 @!p2 s17, s5  }
0x3f1: {  	s5 =	sshrl.u32 @!p2 s5, $0x3  }
0x3f2: {  	s9 =	simm.s32 @!p2 $0xA100;
	s6 =	simm.s32 @!p2 $0x0;
	s5 =	sadd.s32 @!p2 s15, s5  }
0x3f3: {  	[tilespmem:s9], [sflag:$0x3] =	stream.linear.gather @!p2 [hbm4b:s5+s6], $0x100, $0x38;
	[tilespmem:$0x1E078] =	vst v63  }
.LBB2_20:
0x3f4: {  	_ =	sfence.sel $0x180000  }
0x3f5: {  	[bflag:$0x0] =	sbarrier.arrive $0xFFFF  }
0x3f6: {  	_ =	strace $0x90000047  }
0x3f7: {  	[bflag:$0x2] =	sbarrier.arrive $0xFFFF  }
0x3f8: {  	s0 =	rddreg [dreg:$0x4]  }
0x3f9: {  	s0 =	sadd.s32 @!p1 $0x100000, s0  }
0x3fa: {  	[sflag:s0] =	ssyncadd.tile.s32 @!p1 $0x1;
	_ =	shalt  }
.Lfunc_end2:
_tile_overlayer_lowered:
.L_overlay_start_2:
0x3fb: {  	(tag) =	ssettag $0x2  }
0x3fc: {  	s0 =	rddreg [dreg:$0x0];
	s2 =	stileid.u32  }
0x3fd: {  	s1 =	rddreg [dreg:$0x1];
	p0 =	sne.s32 s2, $0x0  }
0x3fe: {  	s3 =	rddreg [dreg:$0x2];
	[bflag:$0x3] =	sbarrier.arrive $0xFFFF;
	s2 =	simm.s32 @!p0 $0x1C0B  }
0x3ff: {  	[timem:s3], [sflag:s2] =	dma.local @!p0 [hbm:s0], s1  }
0x400: {  	s0 =	simm.s32 @!p0 $0xB  }
0x401: {  	_ =	swait.ge @!p0 [sflag:s0], s1  }
0x402: {  	s1 =	ssub.s32 @!p0 $0x0, s1;
	[sflag:s0] =	ssyncset.done @!p0 $0x0  }
0x403: {  	[sflag:s0] =	ssyncadd.s32 @!p0 s1  }
0x404: {  	[bflag:$0x3] =	sbarrier.arrive $0xFFFF  }
0x405: {  	_ =	shalt  }

</sc_bundles>
